<compile_context>
chip_gen: v7x
topology: tpu7x:2x2x1
jax: 0.10.2.dev20260603
libtpu: 0.0.44.dev20260713+nightly
codegen_flags: <defaults>
</compile_context>

<pallas_src>
import functools

import jax
import jax.numpy as jnp
from jax import lax
from jax.experimental import pallas as pl
from jax.experimental.pallas import tpu as pltpu
from jax.experimental.pallas import tpu_sc as plsc

NC, NS, L = 2, 16, 16
NW = NC * NS
F = 128
NH = 8
DH = F // NH
C = 64


def _tc_qkv(xp, xs, wqkv, wid, bq, bk, n1):
    bm = 1024

    def body(x_ref, xs_ref, w_ref, wid_ref, bq_ref, bk_ref, q_ref, kv_ref):
        u = jnp.dot(x_ref[...], w_ref[...], preferred_element_type=jnp.float32)
        q_ref[...] = jnp.maximum(u[:, :F] + bq_ref[...], 0.0)
        kk = jnp.maximum(u[:, F:2 * F] + bk_ref[...], 0.0)
        vv = u[:, 2 * F:] + jnp.dot(
            xs_ref[...], wid_ref[...], preferred_element_type=jnp.float32)
        kv_ref[...] = jnp.concatenate([kk, vv], axis=1)

    return pl.pallas_call(
        body,
        grid=(n1 // bm,),
        in_specs=[
            pl.BlockSpec((bm, F), lambda i: (i, 0)),
            pl.BlockSpec((bm, F), lambda i: (i, 0)),
            pl.BlockSpec((F, 3 * F), lambda i: (0, 0)),
            pl.BlockSpec((F, F), lambda i: (0, 0)),
            pl.BlockSpec((1, F), lambda i: (0, 0)),
            pl.BlockSpec((1, F), lambda i: (0, 0)),
        ],
        out_specs=[pl.BlockSpec((bm, F), lambda i: (i, 0)),
                   pl.BlockSpec((bm, 2 * F), lambda i: (i, 0))],
        out_shape=[jax.ShapeDtypeStruct((n1, F), jnp.float32),
                   jax.ShapeDtypeStruct((n1, 2 * F), jnp.float32)],
    )(xp, xs, wqkv, wid, bq, bk)


def _sc_xs(xp, idp, z128, n1, idp_len):
    rpt = n1 // NS
    cpt = idp_len // NS
    nch = cpt // C
    mesh = plsc.VectorSubcoreMesh(core_axis_name="c", subcore_axis_name="s")

    @functools.partial(
        pl.kernel,
        out_type=jax.ShapeDtypeStruct((n1, F), jnp.float32),
        mesh=mesh,
        scratch_types=[
            pltpu.VMEM_SHARED((n1, F), jnp.float32),
            pltpu.VMEM((C, F), jnp.float32),
            pltpu.VMEM((C,), jnp.int32),
            pltpu.SemaphoreType.DMA,
        ],
    )
    def run(x_hbm, id_hbm, z_hbm, xs_hbm, acc_sh, rows_v, idx_v, sem):
        cid = lax.axis_index("c")
        sid = lax.axis_index("s")

        @pl.when(cid == 0)
        def _():
            pltpu.sync_copy(z_hbm, acc_sh.at[pl.ds(sid * rpt, rpt)])
            plsc.subcore_barrier()

            def chunk(ci, carry):
                pltpu.sync_copy(id_hbm.at[pl.ds(sid * cpt + ci * C, C)], idx_v)
                pltpu.async_copy(x_hbm.at[idx_v], rows_v, sem).wait()
                pltpu.sync_copy(rows_v, acc_sh.at[idx_v], add=True)
                return carry

            lax.fori_loop(0, nch, chunk, 0)
            plsc.subcore_barrier()
            pltpu.sync_copy(acc_sh.at[pl.ds(sid * rpt, rpt)],
                            xs_hbm.at[pl.ds(sid * rpt, rpt)])

    return run(xp, idp, z128)


def _sc_edge(q, kv, ridx, cidx, z128, z16, n1, ep):
    rpt = n1 // NS
    ept = ep // NW
    nchunk = ept // C
    ng = C // L
    mesh = plsc.VectorSubcoreMesh(core_axis_name="c", subcore_axis_name="s")

    @functools.partial(
        pl.kernel,
        out_type=(jax.ShapeDtypeStruct((NC, n1, F), jnp.float32),
                  jax.ShapeDtypeStruct((NC, n1, L), jnp.float32)),
        mesh=mesh,
        scratch_types=[
            pltpu.VMEM_SHARED((n1, F), jnp.float32),
            pltpu.VMEM_SHARED((n1, L), jnp.float32),
            pltpu.VMEM((C, F), jnp.float32),
            pltpu.VMEM((C, 2 * F), jnp.float32),
            pltpu.VMEM((C, F), jnp.float32),
            pltpu.VMEM((C, L), jnp.float32),
            pltpu.VMEM((C,), jnp.int32),
            pltpu.VMEM((C,), jnp.int32),
            pltpu.SemaphoreType.DMA,
            pltpu.SemaphoreType.DMA,
        ],
        compiler_params=pltpu.CompilerParams(needs_layout_passes=False,
                                             use_tc_tiling_on_sc=False),
    )
    def run(q_hbm, kv_hbm, r_hbm, c_hbm, z128_hbm, z16_hbm,
            a128_hbm, a16_hbm,
            acc_sh, accd_sh, qb, kvb, vb, pb, rix, cix, sem0, sem1):
        cid = lax.axis_index("c")
        sid = lax.axis_index("s")
        wid = sid * NC + cid

        pltpu.sync_copy(z128_hbm, acc_sh.at[pl.ds(sid * rpt, rpt)])
        pltpu.sync_copy(z16_hbm, accd_sh.at[pl.ds(sid * rpt, rpt)])
        zv = jnp.zeros((L,), jnp.float32)

        def zrow(e, carry):
            pb[e, :] = zv
            return carry

        lax.fori_loop(0, C, zrow, 0)
        plsc.subcore_barrier()

        e_base = jnp.arange(L, dtype=jnp.int32)
        base0 = wid * ept

        def chunk(ci, carry):
            b = base0 + ci * C
            pltpu.sync_copy(r_hbm.at[pl.ds(b, C)], rix)
            pltpu.sync_copy(c_hbm.at[pl.ds(b, C)], cix)
            cp0 = pltpu.async_copy(q_hbm.at[rix], qb, sem0)
            cp1 = pltpu.async_copy(kv_hbm.at[cix], kvb, sem1)
            cp0.wait()
            cp1.wait()

            def group(g, gcarry):
                e_ids = g * L + e_base
                sgs = []
                for h in range(NH):
                    qfs = [plsc.load_gather(
                        qb, [e_ids, jnp.full((L,), h * DH + f, jnp.int32)])
                        for f in range(DH)]
                    kfs = [plsc.load_gather(
                        kvb, [e_ids, jnp.full((L,), h * DH + f, jnp.int32)])
                        for f in range(DH)]
                    prods = [qfs[f] * kfs[f] for f in range(DH)]
                    while len(prods) > 1:
                        prods = [prods[i] + prods[i + 1]
                                 for i in range(0, len(prods), 2)]
                    sg = jnp.exp(prods[0] * 0.25)
                    plsc.store_scatter(
                        pb, [e_ids, jnp.full((L,), h, jnp.int32)], sg)
                    sgs.append(sg)
                for h in range(NH):
                    vfs = [plsc.load_gather(
                        kvb, [e_ids, jnp.full((L,), F + h * DH + f, jnp.int32)])
                        for f in range(DH)]
                    mfs = [vfs[f] * sgs[h] for f in range(DH)]
                    for f in range(DH):
                        plsc.store_scatter(
                            vb, [e_ids, jnp.full((L,), h * DH + f, jnp.int32)],
                            mfs[f])
                return gcarry

            lax.fori_loop(0, ng, group, 0)
            pltpu.sync_copy(vb, acc_sh.at[rix], add=True)
            pltpu.sync_copy(pb, accd_sh.at[rix], add=True)
            return carry

        lax.fori_loop(0, nchunk, chunk, 0)
        plsc.subcore_barrier()
        pltpu.sync_copy(acc_sh.at[pl.ds(sid * rpt, rpt)],
                        a128_hbm.at[cid].at[pl.ds(sid * rpt, rpt)])
        pltpu.sync_copy(accd_sh.at[pl.ds(sid * rpt, rpt)],
                        a16_hbm.at[cid].at[pl.ds(sid * rpt, rpt)])

    return run(q, kv, ridx, cidx, z128, z16)


def _tc_out(a128, a16, b2, n1):
    bm = 1024

    def body(a_ref, d_ref, b_ref, o_ref):
        a = a_ref[0] + a_ref[1]
        d = d_ref[0] + d_ref[1]
        d8 = d[:, :NH]
        rep = (lax.broadcasted_iota(jnp.int32, (NH, F), 1) // DH ==
               lax.broadcasted_iota(jnp.int32, (NH, F), 0)).astype(jnp.float32)
        den = jnp.dot(d8, rep, preferred_element_type=jnp.float32)
        o_ref[...] = a / den + b_ref[...]

    return pl.pallas_call(
        body,
        grid=(n1 // bm,),
        in_specs=[
            pl.BlockSpec((NC, bm, F), lambda i: (0, i, 0)),
            pl.BlockSpec((NC, bm, L), lambda i: (0, i, 0)),
            pl.BlockSpec((1, F), lambda i: (0, 0)),
        ],
        out_specs=pl.BlockSpec((bm, F), lambda i: (i, 0)),
        out_shape=jax.ShapeDtypeStruct((n1, F), jnp.float32),
    )(a128, a16, b2)


def kernel(x, edge_index, id_index, query_kernel, query_bias, key_kernel,
           key_bias, kernel, kernel_id, bias):
    n, f = x.shape
    assert f == F
    e = edge_index.shape[1]
    nid = id_index.shape[0]

    n1 = ((n + 1 + 511) // 512) * 512
    et = e + n
    ep = ((et + NW * C - 1) // (NW * C)) * (NW * C)
    idp_len = ((nid + NS * C - 1) // (NS * C)) * (NS * C)

    xp = jnp.zeros((n1, F), jnp.float32).at[:n].set(x.astype(jnp.float32))
    loops = jnp.arange(n, dtype=jnp.int32)
    pad_e = jnp.full((ep - et,), n, jnp.int32)
    ridx = jnp.concatenate([edge_index[0].astype(jnp.int32), loops, pad_e])
    cidx = jnp.concatenate([edge_index[1].astype(jnp.int32), loops, pad_e])
    idp = jnp.concatenate(
        [id_index.astype(jnp.int32), jnp.full((idp_len - nid,), n, jnp.int32)])

    z128 = jnp.zeros((n1 // NS, F), jnp.float32)
    z16 = jnp.zeros((n1 // NS, L), jnp.float32)
    wqkv = jnp.concatenate([query_kernel, key_kernel, kernel], axis=1)

    xs = _sc_xs(xp, idp, z128, n1, idp_len)
    qt, kvt = _tc_qkv(xp, xs, wqkv, kernel_id,
                      query_bias[None, :], key_bias[None, :], n1)
    a128, a16 = _sc_edge(qt, kvt, ridx, cidx, z128, z16, n1, ep)
    out = _tc_out(a128, a16, bias[None, :], n1)
    return out[:n]

# --- scband reference (transcript-rebuilt; emitter-appended) ---
"""Pipeline reference for scband-idgat-27479200760359 (READ-ONLY COPY).

The authoritative reference and input builder live on the scoring server;
editing this copy changes nothing except your own understanding.
"""

import jax, jax.numpy as jnp
import numpy as np

N = 10000
E = 320000
F = 128
UNITS = 128
ATT = 128
NUM_HEADS = 8
NUM_ID = 5000


def _glorot(key, shape):
    limit = np.sqrt(6.0 / (shape[0] + shape[1]))
    return jax.random.uniform(key, shape, minval=-limit, maxval=limit, dtype=jnp.float32)


def setup_inputs(seed: int = 0) -> dict:
    key = jax.random.key(seed)
    ks = jax.random.split(key, 8)
    x = jax.random.normal(ks[0], (N, F), dtype=jnp.float32)
    edge_index = jax.random.randint(ks[1], (2, E), 0, N).astype(jnp.int64)
    id_index = jax.random.randint(ks[2], (NUM_ID,), 0, N).astype(jnp.int64)
    query_kernel = _glorot(ks[3], (F, ATT))
    query_bias = jnp.zeros((ATT,), dtype=jnp.float32)
    key_kernel = _glorot(ks[4], (F, ATT))
    key_bias = jnp.zeros((ATT,), dtype=jnp.float32)
    kernel = _glorot(ks[5], (F, UNITS))
    kernel_id = _glorot(ks[6], (F, UNITS))
    bias = jnp.zeros((UNITS,), dtype=jnp.float32)
    return {
        "x": x,
        "edge_index": edge_index,
        "id_index": id_index,
        "query_kernel": query_kernel,
        "query_bias": query_bias,
        "key_kernel": key_kernel,
        "key_bias": key_bias,
        "kernel": kernel,
        "kernel_id": kernel_id,
        "bias": bias,
    }


def reference(x, edge_index, id_index, query_kernel, query_bias, key_kernel, key_bias, kernel, kernel_id, bias):
    num_nodes = x.shape[0]
    # add self loops
    loops = jnp.arange(num_nodes, dtype=edge_index.dtype)
    ei = jnp.concatenate([edge_index, jnp.stack([loops, loops])], axis=1)
    row, col = ei[0], ei[1]

    Q = jax.nn.relu(x @ query_kernel + query_bias)
    Q = jnp.take(Q, row, axis=0)
    K = jax.nn.relu(x @ key_kernel + key_bias)
    K = jnp.take(K, col, axis=0)

    # V with identity-aware scatter-add
    h = x @ kernel
    h_id = jnp.take(x, id_index, axis=0) @ kernel_id
    V = h.at[id_index].add(h_id)

    Hh = NUM_HEADS
    dh = Q.shape[-1] // Hh
    Q_ = jnp.concatenate(jnp.split(Q, Hh, axis=-1), axis=0)
    K_ = jnp.concatenate(jnp.split(K, Hh, axis=-1), axis=0)

    e_tot = row.shape[0]
    offsets = jnp.repeat(jnp.arange(Hh, dtype=row.dtype) * num_nodes, e_tot)
    row_ = jnp.tile(row, Hh) + offsets
    col_ = jnp.tile(col, Hh) + offsets

    scale = jnp.sqrt(jnp.asarray(dh, dtype=jnp.float32))
    att = jnp.sum(Q_ * K_, axis=-1) / scale

    num_seg = num_nodes * Hh
    seg_max = jax.ops.segment_max(att, row_, num_segments=num_seg)
    att = jnp.exp(att - seg_max[row_])
    seg_sum = jax.ops.segment_sum(att, row_, num_segments=num_seg)
    att = att / seg_sum[row_]

    # split value heads
    V_ = jnp.concatenate(jnp.split(V, Hh, axis=-1), axis=0)
    msgs = att[:, None] * jnp.take(V_, col_, axis=0)
    h_ = jax.ops.segment_sum(msgs, row_, num_segments=num_seg)
    out = jnp.concatenate(jnp.split(h_, Hh, axis=0), axis=-1)
    out = out + bias
    return out

if __name__ == "__main__":
    import jax
    _d = setup_inputs()
    print(jax.jit(kernel)(*tuple(_d.values())))

</pallas_src>

<mosaic_0001>
#map = affine_map<(d0, d1) -> (0, 0)>
#map1 = affine_map<(d0, d1) -> (0)>
module attributes {stable_mosaic.version = 14 : i64} {
  func.func @run(%arg0: i32, %arg1: i32, %arg2: memref<10240x128xf32, #tpu.memory_space<hbm>>, %arg3: memref<5120xi32, #tpu.memory_space<hbm>>, %arg4: memref<640x128xf32, #tpu.memory_space<hbm>>, %arg5: memref<10240x128xf32, #tpu.memory_space<hbm>>, %arg6: memref<10240x128xf32, #tpu.memory_space<vmem_shared>>, %arg7: memref<64x128xf32, #tpu.memory_space<vmem>>, %arg8: memref<64xi32, #tpu.memory_space<vmem>>, %arg9: memref<!tpu.dma_semaphore, #tpu.memory_space<semaphore_mem>>) attributes {dimension_semantics = [#tpu.dimension_semantics<core_parallel>, #tpu.dimension_semantics<subcore_parallel>], iteration_bounds = array<i64: 2, 16>, scalar_prefetch = 0 : i64, scratch_operands = 4 : i64, tpu.core_type = #tpu.core_type<sc_vector_subcore>, window_params = [{transform_indices = #map}, {transform_indices = #map1}, {transform_indices = #map}, {transform_indices = #map}]} {
    %eq3A = arith.constant 0 : i32
    %eq3A_0 = arith.cmpi eq, %arg0, %eq3A : i32
    %convert_element_type3A = arith.extui %eq3A_0 : i1 to i32
    %cond3A = arith.constant 0 : i32
    %cond3A_1 = arith.cmpi ne, %convert_element_type3A, %cond3A : i32
    scf.if %cond3A_1 {
      %mul3A = arith.constant 640 : i32
      %mul3A_2 = arith.muli %arg1, %mul3A : i32
      "tpu.region"() ({
        %run_scoped3A = tpu.sem_alloc : memref<!tpu.dma_semaphore, #tpu.memory_space<semaphore_mem>>
        %dma_start3A = arith.constant 0 : i32
        %dma_start3A_13 = tpu.memref_slice %arg6[%mul3A_2, %dma_start3A] : memref<10240x128xf32, #tpu.memory_space<vmem_shared>> -> memref<640x128xf32, #tpu.memory_space<vmem_shared>>
        tpu.enqueue_dma source(%arg4 : memref<640x128xf32, #tpu.memory_space<hbm>>) target(%dma_start3A_13 : memref<640x128xf32, #tpu.memory_space<vmem_shared>>) target_semaphore(%run_scoped3A : memref<!tpu.dma_semaphore, #tpu.memory_space<semaphore_mem>>)
        %dma_wait3A = arith.constant 0 : i32
        %dma_wait3A_14 = tpu.memref_slice %arg6[%mul3A_2, %dma_wait3A] : memref<10240x128xf32, #tpu.memory_space<vmem_shared>> -> memref<640x128xf32, #tpu.memory_space<vmem_shared>>
        tpu.wait_dma2 semaphore(%run_scoped3A : memref<!tpu.dma_semaphore, #tpu.memory_space<semaphore_mem>>) src(%arg4 : memref<640x128xf32, #tpu.memory_space<hbm>>) dst(%dma_wait3A_14 : memref<640x128xf32, #tpu.memory_space<vmem_shared>>)
        tpu.yield
      }) : () -> ()
      %barrier3A = arith.constant 0 : index
      tpu.barrier barrier_id(%barrier3A)
      %scan3A = arith.constant 0 : i32
      %scan3A_3 = arith.constant 0 : i32
      %scan3A_4 = arith.constant 5 : i32
      %scan3A_5 = arith.addi %scan3A_3, %scan3A_4 : i32
      %scan3A_6 = arith.constant 1 : i32
      scf.for %scan3A_13 = %scan3A_3 to %scan3A_5 step %scan3A_6  : i32 {
        %mul3A_14 = arith.constant 320 : i32
        %mul3A_15 = arith.muli %arg1, %mul3A_14 : i32
        %mul3A_16 = arith.constant 64 : i32
        %mul3A_17 = arith.muli %scan3A_13, %mul3A_16 : i32
        %add3A = arith.addi %mul3A_15, %mul3A_17 : i32
        "tpu.region"() ({
          %run_scoped3A = tpu.sem_alloc : memref<!tpu.dma_semaphore, #tpu.memory_space<semaphore_mem>>
          %dma_start3A_22 = tpu.memref_slice %arg3[%add3A] : memref<5120xi32, #tpu.memory_space<hbm>> -> memref<64xi32, #tpu.memory_space<hbm>>
          %dma_start3A_23 = tpu.memref_slice %arg3[%add3A] : memref<5120xi32, #tpu.memory_space<hbm>> -> memref<64xi32, #tpu.memory_space<hbm>>
          tpu.enqueue_dma source(%dma_start3A_23 : memref<64xi32, #tpu.memory_space<hbm>>) target(%arg8 : memref<64xi32, #tpu.memory_space<vmem>>) target_semaphore(%run_scoped3A : memref<!tpu.dma_semaphore, #tpu.memory_space<semaphore_mem>>)
          %dma_wait3A_24 = tpu.memref_slice %arg3[%add3A] : memref<5120xi32, #tpu.memory_space<hbm>> -> memref<64xi32, #tpu.memory_space<hbm>>
          %dma_wait3A_25 = tpu.memref_slice %arg3[%add3A] : memref<5120xi32, #tpu.memory_space<hbm>> -> memref<64xi32, #tpu.memory_space<hbm>>
          tpu.wait_dma2 semaphore(%run_scoped3A : memref<!tpu.dma_semaphore, #tpu.memory_space<semaphore_mem>>) src(%dma_wait3A_25 : memref<64xi32, #tpu.memory_space<hbm>>) dst(%arg8 : memref<64xi32, #tpu.memory_space<vmem>>)
          tpu.yield
        }) : () -> ()
        %dma_start3A = arith.constant 0 : i32
        %dma_start3A_18 = arith.constant 0 : i32
        %dma_start3A_19 = tpu.memref_slice %arg2[%dma_start3A, %dma_start3A_18] : memref<10240x128xf32, #tpu.memory_space<hbm>> -> memref<10240x128xf32, #tpu.memory_space<hbm>>
        tpu.enqueue_indirect_dma source(%dma_start3A_19 : memref<10240x128xf32, #tpu.memory_space<hbm>>) target(%arg7 : memref<64x128xf32, #tpu.memory_space<vmem>>) offsets(%arg8 : memref<64xi32, #tpu.memory_space<vmem>>) semaphore(%arg9 : memref<!tpu.dma_semaphore, #tpu.memory_space<semaphore_mem>>)
        %dma_wait3A = arith.constant 0 : i32
        %dma_wait3A_20 = arith.constant 0 : i32
        %dma_wait3A_21 = tpu.memref_slice %arg2[%dma_wait3A, %dma_wait3A_20] : memref<10240x128xf32, #tpu.memory_space<hbm>> -> memref<10240x128xf32, #tpu.memory_space<hbm>>
        tpu.wait_indirect_dma semaphore(%arg9 : memref<!tpu.dma_semaphore, #tpu.memory_space<semaphore_mem>>) src(%dma_wait3A_21 : memref<10240x128xf32, #tpu.memory_space<hbm>>) dst(%arg7 : memref<64x128xf32, #tpu.memory_space<vmem>>)
        "tpu.region"() ({
          %run_scoped3A = tpu.sem_alloc : memref<!tpu.dma_semaphore, #tpu.memory_space<semaphore_mem>>
          %dma_start3A_22 = arith.constant 0 : i32
          %dma_start3A_23 = arith.constant 0 : i32
          %dma_start3A_24 = tpu.memref_slice %arg6[%dma_start3A_22, %dma_start3A_23] : memref<10240x128xf32, #tpu.memory_space<vmem_shared>> -> memref<10240x128xf32, #tpu.memory_space<vmem_shared>>
          tpu.enqueue_indirect_dma source(%arg7 : memref<64x128xf32, #tpu.memory_space<vmem>>) target(%dma_start3A_24 : memref<10240x128xf32, #tpu.memory_space<vmem_shared>>) offsets(%arg8 : memref<64xi32, #tpu.memory_space<vmem>>) semaphore(%run_scoped3A : memref<!tpu.dma_semaphore, #tpu.memory_space<semaphore_mem>>) {add = true}
          %dma_wait3A_25 = arith.constant 0 : i32
          %dma_wait3A_26 = arith.constant 0 : i32
          %dma_wait3A_27 = tpu.memref_slice %arg6[%dma_wait3A_25, %dma_wait3A_26] : memref<10240x128xf32, #tpu.memory_space<vmem_shared>> -> memref<10240x128xf32, #tpu.memory_space<vmem_shared>>
          tpu.wait_indirect_dma semaphore(%run_scoped3A : memref<!tpu.dma_semaphore, #tpu.memory_space<semaphore_mem>>) src(%arg7 : memref<64x128xf32, #tpu.memory_space<vmem>>) dst(%dma_wait3A_27 : memref<10240x128xf32, #tpu.memory_space<vmem_shared>>)
          tpu.yield
        }) : () -> ()
      }
      %scan3A_7 = arith.constant 5 : i32
      %barrier3A_8 = arith.constant 0 : index
      tpu.barrier barrier_id(%barrier3A_8)
      %mul3A_9 = arith.constant 640 : i32
      %mul3A_10 = arith.muli %arg1, %mul3A_9 : i32
      %mul3A_11 = arith.constant 640 : i32
      %mul3A_12 = arith.muli %arg1, %mul3A_11 : i32
      "tpu.region"() ({
        %run_scoped3A = tpu.sem_alloc : memref<!tpu.dma_semaphore, #tpu.memory_space<semaphore_mem>>
        %dma_start3A = arith.constant 0 : i32
        %dma_start3A_13 = tpu.memref_slice %arg5[%mul3A_12, %dma_start3A] : memref<10240x128xf32, #tpu.memory_space<hbm>> -> memref<640x128xf32, #tpu.memory_space<hbm>>
        %dma_start3A_14 = arith.constant 0 : i32
        %dma_start3A_15 = tpu.memref_slice %arg6[%mul3A_10, %dma_start3A_14] : memref<10240x128xf32, #tpu.memory_space<vmem_shared>> -> memref<640x128xf32, #tpu.memory_space<vmem_shared>>
        tpu.enqueue_dma source(%dma_start3A_15 : memref<640x128xf32, #tpu.memory_space<vmem_shared>>) target(%dma_start3A_13 : memref<640x128xf32, #tpu.memory_space<hbm>>) target_semaphore(%run_scoped3A : memref<!tpu.dma_semaphore, #tpu.memory_space<semaphore_mem>>)
        %dma_wait3A = arith.constant 0 : i32
        %dma_wait3A_16 = tpu.memref_slice %arg5[%mul3A_12, %dma_wait3A] : memref<10240x128xf32, #tpu.memory_space<hbm>> -> memref<640x128xf32, #tpu.memory_space<hbm>>
        %dma_wait3A_17 = arith.constant 0 : i32
        %dma_wait3A_18 = tpu.memref_slice %arg6[%mul3A_10, %dma_wait3A_17] : memref<10240x128xf32, #tpu.memory_space<vmem_shared>> -> memref<640x128xf32, #tpu.memory_space<vmem_shared>>
        tpu.wait_dma2 semaphore(%run_scoped3A : memref<!tpu.dma_semaphore, #tpu.memory_space<semaphore_mem>>) src(%dma_wait3A_18 : memref<640x128xf32, #tpu.memory_space<vmem_shared>>) dst(%dma_wait3A_16 : memref<640x128xf32, #tpu.memory_space<hbm>>)
        tpu.yield
      }) : () -> ()
    } else {
    }
    return
  }
}

#map = affine_map<(d0, d1) -> (0, 0)>
#map1 = affine_map<(d0, d1) -> (0)>
#map2 = affine_map<(d0, d1) -> (0, 0, 0)>
module attributes {stable_mosaic.version = 14 : i64} {
  func.func @run(%arg0: i32, %arg1: i32, %arg2: memref<10240x128xf32, #tpu.memory_space<hbm>>, %arg3: memref<10240x256xf32, #tpu.memory_space<hbm>>, %arg4: memref<331776xi32, #tpu.memory_space<hbm>>, %arg5: memref<331776xi32, #tpu.memory_space<hbm>>, %arg6: memref<640x128xf32, #tpu.memory_space<hbm>>, %arg7: memref<640x16xf32, #tpu.memory_space<hbm>>, %arg8: memref<2x10240x128xf32, #tpu.memory_space<hbm>>, %arg9: memref<2x10240x16xf32, #tpu.memory_space<hbm>>, %arg10: memref<10240x128xf32, #tpu.memory_space<vmem_shared>>, %arg11: memref<10240x16xf32, #tpu.memory_space<vmem_shared>>, %arg12: memref<64x128xf32, #tpu.memory_space<vmem>>, %arg13: memref<64x256xf32, #tpu.memory_space<vmem>>, %arg14: memref<64x128xf32, #tpu.memory_space<vmem>>, %arg15: memref<64x16xf32, #tpu.memory_space<vmem>>, %arg16: memref<64xi32, #tpu.memory_space<vmem>>, %arg17: memref<64xi32, #tpu.memory_space<vmem>>, %arg18: memref<!tpu.dma_semaphore, #tpu.memory_space<semaphore_mem>>, %arg19: memref<!tpu.dma_semaphore, #tpu.memory_space<semaphore_mem>>) attributes {dimension_semantics = [#tpu.dimension_semantics<core_parallel>, #tpu.dimension_semantics<subcore_parallel>], iteration_bounds = array<i64: 2, 16>, scalar_prefetch = 0 : i64, scratch_operands = 10 : i64, tpu.core_type = #tpu.core_type<sc_vector_subcore>, window_params = [{transform_indices = #map}, {transform_indices = #map}, {transform_indices = #map1}, {transform_indices = #map1}, {transform_indices = #map}, {transform_indices = #map}, {transform_indices = #map2}, {transform_indices = #map2}]} {
    %mul3A = arith.constant 2 : i32
    %mul3A_0 = arith.muli %arg1, %mul3A : i32
    %add3A = arith.addi %mul3A_0, %arg0 : i32
    %mul3A_1 = arith.constant 640 : i32
    %mul3A_2 = arith.muli %arg1, %mul3A_1 : i32
    "tpu.region"() ({
      %run_scoped3A = tpu.sem_alloc : memref<!tpu.dma_semaphore, #tpu.memory_space<semaphore_mem>>
      %dma_start3A = arith.constant 0 : i32
      %dma_start3A_28 = tpu.memref_slice %arg10[%mul3A_2, %dma_start3A] : memref<10240x128xf32, #tpu.memory_space<vmem_shared>> -> memref<640x128xf32, #tpu.memory_space<vmem_shared>>
      tpu.enqueue_dma source(%arg6 : memref<640x128xf32, #tpu.memory_space<hbm>>) target(%dma_start3A_28 : memref<640x128xf32, #tpu.memory_space<vmem_shared>>) target_semaphore(%run_scoped3A : memref<!tpu.dma_semaphore, #tpu.memory_space<semaphore_mem>>)
      %dma_wait3A = arith.constant 0 : i32
      %dma_wait3A_29 = tpu.memref_slice %arg10[%mul3A_2, %dma_wait3A] : memref<10240x128xf32, #tpu.memory_space<vmem_shared>> -> memref<640x128xf32, #tpu.memory_space<vmem_shared>>
      tpu.wait_dma2 semaphore(%run_scoped3A : memref<!tpu.dma_semaphore, #tpu.memory_space<semaphore_mem>>) src(%arg6 : memref<640x128xf32, #tpu.memory_space<hbm>>) dst(%dma_wait3A_29 : memref<640x128xf32, #tpu.memory_space<vmem_shared>>)
      tpu.yield
    }) : () -> ()
    %mul3A_3 = arith.constant 640 : i32
    %mul3A_4 = arith.muli %arg1, %mul3A_3 : i32
    "tpu.region"() ({
      %run_scoped3A = tpu.sem_alloc : memref<!tpu.dma_semaphore, #tpu.memory_space<semaphore_mem>>
      %dma_start3A = arith.constant 0 : i32
      %dma_start3A_28 = tpu.memref_slice %arg11[%mul3A_4, %dma_start3A] : memref<10240x16xf32, #tpu.memory_space<vmem_shared>> -> memref<640x16xf32, #tpu.memory_space<vmem_shared>>
      tpu.enqueue_dma source(%arg7 : memref<640x16xf32, #tpu.memory_space<hbm>>) target(%dma_start3A_28 : memref<640x16xf32, #tpu.memory_space<vmem_shared>>) target_semaphore(%run_scoped3A : memref<!tpu.dma_semaphore, #tpu.memory_space<semaphore_mem>>)
      %dma_wait3A = arith.constant 0 : i32
      %dma_wait3A_29 = tpu.memref_slice %arg11[%mul3A_4, %dma_wait3A] : memref<10240x16xf32, #tpu.memory_space<vmem_shared>> -> memref<640x16xf32, #tpu.memory_space<vmem_shared>>
      tpu.wait_dma2 semaphore(%run_scoped3A : memref<!tpu.dma_semaphore, #tpu.memory_space<semaphore_mem>>) src(%arg7 : memref<640x16xf32, #tpu.memory_space<hbm>>) dst(%dma_wait3A_29 : memref<640x16xf32, #tpu.memory_space<vmem_shared>>)
      tpu.yield
    }) : () -> ()
    %broadcast_in_dim3A = arith.constant 0.000000e+00 : f32
    %broadcast_in_dim3A_5 = vector.broadcast %broadcast_in_dim3A : f32 to vector<16xf32>
    %scan3A = arith.constant 0 : i32
    %scan3A_6 = arith.constant 0 : i32
    %scan3A_7 = arith.constant 64 : i32
    %scan3A_8 = arith.addi %scan3A_6, %scan3A_7 : i32
    %scan3A_9 = arith.constant 1 : i32
    scf.for %scan3A_28 = %scan3A_6 to %scan3A_8 step %scan3A_9  : i32 {
      %swap3A = arith.index_cast %scan3A_28 : i32 to index
      %swap3A_29 = arith.constant 0 : index
      %swap3A_30 = tpu.vector_load %arg15[%swap3A, %swap3A_29] {strides = array<i32>} : memref<64x16xf32, #tpu.memory_space<vmem>>, vector<16xf32>,
      tpu.vector_store %arg15[%swap3A, %swap3A_29], %broadcast_in_dim3A_5 {strides = array<i32>} : memref<64x16xf32, #tpu.memory_space<vmem>>, vector<16xf32>,
    }
    %scan3A_10 = arith.constant 64 : i32
    %barrier3A = arith.constant 0 : index
    tpu.barrier barrier_id(%barrier3A)
    %iota3A = tpu.iota {dimensions = array<i32: 0>} : vector<16xi32>
    %mul3A_11 = arith.constant 10368 : i32
    %mul3A_12 = arith.muli %add3A, %mul3A_11 : i32
    %scan3A_13 = arith.constant 0 : i32
    %scan3A_14 = arith.constant 0 : i32
    %scan3A_15 = arith.constant 162 : i32
    %scan3A_16 = arith.addi %scan3A_14, %scan3A_15 : i32
    %scan3A_17 = arith.constant 1 : i32
    scf.for %scan3A_28 = %scan3A_14 to %scan3A_16 step %scan3A_17  : i32 {
      %mul3A_29 = arith.constant 64 : i32
      %mul3A_30 = arith.muli %scan3A_28, %mul3A_29 : i32
      %add3A_31 = arith.addi %mul3A_12, %mul3A_30 : i32
      "tpu.region"() ({
        %run_scoped3A = tpu.sem_alloc : memref<!tpu.dma_semaphore, #tpu.memory_space<semaphore_mem>>
        %dma_start3A_48 = tpu.memref_slice %arg4[%add3A_31] : memref<331776xi32, #tpu.memory_space<hbm>> -> memref<64xi32, #tpu.memory_space<hbm>>
        %dma_start3A_49 = tpu.memref_slice %arg4[%add3A_31] : memref<331776xi32, #tpu.memory_space<hbm>> -> memref<64xi32, #tpu.memory_space<hbm>>
        tpu.enqueue_dma source(%dma_start3A_49 : memref<64xi32, #tpu.memory_space<hbm>>) target(%arg16 : memref<64xi32, #tpu.memory_space<vmem>>) target_semaphore(%run_scoped3A : memref<!tpu.dma_semaphore, #tpu.memory_space<semaphore_mem>>)
        %dma_wait3A_50 = tpu.memref_slice %arg4[%add3A_31] : memref<331776xi32, #tpu.memory_space<hbm>> -> memref<64xi32, #tpu.memory_space<hbm>>
        %dma_wait3A_51 = tpu.memref_slice %arg4[%add3A_31] : memref<331776xi32, #tpu.memory_space<hbm>> -> memref<64xi32, #tpu.memory_space<hbm>>
        tpu.wait_dma2 semaphore(%run_scoped3A : memref<!tpu.dma_semaphore, #tpu.memory_space<semaphore_mem>>) src(%dma_wait3A_51 : memref<64xi32, #tpu.memory_space<hbm>>) dst(%arg16 : memref<64xi32, #tpu.memory_space<vmem>>)
        tpu.yield
      }) : () -> ()
      "tpu.region"() ({
        %run_scoped3A = tpu.sem_alloc : memref<!tpu.dma_semaphore, #tpu.memory_space<semaphore_mem>>
        %dma_start3A_48 = tpu.memref_slice %arg5[%add3A_31] : memref<331776xi32, #tpu.memory_space<hbm>> -> memref<64xi32, #tpu.memory_space<hbm>>
        %dma_start3A_49 = tpu.memref_slice %arg5[%add3A_31] : memref<331776xi32, #tpu.memory_space<hbm>> -> memref<64xi32, #tpu.memory_space<hbm>>
        tpu.enqueue_dma source(%dma_start3A_49 : memref<64xi32, #tpu.memory_space<hbm>>) target(%arg17 : memref<64xi32, #tpu.memory_space<vmem>>) target_semaphore(%run_scoped3A : memref<!tpu.dma_semaphore, #tpu.memory_space<semaphore_mem>>)
        %dma_wait3A_50 = tpu.memref_slice %arg5[%add3A_31] : memref<331776xi32, #tpu.memory_space<hbm>> -> memref<64xi32, #tpu.memory_space<hbm>>
        %dma_wait3A_51 = tpu.memref_slice %arg5[%add3A_31] : memref<331776xi32, #tpu.memory_space<hbm>> -> memref<64xi32, #tpu.memory_space<hbm>>
        tpu.wait_dma2 semaphore(%run_scoped3A : memref<!tpu.dma_semaphore, #tpu.memory_space<semaphore_mem>>) src(%dma_wait3A_51 : memref<64xi32, #tpu.memory_space<hbm>>) dst(%arg17 : memref<64xi32, #tpu.memory_space<vmem>>)
        tpu.yield
      }) : () -> ()
      %dma_start3A = arith.constant 0 : i32
      %dma_start3A_32 = arith.constant 0 : i32
      %dma_start3A_33 = tpu.memref_slice %arg2[%dma_start3A, %dma_start3A_32] : memref<10240x128xf32, #tpu.memory_space<hbm>> -> memref<10240x128xf32, #tpu.memory_space<hbm>>
      tpu.enqueue_indirect_dma source(%dma_start3A_33 : memref<10240x128xf32, #tpu.memory_space<hbm>>) target(%arg12 : memref<64x128xf32, #tpu.memory_space<vmem>>) offsets(%arg16 : memref<64xi32, #tpu.memory_space<vmem>>) semaphore(%arg18 : memref<!tpu.dma_semaphore, #tpu.memory_space<semaphore_mem>>)
      %dma_start3A_34 = arith.constant 0 : i32
      %dma_start3A_35 = arith.constant 0 : i32
      %dma_start3A_36 = tpu.memref_slice %arg3[%dma_start3A_34, %dma_start3A_35] : memref<10240x256xf32, #tpu.memory_space<hbm>> -> memref<10240x256xf32, #tpu.memory_space<hbm>>
      tpu.enqueue_indirect_dma source(%dma_start3A_36 : memref<10240x256xf32, #tpu.memory_space<hbm>>) target(%arg13 : memref<64x256xf32, #tpu.memory_space<vmem>>) offsets(%arg17 : memref<64xi32, #tpu.memory_space<vmem>>) semaphore(%arg19 : memref<!tpu.dma_semaphore, #tpu.memory_space<semaphore_mem>>)
      %dma_wait3A = arith.constant 0 : i32
      %dma_wait3A_37 = arith.constant 0 : i32
      %dma_wait3A_38 = tpu.memref_slice %arg2[%dma_wait3A, %dma_wait3A_37] : memref<10240x128xf32, #tpu.memory_space<hbm>> -> memref<10240x128xf32, #tpu.memory_space<hbm>>
      tpu.wait_indirect_dma semaphore(%arg18 : memref<!tpu.dma_semaphore, #tpu.memory_space<semaphore_mem>>) src(%dma_wait3A_38 : memref<10240x128xf32, #tpu.memory_space<hbm>>) dst(%arg12 : memref<64x128xf32, #tpu.memory_space<vmem>>)
      %dma_wait3A_39 = arith.constant 0 : i32
      %dma_wait3A_40 = arith.constant 0 : i32
      %dma_wait3A_41 = tpu.memref_slice %arg3[%dma_wait3A_39, %dma_wait3A_40] : memref<10240x256xf32, #tpu.memory_space<hbm>> -> memref<10240x256xf32, #tpu.memory_space<hbm>>
      tpu.wait_indirect_dma semaphore(%arg19 : memref<!tpu.dma_semaphore, #tpu.memory_space<semaphore_mem>>) src(%dma_wait3A_41 : memref<10240x256xf32, #tpu.memory_space<hbm>>) dst(%arg13 : memref<64x256xf32, #tpu.memory_space<vmem>>)
      %scan3A_42 = arith.constant 0 : i32
      %scan3A_43 = arith.constant 0 : i32
      %scan3A_44 = arith.constant 4 : i32
      %scan3A_45 = arith.addi %scan3A_43, %scan3A_44 : i32
      %scan3A_46 = arith.constant 1 : i32
      scf.for %scan3A_48 = %scan3A_43 to %scan3A_45 step %scan3A_46  : i32 {
        %mul3A_49 = arith.constant 16 : i32
        %mul3A_50 = arith.muli %scan3A_48, %mul3A_49 : i32
        %add3A_51 = vector.broadcast %mul3A_50 : i32 to vector<16xi32>
        %add3A_52 = arith.addi %add3A_51, %iota3A : vector<16xi32>
        %broadcast_in_dim3A_53 = arith.constant 0 : i32
        %broadcast_in_dim3A_54 = vector.broadcast %broadcast_in_dim3A_53 : i32 to vector<16xi32>
        %gather3A = tpu.vector_load_idx %arg12[%add3A_52, %broadcast_in_dim3A_54] : memref<64x128xf32, #tpu.memory_space<vmem>>[vector<16xi32>, vector<16xi32>], vector<16xf32>,
        %broadcast_in_dim3A_55 = arith.constant 1 : i32
        %broadcast_in_dim3A_56 = vector.broadcast %broadcast_in_dim3A_55 : i32 to vector<16xi32>
        %gather3A_57 = tpu.vector_load_idx %arg12[%add3A_52, %broadcast_in_dim3A_56] : memref<64x128xf32, #tpu.memory_space<vmem>>[vector<16xi32>, vector<16xi32>], vector<16xf32>,
        %broadcast_in_dim3A_58 = arith.constant 2 : i32
        %broadcast_in_dim3A_59 = vector.broadcast %broadcast_in_dim3A_58 : i32 to vector<16xi32>
        %gather3A_60 = tpu.vector_load_idx %arg12[%add3A_52, %broadcast_in_dim3A_59] : memref<64x128xf32, #tpu.memory_space<vmem>>[vector<16xi32>, vector<16xi32>], vector<16xf32>,
        %broadcast_in_dim3A_61 = arith.constant 3 : i32
        %broadcast_in_dim3A_62 = vector.broadcast %broadcast_in_dim3A_61 : i32 to vector<16xi32>
        %gather3A_63 = tpu.vector_load_idx %arg12[%add3A_52, %broadcast_in_dim3A_62] : memref<64x128xf32, #tpu.memory_space<vmem>>[vector<16xi32>, vector<16xi32>], vector<16xf32>,
        %broadcast_in_dim3A_64 = arith.constant 4 : i32
        %broadcast_in_dim3A_65 = vector.broadcast %broadcast_in_dim3A_64 : i32 to vector<16xi32>
        %gather3A_66 = tpu.vector_load_idx %arg12[%add3A_52, %broadcast_in_dim3A_65] : memref<64x128xf32, #tpu.memory_space<vmem>>[vector<16xi32>, vector<16xi32>], vector<16xf32>,
        %broadcast_in_dim3A_67 = arith.constant 5 : i32
        %broadcast_in_dim3A_68 = vector.broadcast %broadcast_in_dim3A_67 : i32 to vector<16xi32>
        %gather3A_69 = tpu.vector_load_idx %arg12[%add3A_52, %broadcast_in_dim3A_68] : memref<64x128xf32, #tpu.memory_space<vmem>>[vector<16xi32>, vector<16xi32>], vector<16xf32>,
        %broadcast_in_dim3A_70 = arith.constant 6 : i32
        %broadcast_in_dim3A_71 = vector.broadcast %broadcast_in_dim3A_70 : i32 to vector<16xi32>
        %gather3A_72 = tpu.vector_load_idx %arg12[%add3A_52, %broadcast_in_dim3A_71] : memref<64x128xf32, #tpu.memory_space<vmem>>[vector<16xi32>, vector<16xi32>], vector<16xf32>,
        %broadcast_in_dim3A_73 = arith.constant 7 : i32
        %broadcast_in_dim3A_74 = vector.broadcast %broadcast_in_dim3A_73 : i32 to vector<16xi32>
        %gather3A_75 = tpu.vector_load_idx %arg12[%add3A_52, %broadcast_in_dim3A_74] : memref<64x128xf32, #tpu.memory_space<vmem>>[vector<16xi32>, vector<16xi32>], vector<16xf32>,
        %broadcast_in_dim3A_76 = arith.constant 8 : i32
        %broadcast_in_dim3A_77 = vector.broadcast %broadcast_in_dim3A_76 : i32 to vector<16xi32>
        %gather3A_78 = tpu.vector_load_idx %arg12[%add3A_52, %broadcast_in_dim3A_77] : memref<64x128xf32, #tpu.memory_space<vmem>>[vector<16xi32>, vector<16xi32>], vector<16xf32>,
        %broadcast_in_dim3A_79 = arith.constant 9 : i32
        %broadcast_in_dim3A_80 = vector.broadcast %broadcast_in_dim3A_79 : i32 to vector<16xi32>
        %gather3A_81 = tpu.vector_load_idx %arg12[%add3A_52, %broadcast_in_dim3A_80] : memref<64x128xf32, #tpu.memory_space<vmem>>[vector<16xi32>, vector<16xi32>], vector<16xf32>,
        %broadcast_in_dim3A_82 = arith.constant 10 : i32
        %broadcast_in_dim3A_83 = vector.broadcast %broadcast_in_dim3A_82 : i32 to vector<16xi32>
        %gather3A_84 = tpu.vector_load_idx %arg12[%add3A_52, %broadcast_in_dim3A_83] : memref<64x128xf32, #tpu.memory_space<vmem>>[vector<16xi32>, vector<16xi32>], vector<16xf32>,
        %broadcast_in_dim3A_85 = arith.constant 11 : i32
        %broadcast_in_dim3A_86 = vector.broadcast %broadcast_in_dim3A_85 : i32 to vector<16xi32>
        %gather3A_87 = tpu.vector_load_idx %arg12[%add3A_52, %broadcast_in_dim3A_86] : memref<64x128xf32, #tpu.memory_space<vmem>>[vector<16xi32>, vector<16xi32>], vector<16xf32>,
        %broadcast_in_dim3A_88 = arith.constant 12 : i32
        %broadcast_in_dim3A_89 = vector.broadcast %broadcast_in_dim3A_88 : i32 to vector<16xi32>
        %gather3A_90 = tpu.vector_load_idx %arg12[%add3A_52, %broadcast_in_dim3A_89] : memref<64x128xf32, #tpu.memory_space<vmem>>[vector<16xi32>, vector<16xi32>], vector<16xf32>,
        %broadcast_in_dim3A_91 = arith.constant 13 : i32
        %broadcast_in_dim3A_92 = vector.broadcast %broadcast_in_dim3A_91 : i32 to vector<16xi32>
        %gather3A_93 = tpu.vector_load_idx %arg12[%add3A_52, %broadcast_in_dim3A_92] : memref<64x128xf32, #tpu.memory_space<vmem>>[vector<16xi32>, vector<16xi32>], vector<16xf32>,
        %broadcast_in_dim3A_94 = arith.constant 14 : i32
        %broadcast_in_dim3A_95 = vector.broadcast %broadcast_in_dim3A_94 : i32 to vector<16xi32>
        %gather3A_96 = tpu.vector_load_idx %arg12[%add3A_52, %broadcast_in_dim3A_95] : memref<64x128xf32, #tpu.memory_space<vmem>>[vector<16xi32>, vector<16xi32>], vector<16xf32>,
        %broadcast_in_dim3A_97 = arith.constant 15 : i32
        %broadcast_in_dim3A_98 = vector.broadcast %broadcast_in_dim3A_97 : i32 to vector<16xi32>
        %gather3A_99 = tpu.vector_load_idx %arg12[%add3A_52, %broadcast_in_dim3A_98] : memref<64x128xf32, #tpu.memory_space<vmem>>[vector<16xi32>, vector<16xi32>], vector<16xf32>,
        %broadcast_in_dim3A_100 = arith.constant 0 : i32
        %broadcast_in_dim3A_101 = vector.broadcast %broadcast_in_dim3A_100 : i32 to vector<16xi32>
        %gather3A_102 = tpu.vector_load_idx %arg13[%add3A_52, %broadcast_in_dim3A_101] : memref<64x256xf32, #tpu.memory_space<vmem>>[vector<16xi32>, vector<16xi32>], vector<16xf32>,
        %broadcast_in_dim3A_103 = arith.constant 1 : i32
        %broadcast_in_dim3A_104 = vector.broadcast %broadcast_in_dim3A_103 : i32 to vector<16xi32>
        %gather3A_105 = tpu.vector_load_idx %arg13[%add3A_52, %broadcast_in_dim3A_104] : memref<64x256xf32, #tpu.memory_space<vmem>>[vector<16xi32>, vector<16xi32>], vector<16xf32>,
        %broadcast_in_dim3A_106 = arith.constant 2 : i32
        %broadcast_in_dim3A_107 = vector.broadcast %broadcast_in_dim3A_106 : i32 to vector<16xi32>
        %gather3A_108 = tpu.vector_load_idx %arg13[%add3A_52, %broadcast_in_dim3A_107] : memref<64x256xf32, #tpu.memory_space<vmem>>[vector<16xi32>, vector<16xi32>], vector<16xf32>,
        %broadcast_in_dim3A_109 = arith.constant 3 : i32
        %broadcast_in_dim3A_110 = vector.broadcast %broadcast_in_dim3A_109 : i32 to vector<16xi32>
        %gather3A_111 = tpu.vector_load_idx %arg13[%add3A_52, %broadcast_in_dim3A_110] : memref<64x256xf32, #tpu.memory_space<vmem>>[vector<16xi32>, vector<16xi32>], vector<16xf32>,
        %broadcast_in_dim3A_112 = arith.constant 4 : i32
        %broadcast_in_dim3A_113 = vector.broadcast %broadcast_in_dim3A_112 : i32 to vector<16xi32>
        %gather3A_114 = tpu.vector_load_idx %arg13[%add3A_52, %broadcast_in_dim3A_113] : memref<64x256xf32, #tpu.memory_space<vmem>>[vector<16xi32>, vector<16xi32>], vector<16xf32>,
        %broadcast_in_dim3A_115 = arith.constant 5 : i32
        %broadcast_in_dim3A_116 = vector.broadcast %broadcast_in_dim3A_115 : i32 to vector<16xi32>
        %gather3A_117 = tpu.vector_load_idx %arg13[%add3A_52, %broadcast_in_dim3A_116] : memref<64x256xf32, #tpu.memory_space<vmem>>[vector<16xi32>, vector<16xi32>], vector<16xf32>,
        %broadcast_in_dim3A_118 = arith.constant 6 : i32
        %broadcast_in_dim3A_119 = vector.broadcast %broadcast_in_dim3A_118 : i32 to vector<16xi32>
        %gather3A_120 = tpu.vector_load_idx %arg13[%add3A_52, %broadcast_in_dim3A_119] : memref<64x256xf32, #tpu.memory_space<vmem>>[vector<16xi32>, vector<16xi32>], vector<16xf32>,
        %broadcast_in_dim3A_121 = arith.constant 7 : i32
        %broadcast_in_dim3A_122 = vector.broadcast %broadcast_in_dim3A_121 : i32 to vector<16xi32>
        %gather3A_123 = tpu.vector_load_idx %arg13[%add3A_52, %broadcast_in_dim3A_122] : memref<64x256xf32, #tpu.memory_space<vmem>>[vector<16xi32>, vector<16xi32>], vector<16xf32>,
        %broadcast_in_dim3A_124 = arith.constant 8 : i32
        %broadcast_in_dim3A_125 = vector.broadcast %broadcast_in_dim3A_124 : i32 to vector<16xi32>
        %gather3A_126 = tpu.vector_load_idx %arg13[%add3A_52, %broadcast_in_dim3A_125] : memref<64x256xf32, #tpu.memory_space<vmem>>[vector<16xi32>, vector<16xi32>], vector<16xf32>,
        %broadcast_in_dim3A_127 = arith.constant 9 : i32
        %broadcast_in_dim3A_128 = vector.broadcast %broadcast_in_dim3A_127 : i32 to vector<16xi32>
        %gather3A_129 = tpu.vector_load_idx %arg13[%add3A_52, %broadcast_in_dim3A_128] : memref<64x256xf32, #tpu.memory_space<vmem>>[vector<16xi32>, vector<16xi32>], vector<16xf32>,
        %broadcast_in_dim3A_130 = arith.constant 10 : i32
        %broadcast_in_dim3A_131 = vector.broadcast %broadcast_in_dim3A_130 : i32 to vector<16xi32>
        %gather3A_132 = tpu.vector_load_idx %arg13[%add3A_52, %broadcast_in_dim3A_131] : memref<64x256xf32, #tpu.memory_space<vmem>>[vector<16xi32>, vector<16xi32>], vector<16xf32>,
        %broadcast_in_dim3A_133 = arith.constant 11 : i32
        %broadcast_in_dim3A_134 = vector.broadcast %broadcast_in_dim3A_133 : i32 to vector<16xi32>
        %gather3A_135 = tpu.vector_load_idx %arg13[%add3A_52, %broadcast_in_dim3A_134] : memref<64x256xf32, #tpu.memory_space<vmem>>[vector<16xi32>, vector<16xi32>], vector<16xf32>,
        %broadcast_in_dim3A_136 = arith.constant 12 : i32
        %broadcast_in_dim3A_137 = vector.broadcast %broadcast_in_dim3A_136 : i32 to vector<16xi32>
        %gather3A_138 = tpu.vector_load_idx %arg13[%add3A_52, %broadcast_in_dim3A_137] : memref<64x256xf32, #tpu.memory_space<vmem>>[vector<16xi32>, vector<16xi32>], vector<16xf32>,
        %broadcast_in_dim3A_139 = arith.constant 13 : i32
        %broadcast_in_dim3A_140 = vector.broadcast %broadcast_in_dim3A_139 : i32 to vector<16xi32>
        %gather3A_141 = tpu.vector_load_idx %arg13[%add3A_52, %broadcast_in_dim3A_140] : memref<64x256xf32, #tpu.memory_space<vmem>>[vector<16xi32>, vector<16xi32>], vector<16xf32>,
        %broadcast_in_dim3A_142 = arith.constant 14 : i32
        %broadcast_in_dim3A_143 = vector.broadcast %broadcast_in_dim3A_142 : i32 to vector<16xi32>
        %gather3A_144 = tpu.vector_load_idx %arg13[%add3A_52, %broadcast_in_dim3A_143] : memref<64x256xf32, #tpu.memory_space<vmem>>[vector<16xi32>, vector<16xi32>], vector<16xf32>,
        %broadcast_in_dim3A_145 = arith.constant 15 : i32
        %broadcast_in_dim3A_146 = vector.broadcast %broadcast_in_dim3A_145 : i32 to vector<16xi32>
        %gather3A_147 = tpu.vector_load_idx %arg13[%add3A_52, %broadcast_in_dim3A_146] : memref<64x256xf32, #tpu.memory_space<vmem>>[vector<16xi32>, vector<16xi32>], vector<16xf32>,
        %mul3A_148 = arith.mulf %gather3A, %gather3A_102 : vector<16xf32>
        %mul3A_149 = arith.mulf %gather3A_57, %gather3A_105 : vector<16xf32>
        %mul3A_150 = arith.mulf %gather3A_60, %gather3A_108 : vector<16xf32>
        %mul3A_151 = arith.mulf %gather3A_63, %gather3A_111 : vector<16xf32>
        %mul3A_152 = arith.mulf %gather3A_66, %gather3A_114 : vector<16xf32>
        %mul3A_153 = arith.mulf %gather3A_69, %gather3A_117 : vector<16xf32>
        %mul3A_154 = arith.mulf %gather3A_72, %gather3A_120 : vector<16xf32>
        %mul3A_155 = arith.mulf %gather3A_75, %gather3A_123 : vector<16xf32>
        %mul3A_156 = arith.mulf %gather3A_78, %gather3A_126 : vector<16xf32>
        %mul3A_157 = arith.mulf %gather3A_81, %gather3A_129 : vector<16xf32>
        %mul3A_158 = arith.mulf %gather3A_84, %gather3A_132 : vector<16xf32>
        %mul3A_159 = arith.mulf %gather3A_87, %gather3A_135 : vector<16xf32>
        %mul3A_160 = arith.mulf %gather3A_90, %gather3A_138 : vector<16xf32>
        %mul3A_161 = arith.mulf %gather3A_93, %gather3A_141 : vector<16xf32>
        %mul3A_162 = arith.mulf %gather3A_96, %gather3A_144 : vector<16xf32>
        %mul3A_163 = arith.mulf %gather3A_99, %gather3A_147 : vector<16xf32>
        %add3A_164 = arith.addf %mul3A_148, %mul3A_149 : vector<16xf32>
        %add3A_165 = arith.addf %mul3A_150, %mul3A_151 : vector<16xf32>
        %add3A_166 = arith.addf %mul3A_152, %mul3A_153 : vector<16xf32>
        %add3A_167 = arith.addf %mul3A_154, %mul3A_155 : vector<16xf32>
        %add3A_168 = arith.addf %mul3A_156, %mul3A_157 : vector<16xf32>
        %add3A_169 = arith.addf %mul3A_158, %mul3A_159 : vector<16xf32>
        %add3A_170 = arith.addf %mul3A_160, %mul3A_161 : vector<16xf32>
        %add3A_171 = arith.addf %mul3A_162, %mul3A_163 : vector<16xf32>
        %add3A_172 = arith.addf %add3A_164, %add3A_165 : vector<16xf32>
        %add3A_173 = arith.addf %add3A_166, %add3A_167 : vector<16xf32>
        %add3A_174 = arith.addf %add3A_168, %add3A_169 : vector<16xf32>
        %add3A_175 = arith.addf %add3A_170, %add3A_171 : vector<16xf32>
        %add3A_176 = arith.addf %add3A_172, %add3A_173 : vector<16xf32>
        %add3A_177 = arith.addf %add3A_174, %add3A_175 : vector<16xf32>
        %add3A_178 = arith.addf %add3A_176, %add3A_177 : vector<16xf32>
        %mul3A_179 = arith.constant 2.500000e-01 : f32
        %mul3A_180 = vector.broadcast %mul3A_179 : f32 to vector<16xf32>
        %mul3A_181 = arith.mulf %add3A_178, %mul3A_180 : vector<16xf32>
        %exp3A = math.exp %mul3A_181 : vector<16xf32>
        %broadcast_in_dim3A_182 = arith.constant 0 : i32
        %broadcast_in_dim3A_183 = vector.broadcast %broadcast_in_dim3A_182 : i32 to vector<16xi32>
        tpu.vector_store_idx %arg15[%add3A_52, %broadcast_in_dim3A_183], %exp3A : memref<64x16xf32, #tpu.memory_space<vmem>>[vector<16xi32>, vector<16xi32>], vector<16xf32>,
        %broadcast_in_dim3A_184 = arith.constant 16 : i32
        %broadcast_in_dim3A_185 = vector.broadcast %broadcast_in_dim3A_184 : i32 to vector<16xi32>
        %gather3A_186 = tpu.vector_load_idx %arg12[%add3A_52, %broadcast_in_dim3A_185] : memref<64x128xf32, #tpu.memory_space<vmem>>[vector<16xi32>, vector<16xi32>], vector<16xf32>,
        %broadcast_in_dim3A_187 = arith.constant 17 : i32
        %broadcast_in_dim3A_188 = vector.broadcast %broadcast_in_dim3A_187 : i32 to vector<16xi32>
        %gather3A_189 = tpu.vector_load_idx %arg12[%add3A_52, %broadcast_in_dim3A_188] : memref<64x128xf32, #tpu.memory_space<vmem>>[vector<16xi32>, vector<16xi32>], vector<16xf32>,
        %broadcast_in_dim3A_190 = arith.constant 18 : i32
        %broadcast_in_dim3A_191 = vector.broadcast %broadcast_in_dim3A_190 : i32 to vector<16xi32>
        %gather3A_192 = tpu.vector_load_idx %arg12[%add3A_52, %broadcast_in_dim3A_191] : memref<64x128xf32, #tpu.memory_space<vmem>>[vector<16xi32>, vector<16xi32>], vector<16xf32>,
        %broadcast_in_dim3A_193 = arith.constant 19 : i32
        %broadcast_in_dim3A_194 = vector.broadcast %broadcast_in_dim3A_193 : i32 to vector<16xi32>
        %gather3A_195 = tpu.vector_load_idx %arg12[%add3A_52, %broadcast_in_dim3A_194] : memref<64x128xf32, #tpu.memory_space<vmem>>[vector<16xi32>, vector<16xi32>], vector<16xf32>,
        %broadcast_in_dim3A_196 = arith.constant 20 : i32
        %broadcast_in_dim3A_197 = vector.broadcast %broadcast_in_dim3A_196 : i32 to vector<16xi32>
        %gather3A_198 = tpu.vector_load_idx %arg12[%add3A_52, %broadcast_in_dim3A_197] : memref<64x128xf32, #tpu.memory_space<vmem>>[vector<16xi32>, vector<16xi32>], vector<16xf32>,
        %broadcast_in_dim3A_199 = arith.constant 21 : i32
        %broadcast_in_dim3A_200 = vector.broadcast %broadcast_in_dim3A_199 : i32 to vector<16xi32>
        %gather3A_201 = tpu.vector_load_idx %arg12[%add3A_52, %broadcast_in_dim3A_200] : memref<64x128xf32, #tpu.memory_space<vmem>>[vector<16xi32>, vector<16xi32>], vector<16xf32>,
        %broadcast_in_dim3A_202 = arith.constant 22 : i32
        %broadcast_in_dim3A_203 = vector.broadcast %broadcast_in_dim3A_202 : i32 to vector<16xi32>
        %gather3A_204 = tpu.vector_load_idx %arg12[%add3A_52, %broadcast_in_dim3A_203] : memref<64x128xf32, #tpu.memory_space<vmem>>[vector<16xi32>, vector<16xi32>], vector<16xf32>,
        %broadcast_in_dim3A_205 = arith.constant 23 : i32
        %broadcast_in_dim3A_206 = vector.broadcast %broadcast_in_dim3A_205 : i32 to vector<16xi32>
        %gather3A_207 = tpu.vector_load_idx %arg12[%add3A_52, %broadcast_in_dim3A_206] : memref<64x128xf32, #tpu.memory_space<vmem>>[vector<16xi32>, vector<16xi32>], vector<16xf32>,
        %broadcast_in_dim3A_208 = arith.constant 24 : i32
        %broadcast_in_dim3A_209 = vector.broadcast %broadcast_in_dim3A_208 : i32 to vector<16xi32>
        %gather3A_210 = tpu.vector_load_idx %arg12[%add3A_52, %broadcast_in_dim3A_209] : memref<64x128xf32, #tpu.memory_space<vmem>>[vector<16xi32>, vector<16xi32>], vector<16xf32>,
        %broadcast_in_dim3A_211 = arith.constant 25 : i32
        %broadcast_in_dim3A_212 = vector.broadcast %broadcast_in_dim3A_211 : i32 to vector<16xi32>
        %gather3A_213 = tpu.vector_load_idx %arg12[%add3A_52, %broadcast_in_dim3A_212] : memref<64x128xf32, #tpu.memory_space<vmem>>[vector<16xi32>, vector<16xi32>], vector<16xf32>,
        %broadcast_in_dim3A_214 = arith.constant 26 : i32
        %broadcast_in_dim3A_215 = vector.broadcast %broadcast_in_dim3A_214 : i32 to vector<16xi32>
        %gather3A_216 = tpu.vector_load_idx %arg12[%add3A_52, %broadcast_in_dim3A_215] : memref<64x128xf32, #tpu.memory_space<vmem>>[vector<16xi32>, vector<16xi32>], vector<16xf32>,
        %broadcast_in_dim3A_217 = arith.constant 27 : i32
        %broadcast_in_dim3A_218 = vector.broadcast %broadcast_in_dim3A_217 : i32 to vector<16xi32>
        %gather3A_219 = tpu.vector_load_idx %arg12[%add3A_52, %broadcast_in_dim3A_218] : memref<64x128xf32, #tpu.memory_space<vmem>>[vector<16xi32>, vector<16xi32>], vector<16xf32>,
        %broadcast_in_dim3A_220 = arith.constant 28 : i32
        %broadcast_in_dim3A_221 = vector.broadcast %broadcast_in_dim3A_220 : i32 to vector<16xi32>
        %gather3A_222 = tpu.vector_load_idx %arg12[%add3A_52, %broadcast_in_dim3A_221] : memref<64x128xf32, #tpu.memory_space<vmem>>[vector<16xi32>, vector<16xi32>], vector<16xf32>,
        %broadcast_in_dim3A_223 = arith.constant 29 : i32
        %broadcast_in_dim3A_224 = vector.broadcast %broadcast_in_dim3A_223 : i32 to vector<16xi32>
        %gather3A_225 = tpu.vector_load_idx %arg12[%add3A_52, %broadcast_in_dim3A_224] : memref<64x128xf32, #tpu.memory_space<vmem>>[vector<16xi32>, vector<16xi32>], vector<16xf32>,
        %broadcast_in_dim3A_226 = arith.constant 30 : i32
        %broadcast_in_dim3A_227 = vector.broadcast %broadcast_in_dim3A_226 : i32 to vector<16xi32>
        %gather3A_228 = tpu.vector_load_idx %arg12[%add3A_52, %broadcast_in_dim3A_227] : memref<64x128xf32, #tpu.memory_space<vmem>>[vector<16xi32>, vector<16xi32>], vector<16xf32>,
        %broadcast_in_dim3A_229 = arith.constant 31 : i32
        %broadcast_in_dim3A_230 = vector.broadcast %broadcast_in_dim3A_229 : i32 to vector<16xi32>
        %gather3A_231 = tpu.vector_load_idx %arg12[%add3A_52, %broadcast_in_dim3A_230] : memref<64x128xf32, #tpu.memory_space<vmem>>[vector<16xi32>, vector<16xi32>], vector<16xf32>,
        %broadcast_in_dim3A_232 = arith.constant 16 : i32
        %broadcast_in_dim3A_233 = vector.broadcast %broadcast_in_dim3A_232 : i32 to vector<16xi32>
        %gather3A_234 = tpu.vector_load_idx %arg13[%add3A_52, %broadcast_in_dim3A_233] : memref<64x256xf32, #tpu.memory_space<vmem>>[vector<16xi32>, vector<16xi32>], vector<16xf32>,
        %broadcast_in_dim3A_235 = arith.constant 17 : i32
        %broadcast_in_dim3A_236 = vector.broadcast %broadcast_in_dim3A_235 : i32 to vector<16xi32>
        %gather3A_237 = tpu.vector_load_idx %arg13[%add3A_52, %broadcast_in_dim3A_236] : memref<64x256xf32, #tpu.memory_space<vmem>>[vector<16xi32>, vector<16xi32>], vector<16xf32>,
        %broadcast_in_dim3A_238 = arith.constant 18 : i32
        %broadcast_in_dim3A_239 = vector.broadcast %broadcast_in_dim3A_238 : i32 to vector<16xi32>
        %gather3A_240 = tpu.vector_load_idx %arg13[%add3A_52, %broadcast_in_dim3A_239] : memref<64x256xf32, #tpu.memory_space<vmem>>[vector<16xi32>, vector<16xi32>], vector<16xf32>,
        %broadcast_in_dim3A_241 = arith.constant 19 : i32
        %broadcast_in_dim3A_242 = vector.broadcast %broadcast_in_dim3A_241 : i32 to vector<16xi32>
        %gather3A_243 = tpu.vector_load_idx %arg13[%add3A_52, %broadcast_in_dim3A_242] : memref<64x256xf32, #tpu.memory_space<vmem>>[vector<16xi32>, vector<16xi32>], vector<16xf32>,
        %broadcast_in_dim3A_244 = arith.constant 20 : i32
        %broadcast_in_dim3A_245 = vector.broadcast %broadcast_in_dim3A_244 : i32 to vector<16xi32>
        %gather3A_246 = tpu.vector_load_idx %arg13[%add3A_52, %broadcast_in_dim3A_245] : memref<64x256xf32, #tpu.memory_space<vmem>>[vector<16xi32>, vector<16xi32>], vector<16xf32>,
        %broadcast_in_dim3A_247 = arith.constant 21 : i32
        %broadcast_in_dim3A_248 = vector.broadcast %broadcast_in_dim3A_247 : i32 to vector<16xi32>
        %gather3A_249 = tpu.vector_load_idx %arg13[%add3A_52, %broadcast_in_dim3A_248] : memref<64x256xf32, #tpu.memory_space<vmem>>[vector<16xi32>, vector<16xi32>], vector<16xf32>,
        %broadcast_in_dim3A_250 = arith.constant 22 : i32
        %broadcast_in_dim3A_251 = vector.broadcast %broadcast_in_dim3A_250 : i32 to vector<16xi32>
        %gather3A_252 = tpu.vector_load_idx %arg13[%add3A_52, %broadcast_in_dim3A_251] : memref<64x256xf32, #tpu.memory_space<vmem>>[vector<16xi32>, vector<16xi32>], vector<16xf32>,
        %broadcast_in_dim3A_253 = arith.constant 23 : i32
        %broadcast_in_dim3A_254 = vector.broadcast %broadcast_in_dim3A_253 : i32 to vector<16xi32>
        %gather3A_255 = tpu.vector_load_idx %arg13[%add3A_52, %broadcast_in_dim3A_254] : memref<64x256xf32, #tpu.memory_space<vmem>>[vector<16xi32>, vector<16xi32>], vector<16xf32>,
        %broadcast_in_dim3A_256 = arith.constant 24 : i32
        %broadcast_in_dim3A_257 = vector.broadcast %broadcast_in_dim3A_256 : i32 to vector<16xi32>
        %gather3A_258 = tpu.vector_load_idx %arg13[%add3A_52, %broadcast_in_dim3A_257] : memref<64x256xf32, #tpu.memory_space<vmem>>[vector<16xi32>, vector<16xi32>], vector<16xf32>,
        %broadcast_in_dim3A_259 = arith.constant 25 : i32
        %broadcast_in_dim3A_260 = vector.broadcast %broadcast_in_dim3A_259 : i32 to vector<16xi32>
        %gather3A_261 = tpu.vector_load_idx %arg13[%add3A_52, %broadcast_in_dim3A_260] : memref<64x256xf32, #tpu.memory_space<vmem>>[vector<16xi32>, vector<16xi32>], vector<16xf32>,
        %broadcast_in_dim3A_262 = arith.constant 26 : i32
        %broadcast_in_dim3A_263 = vector.broadcast %broadcast_in_dim3A_262 : i32 to vector<16xi32>
        %gather3A_264 = tpu.vector_load_idx %arg13[%add3A_52, %broadcast_in_dim3A_263] : memref<64x256xf32, #tpu.memory_space<vmem>>[vector<16xi32>, vector<16xi32>], vector<16xf32>,
        %broadcast_in_dim3A_265 = arith.constant 27 : i32
        %broadcast_in_dim3A_266 = vector.broadcast %broadcast_in_dim3A_265 : i32 to vector<16xi32>
        %gather3A_267 = tpu.vector_load_idx %arg13[%add3A_52, %broadcast_in_dim3A_266] : memref<64x256xf32, #tpu.memory_space<vmem>>[vector<16xi32>, vector<16xi32>], vector<16xf32>,
        %broadcast_in_dim3A_268 = arith.constant 28 : i32
        %broadcast_in_dim3A_269 = vector.broadcast %broadcast_in_dim3A_268 : i32 to vector<16xi32>
        %gather3A_270 = tpu.vector_load_idx %arg13[%add3A_52, %broadcast_in_dim3A_269] : memref<64x256xf32, #tpu.memory_space<vmem>>[vector<16xi32>, vector<16xi32>], vector<16xf32>,
        %broadcast_in_dim3A_271 = arith.constant 29 : i32
        %broadcast_in_dim3A_272 = vector.broadcast %broadcast_in_dim3A_271 : i32 to vector<16xi32>
        %gather3A_273 = tpu.vector_load_idx %arg13[%add3A_52, %broadcast_in_dim3A_272] : memref<64x256xf32, #tpu.memory_space<vmem>>[vector<16xi32>, vector<16xi32>], vector<16xf32>,
        %broadcast_in_dim3A_274 = arith.constant 30 : i32
        %broadcast_in_dim3A_275 = vector.broadcast %broadcast_in_dim3A_274 : i32 to vector<16xi32>
        %gather3A_276 = tpu.vector_load_idx %arg13[%add3A_52, %broadcast_in_dim3A_275] : memref<64x256xf32, #tpu.memory_space<vmem>>[vector<16xi32>, vector<16xi32>], vector<16xf32>,
        %broadcast_in_dim3A_277 = arith.constant 31 : i32
        %broadcast_in_dim3A_278 = vector.broadcast %broadcast_in_dim3A_277 : i32 to vector<16xi32>
        %gather3A_279 = tpu.vector_load_idx %arg13[%add3A_52, %broadcast_in_dim3A_278] : memref<64x256xf32, #tpu.memory_space<vmem>>[vector<16xi32>, vector<16xi32>], vector<16xf32>,
        %mul3A_280 = arith.mulf %gather3A_186, %gather3A_234 : vector<16xf32>
        %mul3A_281 = arith.mulf %gather3A_189, %gather3A_237 : vector<16xf32>
        %mul3A_282 = arith.mulf %gather3A_192, %gather3A_240 : vector<16xf32>
        %mul3A_283 = arith.mulf %gather3A_195, %gather3A_243 : vector<16xf32>
        %mul3A_284 = arith.mulf %gather3A_198, %gather3A_246 : vector<16xf32>
        %mul3A_285 = arith.mulf %gather3A_201, %gather3A_249 : vector<16xf32>
        %mul3A_286 = arith.mulf %gather3A_204, %gather3A_252 : vector<16xf32>
        %mul3A_287 = arith.mulf %gather3A_207, %gather3A_255 : vector<16xf32>
        %mul3A_288 = arith.mulf %gather3A_210, %gather3A_258 : vector<16xf32>
        %mul3A_289 = arith.mulf %gather3A_213, %gather3A_261 : vector<16xf32>
        %mul3A_290 = arith.mulf %gather3A_216, %gather3A_264 : vector<16xf32>
        %mul3A_291 = arith.mulf %gather3A_219, %gather3A_267 : vector<16xf32>
        %mul3A_292 = arith.mulf %gather3A_222, %gather3A_270 : vector<16xf32>
        %mul3A_293 = arith.mulf %gather3A_225, %gather3A_273 : vector<16xf32>
        %mul3A_294 = arith.mulf %gather3A_228, %gather3A_276 : vector<16xf32>
        %mul3A_295 = arith.mulf %gather3A_231, %gather3A_279 : vector<16xf32>
        %add3A_296 = arith.addf %mul3A_280, %mul3A_281 : vector<16xf32>
        %add3A_297 = arith.addf %mul3A_282, %mul3A_283 : vector<16xf32>
        %add3A_298 = arith.addf %mul3A_284, %mul3A_285 : vector<16xf32>
        %add3A_299 = arith.addf %mul3A_286, %mul3A_287 : vector<16xf32>
        %add3A_300 = arith.addf %mul3A_288, %mul3A_289 : vector<16xf32>
        %add3A_301 = arith.addf %mul3A_290, %mul3A_291 : vector<16xf32>
        %add3A_302 = arith.addf %mul3A_292, %mul3A_293 : vector<16xf32>
        %add3A_303 = arith.addf %mul3A_294, %mul3A_295 : vector<16xf32>
        %add3A_304 = arith.addf %add3A_296, %add3A_297 : vector<16xf32>
        %add3A_305 = arith.addf %add3A_298, %add3A_299 : vector<16xf32>
        %add3A_306 = arith.addf %add3A_300, %add3A_301 : vector<16xf32>
        %add3A_307 = arith.addf %add3A_302, %add3A_303 : vector<16xf32>
        %add3A_308 = arith.addf %add3A_304, %add3A_305 : vector<16xf32>
        %add3A_309 = arith.addf %add3A_306, %add3A_307 : vector<16xf32>
        %add3A_310 = arith.addf %add3A_308, %add3A_309 : vector<16xf32>
        %mul3A_311 = arith.constant 2.500000e-01 : f32
        %mul3A_312 = vector.broadcast %mul3A_311 : f32 to vector<16xf32>
        %mul3A_313 = arith.mulf %add3A_310, %mul3A_312 : vector<16xf32>
        %exp3A_314 = math.exp %mul3A_313 : vector<16xf32>
        %broadcast_in_dim3A_315 = arith.constant 1 : i32
        %broadcast_in_dim3A_316 = vector.broadcast %broadcast_in_dim3A_315 : i32 to vector<16xi32>
        tpu.vector_store_idx %arg15[%add3A_52, %broadcast_in_dim3A_316], %exp3A_314 : memref<64x16xf32, #tpu.memory_space<vmem>>[vector<16xi32>, vector<16xi32>], vector<16xf32>,
        %broadcast_in_dim3A_317 = arith.constant 32 : i32
        %broadcast_in_dim3A_318 = vector.broadcast %broadcast_in_dim3A_317 : i32 to vector<16xi32>
        %gather3A_319 = tpu.vector_load_idx %arg12[%add3A_52, %broadcast_in_dim3A_318] : memref<64x128xf32, #tpu.memory_space<vmem>>[vector<16xi32>, vector<16xi32>], vector<16xf32>,
        %broadcast_in_dim3A_320 = arith.constant 33 : i32
        %broadcast_in_dim3A_321 = vector.broadcast %broadcast_in_dim3A_320 : i32 to vector<16xi32>
        %gather3A_322 = tpu.vector_load_idx %arg12[%add3A_52, %broadcast_in_dim3A_321] : memref<64x128xf32, #tpu.memory_space<vmem>>[vector<16xi32>, vector<16xi32>], vector<16xf32>,
        %broadcast_in_dim3A_323 = arith.constant 34 : i32
        %broadcast_in_dim3A_324 = vector.broadcast %broadcast_in_dim3A_323 : i32 to vector<16xi32>
        %gather3A_325 = tpu.vector_load_idx %arg12[%add3A_52, %broadcast_in_dim3A_324] : memref<64x128xf32, #tpu.memory_space<vmem>>[vector<16xi32>, vector<16xi32>], vector<16xf32>,
        %broadcast_in_dim3A_326 = arith.constant 35 : i32
        %broadcast_in_dim3A_327 = vector.broadcast %broadcast_in_dim3A_326 : i32 to vector<16xi32>
        %gather3A_328 = tpu.vector_load_idx %arg12[%add3A_52, %broadcast_in_dim3A_327] : memref<64x128xf32, #tpu.memory_space<vmem>>[vector<16xi32>, vector<16xi32>], vector<16xf32>,
        %broadcast_in_dim3A_329 = arith.constant 36 : i32
        %broadcast_in_dim3A_330 = vector.broadcast %broadcast_in_dim3A_329 : i32 to vector<16xi32>
        %gather3A_331 = tpu.vector_load_idx %arg12[%add3A_52, %broadcast_in_dim3A_330] : memref<64x128xf32, #tpu.memory_space<vmem>>[vector<16xi32>, vector<16xi32>], vector<16xf32>,
        %broadcast_in_dim3A_332 = arith.constant 37 : i32
        %broadcast_in_dim3A_333 = vector.broadcast %broadcast_in_dim3A_332 : i32 to vector<16xi32>
        %gather3A_334 = tpu.vector_load_idx %arg12[%add3A_52, %broadcast_in_dim3A_333] : memref<64x128xf32, #tpu.memory_space<vmem>>[vector<16xi32>, vector<16xi32>], vector<16xf32>,
        %broadcast_in_dim3A_335 = arith.constant 38 : i32
        %broadcast_in_dim3A_336 = vector.broadcast %broadcast_in_dim3A_335 : i32 to vector<16xi32>
        %gather3A_337 = tpu.vector_load_idx %arg12[%add3A_52, %broadcast_in_dim3A_336] : memref<64x128xf32, #tpu.memory_space<vmem>>[vector<16xi32>, vector<16xi32>], vector<16xf32>,
        %broadcast_in_dim3A_338 = arith.constant 39 : i32
        %broadcast_in_dim3A_339 = vector.broadcast %broadcast_in_dim3A_338 : i32 to vector<16xi32>
        %gather3A_340 = tpu.vector_load_idx %arg12[%add3A_52, %broadcast_in_dim3A_339] : memref<64x128xf32, #tpu.memory_space<vmem>>[vector<16xi32>, vector<16xi32>], vector<16xf32>,
        %broadcast_in_dim3A_341 = arith.constant 40 : i32
        %broadcast_in_dim3A_342 = vector.broadcast %broadcast_in_dim3A_341 : i32 to vector<16xi32>
        %gather3A_343 = tpu.vector_load_idx %arg12[%add3A_52, %broadcast_in_dim3A_342] : memref<64x128xf32, #tpu.memory_space<vmem>>[vector<16xi32>, vector<16xi32>], vector<16xf32>,
        %broadcast_in_dim3A_344 = arith.constant 41 : i32
        %broadcast_in_dim3A_345 = vector.broadcast %broadcast_in_dim3A_344 : i32 to vector<16xi32>
        %gather3A_346 = tpu.vector_load_idx %arg12[%add3A_52, %broadcast_in_dim3A_345] : memref<64x128xf32, #tpu.memory_space<vmem>>[vector<16xi32>, vector<16xi32>], vector<16xf32>,
        %broadcast_in_dim3A_347 = arith.constant 42 : i32
        %broadcast_in_dim3A_348 = vector.broadcast %broadcast_in_dim3A_347 : i32 to vector<16xi32>
        %gather3A_349 = tpu.vector_load_idx %arg12[%add3A_52, %broadcast_in_dim3A_348] : memref<64x128xf32, #tpu.memory_space<vmem>>[vector<16xi32>, vector<16xi32>], vector<16xf32>,
        %broadcast_in_dim3A_350 = arith.constant 43 : i32
        %broadcast_in_dim3A_351 = vector.broadcast %broadcast_in_dim3A_350 : i32 to vector<16xi32>
        %gather3A_352 = tpu.vector_load_idx %arg12[%add3A_52, %broadcast_in_dim3A_351] : memref<64x128xf32, #tpu.memory_space<vmem>>[vector<16xi32>, vector<16xi32>], vector<16xf32>,
        %broadcast_in_dim3A_353 = arith.constant 44 : i32
        %broadcast_in_dim3A_354 = vector.broadcast %broadcast_in_dim3A_353 : i32 to vector<16xi32>
        %gather3A_355 = tpu.vector_load_idx %arg12[%add3A_52, %broadcast_in_dim3A_354] : memref<64x128xf32, #tpu.memory_space<vmem>>[vector<16xi32>, vector<16xi32>], vector<16xf32>,
        %broadcast_in_dim3A_356 = arith.constant 45 : i32
        %broadcast_in_dim3A_357 = vector.broadcast %broadcast_in_dim3A_356 : i32 to vector<16xi32>
        %gather3A_358 = tpu.vector_load_idx %arg12[%add3A_52, %broadcast_in_dim3A_357] : memref<64x128xf32, #tpu.memory_space<vmem>>[vector<16xi32>, vector<16xi32>], vector<16xf32>,
        %broadcast_in_dim3A_359 = arith.constant 46 : i32
        %broadcast_in_dim3A_360 = vector.broadcast %broadcast_in_dim3A_359 : i32 to vector<16xi32>
        %gather3A_361 = tpu.vector_load_idx %arg12[%add3A_52, %broadcast_in_dim3A_360] : memref<64x128xf32, #tpu.memory_space<vmem>>[vector<16xi32>, vector<16xi32>], vector<16xf32>,
        %broadcast_in_dim3A_362 = arith.constant 47 : i32
        %broadcast_in_dim3A_363 = vector.broadcast %broadcast_in_dim3A_362 : i32 to vector<16xi32>
        %gather3A_364 = tpu.vector_load_idx %arg12[%add3A_52, %broadcast_in_dim3A_363] : memref<64x128xf32, #tpu.memory_space<vmem>>[vector<16xi32>, vector<16xi32>], vector<16xf32>,
        %broadcast_in_dim3A_365 = arith.constant 32 : i32
        %broadcast_in_dim3A_366 = vector.broadcast %broadcast_in_dim3A_365 : i32 to vector<16xi32>
        %gather3A_367 = tpu.vector_load_idx %arg13[%add3A_52, %broadcast_in_dim3A_366] : memref<64x256xf32, #tpu.memory_space<vmem>>[vector<16xi32>, vector<16xi32>], vector<16xf32>,
        %broadcast_in_dim3A_368 = arith.constant 33 : i32
        %broadcast_in_dim3A_369 = vector.broadcast %broadcast_in_dim3A_368 : i32 to vector<16xi32>
        %gather3A_370 = tpu.vector_load_idx %arg13[%add3A_52, %broadcast_in_dim3A_369] : memref<64x256xf32, #tpu.memory_space<vmem>>[vector<16xi32>, vector<16xi32>], vector<16xf32>,
        %broadcast_in_dim3A_371 = arith.constant 34 : i32
        %broadcast_in_dim3A_372 = vector.broadcast %broadcast_in_dim3A_371 : i32 to vector<16xi32>
        %gather3A_373 = tpu.vector_load_idx %arg13[%add3A_52, %broadcast_in_dim3A_372] : memref<64x256xf32, #tpu.memory_space<vmem>>[vector<16xi32>, vector<16xi32>], vector<16xf32>,
        %broadcast_in_dim3A_374 = arith.constant 35 : i32
        %broadcast_in_dim3A_375 = vector.broadcast %broadcast_in_dim3A_374 : i32 to vector<16xi32>
        %gather3A_376 = tpu.vector_load_idx %arg13[%add3A_52, %broadcast_in_dim3A_375] : memref<64x256xf32, #tpu.memory_space<vmem>>[vector<16xi32>, vector<16xi32>], vector<16xf32>,
        %broadcast_in_dim3A_377 = arith.constant 36 : i32
        %broadcast_in_dim3A_378 = vector.broadcast %broadcast_in_dim3A_377 : i32 to vector<16xi32>
        %gather3A_379 = tpu.vector_load_idx %arg13[%add3A_52, %broadcast_in_dim3A_378] : memref<64x256xf32, #tpu.memory_space<vmem>>[vector<16xi32>, vector<16xi32>], vector<16xf32>,
        %broadcast_in_dim3A_380 = arith.constant 37 : i32
        %broadcast_in_dim3A_381 = vector.broadcast %broadcast_in_dim3A_380 : i32 to vector<16xi32>
        %gather3A_382 = tpu.vector_load_idx %arg13[%add3A_52, %broadcast_in_dim3A_381] : memref<64x256xf32, #tpu.memory_space<vmem>>[vector<16xi32>, vector<16xi32>], vector<16xf32>,
        %broadcast_in_dim3A_383 = arith.constant 38 : i32
        %broadcast_in_dim3A_384 = vector.broadcast %broadcast_in_dim3A_383 : i32 to vector<16xi32>
        %gather3A_385 = tpu.vector_load_idx %arg13[%add3A_52, %broadcast_in_dim3A_384] : memref<64x256xf32, #tpu.memory_space<vmem>>[vector<16xi32>, vector<16xi32>], vector<16xf32>,
        %broadcast_in_dim3A_386 = arith.constant 39 : i32
        %broadcast_in_dim3A_387 = vector.broadcast %broadcast_in_dim3A_386 : i32 to vector<16xi32>
        %gather3A_388 = tpu.vector_load_idx %arg13[%add3A_52, %broadcast_in_dim3A_387] : memref<64x256xf32, #tpu.memory_space<vmem>>[vector<16xi32>, vector<16xi32>], vector<16xf32>,
        %broadcast_in_dim3A_389 = arith.constant 40 : i32
        %broadcast_in_dim3A_390 = vector.broadcast %broadcast_in_dim3A_389 : i32 to vector<16xi32>
        %gather3A_391 = tpu.vector_load_idx %arg13[%add3A_52, %broadcast_in_dim3A_390] : memref<64x256xf32, #tpu.memory_space<vmem>>[vector<16xi32>, vector<16xi32>], vector<16xf32>,
        %broadcast_in_dim3A_392 = arith.constant 41 : i32
        %broadcast_in_dim3A_393 = vector.broadcast %broadcast_in_dim3A_392 : i32 to vector<16xi32>
        %gather3A_394 = tpu.vector_load_idx %arg13[%add3A_52, %broadcast_in_dim3A_393] : memref<64x256xf32, #tpu.memory_space<vmem>>[vector<16xi32>, vector<16xi32>], vector<16xf32>,
        %broadcast_in_dim3A_395 = arith.constant 42 : i32
        %broadcast_in_dim3A_396 = vector.broadcast %broadcast_in_dim3A_395 : i32 to vector<16xi32>
        %gather3A_397 = tpu.vector_load_idx %arg13[%add3A_52, %broadcast_in_dim3A_396] : memref<64x256xf32, #tpu.memory_space<vmem>>[vector<16xi32>, vector<16xi32>], vector<16xf32>,
        %broadcast_in_dim3A_398 = arith.constant 43 : i32
        %broadcast_in_dim3A_399 = vector.broadcast %broadcast_in_dim3A_398 : i32 to vector<16xi32>
        %gather3A_400 = tpu.vector_load_idx %arg13[%add3A_52, %broadcast_in_dim3A_399] : memref<64x256xf32, #tpu.memory_space<vmem>>[vector<16xi32>, vector<16xi32>], vector<16xf32>,
        %broadcast_in_dim3A_401 = arith.constant 44 : i32
        %broadcast_in_dim3A_402 = vector.broadcast %broadcast_in_dim3A_401 : i32 to vector<16xi32>
        %gather3A_403 = tpu.vector_load_idx %arg13[%add3A_52, %broadcast_in_dim3A_402] : memref<64x256xf32, #tpu.memory_space<vmem>>[vector<16xi32>, vector<16xi32>], vector<16xf32>,
        %broadcast_in_dim3A_404 = arith.constant 45 : i32
        %broadcast_in_dim3A_405 = vector.broadcast %broadcast_in_dim3A_404 : i32 to vector<16xi32>
        %gather3A_406 = tpu.vector_load_idx %arg13[%add3A_52, %broadcast_in_dim3A_405] : memref<64x256xf32, #tpu.memory_space<vmem>>[vector<16xi32>, vector<16xi32>], vector<16xf32>,
        %broadcast_in_dim3A_407 = arith.constant 46 : i32
        %broadcast_in_dim3A_408 = vector.broadcast %broadcast_in_dim3A_407 : i32 to vector<16xi32>
        %gather3A_409 = tpu.vector_load_idx %arg13[%add3A_52, %broadcast_in_dim3A_408] : memref<64x256xf32, #tpu.memory_space<vmem>>[vector<16xi32>, vector<16xi32>], vector<16xf32>,
        %broadcast_in_dim3A_410 = arith.constant 47 : i32
        %broadcast_in_dim3A_411 = vector.broadcast %broadcast_in_dim3A_410 : i32 to vector<16xi32>
        %gather3A_412 = tpu.vector_load_idx %arg13[%add3A_52, %broadcast_in_dim3A_411] : memref<64x256xf32, #tpu.memory_space<vmem>>[vector<16xi32>, vector<16xi32>], vector<16xf32>,
        %mul3A_413 = arith.mulf %gather3A_319, %gather3A_367 : vector<16xf32>
        %mul3A_414 = arith.mulf %gather3A_322, %gather3A_370 : vector<16xf32>
        %mul3A_415 = arith.mulf %gather3A_325, %gather3A_373 : vector<16xf32>
        %mul3A_416 = arith.mulf %gather3A_328, %gather3A_376 : vector<16xf32>
        %mul3A_417 = arith.mulf %gather3A_331, %gather3A_379 : vector<16xf32>
        %mul3A_418 = arith.mulf %gather3A_334, %gather3A_382 : vector<16xf32>
        %mul3A_419 = arith.mulf %gather3A_337, %gather3A_385 : vector<16xf32>
        %mul3A_420 = arith.mulf %gather3A_340, %gather3A_388 : vector<16xf32>
        %mul3A_421 = arith.mulf %gather3A_343, %gather3A_391 : vector<16xf32>
        %mul3A_422 = arith.mulf %gather3A_346, %gather3A_394 : vector<16xf32>
        %mul3A_423 = arith.mulf %gather3A_349, %gather3A_397 : vector<16xf32>
        %mul3A_424 = arith.mulf %gather3A_352, %gather3A_400 : vector<16xf32>
        %mul3A_425 = arith.mulf %gather3A_355, %gather3A_403 : vector<16xf32>
        %mul3A_426 = arith.mulf %gather3A_358, %gather3A_406 : vector<16xf32>
        %mul3A_427 = arith.mulf %gather3A_361, %gather3A_409 : vector<16xf32>
        %mul3A_428 = arith.mulf %gather3A_364, %gather3A_412 : vector<16xf32>
        %add3A_429 = arith.addf %mul3A_413, %mul3A_414 : vector<16xf32>
        %add3A_430 = arith.addf %mul3A_415, %mul3A_416 : vector<16xf32>
        %add3A_431 = arith.addf %mul3A_417, %mul3A_418 : vector<16xf32>
        %add3A_432 = arith.addf %mul3A_419, %mul3A_420 : vector<16xf32>
        %add3A_433 = arith.addf %mul3A_421, %mul3A_422 : vector<16xf32>
        %add3A_434 = arith.addf %mul3A_423, %mul3A_424 : vector<16xf32>
        %add3A_435 = arith.addf %mul3A_425, %mul3A_426 : vector<16xf32>
        %add3A_436 = arith.addf %mul3A_427, %mul3A_428 : vector<16xf32>
        %add3A_437 = arith.addf %add3A_429, %add3A_430 : vector<16xf32>
        %add3A_438 = arith.addf %add3A_431, %add3A_432 : vector<16xf32>
        %add3A_439 = arith.addf %add3A_433, %add3A_434 : vector<16xf32>
        %add3A_440 = arith.addf %add3A_435, %add3A_436 : vector<16xf32>
        %add3A_441 = arith.addf %add3A_437, %add3A_438 : vector<16xf32>
        %add3A_442 = arith.addf %add3A_439, %add3A_440 : vector<16xf32>
        %add3A_443 = arith.addf %add3A_441, %add3A_442 : vector<16xf32>
        %mul3A_444 = arith.constant 2.500000e-01 : f32
        %mul3A_445 = vector.broadcast %mul3A_444 : f32 to vector<16xf32>
        %mul3A_446 = arith.mulf %add3A_443, %mul3A_445 : vector<16xf32>
        %exp3A_447 = math.exp %mul3A_446 : vector<16xf32>
        %broadcast_in_dim3A_448 = arith.constant 2 : i32
        %broadcast_in_dim3A_449 = vector.broadcast %broadcast_in_dim3A_448 : i32 to vector<16xi32>
        tpu.vector_store_idx %arg15[%add3A_52, %broadcast_in_dim3A_449], %exp3A_447 : memref<64x16xf32, #tpu.memory_space<vmem>>[vector<16xi32>, vector<16xi32>], vector<16xf32>,
        %broadcast_in_dim3A_450 = arith.constant 48 : i32
        %broadcast_in_dim3A_451 = vector.broadcast %broadcast_in_dim3A_450 : i32 to vector<16xi32>
        %gather3A_452 = tpu.vector_load_idx %arg12[%add3A_52, %broadcast_in_dim3A_451] : memref<64x128xf32, #tpu.memory_space<vmem>>[vector<16xi32>, vector<16xi32>], vector<16xf32>,
        %broadcast_in_dim3A_453 = arith.constant 49 : i32
        %broadcast_in_dim3A_454 = vector.broadcast %broadcast_in_dim3A_453 : i32 to vector<16xi32>
        %gather3A_455 = tpu.vector_load_idx %arg12[%add3A_52, %broadcast_in_dim3A_454] : memref<64x128xf32, #tpu.memory_space<vmem>>[vector<16xi32>, vector<16xi32>], vector<16xf32>,
        %broadcast_in_dim3A_456 = arith.constant 50 : i32
        %broadcast_in_dim3A_457 = vector.broadcast %broadcast_in_dim3A_456 : i32 to vector<16xi32>
        %gather3A_458 = tpu.vector_load_idx %arg12[%add3A_52, %broadcast_in_dim3A_457] : memref<64x128xf32, #tpu.memory_space<vmem>>[vector<16xi32>, vector<16xi32>], vector<16xf32>,
        %broadcast_in_dim3A_459 = arith.constant 51 : i32
        %broadcast_in_dim3A_460 = vector.broadcast %broadcast_in_dim3A_459 : i32 to vector<16xi32>
        %gather3A_461 = tpu.vector_load_idx %arg12[%add3A_52, %broadcast_in_dim3A_460] : memref<64x128xf32, #tpu.memory_space<vmem>>[vector<16xi32>, vector<16xi32>], vector<16xf32>,
        %broadcast_in_dim3A_462 = arith.constant 52 : i32
        %broadcast_in_dim3A_463 = vector.broadcast %broadcast_in_dim3A_462 : i32 to vector<16xi32>
        %gather3A_464 = tpu.vector_load_idx %arg12[%add3A_52, %broadcast_in_dim3A_463] : memref<64x128xf32, #tpu.memory_space<vmem>>[vector<16xi32>, vector<16xi32>], vector<16xf32>,
        %broadcast_in_dim3A_465 = arith.constant 53 : i32
        %broadcast_in_dim3A_466 = vector.broadcast %broadcast_in_dim3A_465 : i32 to vector<16xi32>
        %gather3A_467 = tpu.vector_load_idx %arg12[%add3A_52, %broadcast_in_dim3A_466] : memref<64x128xf32, #tpu.memory_space<vmem>>[vector<16xi32>, vector<16xi32>], vector<16xf32>,
        %broadcast_in_dim3A_468 = arith.constant 54 : i32
        %broadcast_in_dim3A_469 = vector.broadcast %broadcast_in_dim3A_468 : i32 to vector<16xi32>
        %gather3A_470 = tpu.vector_load_idx %arg12[%add3A_52, %broadcast_in_dim3A_469] : memref<64x128xf32, #tpu.memory_space<vmem>>[vector<16xi32>, vector<16xi32>], vector<16xf32>,
        %broadcast_in_dim3A_471 = arith.constant 55 : i32
        %broadcast_in_dim3A_472 = vector.broadcast %broadcast_in_dim3A_471 : i32 to vector<16xi32>
        %gather3A_473 = tpu.vector_load_idx %arg12[%add3A_52, %broadcast_in_dim3A_472] : memref<64x128xf32, #tpu.memory_space<vmem>>[vector<16xi32>, vector<16xi32>], vector<16xf32>,
        %broadcast_in_dim3A_474 = arith.constant 56 : i32
        %broadcast_in_dim3A_475 = vector.broadcast %broadcast_in_dim3A_474 : i32 to vector<16xi32>
        %gather3A_476 = tpu.vector_load_idx %arg12[%add3A_52, %broadcast_in_dim3A_475] : memref<64x128xf32, #tpu.memory_space<vmem>>[vector<16xi32>, vector<16xi32>], vector<16xf32>,
        %broadcast_in_dim3A_477 = arith.constant 57 : i32
        %broadcast_in_dim3A_478 = vector.broadcast %broadcast_in_dim3A_477 : i32 to vector<16xi32>
        %gather3A_479 = tpu.vector_load_idx %arg12[%add3A_52, %broadcast_in_dim3A_478] : memref<64x128xf32, #tpu.memory_space<vmem>>[vector<16xi32>, vector<16xi32>], vector<16xf32>,
        %broadcast_in_dim3A_480 = arith.constant 58 : i32
        %broadcast_in_dim3A_481 = vector.broadcast %broadcast_in_dim3A_480 : i32 to vector<16xi32>
        %gather3A_482 = tpu.vector_load_idx %arg12[%add3A_52, %broadcast_in_dim3A_481] : memref<64x128xf32, #tpu.memory_space<vmem>>[vector<16xi32>, vector<16xi32>], vector<16xf32>,
        %broadcast_in_dim3A_483 = arith.constant 59 : i32
        %broadcast_in_dim3A_484 = vector.broadcast %broadcast_in_dim3A_483 : i32 to vector<16xi32>
        %gather3A_485 = tpu.vector_load_idx %arg12[%add3A_52, %broadcast_in_dim3A_484] : memref<64x128xf32, #tpu.memory_space<vmem>>[vector<16xi32>, vector<16xi32>], vector<16xf32>,
        %broadcast_in_dim3A_486 = arith.constant 60 : i32
        %broadcast_in_dim3A_487 = vector.broadcast %broadcast_in_dim3A_486 : i32 to vector<16xi32>
        %gather3A_488 = tpu.vector_load_idx %arg12[%add3A_52, %broadcast_in_dim3A_487] : memref<64x128xf32, #tpu.memory_space<vmem>>[vector<16xi32>, vector<16xi32>], vector<16xf32>,
        %broadcast_in_dim3A_489 = arith.constant 61 : i32
        %broadcast_in_dim3A_490 = vector.broadcast %broadcast_in_dim3A_489 : i32 to vector<16xi32>
        %gather3A_491 = tpu.vector_load_idx %arg12[%add3A_52, %broadcast_in_dim3A_490] : memref<64x128xf32, #tpu.memory_space<vmem>>[vector<16xi32>, vector<16xi32>], vector<16xf32>,
        %broadcast_in_dim3A_492 = arith.constant 62 : i32
        %broadcast_in_dim3A_493 = vector.broadcast %broadcast_in_dim3A_492 : i32 to vector<16xi32>
        %gather3A_494 = tpu.vector_load_idx %arg12[%add3A_52, %broadcast_in_dim3A_493] : memref<64x128xf32, #tpu.memory_space<vmem>>[vector<16xi32>, vector<16xi32>], vector<16xf32>,
        %broadcast_in_dim3A_495 = arith.constant 63 : i32
        %broadcast_in_dim3A_496 = vector.broadcast %broadcast_in_dim3A_495 : i32 to vector<16xi32>
        %gather3A_497 = tpu.vector_load_idx %arg12[%add3A_52, %broadcast_in_dim3A_496] : memref<64x128xf32, #tpu.memory_space<vmem>>[vector<16xi32>, vector<16xi32>], vector<16xf32>,
        %broadcast_in_dim3A_498 = arith.constant 48 : i32
        %broadcast_in_dim3A_499 = vector.broadcast %broadcast_in_dim3A_498 : i32 to vector<16xi32>
        %gather3A_500 = tpu.vector_load_idx %arg13[%add3A_52, %broadcast_in_dim3A_499] : memref<64x256xf32, #tpu.memory_space<vmem>>[vector<16xi32>, vector<16xi32>], vector<16xf32>,
        %broadcast_in_dim3A_501 = arith.constant 49 : i32
        %broadcast_in_dim3A_502 = vector.broadcast %broadcast_in_dim3A_501 : i32 to vector<16xi32>
        %gather3A_503 = tpu.vector_load_idx %arg13[%add3A_52, %broadcast_in_dim3A_502] : memref<64x256xf32, #tpu.memory_space<vmem>>[vector<16xi32>, vector<16xi32>], vector<16xf32>,
        %broadcast_in_dim3A_504 = arith.constant 50 : i32
        %broadcast_in_dim3A_505 = vector.broadcast %broadcast_in_dim3A_504 : i32 to vector<16xi32>
        %gather3A_506 = tpu.vector_load_idx %arg13[%add3A_52, %broadcast_in_dim3A_505] : memref<64x256xf32, #tpu.memory_space<vmem>>[vector<16xi32>, vector<16xi32>], vector<16xf32>,
        %broadcast_in_dim3A_507 = arith.constant 51 : i32
        %broadcast_in_dim3A_508 = vector.broadcast %broadcast_in_dim3A_507 : i32 to vector<16xi32>
        %gather3A_509 = tpu.vector_load_idx %arg13[%add3A_52, %broadcast_in_dim3A_508] : memref<64x256xf32, #tpu.memory_space<vmem>>[vector<16xi32>, vector<16xi32>], vector<16xf32>,
        %broadcast_in_dim3A_510 = arith.constant 52 : i32
        %broadcast_in_dim3A_511 = vector.broadcast %broadcast_in_dim3A_510 : i32 to vector<16xi32>
        %gather3A_512 = tpu.vector_load_idx %arg13[%add3A_52, %broadcast_in_dim3A_511] : memref<64x256xf32, #tpu.memory_space<vmem>>[vector<16xi32>, vector<16xi32>], vector<16xf32>,
        %broadcast_in_dim3A_513 = arith.constant 53 : i32
        %broadcast_in_dim3A_514 = vector.broadcast %broadcast_in_dim3A_513 : i32 to vector<16xi32>
        %gather3A_515 = tpu.vector_load_idx %arg13[%add3A_52, %broadcast_in_dim3A_514] : memref<64x256xf32, #tpu.memory_space<vmem>>[vector<16xi32>, vector<16xi32>], vector<16xf32>,
        %broadcast_in_dim3A_516 = arith.constant 54 : i32
        %broadcast_in_dim3A_517 = vector.broadcast %broadcast_in_dim3A_516 : i32 to vector<16xi32>
        %gather3A_518 = tpu.vector_load_idx %arg13[%add3A_52, %broadcast_in_dim3A_517] : memref<64x256xf32, #tpu.memory_space<vmem>>[vector<16xi32>, vector<16xi32>], vector<16xf32>,
        %broadcast_in_dim3A_519 = arith.constant 55 : i32
        %broadcast_in_dim3A_520 = vector.broadcast %broadcast_in_dim3A_519 : i32 to vector<16xi32>
        %gather3A_521 = tpu.vector_load_idx %arg13[%add3A_52, %broadcast_in_dim3A_520] : memref<64x256xf32, #tpu.memory_space<vmem>>[vector<16xi32>, vector<16xi32>], vector<16xf32>,
        %broadcast_in_dim3A_522 = arith.constant 56 : i32
        %broadcast_in_dim3A_523 = vector.broadcast %broadcast_in_dim3A_522 : i32 to vector<16xi32>
        %gather3A_524 = tpu.vector_load_idx %arg13[%add3A_52, %broadcast_in_dim3A_523] : memref<64x256xf32, #tpu.memory_space<vmem>>[vector<16xi32>, vector<16xi32>], vector<16xf32>,
        %broadcast_in_dim3A_525 = arith.constant 57 : i32
        %broadcast_in_dim3A_526 = vector.broadcast %broadcast_in_dim3A_525 : i32 to vector<16xi32>
        %gather3A_527 = tpu.vector_load_idx %arg13[%add3A_52, %broadcast_in_dim3A_526] : memref<64x256xf32, #tpu.memory_space<vmem>>[vector<16xi32>, vector<16xi32>], vector<16xf32>,
        %broadcast_in_dim3A_528 = arith.constant 58 : i32
        %broadcast_in_dim3A_529 = vector.broadcast %broadcast_in_dim3A_528 : i32 to vector<16xi32>
        %gather3A_530 = tpu.vector_load_idx %arg13[%add3A_52, %broadcast_in_dim3A_529] : memref<64x256xf32, #tpu.memory_space<vmem>>[vector<16xi32>, vector<16xi32>], vector<16xf32>,
        %broadcast_in_dim3A_531 = arith.constant 59 : i32
        %broadcast_in_dim3A_532 = vector.broadcast %broadcast_in_dim3A_531 : i32 to vector<16xi32>
        %gather3A_533 = tpu.vector_load_idx %arg13[%add3A_52, %broadcast_in_dim3A_532] : memref<64x256xf32, #tpu.memory_space<vmem>>[vector<16xi32>, vector<16xi32>], vector<16xf32>,
        %broadcast_in_dim3A_534 = arith.constant 60 : i32
        %broadcast_in_dim3A_535 = vector.broadcast %broadcast_in_dim3A_534 : i32 to vector<16xi32>
        %gather3A_536 = tpu.vector_load_idx %arg13[%add3A_52, %broadcast_in_dim3A_535] : memref<64x256xf32, #tpu.memory_space<vmem>>[vector<16xi32>, vector<16xi32>], vector<16xf32>,
        %broadcast_in_dim3A_537 = arith.constant 61 : i32
        %broadcast_in_dim3A_538 = vector.broadcast %broadcast_in_dim3A_537 : i32 to vector<16xi32>
        %gather3A_539 = tpu.vector_load_idx %arg13[%add3A_52, %broadcast_in_dim3A_538] : memref<64x256xf32, #tpu.memory_space<vmem>>[vector<16xi32>, vector<16xi32>], vector<16xf32>,
        %broadcast_in_dim3A_540 = arith.constant 62 : i32
        %broadcast_in_dim3A_541 = vector.broadcast %broadcast_in_dim3A_540 : i32 to vector<16xi32>
        %gather3A_542 = tpu.vector_load_idx %arg13[%add3A_52, %broadcast_in_dim3A_541] : memref<64x256xf32, #tpu.memory_space<vmem>>[vector<16xi32>, vector<16xi32>], vector<16xf32>,
        %broadcast_in_dim3A_543 = arith.constant 63 : i32
        %broadcast_in_dim3A_544 = vector.broadcast %broadcast_in_dim3A_543 : i32 to vector<16xi32>
        %gather3A_545 = tpu.vector_load_idx %arg13[%add3A_52, %broadcast_in_dim3A_544] : memref<64x256xf32, #tpu.memory_space<vmem>>[vector<16xi32>, vector<16xi32>], vector<16xf32>,
        %mul3A_546 = arith.mulf %gather3A_452, %gather3A_500 : vector<16xf32>
        %mul3A_547 = arith.mulf %gather3A_455, %gather3A_503 : vector<16xf32>
        %mul3A_548 = arith.mulf %gather3A_458, %gather3A_506 : vector<16xf32>
        %mul3A_549 = arith.mulf %gather3A_461, %gather3A_509 : vector<16xf32>
        %mul3A_550 = arith.mulf %gather3A_464, %gather3A_512 : vector<16xf32>
        %mul3A_551 = arith.mulf %gather3A_467, %gather3A_515 : vector<16xf32>
        %mul3A_552 = arith.mulf %gather3A_470, %gather3A_518 : vector<16xf32>
        %mul3A_553 = arith.mulf %gather3A_473, %gather3A_521 : vector<16xf32>
        %mul3A_554 = arith.mulf %gather3A_476, %gather3A_524 : vector<16xf32>
        %mul3A_555 = arith.mulf %gather3A_479, %gather3A_527 : vector<16xf32>
        %mul3A_556 = arith.mulf %gather3A_482, %gather3A_530 : vector<16xf32>
        %mul3A_557 = arith.mulf %gather3A_485, %gather3A_533 : vector<16xf32>
        %mul3A_558 = arith.mulf %gather3A_488, %gather3A_536 : vector<16xf32>
        %mul3A_559 = arith.mulf %gather3A_491, %gather3A_539 : vector<16xf32>
        %mul3A_560 = arith.mulf %gather3A_494, %gather3A_542 : vector<16xf32>
        %mul3A_561 = arith.mulf %gather3A_497, %gather3A_545 : vector<16xf32>
        %add3A_562 = arith.addf %mul3A_546, %mul3A_547 : vector<16xf32>
        %add3A_563 = arith.addf %mul3A_548, %mul3A_549 : vector<16xf32>
        %add3A_564 = arith.addf %mul3A_550, %mul3A_551 : vector<16xf32>
        %add3A_565 = arith.addf %mul3A_552, %mul3A_553 : vector<16xf32>
        %add3A_566 = arith.addf %mul3A_554, %mul3A_555 : vector<16xf32>
        %add3A_567 = arith.addf %mul3A_556, %mul3A_557 : vector<16xf32>
        %add3A_568 = arith.addf %mul3A_558, %mul3A_559 : vector<16xf32>
        %add3A_569 = arith.addf %mul3A_560, %mul3A_561 : vector<16xf32>
        %add3A_570 = arith.addf %add3A_562, %add3A_563 : vector<16xf32>
        %add3A_571 = arith.addf %add3A_564, %add3A_565 : vector<16xf32>
        %add3A_572 = arith.addf %add3A_566, %add3A_567 : vector<16xf32>
        %add3A_573 = arith.addf %add3A_568, %add3A_569 : vector<16xf32>
        %add3A_574 = arith.addf %add3A_570, %add3A_571 : vector<16xf32>
        %add3A_575 = arith.addf %add3A_572, %add3A_573 : vector<16xf32>
        %add3A_576 = arith.addf %add3A_574, %add3A_575 : vector<16xf32>
        %mul3A_577 = arith.constant 2.500000e-01 : f32
        %mul3A_578 = vector.broadcast %mul3A_577 : f32 to vector<16xf32>
        %mul3A_579 = arith.mulf %add3A_576, %mul3A_578 : vector<16xf32>
        %exp3A_580 = math.exp %mul3A_579 : vector<16xf32>
        %broadcast_in_dim3A_581 = arith.constant 3 : i32
        %broadcast_in_dim3A_582 = vector.broadcast %broadcast_in_dim3A_581 : i32 to vector<16xi32>
        tpu.vector_store_idx %arg15[%add3A_52, %broadcast_in_dim3A_582], %exp3A_580 : memref<64x16xf32, #tpu.memory_space<vmem>>[vector<16xi32>, vector<16xi32>], vector<16xf32>,
        %broadcast_in_dim3A_583 = arith.constant 64 : i32
        %broadcast_in_dim3A_584 = vector.broadcast %broadcast_in_dim3A_583 : i32 to vector<16xi32>
        %gather3A_585 = tpu.vector_load_idx %arg12[%add3A_52, %broadcast_in_dim3A_584] : memref<64x128xf32, #tpu.memory_space<vmem>>[vector<16xi32>, vector<16xi32>], vector<16xf32>,
        %broadcast_in_dim3A_586 = arith.constant 65 : i32
        %broadcast_in_dim3A_587 = vector.broadcast %broadcast_in_dim3A_586 : i32 to vector<16xi32>
        %gather3A_588 = tpu.vector_load_idx %arg12[%add3A_52, %broadcast_in_dim3A_587] : memref<64x128xf32, #tpu.memory_space<vmem>>[vector<16xi32>, vector<16xi32>], vector<16xf32>,
        %broadcast_in_dim3A_589 = arith.constant 66 : i32
        %broadcast_in_dim3A_590 = vector.broadcast %broadcast_in_dim3A_589 : i32 to vector<16xi32>
        %gather3A_591 = tpu.vector_load_idx %arg12[%add3A_52, %broadcast_in_dim3A_590] : memref<64x128xf32, #tpu.memory_space<vmem>>[vector<16xi32>, vector<16xi32>], vector<16xf32>,
        %broadcast_in_dim3A_592 = arith.constant 67 : i32
        %broadcast_in_dim3A_593 = vector.broadcast %broadcast_in_dim3A_592 : i32 to vector<16xi32>
        %gather3A_594 = tpu.vector_load_idx %arg12[%add3A_52, %broadcast_in_dim3A_593] : memref<64x128xf32, #tpu.memory_space<vmem>>[vector<16xi32>, vector<16xi32>], vector<16xf32>,
        %broadcast_in_dim3A_595 = arith.constant 68 : i32
        %broadcast_in_dim3A_596 = vector.broadcast %broadcast_in_dim3A_595 : i32 to vector<16xi32>
        %gather3A_597 = tpu.vector_load_idx %arg12[%add3A_52, %broadcast_in_dim3A_596] : memref<64x128xf32, #tpu.memory_space<vmem>>[vector<16xi32>, vector<16xi32>], vector<16xf32>,
        %broadcast_in_dim3A_598 = arith.constant 69 : i32
        %broadcast_in_dim3A_599 = vector.broadcast %broadcast_in_dim3A_598 : i32 to vector<16xi32>
        %gather3A_600 = tpu.vector_load_idx %arg12[%add3A_52, %broadcast_in_dim3A_599] : memref<64x128xf32, #tpu.memory_space<vmem>>[vector<16xi32>, vector<16xi32>], vector<16xf32>,
        %broadcast_in_dim3A_601 = arith.constant 70 : i32
        %broadcast_in_dim3A_602 = vector.broadcast %broadcast_in_dim3A_601 : i32 to vector<16xi32>
        %gather3A_603 = tpu.vector_load_idx %arg12[%add3A_52, %broadcast_in_dim3A_602] : memref<64x128xf32, #tpu.memory_space<vmem>>[vector<16xi32>, vector<16xi32>], vector<16xf32>,
        %broadcast_in_dim3A_604 = arith.constant 71 : i32
        %broadcast_in_dim3A_605 = vector.broadcast %broadcast_in_dim3A_604 : i32 to vector<16xi32>
        %gather3A_606 = tpu.vector_load_idx %arg12[%add3A_52, %broadcast_in_dim3A_605] : memref<64x128xf32, #tpu.memory_space<vmem>>[vector<16xi32>, vector<16xi32>], vector<16xf32>,
        %broadcast_in_dim3A_607 = arith.constant 72 : i32
        %broadcast_in_dim3A_608 = vector.broadcast %broadcast_in_dim3A_607 : i32 to vector<16xi32>
        %gather3A_609 = tpu.vector_load_idx %arg12[%add3A_52, %broadcast_in_dim3A_608] : memref<64x128xf32, #tpu.memory_space<vmem>>[vector<16xi32>, vector<16xi32>], vector<16xf32>,
        %broadcast_in_dim3A_610 = arith.constant 73 : i32
        %broadcast_in_dim3A_611 = vector.broadcast %broadcast_in_dim3A_610 : i32 to vector<16xi32>
        %gather3A_612 = tpu.vector_load_idx %arg12[%add3A_52, %broadcast_in_dim3A_611] : memref<64x128xf32, #tpu.memory_space<vmem>>[vector<16xi32>, vector<16xi32>], vector<16xf32>,
        %broadcast_in_dim3A_613 = arith.constant 74 : i32
        %broadcast_in_dim3A_614 = vector.broadcast %broadcast_in_dim3A_613 : i32 to vector<16xi32>
        %gather3A_615 = tpu.vector_load_idx %arg12[%add3A_52, %broadcast_in_dim3A_614] : memref<64x128xf32, #tpu.memory_space<vmem>>[vector<16xi32>, vector<16xi32>], vector<16xf32>,
        %broadcast_in_dim3A_616 = arith.constant 75 : i32
        %broadcast_in_dim3A_617 = vector.broadcast %broadcast_in_dim3A_616 : i32 to vector<16xi32>
        %gather3A_618 = tpu.vector_load_idx %arg12[%add3A_52, %broadcast_in_dim3A_617] : memref<64x128xf32, #tpu.memory_space<vmem>>[vector<16xi32>, vector<16xi32>], vector<16xf32>,
        %broadcast_in_dim3A_619 = arith.constant 76 : i32
        %broadcast_in_dim3A_620 = vector.broadcast %broadcast_in_dim3A_619 : i32 to vector<16xi32>
        %gather3A_621 = tpu.vector_load_idx %arg12[%add3A_52, %broadcast_in_dim3A_620] : memref<64x128xf32, #tpu.memory_space<vmem>>[vector<16xi32>, vector<16xi32>], vector<16xf32>,
        %broadcast_in_dim3A_622 = arith.constant 77 : i32
        %broadcast_in_dim3A_623 = vector.broadcast %broadcast_in_dim3A_622 : i32 to vector<16xi32>
        %gather3A_624 = tpu.vector_load_idx %arg12[%add3A_52, %broadcast_in_dim3A_623] : memref<64x128xf32, #tpu.memory_space<vmem>>[vector<16xi32>, vector<16xi32>], vector<16xf32>,
        %broadcast_in_dim3A_625 = arith.constant 78 : i32
        %broadcast_in_dim3A_626 = vector.broadcast %broadcast_in_dim3A_625 : i32 to vector<16xi32>
        %gather3A_627 = tpu.vector_load_idx %arg12[%add3A_52, %broadcast_in_dim3A_626] : memref<64x128xf32, #tpu.memory_space<vmem>>[vector<16xi32>, vector<16xi32>], vector<16xf32>,
        %broadcast_in_dim3A_628 = arith.constant 79 : i32
        %broadcast_in_dim3A_629 = vector.broadcast %broadcast_in_dim3A_628 : i32 to vector<16xi32>
        %gather3A_630 = tpu.vector_load_idx %arg12[%add3A_52, %broadcast_in_dim3A_629] : memref<64x128xf32, #tpu.memory_space<vmem>>[vector<16xi32>, vector<16xi32>], vector<16xf32>,
        %broadcast_in_dim3A_631 = arith.constant 64 : i32
        %broadcast_in_dim3A_632 = vector.broadcast %broadcast_in_dim3A_631 : i32 to vector<16xi32>
        %gather3A_633 = tpu.vector_load_idx %arg13[%add3A_52, %broadcast_in_dim3A_632] : memref<64x256xf32, #tpu.memory_space<vmem>>[vector<16xi32>, vector<16xi32>], vector<16xf32>,
        %broadcast_in_dim3A_634 = arith.constant 65 : i32
        %broadcast_in_dim3A_635 = vector.broadcast %broadcast_in_dim3A_634 : i32 to vector<16xi32>
        %gather3A_636 = tpu.vector_load_idx %arg13[%add3A_52, %broadcast_in_dim3A_635] : memref<64x256xf32, #tpu.memory_space<vmem>>[vector<16xi32>, vector<16xi32>], vector<16xf32>,
        %broadcast_in_dim3A_637 = arith.constant 66 : i32
        %broadcast_in_dim3A_638 = vector.broadcast %broadcast_in_dim3A_637 : i32 to vector<16xi32>
        %gather3A_639 = tpu.vector_load_idx %arg13[%add3A_52, %broadcast_in_dim3A_638] : memref<64x256xf32, #tpu.memory_space<vmem>>[vector<16xi32>, vector<16xi32>], vector<16xf32>,
        %broadcast_in_dim3A_640 = arith.constant 67 : i32
        %broadcast_in_dim3A_641 = vector.broadcast %broadcast_in_dim3A_640 : i32 to vector<16xi32>
        %gather3A_642 = tpu.vector_load_idx %arg13[%add3A_52, %broadcast_in_dim3A_641] : memref<64x256xf32, #tpu.memory_space<vmem>>[vector<16xi32>, vector<16xi32>], vector<16xf32>,
        %broadcast_in_dim3A_643 = arith.constant 68 : i32
        %broadcast_in_dim3A_644 = vector.broadcast %broadcast_in_dim3A_643 : i32 to vector<16xi32>
        %gather3A_645 = tpu.vector_load_idx %arg13[%add3A_52, %broadcast_in_dim3A_644] : memref<64x256xf32, #tpu.memory_space<vmem>>[vector<16xi32>, vector<16xi32>], vector<16xf32>,
        %broadcast_in_dim3A_646 = arith.constant 69 : i32
        %broadcast_in_dim3A_647 = vector.broadcast %broadcast_in_dim3A_646 : i32 to vector<16xi32>
        %gather3A_648 = tpu.vector_load_idx %arg13[%add3A_52, %broadcast_in_dim3A_647] : memref<64x256xf32, #tpu.memory_space<vmem>>[vector<16xi32>, vector<16xi32>], vector<16xf32>,
        %broadcast_in_dim3A_649 = arith.constant 70 : i32
        %broadcast_in_dim3A_650 = vector.broadcast %broadcast_in_dim3A_649 : i32 to vector<16xi32>
        %gather3A_651 = tpu.vector_load_idx %arg13[%add3A_52, %broadcast_in_dim3A_650] : memref<64x256xf32, #tpu.memory_space<vmem>>[vector<16xi32>, vector<16xi32>], vector<16xf32>,
        %broadcast_in_dim3A_652 = arith.constant 71 : i32
        %broadcast_in_dim3A_653 = vector.broadcast %broadcast_in_dim3A_652 : i32 to vector<16xi32>
        %gather3A_654 = tpu.vector_load_idx %arg13[%add3A_52, %broadcast_in_dim3A_653] : memref<64x256xf32, #tpu.memory_space<vmem>>[vector<16xi32>, vector<16xi32>], vector<16xf32>,
        %broadcast_in_dim3A_655 = arith.constant 72 : i32
        %broadcast_in_dim3A_656 = vector.broadcast %broadcast_in_dim3A_655 : i32 to vector<16xi32>
        %gather3A_657 = tpu.vector_load_idx %arg13[%add3A_52, %broadcast_in_dim3A_656] : memref<64x256xf32, #tpu.memory_space<vmem>>[vector<16xi32>, vector<16xi32>], vector<16xf32>,
        %broadcast_in_dim3A_658 = arith.constant 73 : i32
        %broadcast_in_dim3A_659 = vector.broadcast %broadcast_in_dim3A_658 : i32 to vector<16xi32>
        %gather3A_660 = tpu.vector_load_idx %arg13[%add3A_52, %broadcast_in_dim3A_659] : memref<64x256xf32, #tpu.memory_space<vmem>>[vector<16xi32>, vector<16xi32>], vector<16xf32>,
        %broadcast_in_dim3A_661 = arith.constant 74 : i32
        %broadcast_in_dim3A_662 = vector.broadcast %broadcast_in_dim3A_661 : i32 to vector<16xi32>
        %gather3A_663 = tpu.vector_load_idx %arg13[%add3A_52, %broadcast_in_dim3A_662] : memref<64x256xf32, #tpu.memory_space<vmem>>[vector<16xi32>, vector<16xi32>], vector<16xf32>,
        %broadcast_in_dim3A_664 = arith.constant 75 : i32
        %broadcast_in_dim3A_665 = vector.broadcast %broadcast_in_dim3A_664 : i32 to vector<16xi32>
        %gather3A_666 = tpu.vector_load_idx %arg13[%add3A_52, %broadcast_in_dim3A_665] : memref<64x256xf32, #tpu.memory_space<vmem>>[vector<16xi32>, vector<16xi32>], vector<16xf32>,
        %broadcast_in_dim3A_667 = arith.constant 76 : i32
        %broadcast_in_dim3A_668 = vector.broadcast %broadcast_in_dim3A_667 : i32 to vector<16xi32>
        %gather3A_669 = tpu.vector_load_idx %arg13[%add3A_52, %broadcast_in_dim3A_668] : memref<64x256xf32, #tpu.memory_space<vmem>>[vector<16xi32>, vector<16xi32>], vector<16xf32>,
        %broadcast_in_dim3A_670 = arith.constant 77 : i32
        %broadcast_in_dim3A_671 = vector.broadcast %broadcast_in_dim3A_670 : i32 to vector<16xi32>
        %gather3A_672 = tpu.vector_load_idx %arg13[%add3A_52, %broadcast_in_dim3A_671] : memref<64x256xf32, #tpu.memory_space<vmem>>[vector<16xi32>, vector<16xi32>], vector<16xf32>,
        %broadcast_in_dim3A_673 = arith.constant 78 : i32
        %broadcast_in_dim3A_674 = vector.broadcast %broadcast_in_dim3A_673 : i32 to vector<16xi32>
        %gather3A_675 = tpu.vector_load_idx %arg13[%add3A_52, %broadcast_in_dim3A_674] : memref<64x256xf32, #tpu.memory_space<vmem>>[vector<16xi32>, vector<16xi32>], vector<16xf32>,
        %broadcast_in_dim3A_676 = arith.constant 79 : i32
        %broadcast_in_dim3A_677 = vector.broadcast %broadcast_in_dim3A_676 : i32 to vector<16xi32>
        %gather3A_678 = tpu.vector_load_idx %arg13[%add3A_52, %broadcast_in_dim3A_677] : memref<64x256xf32, #tpu.memory_space<vmem>>[vector<16xi32>, vector<16xi32>], vector<16xf32>,
        %mul3A_679 = arith.mulf %gather3A_585, %gather3A_633 : vector<16xf32>
        %mul3A_680 = arith.mulf %gather3A_588, %gather3A_636 : vector<16xf32>
        %mul3A_681 = arith.mulf %gather3A_591, %gather3A_639 : vector<16xf32>
        %mul3A_682 = arith.mulf %gather3A_594, %gather3A_642 : vector<16xf32>
        %mul3A_683 = arith.mulf %gather3A_597, %gather3A_645 : vector<16xf32>
        %mul3A_684 = arith.mulf %gather3A_600, %gather3A_648 : vector<16xf32>
        %mul3A_685 = arith.mulf %gather3A_603, %gather3A_651 : vector<16xf32>
        %mul3A_686 = arith.mulf %gather3A_606, %gather3A_654 : vector<16xf32>
        %mul3A_687 = arith.mulf %gather3A_609, %gather3A_657 : vector<16xf32>
        %mul3A_688 = arith.mulf %gather3A_612, %gather3A_660 : vector<16xf32>
        %mul3A_689 = arith.mulf %gather3A_615, %gather3A_663 : vector<16xf32>
        %mul3A_690 = arith.mulf %gather3A_618, %gather3A_666 : vector<16xf32>
        %mul3A_691 = arith.mulf %gather3A_621, %gather3A_669 : vector<16xf32>
        %mul3A_692 = arith.mulf %gather3A_624, %gather3A_672 : vector<16xf32>
        %mul3A_693 = arith.mulf %gather3A_627, %gather3A_675 : vector<16xf32>
        %mul3A_694 = arith.mulf %gather3A_630, %gather3A_678 : vector<16xf32>
        %add3A_695 = arith.addf %mul3A_679, %mul3A_680 : vector<16xf32>
        %add3A_696 = arith.addf %mul3A_681, %mul3A_682 : vector<16xf32>
        %add3A_697 = arith.addf %mul3A_683, %mul3A_684 : vector<16xf32>
        %add3A_698 = arith.addf %mul3A_685, %mul3A_686 : vector<16xf32>
        %add3A_699 = arith.addf %mul3A_687, %mul3A_688 : vector<16xf32>
        %add3A_700 = arith.addf %mul3A_689, %mul3A_690 : vector<16xf32>
        %add3A_701 = arith.addf %mul3A_691, %mul3A_692 : vector<16xf32>
        %add3A_702 = arith.addf %mul3A_693, %mul3A_694 : vector<16xf32>
        %add3A_703 = arith.addf %add3A_695, %add3A_696 : vector<16xf32>
        %add3A_704 = arith.addf %add3A_697, %add3A_698 : vector<16xf32>
        %add3A_705 = arith.addf %add3A_699, %add3A_700 : vector<16xf32>
        %add3A_706 = arith.addf %add3A_701, %add3A_702 : vector<16xf32>
        %add3A_707 = arith.addf %add3A_703, %add3A_704 : vector<16xf32>
        %add3A_708 = arith.addf %add3A_705, %add3A_706 : vector<16xf32>
        %add3A_709 = arith.addf %add3A_707, %add3A_708 : vector<16xf32>
        %mul3A_710 = arith.constant 2.500000e-01 : f32
        %mul3A_711 = vector.broadcast %mul3A_710 : f32 to vector<16xf32>
        %mul3A_712 = arith.mulf %add3A_709, %mul3A_711 : vector<16xf32>
        %exp3A_713 = math.exp %mul3A_712 : vector<16xf32>
        %broadcast_in_dim3A_714 = arith.constant 4 : i32
        %broadcast_in_dim3A_715 = vector.broadcast %broadcast_in_dim3A_714 : i32 to vector<16xi32>
        tpu.vector_store_idx %arg15[%add3A_52, %broadcast_in_dim3A_715], %exp3A_713 : memref<64x16xf32, #tpu.memory_space<vmem>>[vector<16xi32>, vector<16xi32>], vector<16xf32>,
        %broadcast_in_dim3A_716 = arith.constant 80 : i32
        %broadcast_in_dim3A_717 = vector.broadcast %broadcast_in_dim3A_716 : i32 to vector<16xi32>
        %gather3A_718 = tpu.vector_load_idx %arg12[%add3A_52, %broadcast_in_dim3A_717] : memref<64x128xf32, #tpu.memory_space<vmem>>[vector<16xi32>, vector<16xi32>], vector<16xf32>,
        %broadcast_in_dim3A_719 = arith.constant 81 : i32
        %broadcast_in_dim3A_720 = vector.broadcast %broadcast_in_dim3A_719 : i32 to vector<16xi32>
        %gather3A_721 = tpu.vector_load_idx %arg12[%add3A_52, %broadcast_in_dim3A_720] : memref<64x128xf32, #tpu.memory_space<vmem>>[vector<16xi32>, vector<16xi32>], vector<16xf32>,
        %broadcast_in_dim3A_722 = arith.constant 82 : i32
        %broadcast_in_dim3A_723 = vector.broadcast %broadcast_in_dim3A_722 : i32 to vector<16xi32>
        %gather3A_724 = tpu.vector_load_idx %arg12[%add3A_52, %broadcast_in_dim3A_723] : memref<64x128xf32, #tpu.memory_space<vmem>>[vector<16xi32>, vector<16xi32>], vector<16xf32>,
        %broadcast_in_dim3A_725 = arith.constant 83 : i32
        %broadcast_in_dim3A_726 = vector.broadcast %broadcast_in_dim3A_725 : i32 to vector<16xi32>
        %gather3A_727 = tpu.vector_load_idx %arg12[%add3A_52, %broadcast_in_dim3A_726] : memref<64x128xf32, #tpu.memory_space<vmem>>[vector<16xi32>, vector<16xi32>], vector<16xf32>,
        %broadcast_in_dim3A_728 = arith.constant 84 : i32
        %broadcast_in_dim3A_729 = vector.broadcast %broadcast_in_dim3A_728 : i32 to vector<16xi32>
        %gather3A_730 = tpu.vector_load_idx %arg12[%add3A_52, %broadcast_in_dim3A_729] : memref<64x128xf32, #tpu.memory_space<vmem>>[vector<16xi32>, vector<16xi32>], vector<16xf32>,
        %broadcast_in_dim3A_731 = arith.constant 85 : i32
        %broadcast_in_dim3A_732 = vector.broadcast %broadcast_in_dim3A_731 : i32 to vector<16xi32>
        %gather3A_733 = tpu.vector_load_idx %arg12[%add3A_52, %broadcast_in_dim3A_732] : memref<64x128xf32, #tpu.memory_space<vmem>>[vector<16xi32>, vector<16xi32>], vector<16xf32>,
        %broadcast_in_dim3A_734 = arith.constant 86 : i32
        %broadcast_in_dim3A_735 = vector.broadcast %broadcast_in_dim3A_734 : i32 to vector<16xi32>
        %gather3A_736 = tpu.vector_load_idx %arg12[%add3A_52, %broadcast_in_dim3A_735] : memref<64x128xf32, #tpu.memory_space<vmem>>[vector<16xi32>, vector<16xi32>], vector<16xf32>,
        %broadcast_in_dim3A_737 = arith.constant 87 : i32
        %broadcast_in_dim3A_738 = vector.broadcast %broadcast_in_dim3A_737 : i32 to vector<16xi32>
        %gather3A_739 = tpu.vector_load_idx %arg12[%add3A_52, %broadcast_in_dim3A_738] : memref<64x128xf32, #tpu.memory_space<vmem>>[vector<16xi32>, vector<16xi32>], vector<16xf32>,
        %broadcast_in_dim3A_740 = arith.constant 88 : i32
        %broadcast_in_dim3A_741 = vector.broadcast %broadcast_in_dim3A_740 : i32 to vector<16xi32>
        %gather3A_742 = tpu.vector_load_idx %arg12[%add3A_52, %broadcast_in_dim3A_741] : memref<64x128xf32, #tpu.memory_space<vmem>>[vector<16xi32>, vector<16xi32>], vector<16xf32>,
        %broadcast_in_dim3A_743 = arith.constant 89 : i32
        %broadcast_in_dim3A_744 = vector.broadcast %broadcast_in_dim3A_743 : i32 to vector<16xi32>
        %gather3A_745 = tpu.vector_load_idx %arg12[%add3A_52, %broadcast_in_dim3A_744] : memref<64x128xf32, #tpu.memory_space<vmem>>[vector<16xi32>, vector<16xi32>], vector<16xf32>,
        %broadcast_in_dim3A_746 = arith.constant 90 : i32
        %broadcast_in_dim3A_747 = vector.broadcast %broadcast_in_dim3A_746 : i32 to vector<16xi32>
        %gather3A_748 = tpu.vector_load_idx %arg12[%add3A_52, %broadcast_in_dim3A_747] : memref<64x128xf32, #tpu.memory_space<vmem>>[vector<16xi32>, vector<16xi32>], vector<16xf32>,
        %broadcast_in_dim3A_749 = arith.constant 91 : i32
        %broadcast_in_dim3A_750 = vector.broadcast %broadcast_in_dim3A_749 : i32 to vector<16xi32>
        %gather3A_751 = tpu.vector_load_idx %arg12[%add3A_52, %broadcast_in_dim3A_750] : memref<64x128xf32, #tpu.memory_space<vmem>>[vector<16xi32>, vector<16xi32>], vector<16xf32>,
        %broadcast_in_dim3A_752 = arith.constant 92 : i32
        %broadcast_in_dim3A_753 = vector.broadcast %broadcast_in_dim3A_752 : i32 to vector<16xi32>
        %gather3A_754 = tpu.vector_load_idx %arg12[%add3A_52, %broadcast_in_dim3A_753] : memref<64x128xf32, #tpu.memory_space<vmem>>[vector<16xi32>, vector<16xi32>], vector<16xf32>,
        %broadcast_in_dim3A_755 = arith.constant 93 : i32
        %broadcast_in_dim3A_756 = vector.broadcast %broadcast_in_dim3A_755 : i32 to vector<16xi32>
        %gather3A_757 = tpu.vector_load_idx %arg12[%add3A_52, %broadcast_in_dim3A_756] : memref<64x128xf32, #tpu.memory_space<vmem>>[vector<16xi32>, vector<16xi32>], vector<16xf32>,
        %broadcast_in_dim3A_758 = arith.constant 94 : i32
        %broadcast_in_dim3A_759 = vector.broadcast %broadcast_in_dim3A_758 : i32 to vector<16xi32>
        %gather3A_760 = tpu.vector_load_idx %arg12[%add3A_52, %broadcast_in_dim3A_759] : memref<64x128xf32, #tpu.memory_space<vmem>>[vector<16xi32>, vector<16xi32>], vector<16xf32>,
        %broadcast_in_dim3A_761 = arith.constant 95 : i32
        %broadcast_in_dim3A_762 = vector.broadcast %broadcast_in_dim3A_761 : i32 to vector<16xi32>
        %gather3A_763 = tpu.vector_load_idx %arg12[%add3A_52, %broadcast_in_dim3A_762] : memref<64x128xf32, #tpu.memory_space<vmem>>[vector<16xi32>, vector<16xi32>], vector<16xf32>,
        %broadcast_in_dim3A_764 = arith.constant 80 : i32
        %broadcast_in_dim3A_765 = vector.broadcast %broadcast_in_dim3A_764 : i32 to vector<16xi32>
        %gather3A_766 = tpu.vector_load_idx %arg13[%add3A_52, %broadcast_in_dim3A_765] : memref<64x256xf32, #tpu.memory_space<vmem>>[vector<16xi32>, vector<16xi32>], vector<16xf32>,
        %broadcast_in_dim3A_767 = arith.constant 81 : i32
        %broadcast_in_dim3A_768 = vector.broadcast %broadcast_in_dim3A_767 : i32 to vector<16xi32>
        %gather3A_769 = tpu.vector_load_idx %arg13[%add3A_52, %broadcast_in_dim3A_768] : memref<64x256xf32, #tpu.memory_space<vmem>>[vector<16xi32>, vector<16xi32>], vector<16xf32>,
        %broadcast_in_dim3A_770 = arith.constant 82 : i32
        %broadcast_in_dim3A_771 = vector.broadcast %broadcast_in_dim3A_770 : i32 to vector<16xi32>
        %gather3A_772 = tpu.vector_load_idx %arg13[%add3A_52, %broadcast_in_dim3A_771] : memref<64x256xf32, #tpu.memory_space<vmem>>[vector<16xi32>, vector<16xi32>], vector<16xf32>,
        %broadcast_in_dim3A_773 = arith.constant 83 : i32
        %broadcast_in_dim3A_774 = vector.broadcast %broadcast_in_dim3A_773 : i32 to vector<16xi32>
        %gather3A_775 = tpu.vector_load_idx %arg13[%add3A_52, %broadcast_in_dim3A_774] : memref<64x256xf32, #tpu.memory_space<vmem>>[vector<16xi32>, vector<16xi32>], vector<16xf32>,
        %broadcast_in_dim3A_776 = arith.constant 84 : i32
        %broadcast_in_dim3A_777 = vector.broadcast %broadcast_in_dim3A_776 : i32 to vector<16xi32>
        %gather3A_778 = tpu.vector_load_idx %arg13[%add3A_52, %broadcast_in_dim3A_777] : memref<64x256xf32, #tpu.memory_space<vmem>>[vector<16xi32>, vector<16xi32>], vector<16xf32>,
        %broadcast_in_dim3A_779 = arith.constant 85 : i32
        %broadcast_in_dim3A_780 = vector.broadcast %broadcast_in_dim3A_779 : i32 to vector<16xi32>
        %gather3A_781 = tpu.vector_load_idx %arg13[%add3A_52, %broadcast_in_dim3A_780] : memref<64x256xf32, #tpu.memory_space<vmem>>[vector<16xi32>, vector<16xi32>], vector<16xf32>,
        %broadcast_in_dim3A_782 = arith.constant 86 : i32
        %broadcast_in_dim3A_783 = vector.broadcast %broadcast_in_dim3A_782 : i32 to vector<16xi32>
        %gather3A_784 = tpu.vector_load_idx %arg13[%add3A_52, %broadcast_in_dim3A_783] : memref<64x256xf32, #tpu.memory_space<vmem>>[vector<16xi32>, vector<16xi32>], vector<16xf32>,
        %broadcast_in_dim3A_785 = arith.constant 87 : i32
        %broadcast_in_dim3A_786 = vector.broadcast %broadcast_in_dim3A_785 : i32 to vector<16xi32>
        %gather3A_787 = tpu.vector_load_idx %arg13[%add3A_52, %broadcast_in_dim3A_786] : memref<64x256xf32, #tpu.memory_space<vmem>>[vector<16xi32>, vector<16xi32>], vector<16xf32>,
        %broadcast_in_dim3A_788 = arith.constant 88 : i32
        %broadcast_in_dim3A_789 = vector.broadcast %broadcast_in_dim3A_788 : i32 to vector<16xi32>
        %gather3A_790 = tpu.vector_load_idx %arg13[%add3A_52, %broadcast_in_dim3A_789] : memref<64x256xf32, #tpu.memory_space<vmem>>[vector<16xi32>, vector<16xi32>], vector<16xf32>,
        %broadcast_in_dim3A_791 = arith.constant 89 : i32
        %broadcast_in_dim3A_792 = vector.broadcast %broadcast_in_dim3A_791 : i32 to vector<16xi32>
        %gather3A_793 = tpu.vector_load_idx %arg13[%add3A_52, %broadcast_in_dim3A_792] : memref<64x256xf32, #tpu.memory_space<vmem>>[vector<16xi32>, vector<16xi32>], vector<16xf32>,
        %broadcast_in_dim3A_794 = arith.constant 90 : i32
        %broadcast_in_dim3A_795 = vector.broadcast %broadcast_in_dim3A_794 : i32 to vector<16xi32>
        %gather3A_796 = tpu.vector_load_idx %arg13[%add3A_52, %broadcast_in_dim3A_795] : memref<64x256xf32, #tpu.memory_space<vmem>>[vector<16xi32>, vector<16xi32>], vector<16xf32>,
        %broadcast_in_dim3A_797 = arith.constant 91 : i32
        %broadcast_in_dim3A_798 = vector.broadcast %broadcast_in_dim3A_797 : i32 to vector<16xi32>
        %gather3A_799 = tpu.vector_load_idx %arg13[%add3A_52, %broadcast_in_dim3A_798] : memref<64x256xf32, #tpu.memory_space<vmem>>[vector<16xi32>, vector<16xi32>], vector<16xf32>,
        %broadcast_in_dim3A_800 = arith.constant 92 : i32
        %broadcast_in_dim3A_801 = vector.broadcast %broadcast_in_dim3A_800 : i32 to vector<16xi32>
        %gather3A_802 = tpu.vector_load_idx %arg13[%add3A_52, %broadcast_in_dim3A_801] : memref<64x256xf32, #tpu.memory_space<vmem>>[vector<16xi32>, vector<16xi32>], vector<16xf32>,
        %broadcast_in_dim3A_803 = arith.constant 93 : i32
        %broadcast_in_dim3A_804 = vector.broadcast %broadcast_in_dim3A_803 : i32 to vector<16xi32>
        %gather3A_805 = tpu.vector_load_idx %arg13[%add3A_52, %broadcast_in_dim3A_804] : memref<64x256xf32, #tpu.memory_space<vmem>>[vector<16xi32>, vector<16xi32>], vector<16xf32>,
        %broadcast_in_dim3A_806 = arith.constant 94 : i32
        %broadcast_in_dim3A_807 = vector.broadcast %broadcast_in_dim3A_806 : i32 to vector<16xi32>
        %gather3A_808 = tpu.vector_load_idx %arg13[%add3A_52, %broadcast_in_dim3A_807] : memref<64x256xf32, #tpu.memory_space<vmem>>[vector<16xi32>, vector<16xi32>], vector<16xf32>,
        %broadcast_in_dim3A_809 = arith.constant 95 : i32
        %broadcast_in_dim3A_810 = vector.broadcast %broadcast_in_dim3A_809 : i32 to vector<16xi32>
        %gather3A_811 = tpu.vector_load_idx %arg13[%add3A_52, %broadcast_in_dim3A_810] : memref<64x256xf32, #tpu.memory_space<vmem>>[vector<16xi32>, vector<16xi32>], vector<16xf32>,
        %mul3A_812 = arith.mulf %gather3A_718, %gather3A_766 : vector<16xf32>
        %mul3A_813 = arith.mulf %gather3A_721, %gather3A_769 : vector<16xf32>
        %mul3A_814 = arith.mulf %gather3A_724, %gather3A_772 : vector<16xf32>
        %mul3A_815 = arith.mulf %gather3A_727, %gather3A_775 : vector<16xf32>
        %mul3A_816 = arith.mulf %gather3A_730, %gather3A_778 : vector<16xf32>
        %mul3A_817 = arith.mulf %gather3A_733, %gather3A_781 : vector<16xf32>
        %mul3A_818 = arith.mulf %gather3A_736, %gather3A_784 : vector<16xf32>
        %mul3A_819 = arith.mulf %gather3A_739, %gather3A_787 : vector<16xf32>
        %mul3A_820 = arith.mulf %gather3A_742, %gather3A_790 : vector<16xf32>
        %mul3A_821 = arith.mulf %gather3A_745, %gather3A_793 : vector<16xf32>
        %mul3A_822 = arith.mulf %gather3A_748, %gather3A_796 : vector<16xf32>
        %mul3A_823 = arith.mulf %gather3A_751, %gather3A_799 : vector<16xf32>
        %mul3A_824 = arith.mulf %gather3A_754, %gather3A_802 : vector<16xf32>
        %mul3A_825 = arith.mulf %gather3A_757, %gather3A_805 : vector<16xf32>
        %mul3A_826 = arith.mulf %gather3A_760, %gather3A_808 : vector<16xf32>
        %mul3A_827 = arith.mulf %gather3A_763, %gather3A_811 : vector<16xf32>
        %add3A_828 = arith.addf %mul3A_812, %mul3A_813 : vector<16xf32>
        %add3A_829 = arith.addf %mul3A_814, %mul3A_815 : vector<16xf32>
        %add3A_830 = arith.addf %mul3A_816, %mul3A_817 : vector<16xf32>
        %add3A_831 = arith.addf %mul3A_818, %mul3A_819 : vector<16xf32>
        %add3A_832 = arith.addf %mul3A_820, %mul3A_821 : vector<16xf32>
        %add3A_833 = arith.addf %mul3A_822, %mul3A_823 : vector<16xf32>
        %add3A_834 = arith.addf %mul3A_824, %mul3A_825 : vector<16xf32>
        %add3A_835 = arith.addf %mul3A_826, %mul3A_827 : vector<16xf32>
        %add3A_836 = arith.addf %add3A_828, %add3A_829 : vector<16xf32>
        %add3A_837 = arith.addf %add3A_830, %add3A_831 : vector<16xf32>
        %add3A_838 = arith.addf %add3A_832, %add3A_833 : vector<16xf32>
        %add3A_839 = arith.addf %add3A_834, %add3A_835 : vector<16xf32>
        %add3A_840 = arith.addf %add3A_836, %add3A_837 : vector<16xf32>
        %add3A_841 = arith.addf %add3A_838, %add3A_839 : vector<16xf32>
        %add3A_842 = arith.addf %add3A_840, %add3A_841 : vector<16xf32>
        %mul3A_843 = arith.constant 2.500000e-01 : f32
        %mul3A_844 = vector.broadcast %mul3A_843 : f32 to vector<16xf32>
        %mul3A_845 = arith.mulf %add3A_842, %mul3A_844 : vector<16xf32>
        %exp3A_846 = math.exp %mul3A_845 : vector<16xf32>
        %broadcast_in_dim3A_847 = arith.constant 5 : i32
        %broadcast_in_dim3A_848 = vector.broadcast %broadcast_in_dim3A_847 : i32 to vector<16xi32>
        tpu.vector_store_idx %arg15[%add3A_52, %broadcast_in_dim3A_848], %exp3A_846 : memref<64x16xf32, #tpu.memory_space<vmem>>[vector<16xi32>, vector<16xi32>], vector<16xf32>,
        %broadcast_in_dim3A_849 = arith.constant 96 : i32
        %broadcast_in_dim3A_850 = vector.broadcast %broadcast_in_dim3A_849 : i32 to vector<16xi32>
        %gather3A_851 = tpu.vector_load_idx %arg12[%add3A_52, %broadcast_in_dim3A_850] : memref<64x128xf32, #tpu.memory_space<vmem>>[vector<16xi32>, vector<16xi32>], vector<16xf32>,
        %broadcast_in_dim3A_852 = arith.constant 97 : i32
        %broadcast_in_dim3A_853 = vector.broadcast %broadcast_in_dim3A_852 : i32 to vector<16xi32>
        %gather3A_854 = tpu.vector_load_idx %arg12[%add3A_52, %broadcast_in_dim3A_853] : memref<64x128xf32, #tpu.memory_space<vmem>>[vector<16xi32>, vector<16xi32>], vector<16xf32>,
        %broadcast_in_dim3A_855 = arith.constant 98 : i32
        %broadcast_in_dim3A_856 = vector.broadcast %broadcast_in_dim3A_855 : i32 to vector<16xi32>
        %gather3A_857 = tpu.vector_load_idx %arg12[%add3A_52, %broadcast_in_dim3A_856] : memref<64x128xf32, #tpu.memory_space<vmem>>[vector<16xi32>, vector<16xi32>], vector<16xf32>,
        %broadcast_in_dim3A_858 = arith.constant 99 : i32
        %broadcast_in_dim3A_859 = vector.broadcast %broadcast_in_dim3A_858 : i32 to vector<16xi32>
        %gather3A_860 = tpu.vector_load_idx %arg12[%add3A_52, %broadcast_in_dim3A_859] : memref<64x128xf32, #tpu.memory_space<vmem>>[vector<16xi32>, vector<16xi32>], vector<16xf32>,
        %broadcast_in_dim3A_861 = arith.constant 100 : i32
        %broadcast_in_dim3A_862 = vector.broadcast %broadcast_in_dim3A_861 : i32 to vector<16xi32>
        %gather3A_863 = tpu.vector_load_idx %arg12[%add3A_52, %broadcast_in_dim3A_862] : memref<64x128xf32, #tpu.memory_space<vmem>>[vector<16xi32>, vector<16xi32>], vector<16xf32>,
        %broadcast_in_dim3A_864 = arith.constant 101 : i32
        %broadcast_in_dim3A_865 = vector.broadcast %broadcast_in_dim3A_864 : i32 to vector<16xi32>
        %gather3A_866 = tpu.vector_load_idx %arg12[%add3A_52, %broadcast_in_dim3A_865] : memref<64x128xf32, #tpu.memory_space<vmem>>[vector<16xi32>, vector<16xi32>], vector<16xf32>,
        %broadcast_in_dim3A_867 = arith.constant 102 : i32
        %broadcast_in_dim3A_868 = vector.broadcast %broadcast_in_dim3A_867 : i32 to vector<16xi32>
        %gather3A_869 = tpu.vector_load_idx %arg12[%add3A_52, %broadcast_in_dim3A_868] : memref<64x128xf32, #tpu.memory_space<vmem>>[vector<16xi32>, vector<16xi32>], vector<16xf32>,
        %broadcast_in_dim3A_870 = arith.constant 103 : i32
        %broadcast_in_dim3A_871 = vector.broadcast %broadcast_in_dim3A_870 : i32 to vector<16xi32>
        %gather3A_872 = tpu.vector_load_idx %arg12[%add3A_52, %broadcast_in_dim3A_871] : memref<64x128xf32, #tpu.memory_space<vmem>>[vector<16xi32>, vector<16xi32>], vector<16xf32>,
        %broadcast_in_dim3A_873 = arith.constant 104 : i32
        %broadcast_in_dim3A_874 = vector.broadcast %broadcast_in_dim3A_873 : i32 to vector<16xi32>
        %gather3A_875 = tpu.vector_load_idx %arg12[%add3A_52, %broadcast_in_dim3A_874] : memref<64x128xf32, #tpu.memory_space<vmem>>[vector<16xi32>, vector<16xi32>], vector<16xf32>,
        %broadcast_in_dim3A_876 = arith.constant 105 : i32
        %broadcast_in_dim3A_877 = vector.broadcast %broadcast_in_dim3A_876 : i32 to vector<16xi32>
        %gather3A_878 = tpu.vector_load_idx %arg12[%add3A_52, %broadcast_in_dim3A_877] : memref<64x128xf32, #tpu.memory_space<vmem>>[vector<16xi32>, vector<16xi32>], vector<16xf32>,
        %broadcast_in_dim3A_879 = arith.constant 106 : i32
        %broadcast_in_dim3A_880 = vector.broadcast %broadcast_in_dim3A_879 : i32 to vector<16xi32>
        %gather3A_881 = tpu.vector_load_idx %arg12[%add3A_52, %broadcast_in_dim3A_880] : memref<64x128xf32, #tpu.memory_space<vmem>>[vector<16xi32>, vector<16xi32>], vector<16xf32>,
        %broadcast_in_dim3A_882 = arith.constant 107 : i32
        %broadcast_in_dim3A_883 = vector.broadcast %broadcast_in_dim3A_882 : i32 to vector<16xi32>
        %gather3A_884 = tpu.vector_load_idx %arg12[%add3A_52, %broadcast_in_dim3A_883] : memref<64x128xf32, #tpu.memory_space<vmem>>[vector<16xi32>, vector<16xi32>], vector<16xf32>,
        %broadcast_in_dim3A_885 = arith.constant 108 : i32
        %broadcast_in_dim3A_886 = vector.broadcast %broadcast_in_dim3A_885 : i32 to vector<16xi32>
        %gather3A_887 = tpu.vector_load_idx %arg12[%add3A_52, %broadcast_in_dim3A_886] : memref<64x128xf32, #tpu.memory_space<vmem>>[vector<16xi32>, vector<16xi32>], vector<16xf32>,
        %broadcast_in_dim3A_888 = arith.constant 109 : i32
        %broadcast_in_dim3A_889 = vector.broadcast %broadcast_in_dim3A_888 : i32 to vector<16xi32>
        %gather3A_890 = tpu.vector_load_idx %arg12[%add3A_52, %broadcast_in_dim3A_889] : memref<64x128xf32, #tpu.memory_space<vmem>>[vector<16xi32>, vector<16xi32>], vector<16xf32>,
        %broadcast_in_dim3A_891 = arith.constant 110 : i32
        %broadcast_in_dim3A_892 = vector.broadcast %broadcast_in_dim3A_891 : i32 to vector<16xi32>
        %gather3A_893 = tpu.vector_load_idx %arg12[%add3A_52, %broadcast_in_dim3A_892] : memref<64x128xf32, #tpu.memory_space<vmem>>[vector<16xi32>, vector<16xi32>], vector<16xf32>,
        %broadcast_in_dim3A_894 = arith.constant 111 : i32
        %broadcast_in_dim3A_895 = vector.broadcast %broadcast_in_dim3A_894 : i32 to vector<16xi32>
        %gather3A_896 = tpu.vector_load_idx %arg12[%add3A_52, %broadcast_in_dim3A_895] : memref<64x128xf32, #tpu.memory_space<vmem>>[vector<16xi32>, vector<16xi32>], vector<16xf32>,
        %broadcast_in_dim3A_897 = arith.constant 96 : i32
        %broadcast_in_dim3A_898 = vector.broadcast %broadcast_in_dim3A_897 : i32 to vector<16xi32>
        %gather3A_899 = tpu.vector_load_idx %arg13[%add3A_52, %broadcast_in_dim3A_898] : memref<64x256xf32, #tpu.memory_space<vmem>>[vector<16xi32>, vector<16xi32>], vector<16xf32>,
        %broadcast_in_dim3A_900 = arith.constant 97 : i32
        %broadcast_in_dim3A_901 = vector.broadcast %broadcast_in_dim3A_900 : i32 to vector<16xi32>
        %gather3A_902 = tpu.vector_load_idx %arg13[%add3A_52, %broadcast_in_dim3A_901] : memref<64x256xf32, #tpu.memory_space<vmem>>[vector<16xi32>, vector<16xi32>], vector<16xf32>,
        %broadcast_in_dim3A_903 = arith.constant 98 : i32
        %broadcast_in_dim3A_904 = vector.broadcast %broadcast_in_dim3A_903 : i32 to vector<16xi32>
        %gather3A_905 = tpu.vector_load_idx %arg13[%add3A_52, %broadcast_in_dim3A_904] : memref<64x256xf32, #tpu.memory_space<vmem>>[vector<16xi32>, vector<16xi32>], vector<16xf32>,
        %broadcast_in_dim3A_906 = arith.constant 99 : i32
        %broadcast_in_dim3A_907 = vector.broadcast %broadcast_in_dim3A_906 : i32 to vector<16xi32>
        %gather3A_908 = tpu.vector_load_idx %arg13[%add3A_52, %broadcast_in_dim3A_907] : memref<64x256xf32, #tpu.memory_space<vmem>>[vector<16xi32>, vector<16xi32>], vector<16xf32>,
        %broadcast_in_dim3A_909 = arith.constant 100 : i32
        %broadcast_in_dim3A_910 = vector.broadcast %broadcast_in_dim3A_909 : i32 to vector<16xi32>
        %gather3A_911 = tpu.vector_load_idx %arg13[%add3A_52, %broadcast_in_dim3A_910] : memref<64x256xf32, #tpu.memory_space<vmem>>[vector<16xi32>, vector<16xi32>], vector<16xf32>,
        %broadcast_in_dim3A_912 = arith.constant 101 : i32
        %broadcast_in_dim3A_913 = vector.broadcast %broadcast_in_dim3A_912 : i32 to vector<16xi32>
        %gather3A_914 = tpu.vector_load_idx %arg13[%add3A_52, %broadcast_in_dim3A_913] : memref<64x256xf32, #tpu.memory_space<vmem>>[vector<16xi32>, vector<16xi32>], vector<16xf32>,
        %broadcast_in_dim3A_915 = arith.constant 102 : i32
        %broadcast_in_dim3A_916 = vector.broadcast %broadcast_in_dim3A_915 : i32 to vector<16xi32>
        %gather3A_917 = tpu.vector_load_idx %arg13[%add3A_52, %broadcast_in_dim3A_916] : memref<64x256xf32, #tpu.memory_space<vmem>>[vector<16xi32>, vector<16xi32>], vector<16xf32>,
        %broadcast_in_dim3A_918 = arith.constant 103 : i32
        %broadcast_in_dim3A_919 = vector.broadcast %broadcast_in_dim3A_918 : i32 to vector<16xi32>
        %gather3A_920 = tpu.vector_load_idx %arg13[%add3A_52, %broadcast_in_dim3A_919] : memref<64x256xf32, #tpu.memory_space<vmem>>[vector<16xi32>, vector<16xi32>], vector<16xf32>,
        %broadcast_in_dim3A_921 = arith.constant 104 : i32
        %broadcast_in_dim3A_922 = vector.broadcast %broadcast_in_dim3A_921 : i32 to vector<16xi32>
        %gather3A_923 = tpu.vector_load_idx %arg13[%add3A_52, %broadcast_in_dim3A_922] : memref<64x256xf32, #tpu.memory_space<vmem>>[vector<16xi32>, vector<16xi32>], vector<16xf32>,
        %broadcast_in_dim3A_924 = arith.constant 105 : i32
        %broadcast_in_dim3A_925 = vector.broadcast %broadcast_in_dim3A_924 : i32 to vector<16xi32>
        %gather3A_926 = tpu.vector_load_idx %arg13[%add3A_52, %broadcast_in_dim3A_925] : memref<64x256xf32, #tpu.memory_space<vmem>>[vector<16xi32>, vector<16xi32>], vector<16xf32>,
        %broadcast_in_dim3A_927 = arith.constant 106 : i32
        %broadcast_in_dim3A_928 = vector.broadcast %broadcast_in_dim3A_927 : i32 to vector<16xi32>
        %gather3A_929 = tpu.vector_load_idx %arg13[%add3A_52, %broadcast_in_dim3A_928] : memref<64x256xf32, #tpu.memory_space<vmem>>[vector<16xi32>, vector<16xi32>], vector<16xf32>,
        %broadcast_in_dim3A_930 = arith.constant 107 : i32
        %broadcast_in_dim3A_931 = vector.broadcast %broadcast_in_dim3A_930 : i32 to vector<16xi32>
        %gather3A_932 = tpu.vector_load_idx %arg13[%add3A_52, %broadcast_in_dim3A_931] : memref<64x256xf32, #tpu.memory_space<vmem>>[vector<16xi32>, vector<16xi32>], vector<16xf32>,
        %broadcast_in_dim3A_933 = arith.constant 108 : i32
        %broadcast_in_dim3A_934 = vector.broadcast %broadcast_in_dim3A_933 : i32 to vector<16xi32>
        %gather3A_935 = tpu.vector_load_idx %arg13[%add3A_52, %broadcast_in_dim3A_934] : memref<64x256xf32, #tpu.memory_space<vmem>>[vector<16xi32>, vector<16xi32>], vector<16xf32>,
        %broadcast_in_dim3A_936 = arith.constant 109 : i32
        %broadcast_in_dim3A_937 = vector.broadcast %broadcast_in_dim3A_936 : i32 to vector<16xi32>
        %gather3A_938 = tpu.vector_load_idx %arg13[%add3A_52, %broadcast_in_dim3A_937] : memref<64x256xf32, #tpu.memory_space<vmem>>[vector<16xi32>, vector<16xi32>], vector<16xf32>,
        %broadcast_in_dim3A_939 = arith.constant 110 : i32
        %broadcast_in_dim3A_940 = vector.broadcast %broadcast_in_dim3A_939 : i32 to vector<16xi32>
        %gather3A_941 = tpu.vector_load_idx %arg13[%add3A_52, %broadcast_in_dim3A_940] : memref<64x256xf32, #tpu.memory_space<vmem>>[vector<16xi32>, vector<16xi32>], vector<16xf32>,
        %broadcast_in_dim3A_942 = arith.constant 111 : i32
        %broadcast_in_dim3A_943 = vector.broadcast %broadcast_in_dim3A_942 : i32 to vector<16xi32>
        %gather3A_944 = tpu.vector_load_idx %arg13[%add3A_52, %broadcast_in_dim3A_943] : memref<64x256xf32, #tpu.memory_space<vmem>>[vector<16xi32>, vector<16xi32>], vector<16xf32>,
        %mul3A_945 = arith.mulf %gather3A_851, %gather3A_899 : vector<16xf32>
        %mul3A_946 = arith.mulf %gather3A_854, %gather3A_902 : vector<16xf32>
        %mul3A_947 = arith.mulf %gather3A_857, %gather3A_905 : vector<16xf32>
        %mul3A_948 = arith.mulf %gather3A_860, %gather3A_908 : vector<16xf32>
        %mul3A_949 = arith.mulf %gather3A_863, %gather3A_911 : vector<16xf32>
        %mul3A_950 = arith.mulf %gather3A_866, %gather3A_914 : vector<16xf32>
        %mul3A_951 = arith.mulf %gather3A_869, %gather3A_917 : vector<16xf32>
        %mul3A_952 = arith.mulf %gather3A_872, %gather3A_920 : vector<16xf32>
        %mul3A_953 = arith.mulf %gather3A_875, %gather3A_923 : vector<16xf32>
        %mul3A_954 = arith.mulf %gather3A_878, %gather3A_926 : vector<16xf32>
        %mul3A_955 = arith.mulf %gather3A_881, %gather3A_929 : vector<16xf32>
        %mul3A_956 = arith.mulf %gather3A_884, %gather3A_932 : vector<16xf32>
        %mul3A_957 = arith.mulf %gather3A_887, %gather3A_935 : vector<16xf32>
        %mul3A_958 = arith.mulf %gather3A_890, %gather3A_938 : vector<16xf32>
        %mul3A_959 = arith.mulf %gather3A_893, %gather3A_941 : vector<16xf32>
        %mul3A_960 = arith.mulf %gather3A_896, %gather3A_944 : vector<16xf32>
        %add3A_961 = arith.addf %mul3A_945, %mul3A_946 : vector<16xf32>
        %add3A_962 = arith.addf %mul3A_947, %mul3A_948 : vector<16xf32>
        %add3A_963 = arith.addf %mul3A_949, %mul3A_950 : vector<16xf32>
        %add3A_964 = arith.addf %mul3A_951, %mul3A_952 : vector<16xf32>
        %add3A_965 = arith.addf %mul3A_953, %mul3A_954 : vector<16xf32>
        %add3A_966 = arith.addf %mul3A_955, %mul3A_956 : vector<16xf32>
        %add3A_967 = arith.addf %mul3A_957, %mul3A_958 : vector<16xf32>
        %add3A_968 = arith.addf %mul3A_959, %mul3A_960 : vector<16xf32>
        %add3A_969 = arith.addf %add3A_961, %add3A_962 : vector<16xf32>
        %add3A_970 = arith.addf %add3A_963, %add3A_964 : vector<16xf32>
        %add3A_971 = arith.addf %add3A_965, %add3A_966 : vector<16xf32>
        %add3A_972 = arith.addf %add3A_967, %add3A_968 : vector<16xf32>
        %add3A_973 = arith.addf %add3A_969, %add3A_970 : vector<16xf32>
        %add3A_974 = arith.addf %add3A_971, %add3A_972 : vector<16xf32>
        %add3A_975 = arith.addf %add3A_973, %add3A_974 : vector<16xf32>
        %mul3A_976 = arith.constant 2.500000e-01 : f32
        %mul3A_977 = vector.broadcast %mul3A_976 : f32 to vector<16xf32>
        %mul3A_978 = arith.mulf %add3A_975, %mul3A_977 : vector<16xf32>
        %exp3A_979 = math.exp %mul3A_978 : vector<16xf32>
        %broadcast_in_dim3A_980 = arith.constant 6 : i32
        %broadcast_in_dim3A_981 = vector.broadcast %broadcast_in_dim3A_980 : i32 to vector<16xi32>
        tpu.vector_store_idx %arg15[%add3A_52, %broadcast_in_dim3A_981], %exp3A_979 : memref<64x16xf32, #tpu.memory_space<vmem>>[vector<16xi32>, vector<16xi32>], vector<16xf32>,
        %broadcast_in_dim3A_982 = arith.constant 112 : i32
        %broadcast_in_dim3A_983 = vector.broadcast %broadcast_in_dim3A_982 : i32 to vector<16xi32>
        %gather3A_984 = tpu.vector_load_idx %arg12[%add3A_52, %broadcast_in_dim3A_983] : memref<64x128xf32, #tpu.memory_space<vmem>>[vector<16xi32>, vector<16xi32>], vector<16xf32>,
        %broadcast_in_dim3A_985 = arith.constant 113 : i32
        %broadcast_in_dim3A_986 = vector.broadcast %broadcast_in_dim3A_985 : i32 to vector<16xi32>
        %gather3A_987 = tpu.vector_load_idx %arg12[%add3A_52, %broadcast_in_dim3A_986] : memref<64x128xf32, #tpu.memory_space<vmem>>[vector<16xi32>, vector<16xi32>], vector<16xf32>,
        %broadcast_in_dim3A_988 = arith.constant 114 : i32
        %broadcast_in_dim3A_989 = vector.broadcast %broadcast_in_dim3A_988 : i32 to vector<16xi32>
        %gather3A_990 = tpu.vector_load_idx %arg12[%add3A_52, %broadcast_in_dim3A_989] : memref<64x128xf32, #tpu.memory_space<vmem>>[vector<16xi32>, vector<16xi32>], vector<16xf32>,
        %broadcast_in_dim3A_991 = arith.constant 115 : i32
        %broadcast_in_dim3A_992 = vector.broadcast %broadcast_in_dim3A_991 : i32 to vector<16xi32>
        %gather3A_993 = tpu.vector_load_idx %arg12[%add3A_52, %broadcast_in_dim3A_992] : memref<64x128xf32, #tpu.memory_space<vmem>>[vector<16xi32>, vector<16xi32>], vector<16xf32>,
        %broadcast_in_dim3A_994 = arith.constant 116 : i32
        %broadcast_in_dim3A_995 = vector.broadcast %broadcast_in_dim3A_994 : i32 to vector<16xi32>
        %gather3A_996 = tpu.vector_load_idx %arg12[%add3A_52, %broadcast_in_dim3A_995] : memref<64x128xf32, #tpu.memory_space<vmem>>[vector<16xi32>, vector<16xi32>], vector<16xf32>,
        %broadcast_in_dim3A_997 = arith.constant 117 : i32
        %broadcast_in_dim3A_998 = vector.broadcast %broadcast_in_dim3A_997 : i32 to vector<16xi32>
        %gather3A_999 = tpu.vector_load_idx %arg12[%add3A_52, %broadcast_in_dim3A_998] : memref<64x128xf32, #tpu.memory_space<vmem>>[vector<16xi32>, vector<16xi32>], vector<16xf32>,
        %broadcast_in_dim3A_1000 = arith.constant 118 : i32
        %broadcast_in_dim3A_1001 = vector.broadcast %broadcast_in_dim3A_1000 : i32 to vector<16xi32>
        %gather3A_1002 = tpu.vector_load_idx %arg12[%add3A_52, %broadcast_in_dim3A_1001] : memref<64x128xf32, #tpu.memory_space<vmem>>[vector<16xi32>, vector<16xi32>], vector<16xf32>,
        %broadcast_in_dim3A_1003 = arith.constant 119 : i32
        %broadcast_in_dim3A_1004 = vector.broadcast %broadcast_in_dim3A_1003 : i32 to vector<16xi32>
        %gather3A_1005 = tpu.vector_load_idx %arg12[%add3A_52, %broadcast_in_dim3A_1004] : memref<64x128xf32, #tpu.memory_space<vmem>>[vector<16xi32>, vector<16xi32>], vector<16xf32>,
        %broadcast_in_dim3A_1006 = arith.constant 120 : i32
        %broadcast_in_dim3A_1007 = vector.broadcast %broadcast_in_dim3A_1006 : i32 to vector<16xi32>
        %gather3A_1008 = tpu.vector_load_idx %arg12[%add3A_52, %broadcast_in_dim3A_1007] : memref<64x128xf32, #tpu.memory_space<vmem>>[vector<16xi32>, vector<16xi32>], vector<16xf32>,
        %broadcast_in_dim3A_1009 = arith.constant 121 : i32
        %broadcast_in_dim3A_1010 = vector.broadcast %broadcast_in_dim3A_1009 : i32 to vector<16xi32>
        %gather3A_1011 = tpu.vector_load_idx %arg12[%add3A_52, %broadcast_in_dim3A_1010] : memref<64x128xf32, #tpu.memory_space<vmem>>[vector<16xi32>, vector<16xi32>], vector<16xf32>,
        %broadcast_in_dim3A_1012 = arith.constant 122 : i32
        %broadcast_in_dim3A_1013 = vector.broadcast %broadcast_in_dim3A_1012 : i32 to vector<16xi32>
        %gather3A_1014 = tpu.vector_load_idx %arg12[%add3A_52, %broadcast_in_dim3A_1013] : memref<64x128xf32, #tpu.memory_space<vmem>>[vector<16xi32>, vector<16xi32>], vector<16xf32>,
        %broadcast_in_dim3A_1015 = arith.constant 123 : i32
        %broadcast_in_dim3A_1016 = vector.broadcast %broadcast_in_dim3A_1015 : i32 to vector<16xi32>
        %gather3A_1017 = tpu.vector_load_idx %arg12[%add3A_52, %broadcast_in_dim3A_1016] : memref<64x128xf32, #tpu.memory_space<vmem>>[vector<16xi32>, vector<16xi32>], vector<16xf32>,
        %broadcast_in_dim3A_1018 = arith.constant 124 : i32
        %broadcast_in_dim3A_1019 = vector.broadcast %broadcast_in_dim3A_1018 : i32 to vector<16xi32>
        %gather3A_1020 = tpu.vector_load_idx %arg12[%add3A_52, %broadcast_in_dim3A_1019] : memref<64x128xf32, #tpu.memory_space<vmem>>[vector<16xi32>, vector<16xi32>], vector<16xf32>,
        %broadcast_in_dim3A_1021 = arith.constant 125 : i32
        %broadcast_in_dim3A_1022 = vector.broadcast %broadcast_in_dim3A_1021 : i32 to vector<16xi32>
        %gather3A_1023 = tpu.vector_load_idx %arg12[%add3A_52, %broadcast_in_dim3A_1022] : memref<64x128xf32, #tpu.memory_space<vmem>>[vector<16xi32>, vector<16xi32>], vector<16xf32>,
        %broadcast_in_dim3A_1024 = arith.constant 126 : i32
        %broadcast_in_dim3A_1025 = vector.broadcast %broadcast_in_dim3A_1024 : i32 to vector<16xi32>
        %gather3A_1026 = tpu.vector_load_idx %arg12[%add3A_52, %broadcast_in_dim3A_1025] : memref<64x128xf32, #tpu.memory_space<vmem>>[vector<16xi32>, vector<16xi32>], vector<16xf32>,
        %broadcast_in_dim3A_1027 = arith.constant 127 : i32
        %broadcast_in_dim3A_1028 = vector.broadcast %broadcast_in_dim3A_1027 : i32 to vector<16xi32>
        %gather3A_1029 = tpu.vector_load_idx %arg12[%add3A_52, %broadcast_in_dim3A_1028] : memref<64x128xf32, #tpu.memory_space<vmem>>[vector<16xi32>, vector<16xi32>], vector<16xf32>,
        %broadcast_in_dim3A_1030 = arith.constant 112 : i32
        %broadcast_in_dim3A_1031 = vector.broadcast %broadcast_in_dim3A_1030 : i32 to vector<16xi32>
        %gather3A_1032 = tpu.vector_load_idx %arg13[%add3A_52, %broadcast_in_dim3A_1031] : memref<64x256xf32, #tpu.memory_space<vmem>>[vector<16xi32>, vector<16xi32>], vector<16xf32>,
        %broadcast_in_dim3A_1033 = arith.constant 113 : i32
        %broadcast_in_dim3A_1034 = vector.broadcast %broadcast_in_dim3A_1033 : i32 to vector<16xi32>
        %gather3A_1035 = tpu.vector_load_idx %arg13[%add3A_52, %broadcast_in_dim3A_1034] : memref<64x256xf32, #tpu.memory_space<vmem>>[vector<16xi32>, vector<16xi32>], vector<16xf32>,
        %broadcast_in_dim3A_1036 = arith.constant 114 : i32
        %broadcast_in_dim3A_1037 = vector.broadcast %broadcast_in_dim3A_1036 : i32 to vector<16xi32>
        %gather3A_1038 = tpu.vector_load_idx %arg13[%add3A_52, %broadcast_in_dim3A_1037] : memref<64x256xf32, #tpu.memory_space<vmem>>[vector<16xi32>, vector<16xi32>], vector<16xf32>,
        %broadcast_in_dim3A_1039 = arith.constant 115 : i32
        %broadcast_in_dim3A_1040 = vector.broadcast %broadcast_in_dim3A_1039 : i32 to vector<16xi32>
        %gather3A_1041 = tpu.vector_load_idx %arg13[%add3A_52, %broadcast_in_dim3A_1040] : memref<64x256xf32, #tpu.memory_space<vmem>>[vector<16xi32>, vector<16xi32>], vector<16xf32>,
        %broadcast_in_dim3A_1042 = arith.constant 116 : i32
        %broadcast_in_dim3A_1043 = vector.broadcast %broadcast_in_dim3A_1042 : i32 to vector<16xi32>
        %gather3A_1044 = tpu.vector_load_idx %arg13[%add3A_52, %broadcast_in_dim3A_1043] : memref<64x256xf32, #tpu.memory_space<vmem>>[vector<16xi32>, vector<16xi32>], vector<16xf32>,
        %broadcast_in_dim3A_1045 = arith.constant 117 : i32
        %broadcast_in_dim3A_1046 = vector.broadcast %broadcast_in_dim3A_1045 : i32 to vector<16xi32>
        %gather3A_1047 = tpu.vector_load_idx %arg13[%add3A_52, %broadcast_in_dim3A_1046] : memref<64x256xf32, #tpu.memory_space<vmem>>[vector<16xi32>, vector<16xi32>], vector<16xf32>,
        %broadcast_in_dim3A_1048 = arith.constant 118 : i32
        %broadcast_in_dim3A_1049 = vector.broadcast %broadcast_in_dim3A_1048 : i32 to vector<16xi32>
        %gather3A_1050 = tpu.vector_load_idx %arg13[%add3A_52, %broadcast_in_dim3A_1049] : memref<64x256xf32, #tpu.memory_space<vmem>>[vector<16xi32>, vector<16xi32>], vector<16xf32>,
        %broadcast_in_dim3A_1051 = arith.constant 119 : i32
        %broadcast_in_dim3A_1052 = vector.broadcast %broadcast_in_dim3A_1051 : i32 to vector<16xi32>
        %gather3A_1053 = tpu.vector_load_idx %arg13[%add3A_52, %broadcast_in_dim3A_1052] : memref<64x256xf32, #tpu.memory_space<vmem>>[vector<16xi32>, vector<16xi32>], vector<16xf32>,
        %broadcast_in_dim3A_1054 = arith.constant 120 : i32
        %broadcast_in_dim3A_1055 = vector.broadcast %broadcast_in_dim3A_1054 : i32 to vector<16xi32>
        %gather3A_1056 = tpu.vector_load_idx %arg13[%add3A_52, %broadcast_in_dim3A_1055] : memref<64x256xf32, #tpu.memory_space<vmem>>[vector<16xi32>, vector<16xi32>], vector<16xf32>,
        %broadcast_in_dim3A_1057 = arith.constant 121 : i32
        %broadcast_in_dim3A_1058 = vector.broadcast %broadcast_in_dim3A_1057 : i32 to vector<16xi32>
        %gather3A_1059 = tpu.vector_load_idx %arg13[%add3A_52, %broadcast_in_dim3A_1058] : memref<64x256xf32, #tpu.memory_space<vmem>>[vector<16xi32>, vector<16xi32>], vector<16xf32>,
        %broadcast_in_dim3A_1060 = arith.constant 122 : i32
        %broadcast_in_dim3A_1061 = vector.broadcast %broadcast_in_dim3A_1060 : i32 to vector<16xi32>
        %gather3A_1062 = tpu.vector_load_idx %arg13[%add3A_52, %broadcast_in_dim3A_1061] : memref<64x256xf32, #tpu.memory_space<vmem>>[vector<16xi32>, vector<16xi32>], vector<16xf32>,
        %broadcast_in_dim3A_1063 = arith.constant 123 : i32
        %broadcast_in_dim3A_1064 = vector.broadcast %broadcast_in_dim3A_1063 : i32 to vector<16xi32>
        %gather3A_1065 = tpu.vector_load_idx %arg13[%add3A_52, %broadcast_in_dim3A_1064] : memref<64x256xf32, #tpu.memory_space<vmem>>[vector<16xi32>, vector<16xi32>], vector<16xf32>,
        %broadcast_in_dim3A_1066 = arith.constant 124 : i32
        %broadcast_in_dim3A_1067 = vector.broadcast %broadcast_in_dim3A_1066 : i32 to vector<16xi32>
        %gather3A_1068 = tpu.vector_load_idx %arg13[%add3A_52, %broadcast_in_dim3A_1067] : memref<64x256xf32, #tpu.memory_space<vmem>>[vector<16xi32>, vector<16xi32>], vector<16xf32>,
        %broadcast_in_dim3A_1069 = arith.constant 125 : i32
        %broadcast_in_dim3A_1070 = vector.broadcast %broadcast_in_dim3A_1069 : i32 to vector<16xi32>
        %gather3A_1071 = tpu.vector_load_idx %arg13[%add3A_52, %broadcast_in_dim3A_1070] : memref<64x256xf32, #tpu.memory_space<vmem>>[vector<16xi32>, vector<16xi32>], vector<16xf32>,
        %broadcast_in_dim3A_1072 = arith.constant 126 : i32
        %broadcast_in_dim3A_1073 = vector.broadcast %broadcast_in_dim3A_1072 : i32 to vector<16xi32>
        %gather3A_1074 = tpu.vector_load_idx %arg13[%add3A_52, %broadcast_in_dim3A_1073] : memref<64x256xf32, #tpu.memory_space<vmem>>[vector<16xi32>, vector<16xi32>], vector<16xf32>,
        %broadcast_in_dim3A_1075 = arith.constant 127 : i32
        %broadcast_in_dim3A_1076 = vector.broadcast %broadcast_in_dim3A_1075 : i32 to vector<16xi32>
        %gather3A_1077 = tpu.vector_load_idx %arg13[%add3A_52, %broadcast_in_dim3A_1076] : memref<64x256xf32, #tpu.memory_space<vmem>>[vector<16xi32>, vector<16xi32>], vector<16xf32>,
        %mul3A_1078 = arith.mulf %gather3A_984, %gather3A_1032 : vector<16xf32>
        %mul3A_1079 = arith.mulf %gather3A_987, %gather3A_1035 : vector<16xf32>
        %mul3A_1080 = arith.mulf %gather3A_990, %gather3A_1038 : vector<16xf32>
        %mul3A_1081 = arith.mulf %gather3A_993, %gather3A_1041 : vector<16xf32>
        %mul3A_1082 = arith.mulf %gather3A_996, %gather3A_1044 : vector<16xf32>
        %mul3A_1083 = arith.mulf %gather3A_999, %gather3A_1047 : vector<16xf32>
        %mul3A_1084 = arith.mulf %gather3A_1002, %gather3A_1050 : vector<16xf32>
        %mul3A_1085 = arith.mulf %gather3A_1005, %gather3A_1053 : vector<16xf32>
        %mul3A_1086 = arith.mulf %gather3A_1008, %gather3A_1056 : vector<16xf32>
        %mul3A_1087 = arith.mulf %gather3A_1011, %gather3A_1059 : vector<16xf32>
        %mul3A_1088 = arith.mulf %gather3A_1014, %gather3A_1062 : vector<16xf32>
        %mul3A_1089 = arith.mulf %gather3A_1017, %gather3A_1065 : vector<16xf32>
        %mul3A_1090 = arith.mulf %gather3A_1020, %gather3A_1068 : vector<16xf32>
        %mul3A_1091 = arith.mulf %gather3A_1023, %gather3A_1071 : vector<16xf32>
        %mul3A_1092 = arith.mulf %gather3A_1026, %gather3A_1074 : vector<16xf32>
        %mul3A_1093 = arith.mulf %gather3A_1029, %gather3A_1077 : vector<16xf32>
        %add3A_1094 = arith.addf %mul3A_1078, %mul3A_1079 : vector<16xf32>
        %add3A_1095 = arith.addf %mul3A_1080, %mul3A_1081 : vector<16xf32>
        %add3A_1096 = arith.addf %mul3A_1082, %mul3A_1083 : vector<16xf32>
        %add3A_1097 = arith.addf %mul3A_1084, %mul3A_1085 : vector<16xf32>
        %add3A_1098 = arith.addf %mul3A_1086, %mul3A_1087 : vector<16xf32>
        %add3A_1099 = arith.addf %mul3A_1088, %mul3A_1089 : vector<16xf32>
        %add3A_1100 = arith.addf %mul3A_1090, %mul3A_1091 : vector<16xf32>
        %add3A_1101 = arith.addf %mul3A_1092, %mul3A_1093 : vector<16xf32>
        %add3A_1102 = arith.addf %add3A_1094, %add3A_1095 : vector<16xf32>
        %add3A_1103 = arith.addf %add3A_1096, %add3A_1097 : vector<16xf32>
        %add3A_1104 = arith.addf %add3A_1098, %add3A_1099 : vector<16xf32>
        %add3A_1105 = arith.addf %add3A_1100, %add3A_1101 : vector<16xf32>
        %add3A_1106 = arith.addf %add3A_1102, %add3A_1103 : vector<16xf32>
        %add3A_1107 = arith.addf %add3A_1104, %add3A_1105 : vector<16xf32>
        %add3A_1108 = arith.addf %add3A_1106, %add3A_1107 : vector<16xf32>
        %mul3A_1109 = arith.constant 2.500000e-01 : f32
        %mul3A_1110 = vector.broadcast %mul3A_1109 : f32 to vector<16xf32>
        %mul3A_1111 = arith.mulf %add3A_1108, %mul3A_1110 : vector<16xf32>
        %exp3A_1112 = math.exp %mul3A_1111 : vector<16xf32>
        %broadcast_in_dim3A_1113 = arith.constant 7 : i32
        %broadcast_in_dim3A_1114 = vector.broadcast %broadcast_in_dim3A_1113 : i32 to vector<16xi32>
        tpu.vector_store_idx %arg15[%add3A_52, %broadcast_in_dim3A_1114], %exp3A_1112 : memref<64x16xf32, #tpu.memory_space<vmem>>[vector<16xi32>, vector<16xi32>], vector<16xf32>,
        %broadcast_in_dim3A_1115 = arith.constant 128 : i32
        %broadcast_in_dim3A_1116 = vector.broadcast %broadcast_in_dim3A_1115 : i32 to vector<16xi32>
        %gather3A_1117 = tpu.vector_load_idx %arg13[%add3A_52, %broadcast_in_dim3A_1116] : memref<64x256xf32, #tpu.memory_space<vmem>>[vector<16xi32>, vector<16xi32>], vector<16xf32>,
        %broadcast_in_dim3A_1118 = arith.constant 129 : i32
        %broadcast_in_dim3A_1119 = vector.broadcast %broadcast_in_dim3A_1118 : i32 to vector<16xi32>
        %gather3A_1120 = tpu.vector_load_idx %arg13[%add3A_52, %broadcast_in_dim3A_1119] : memref<64x256xf32, #tpu.memory_space<vmem>>[vector<16xi32>, vector<16xi32>], vector<16xf32>,
        %broadcast_in_dim3A_1121 = arith.constant 130 : i32
        %broadcast_in_dim3A_1122 = vector.broadcast %broadcast_in_dim3A_1121 : i32 to vector<16xi32>
        %gather3A_1123 = tpu.vector_load_idx %arg13[%add3A_52, %broadcast_in_dim3A_1122] : memref<64x256xf32, #tpu.memory_space<vmem>>[vector<16xi32>, vector<16xi32>], vector<16xf32>,
        %broadcast_in_dim3A_1124 = arith.constant 131 : i32
        %broadcast_in_dim3A_1125 = vector.broadcast %broadcast_in_dim3A_1124 : i32 to vector<16xi32>
        %gather3A_1126 = tpu.vector_load_idx %arg13[%add3A_52, %broadcast_in_dim3A_1125] : memref<64x256xf32, #tpu.memory_space<vmem>>[vector<16xi32>, vector<16xi32>], vector<16xf32>,
        %broadcast_in_dim3A_1127 = arith.constant 132 : i32
        %broadcast_in_dim3A_1128 = vector.broadcast %broadcast_in_dim3A_1127 : i32 to vector<16xi32>
        %gather3A_1129 = tpu.vector_load_idx %arg13[%add3A_52, %broadcast_in_dim3A_1128] : memref<64x256xf32, #tpu.memory_space<vmem>>[vector<16xi32>, vector<16xi32>], vector<16xf32>,
        %broadcast_in_dim3A_1130 = arith.constant 133 : i32
        %broadcast_in_dim3A_1131 = vector.broadcast %broadcast_in_dim3A_1130 : i32 to vector<16xi32>
        %gather3A_1132 = tpu.vector_load_idx %arg13[%add3A_52, %broadcast_in_dim3A_1131] : memref<64x256xf32, #tpu.memory_space<vmem>>[vector<16xi32>, vector<16xi32>], vector<16xf32>,
        %broadcast_in_dim3A_1133 = arith.constant 134 : i32
        %broadcast_in_dim3A_1134 = vector.broadcast %broadcast_in_dim3A_1133 : i32 to vector<16xi32>
        %gather3A_1135 = tpu.vector_load_idx %arg13[%add3A_52, %broadcast_in_dim3A_1134] : memref<64x256xf32, #tpu.memory_space<vmem>>[vector<16xi32>, vector<16xi32>], vector<16xf32>,
        %broadcast_in_dim3A_1136 = arith.constant 135 : i32
        %broadcast_in_dim3A_1137 = vector.broadcast %broadcast_in_dim3A_1136 : i32 to vector<16xi32>
        %gather3A_1138 = tpu.vector_load_idx %arg13[%add3A_52, %broadcast_in_dim3A_1137] : memref<64x256xf32, #tpu.memory_space<vmem>>[vector<16xi32>, vector<16xi32>], vector<16xf32>,
        %broadcast_in_dim3A_1139 = arith.constant 136 : i32
        %broadcast_in_dim3A_1140 = vector.broadcast %broadcast_in_dim3A_1139 : i32 to vector<16xi32>
        %gather3A_1141 = tpu.vector_load_idx %arg13[%add3A_52, %broadcast_in_dim3A_1140] : memref<64x256xf32, #tpu.memory_space<vmem>>[vector<16xi32>, vector<16xi32>], vector<16xf32>,
        %broadcast_in_dim3A_1142 = arith.constant 137 : i32
        %broadcast_in_dim3A_1143 = vector.broadcast %broadcast_in_dim3A_1142 : i32 to vector<16xi32>
        %gather3A_1144 = tpu.vector_load_idx %arg13[%add3A_52, %broadcast_in_dim3A_1143] : memref<64x256xf32, #tpu.memory_space<vmem>>[vector<16xi32>, vector<16xi32>], vector<16xf32>,
        %broadcast_in_dim3A_1145 = arith.constant 138 : i32
        %broadcast_in_dim3A_1146 = vector.broadcast %broadcast_in_dim3A_1145 : i32 to vector<16xi32>
        %gather3A_1147 = tpu.vector_load_idx %arg13[%add3A_52, %broadcast_in_dim3A_1146] : memref<64x256xf32, #tpu.memory_space<vmem>>[vector<16xi32>, vector<16xi32>], vector<16xf32>,
        %broadcast_in_dim3A_1148 = arith.constant 139 : i32
        %broadcast_in_dim3A_1149 = vector.broadcast %broadcast_in_dim3A_1148 : i32 to vector<16xi32>
        %gather3A_1150 = tpu.vector_load_idx %arg13[%add3A_52, %broadcast_in_dim3A_1149] : memref<64x256xf32, #tpu.memory_space<vmem>>[vector<16xi32>, vector<16xi32>], vector<16xf32>,
        %broadcast_in_dim3A_1151 = arith.constant 140 : i32
        %broadcast_in_dim3A_1152 = vector.broadcast %broadcast_in_dim3A_1151 : i32 to vector<16xi32>
        %gather3A_1153 = tpu.vector_load_idx %arg13[%add3A_52, %broadcast_in_dim3A_1152] : memref<64x256xf32, #tpu.memory_space<vmem>>[vector<16xi32>, vector<16xi32>], vector<16xf32>,
        %broadcast_in_dim3A_1154 = arith.constant 141 : i32
        %broadcast_in_dim3A_1155 = vector.broadcast %broadcast_in_dim3A_1154 : i32 to vector<16xi32>
        %gather3A_1156 = tpu.vector_load_idx %arg13[%add3A_52, %broadcast_in_dim3A_1155] : memref<64x256xf32, #tpu.memory_space<vmem>>[vector<16xi32>, vector<16xi32>], vector<16xf32>,
        %broadcast_in_dim3A_1157 = arith.constant 142 : i32
        %broadcast_in_dim3A_1158 = vector.broadcast %broadcast_in_dim3A_1157 : i32 to vector<16xi32>
        %gather3A_1159 = tpu.vector_load_idx %arg13[%add3A_52, %broadcast_in_dim3A_1158] : memref<64x256xf32, #tpu.memory_space<vmem>>[vector<16xi32>, vector<16xi32>], vector<16xf32>,
        %broadcast_in_dim3A_1160 = arith.constant 143 : i32
        %broadcast_in_dim3A_1161 = vector.broadcast %broadcast_in_dim3A_1160 : i32 to vector<16xi32>
        %gather3A_1162 = tpu.vector_load_idx %arg13[%add3A_52, %broadcast_in_dim3A_1161] : memref<64x256xf32, #tpu.memory_space<vmem>>[vector<16xi32>, vector<16xi32>], vector<16xf32>,
        %mul3A_1163 = arith.mulf %gather3A_1117, %exp3A : vector<16xf32>
        %mul3A_1164 = arith.mulf %gather3A_1120, %exp3A : vector<16xf32>
        %mul3A_1165 = arith.mulf %gather3A_1123, %exp3A : vector<16xf32>
        %mul3A_1166 = arith.mulf %gather3A_1126, %exp3A : vector<16xf32>
        %mul3A_1167 = arith.mulf %gather3A_1129, %exp3A : vector<16xf32>
        %mul3A_1168 = arith.mulf %gather3A_1132, %exp3A : vector<16xf32>
        %mul3A_1169 = arith.mulf %gather3A_1135, %exp3A : vector<16xf32>
        %mul3A_1170 = arith.mulf %gather3A_1138, %exp3A : vector<16xf32>
        %mul3A_1171 = arith.mulf %gather3A_1141, %exp3A : vector<16xf32>
        %mul3A_1172 = arith.mulf %gather3A_1144, %exp3A : vector<16xf32>
        %mul3A_1173 = arith.mulf %gather3A_1147, %exp3A : vector<16xf32>
        %mul3A_1174 = arith.mulf %gather3A_1150, %exp3A : vector<16xf32>
        %mul3A_1175 = arith.mulf %gather3A_1153, %exp3A : vector<16xf32>
        %mul3A_1176 = arith.mulf %gather3A_1156, %exp3A : vector<16xf32>
        %mul3A_1177 = arith.mulf %gather3A_1159, %exp3A : vector<16xf32>
        %mul3A_1178 = arith.mulf %gather3A_1162, %exp3A : vector<16xf32>
        %broadcast_in_dim3A_1179 = arith.constant 0 : i32
        %broadcast_in_dim3A_1180 = vector.broadcast %broadcast_in_dim3A_1179 : i32 to vector<16xi32>
        tpu.vector_store_idx %arg14[%add3A_52, %broadcast_in_dim3A_1180], %mul3A_1163 : memref<64x128xf32, #tpu.memory_space<vmem>>[vector<16xi32>, vector<16xi32>], vector<16xf32>,
        %broadcast_in_dim3A_1181 = arith.constant 1 : i32
        %broadcast_in_dim3A_1182 = vector.broadcast %broadcast_in_dim3A_1181 : i32 to vector<16xi32>
        tpu.vector_store_idx %arg14[%add3A_52, %broadcast_in_dim3A_1182], %mul3A_1164 : memref<64x128xf32, #tpu.memory_space<vmem>>[vector<16xi32>, vector<16xi32>], vector<16xf32>,
        %broadcast_in_dim3A_1183 = arith.constant 2 : i32
        %broadcast_in_dim3A_1184 = vector.broadcast %broadcast_in_dim3A_1183 : i32 to vector<16xi32>
        tpu.vector_store_idx %arg14[%add3A_52, %broadcast_in_dim3A_1184], %mul3A_1165 : memref<64x128xf32, #tpu.memory_space<vmem>>[vector<16xi32>, vector<16xi32>], vector<16xf32>,
        %broadcast_in_dim3A_1185 = arith.constant 3 : i32
        %broadcast_in_dim3A_1186 = vector.broadcast %broadcast_in_dim3A_1185 : i32 to vector<16xi32>
        tpu.vector_store_idx %arg14[%add3A_52, %broadcast_in_dim3A_1186], %mul3A_1166 : memref<64x128xf32, #tpu.memory_space<vmem>>[vector<16xi32>, vector<16xi32>], vector<16xf32>,
        %broadcast_in_dim3A_1187 = arith.constant 4 : i32
        %broadcast_in_dim3A_1188 = vector.broadcast %broadcast_in_dim3A_1187 : i32 to vector<16xi32>
        tpu.vector_store_idx %arg14[%add3A_52, %broadcast_in_dim3A_1188], %mul3A_1167 : memref<64x128xf32, #tpu.memory_space<vmem>>[vector<16xi32>, vector<16xi32>], vector<16xf32>,
        %broadcast_in_dim3A_1189 = arith.constant 5 : i32
        %broadcast_in_dim3A_1190 = vector.broadcast %broadcast_in_dim3A_1189 : i32 to vector<16xi32>
        tpu.vector_store_idx %arg14[%add3A_52, %broadcast_in_dim3A_1190], %mul3A_1168 : memref<64x128xf32, #tpu.memory_space<vmem>>[vector<16xi32>, vector<16xi32>], vector<16xf32>,
        %broadcast_in_dim3A_1191 = arith.constant 6 : i32
        %broadcast_in_dim3A_1192 = vector.broadcast %broadcast_in_dim3A_1191 : i32 to vector<16xi32>
        tpu.vector_store_idx %arg14[%add3A_52, %broadcast_in_dim3A_1192], %mul3A_1169 : memref<64x128xf32, #tpu.memory_space<vmem>>[vector<16xi32>, vector<16xi32>], vector<16xf32>,
        %broadcast_in_dim3A_1193 = arith.constant 7 : i32
        %broadcast_in_dim3A_1194 = vector.broadcast %broadcast_in_dim3A_1193 : i32 to vector<16xi32>
        tpu.vector_store_idx %arg14[%add3A_52, %broadcast_in_dim3A_1194], %mul3A_1170 : memref<64x128xf32, #tpu.memory_space<vmem>>[vector<16xi32>, vector<16xi32>], vector<16xf32>,
        %broadcast_in_dim3A_1195 = arith.constant 8 : i32
        %broadcast_in_dim3A_1196 = vector.broadcast %broadcast_in_dim3A_1195 : i32 to vector<16xi32>
        tpu.vector_store_idx %arg14[%add3A_52, %broadcast_in_dim3A_1196], %mul3A_1171 : memref<64x128xf32, #tpu.memory_space<vmem>>[vector<16xi32>, vector<16xi32>], vector<16xf32>,
        %broadcast_in_dim3A_1197 = arith.constant 9 : i32
        %broadcast_in_dim3A_1198 = vector.broadcast %broadcast_in_dim3A_1197 : i32 to vector<16xi32>
        tpu.vector_store_idx %arg14[%add3A_52, %broadcast_in_dim3A_1198], %mul3A_1172 : memref<64x128xf32, #tpu.memory_space<vmem>>[vector<16xi32>, vector<16xi32>], vector<16xf32>,
        %broadcast_in_dim3A_1199 = arith.constant 10 : i32
        %broadcast_in_dim3A_1200 = vector.broadcast %broadcast_in_dim3A_1199 : i32 to vector<16xi32>
        tpu.vector_store_idx %arg14[%add3A_52, %broadcast_in_dim3A_1200], %mul3A_1173 : memref<64x128xf32, #tpu.memory_space<vmem>>[vector<16xi32>, vector<16xi32>], vector<16xf32>,
        %broadcast_in_dim3A_1201 = arith.constant 11 : i32
        %broadcast_in_dim3A_1202 = vector.broadcast %broadcast_in_dim3A_1201 : i32 to vector<16xi32>
        tpu.vector_store_idx %arg14[%add3A_52, %broadcast_in_dim3A_1202], %mul3A_1174 : memref<64x128xf32, #tpu.memory_space<vmem>>[vector<16xi32>, vector<16xi32>], vector<16xf32>,
        %broadcast_in_dim3A_1203 = arith.constant 12 : i32
        %broadcast_in_dim3A_1204 = vector.broadcast %broadcast_in_dim3A_1203 : i32 to vector<16xi32>
        tpu.vector_store_idx %arg14[%add3A_52, %broadcast_in_dim3A_1204], %mul3A_1175 : memref<64x128xf32, #tpu.memory_space<vmem>>[vector<16xi32>, vector<16xi32>], vector<16xf32>,
        %broadcast_in_dim3A_1205 = arith.constant 13 : i32
        %broadcast_in_dim3A_1206 = vector.broadcast %broadcast_in_dim3A_1205 : i32 to vector<16xi32>
        tpu.vector_store_idx %arg14[%add3A_52, %broadcast_in_dim3A_1206], %mul3A_1176 : memref<64x128xf32, #tpu.memory_space<vmem>>[vector<16xi32>, vector<16xi32>], vector<16xf32>,
        %broadcast_in_dim3A_1207 = arith.constant 14 : i32
        %broadcast_in_dim3A_1208 = vector.broadcast %broadcast_in_dim3A_1207 : i32 to vector<16xi32>
        tpu.vector_store_idx %arg14[%add3A_52, %broadcast_in_dim3A_1208], %mul3A_1177 : memref<64x128xf32, #tpu.memory_space<vmem>>[vector<16xi32>, vector<16xi32>], vector<16xf32>,
        %broadcast_in_dim3A_1209 = arith.constant 15 : i32
        %broadcast_in_dim3A_1210 = vector.broadcast %broadcast_in_dim3A_1209 : i32 to vector<16xi32>
        tpu.vector_store_idx %arg14[%add3A_52, %broadcast_in_dim3A_1210], %mul3A_1178 : memref<64x128xf32, #tpu.memory_space<vmem>>[vector<16xi32>, vector<16xi32>], vector<16xf32>,
        %broadcast_in_dim3A_1211 = arith.constant 144 : i32
        %broadcast_in_dim3A_1212 = vector.broadcast %broadcast_in_dim3A_1211 : i32 to vector<16xi32>
        %gather3A_1213 = tpu.vector_load_idx %arg13[%add3A_52, %broadcast_in_dim3A_1212] : memref<64x256xf32, #tpu.memory_space<vmem>>[vector<16xi32>, vector<16xi32>], vector<16xf32>,
        %broadcast_in_dim3A_1214 = arith.constant 145 : i32
        %broadcast_in_dim3A_1215 = vector.broadcast %broadcast_in_dim3A_1214 : i32 to vector<16xi32>
        %gather3A_1216 = tpu.vector_load_idx %arg13[%add3A_52, %broadcast_in_dim3A_1215] : memref<64x256xf32, #tpu.memory_space<vmem>>[vector<16xi32>, vector<16xi32>], vector<16xf32>,
        %broadcast_in_dim3A_1217 = arith.constant 146 : i32
        %broadcast_in_dim3A_1218 = vector.broadcast %broadcast_in_dim3A_1217 : i32 to vector<16xi32>
        %gather3A_1219 = tpu.vector_load_idx %arg13[%add3A_52, %broadcast_in_dim3A_1218] : memref<64x256xf32, #tpu.memory_space<vmem>>[vector<16xi32>, vector<16xi32>], vector<16xf32>,
        %broadcast_in_dim3A_1220 = arith.constant 147 : i32
        %broadcast_in_dim3A_1221 = vector.broadcast %broadcast_in_dim3A_1220 : i32 to vector<16xi32>
        %gather3A_1222 = tpu.vector_load_idx %arg13[%add3A_52, %broadcast_in_dim3A_1221] : memref<64x256xf32, #tpu.memory_space<vmem>>[vector<16xi32>, vector<16xi32>], vector<16xf32>,
        %broadcast_in_dim3A_1223 = arith.constant 148 : i32
        %broadcast_in_dim3A_1224 = vector.broadcast %broadcast_in_dim3A_1223 : i32 to vector<16xi32>
        %gather3A_1225 = tpu.vector_load_idx %arg13[%add3A_52, %broadcast_in_dim3A_1224] : memref<64x256xf32, #tpu.memory_space<vmem>>[vector<16xi32>, vector<16xi32>], vector<16xf32>,
        %broadcast_in_dim3A_1226 = arith.constant 149 : i32
        %broadcast_in_dim3A_1227 = vector.broadcast %broadcast_in_dim3A_1226 : i32 to vector<16xi32>
        %gather3A_1228 = tpu.vector_load_idx %arg13[%add3A_52, %broadcast_in_dim3A_1227] : memref<64x256xf32, #tpu.memory_space<vmem>>[vector<16xi32>, vector<16xi32>], vector<16xf32>,
        %broadcast_in_dim3A_1229 = arith.constant 150 : i32
        %broadcast_in_dim3A_1230 = vector.broadcast %broadcast_in_dim3A_1229 : i32 to vector<16xi32>
        %gather3A_1231 = tpu.vector_load_idx %arg13[%add3A_52, %broadcast_in_dim3A_1230] : memref<64x256xf32, #tpu.memory_space<vmem>>[vector<16xi32>, vector<16xi32>], vector<16xf32>,
        %broadcast_in_dim3A_1232 = arith.constant 151 : i32
        %broadcast_in_dim3A_1233 = vector.broadcast %broadcast_in_dim3A_1232 : i32 to vector<16xi32>
        %gather3A_1234 = tpu.vector_load_idx %arg13[%add3A_52, %broadcast_in_dim3A_1233] : memref<64x256xf32, #tpu.memory_space<vmem>>[vector<16xi32>, vector<16xi32>], vector<16xf32>,
        %broadcast_in_dim3A_1235 = arith.constant 152 : i32
        %broadcast_in_dim3A_1236 = vector.broadcast %broadcast_in_dim3A_1235 : i32 to vector<16xi32>
        %gather3A_1237 = tpu.vector_load_idx %arg13[%add3A_52, %broadcast_in_dim3A_1236] : memref<64x256xf32, #tpu.memory_space<vmem>>[vector<16xi32>, vector<16xi32>], vector<16xf32>,
        %broadcast_in_dim3A_1238 = arith.constant 153 : i32
        %broadcast_in_dim3A_1239 = vector.broadcast %broadcast_in_dim3A_1238 : i32 to vector<16xi32>
        %gather3A_1240 = tpu.vector_load_idx %arg13[%add3A_52, %broadcast_in_dim3A_1239] : memref<64x256xf32, #tpu.memory_space<vmem>>[vector<16xi32>, vector<16xi32>], vector<16xf32>,
        %broadcast_in_dim3A_1241 = arith.constant 154 : i32
        %broadcast_in_dim3A_1242 = vector.broadcast %broadcast_in_dim3A_1241 : i32 to vector<16xi32>
        %gather3A_1243 = tpu.vector_load_idx %arg13[%add3A_52, %broadcast_in_dim3A_1242] : memref<64x256xf32, #tpu.memory_space<vmem>>[vector<16xi32>, vector<16xi32>], vector<16xf32>,
        %broadcast_in_dim3A_1244 = arith.constant 155 : i32
        %broadcast_in_dim3A_1245 = vector.broadcast %broadcast_in_dim3A_1244 : i32 to vector<16xi32>
        %gather3A_1246 = tpu.vector_load_idx %arg13[%add3A_52, %broadcast_in_dim3A_1245] : memref<64x256xf32, #tpu.memory_space<vmem>>[vector<16xi32>, vector<16xi32>], vector<16xf32>,
        %broadcast_in_dim3A_1247 = arith.constant 156 : i32
        %broadcast_in_dim3A_1248 = vector.broadcast %broadcast_in_dim3A_1247 : i32 to vector<16xi32>
        %gather3A_1249 = tpu.vector_load_idx %arg13[%add3A_52, %broadcast_in_dim3A_1248] : memref<64x256xf32, #tpu.memory_space<vmem>>[vector<16xi32>, vector<16xi32>], vector<16xf32>,
        %broadcast_in_dim3A_1250 = arith.constant 157 : i32
        %broadcast_in_dim3A_1251 = vector.broadcast %broadcast_in_dim3A_1250 : i32 to vector<16xi32>
        %gather3A_1252 = tpu.vector_load_idx %arg13[%add3A_52, %broadcast_in_dim3A_1251] : memref<64x256xf32, #tpu.memory_space<vmem>>[vector<16xi32>, vector<16xi32>], vector<16xf32>,
        %broadcast_in_dim3A_1253 = arith.constant 158 : i32
        %broadcast_in_dim3A_1254 = vector.broadcast %broadcast_in_dim3A_1253 : i32 to vector<16xi32>
        %gather3A_1255 = tpu.vector_load_idx %arg13[%add3A_52, %broadcast_in_dim3A_1254] : memref<64x256xf32, #tpu.memory_space<vmem>>[vector<16xi32>, vector<16xi32>], vector<16xf32>,
        %broadcast_in_dim3A_1256 = arith.constant 159 : i32
        %broadcast_in_dim3A_1257 = vector.broadcast %broadcast_in_dim3A_1256 : i32 to vector<16xi32>
        %gather3A_1258 = tpu.vector_load_idx %arg13[%add3A_52, %broadcast_in_dim3A_1257] : memref<64x256xf32, #tpu.memory_space<vmem>>[vector<16xi32>, vector<16xi32>], vector<16xf32>,
        %mul3A_1259 = arith.mulf %gather3A_1213, %exp3A_314 : vector<16xf32>
        %mul3A_1260 = arith.mulf %gather3A_1216, %exp3A_314 : vector<16xf32>
        %mul3A_1261 = arith.mulf %gather3A_1219, %exp3A_314 : vector<16xf32>
        %mul3A_1262 = arith.mulf %gather3A_1222, %exp3A_314 : vector<16xf32>
        %mul3A_1263 = arith.mulf %gather3A_1225, %exp3A_314 : vector<16xf32>
        %mul3A_1264 = arith.mulf %gather3A_1228, %exp3A_314 : vector<16xf32>
        %mul3A_1265 = arith.mulf %gather3A_1231, %exp3A_314 : vector<16xf32>
        %mul3A_1266 = arith.mulf %gather3A_1234, %exp3A_314 : vector<16xf32>
        %mul3A_1267 = arith.mulf %gather3A_1237, %exp3A_314 : vector<16xf32>
        %mul3A_1268 = arith.mulf %gather3A_1240, %exp3A_314 : vector<16xf32>
        %mul3A_1269 = arith.mulf %gather3A_1243, %exp3A_314 : vector<16xf32>
        %mul3A_1270 = arith.mulf %gather3A_1246, %exp3A_314 : vector<16xf32>
        %mul3A_1271 = arith.mulf %gather3A_1249, %exp3A_314 : vector<16xf32>
        %mul3A_1272 = arith.mulf %gather3A_1252, %exp3A_314 : vector<16xf32>
        %mul3A_1273 = arith.mulf %gather3A_1255, %exp3A_314 : vector<16xf32>
        %mul3A_1274 = arith.mulf %gather3A_1258, %exp3A_314 : vector<16xf32>
        %broadcast_in_dim3A_1275 = arith.constant 16 : i32
        %broadcast_in_dim3A_1276 = vector.broadcast %broadcast_in_dim3A_1275 : i32 to vector<16xi32>
        tpu.vector_store_idx %arg14[%add3A_52, %broadcast_in_dim3A_1276], %mul3A_1259 : memref<64x128xf32, #tpu.memory_space<vmem>>[vector<16xi32>, vector<16xi32>], vector<16xf32>,
        %broadcast_in_dim3A_1277 = arith.constant 17 : i32
        %broadcast_in_dim3A_1278 = vector.broadcast %broadcast_in_dim3A_1277 : i32 to vector<16xi32>
        tpu.vector_store_idx %arg14[%add3A_52, %broadcast_in_dim3A_1278], %mul3A_1260 : memref<64x128xf32, #tpu.memory_space<vmem>>[vector<16xi32>, vector<16xi32>], vector<16xf32>,
        %broadcast_in_dim3A_1279 = arith.constant 18 : i32
        %broadcast_in_dim3A_1280 = vector.broadcast %broadcast_in_dim3A_1279 : i32 to vector<16xi32>
        tpu.vector_store_idx %arg14[%add3A_52, %broadcast_in_dim3A_1280], %mul3A_1261 : memref<64x128xf32, #tpu.memory_space<vmem>>[vector<16xi32>, vector<16xi32>], vector<16xf32>,
        %broadcast_in_dim3A_1281 = arith.constant 19 : i32
        %broadcast_in_dim3A_1282 = vector.broadcast %broadcast_in_dim3A_1281 : i32 to vector<16xi32>
        tpu.vector_store_idx %arg14[%add3A_52, %broadcast_in_dim3A_1282], %mul3A_1262 : memref<64x128xf32, #tpu.memory_space<vmem>>[vector<16xi32>, vector<16xi32>], vector<16xf32>,
        %broadcast_in_dim3A_1283 = arith.constant 20 : i32
        %broadcast_in_dim3A_1284 = vector.broadcast %broadcast_in_dim3A_1283 : i32 to vector<16xi32>
        tpu.vector_store_idx %arg14[%add3A_52, %broadcast_in_dim3A_1284], %mul3A_1263 : memref<64x128xf32, #tpu.memory_space<vmem>>[vector<16xi32>, vector<16xi32>], vector<16xf32>,
        %broadcast_in_dim3A_1285 = arith.constant 21 : i32
        %broadcast_in_dim3A_1286 = vector.broadcast %broadcast_in_dim3A_1285 : i32 to vector<16xi32>
        tpu.vector_store_idx %arg14[%add3A_52, %broadcast_in_dim3A_1286], %mul3A_1264 : memref<64x128xf32, #tpu.memory_space<vmem>>[vector<16xi32>, vector<16xi32>], vector<16xf32>,
        %broadcast_in_dim3A_1287 = arith.constant 22 : i32
        %broadcast_in_dim3A_1288 = vector.broadcast %broadcast_in_dim3A_1287 : i32 to vector<16xi32>
        tpu.vector_store_idx %arg14[%add3A_52, %broadcast_in_dim3A_1288], %mul3A_1265 : memref<64x128xf32, #tpu.memory_space<vmem>>[vector<16xi32>, vector<16xi32>], vector<16xf32>,
        %broadcast_in_dim3A_1289 = arith.constant 23 : i32
        %broadcast_in_dim3A_1290 = vector.broadcast %broadcast_in_dim3A_1289 : i32 to vector<16xi32>
        tpu.vector_store_idx %arg14[%add3A_52, %broadcast_in_dim3A_1290], %mul3A_1266 : memref<64x128xf32, #tpu.memory_space<vmem>>[vector<16xi32>, vector<16xi32>], vector<16xf32>,
        %broadcast_in_dim3A_1291 = arith.constant 24 : i32
        %broadcast_in_dim3A_1292 = vector.broadcast %broadcast_in_dim3A_1291 : i32 to vector<16xi32>
        tpu.vector_store_idx %arg14[%add3A_52, %broadcast_in_dim3A_1292], %mul3A_1267 : memref<64x128xf32, #tpu.memory_space<vmem>>[vector<16xi32>, vector<16xi32>], vector<16xf32>,
        %broadcast_in_dim3A_1293 = arith.constant 25 : i32
        %broadcast_in_dim3A_1294 = vector.broadcast %broadcast_in_dim3A_1293 : i32 to vector<16xi32>
        tpu.vector_store_idx %arg14[%add3A_52, %broadcast_in_dim3A_1294], %mul3A_1268 : memref<64x128xf32, #tpu.memory_space<vmem>>[vector<16xi32>, vector<16xi32>], vector<16xf32>,
        %broadcast_in_dim3A_1295 = arith.constant 26 : i32
        %broadcast_in_dim3A_1296 = vector.broadcast %broadcast_in_dim3A_1295 : i32 to vector<16xi32>
        tpu.vector_store_idx %arg14[%add3A_52, %broadcast_in_dim3A_1296], %mul3A_1269 : memref<64x128xf32, #tpu.memory_space<vmem>>[vector<16xi32>, vector<16xi32>], vector<16xf32>,
        %broadcast_in_dim3A_1297 = arith.constant 27 : i32
        %broadcast_in_dim3A_1298 = vector.broadcast %broadcast_in_dim3A_1297 : i32 to vector<16xi32>
        tpu.vector_store_idx %arg14[%add3A_52, %broadcast_in_dim3A_1298], %mul3A_1270 : memref<64x128xf32, #tpu.memory_space<vmem>>[vector<16xi32>, vector<16xi32>], vector<16xf32>,
        %broadcast_in_dim3A_1299 = arith.constant 28 : i32
        %broadcast_in_dim3A_1300 = vector.broadcast %broadcast_in_dim3A_1299 : i32 to vector<16xi32>
        tpu.vector_store_idx %arg14[%add3A_52, %broadcast_in_dim3A_1300], %mul3A_1271 : memref<64x128xf32, #tpu.memory_space<vmem>>[vector<16xi32>, vector<16xi32>], vector<16xf32>,
        %broadcast_in_dim3A_1301 = arith.constant 29 : i32
        %broadcast_in_dim3A_1302 = vector.broadcast %broadcast_in_dim3A_1301 : i32 to vector<16xi32>
        tpu.vector_store_idx %arg14[%add3A_52, %broadcast_in_dim3A_1302], %mul3A_1272 : memref<64x128xf32, #tpu.memory_space<vmem>>[vector<16xi32>, vector<16xi32>], vector<16xf32>,
        %broadcast_in_dim3A_1303 = arith.constant 30 : i32
        %broadcast_in_dim3A_1304 = vector.broadcast %broadcast_in_dim3A_1303 : i32 to vector<16xi32>
        tpu.vector_store_idx %arg14[%add3A_52, %broadcast_in_dim3A_1304], %mul3A_1273 : memref<64x128xf32, #tpu.memory_space<vmem>>[vector<16xi32>, vector<16xi32>], vector<16xf32>,
        %broadcast_in_dim3A_1305 = arith.constant 31 : i32
        %broadcast_in_dim3A_1306 = vector.broadcast %broadcast_in_dim3A_1305 : i32 to vector<16xi32>
        tpu.vector_store_idx %arg14[%add3A_52, %broadcast_in_dim3A_1306], %mul3A_1274 : memref<64x128xf32, #tpu.memory_space<vmem>>[vector<16xi32>, vector<16xi32>], vector<16xf32>,
        %broadcast_in_dim3A_1307 = arith.constant 160 : i32
        %broadcast_in_dim3A_1308 = vector.broadcast %broadcast_in_dim3A_1307 : i32 to vector<16xi32>
        %gather3A_1309 = tpu.vector_load_idx %arg13[%add3A_52, %broadcast_in_dim3A_1308] : memref<64x256xf32, #tpu.memory_space<vmem>>[vector<16xi32>, vector<16xi32>], vector<16xf32>,
        %broadcast_in_dim3A_1310 = arith.constant 161 : i32
        %broadcast_in_dim3A_1311 = vector.broadcast %broadcast_in_dim3A_1310 : i32 to vector<16xi32>
        %gather3A_1312 = tpu.vector_load_idx %arg13[%add3A_52, %broadcast_in_dim3A_1311] : memref<64x256xf32, #tpu.memory_space<vmem>>[vector<16xi32>, vector<16xi32>], vector<16xf32>,
        %broadcast_in_dim3A_1313 = arith.constant 162 : i32
        %broadcast_in_dim3A_1314 = vector.broadcast %broadcast_in_dim3A_1313 : i32 to vector<16xi32>
        %gather3A_1315 = tpu.vector_load_idx %arg13[%add3A_52, %broadcast_in_dim3A_1314] : memref<64x256xf32, #tpu.memory_space<vmem>>[vector<16xi32>, vector<16xi32>], vector<16xf32>,
        %broadcast_in_dim3A_1316 = arith.constant 163 : i32
        %broadcast_in_dim3A_1317 = vector.broadcast %broadcast_in_dim3A_1316 : i32 to vector<16xi32>
        %gather3A_1318 = tpu.vector_load_idx %arg13[%add3A_52, %broadcast_in_dim3A_1317] : memref<64x256xf32, #tpu.memory_space<vmem>>[vector<16xi32>, vector<16xi32>], vector<16xf32>,
        %broadcast_in_dim3A_1319 = arith.constant 164 : i32
        %broadcast_in_dim3A_1320 = vector.broadcast %broadcast_in_dim3A_1319 : i32 to vector<16xi32>
        %gather3A_1321 = tpu.vector_load_idx %arg13[%add3A_52, %broadcast_in_dim3A_1320] : memref<64x256xf32, #tpu.memory_space<vmem>>[vector<16xi32>, vector<16xi32>], vector<16xf32>,
        %broadcast_in_dim3A_1322 = arith.constant 165 : i32
        %broadcast_in_dim3A_1323 = vector.broadcast %broadcast_in_dim3A_1322 : i32 to vector<16xi32>
        %gather3A_1324 = tpu.vector_load_idx %arg13[%add3A_52, %broadcast_in_dim3A_1323] : memref<64x256xf32, #tpu.memory_space<vmem>>[vector<16xi32>, vector<16xi32>], vector<16xf32>,
        %broadcast_in_dim3A_1325 = arith.constant 166 : i32
        %broadcast_in_dim3A_1326 = vector.broadcast %broadcast_in_dim3A_1325 : i32 to vector<16xi32>
        %gather3A_1327 = tpu.vector_load_idx %arg13[%add3A_52, %broadcast_in_dim3A_1326] : memref<64x256xf32, #tpu.memory_space<vmem>>[vector<16xi32>, vector<16xi32>], vector<16xf32>,
        %broadcast_in_dim3A_1328 = arith.constant 167 : i32
        %broadcast_in_dim3A_1329 = vector.broadcast %broadcast_in_dim3A_1328 : i32 to vector<16xi32>
        %gather3A_1330 = tpu.vector_load_idx %arg13[%add3A_52, %broadcast_in_dim3A_1329] : memref<64x256xf32, #tpu.memory_space<vmem>>[vector<16xi32>, vector<16xi32>], vector<16xf32>,
        %broadcast_in_dim3A_1331 = arith.constant 168 : i32
        %broadcast_in_dim3A_1332 = vector.broadcast %broadcast_in_dim3A_1331 : i32 to vector<16xi32>
        %gather3A_1333 = tpu.vector_load_idx %arg13[%add3A_52, %broadcast_in_dim3A_1332] : memref<64x256xf32, #tpu.memory_space<vmem>>[vector<16xi32>, vector<16xi32>], vector<16xf32>,
        %broadcast_in_dim3A_1334 = arith.constant 169 : i32
        %broadcast_in_dim3A_1335 = vector.broadcast %broadcast_in_dim3A_1334 : i32 to vector<16xi32>
        %gather3A_1336 = tpu.vector_load_idx %arg13[%add3A_52, %broadcast_in_dim3A_1335] : memref<64x256xf32, #tpu.memory_space<vmem>>[vector<16xi32>, vector<16xi32>], vector<16xf32>,
        %broadcast_in_dim3A_1337 = arith.constant 170 : i32
        %broadcast_in_dim3A_1338 = vector.broadcast %broadcast_in_dim3A_1337 : i32 to vector<16xi32>
        %gather3A_1339 = tpu.vector_load_idx %arg13[%add3A_52, %broadcast_in_dim3A_1338] : memref<64x256xf32, #tpu.memory_space<vmem>>[vector<16xi32>, vector<16xi32>], vector<16xf32>,
        %broadcast_in_dim3A_1340 = arith.constant 171 : i32
        %broadcast_in_dim3A_1341 = vector.broadcast %broadcast_in_dim3A_1340 : i32 to vector<16xi32>
        %gather3A_1342 = tpu.vector_load_idx %arg13[%add3A_52, %broadcast_in_dim3A_1341] : memref<64x256xf32, #tpu.memory_space<vmem>>[vector<16xi32>, vector<16xi32>], vector<16xf32>,
        %broadcast_in_dim3A_1343 = arith.constant 172 : i32
        %broadcast_in_dim3A_1344 = vector.broadcast %broadcast_in_dim3A_1343 : i32 to vector<16xi32>
        %gather3A_1345 = tpu.vector_load_idx %arg13[%add3A_52, %broadcast_in_dim3A_1344] : memref<64x256xf32, #tpu.memory_space<vmem>>[vector<16xi32>, vector<16xi32>], vector<16xf32>,
        %broadcast_in_dim3A_1346 = arith.constant 173 : i32
        %broadcast_in_dim3A_1347 = vector.broadcast %broadcast_in_dim3A_1346 : i32 to vector<16xi32>
        %gather3A_1348 = tpu.vector_load_idx %arg13[%add3A_52, %broadcast_in_dim3A_1347] : memref<64x256xf32, #tpu.memory_space<vmem>>[vector<16xi32>, vector<16xi32>], vector<16xf32>,
        %broadcast_in_dim3A_1349 = arith.constant 174 : i32
        %broadcast_in_dim3A_1350 = vector.broadcast %broadcast_in_dim3A_1349 : i32 to vector<16xi32>
        %gather3A_1351 = tpu.vector_load_idx %arg13[%add3A_52, %broadcast_in_dim3A_1350] : memref<64x256xf32, #tpu.memory_space<vmem>>[vector<16xi32>, vector<16xi32>], vector<16xf32>,
        %broadcast_in_dim3A_1352 = arith.constant 175 : i32
        %broadcast_in_dim3A_1353 = vector.broadcast %broadcast_in_dim3A_1352 : i32 to vector<16xi32>
        %gather3A_1354 = tpu.vector_load_idx %arg13[%add3A_52, %broadcast_in_dim3A_1353] : memref<64x256xf32, #tpu.memory_space<vmem>>[vector<16xi32>, vector<16xi32>], vector<16xf32>,
        %mul3A_1355 = arith.mulf %gather3A_1309, %exp3A_447 : vector<16xf32>
        %mul3A_1356 = arith.mulf %gather3A_1312, %exp3A_447 : vector<16xf32>
        %mul3A_1357 = arith.mulf %gather3A_1315, %exp3A_447 : vector<16xf32>
        %mul3A_1358 = arith.mulf %gather3A_1318, %exp3A_447 : vector<16xf32>
        %mul3A_1359 = arith.mulf %gather3A_1321, %exp3A_447 : vector<16xf32>
        %mul3A_1360 = arith.mulf %gather3A_1324, %exp3A_447 : vector<16xf32>
        %mul3A_1361 = arith.mulf %gather3A_1327, %exp3A_447 : vector<16xf32>
        %mul3A_1362 = arith.mulf %gather3A_1330, %exp3A_447 : vector<16xf32>
        %mul3A_1363 = arith.mulf %gather3A_1333, %exp3A_447 : vector<16xf32>
        %mul3A_1364 = arith.mulf %gather3A_1336, %exp3A_447 : vector<16xf32>
        %mul3A_1365 = arith.mulf %gather3A_1339, %exp3A_447 : vector<16xf32>
        %mul3A_1366 = arith.mulf %gather3A_1342, %exp3A_447 : vector<16xf32>
        %mul3A_1367 = arith.mulf %gather3A_1345, %exp3A_447 : vector<16xf32>
        %mul3A_1368 = arith.mulf %gather3A_1348, %exp3A_447 : vector<16xf32>
        %mul3A_1369 = arith.mulf %gather3A_1351, %exp3A_447 : vector<16xf32>
        %mul3A_1370 = arith.mulf %gather3A_1354, %exp3A_447 : vector<16xf32>
        %broadcast_in_dim3A_1371 = arith.constant 32 : i32
        %broadcast_in_dim3A_1372 = vector.broadcast %broadcast_in_dim3A_1371 : i32 to vector<16xi32>
        tpu.vector_store_idx %arg14[%add3A_52, %broadcast_in_dim3A_1372], %mul3A_1355 : memref<64x128xf32, #tpu.memory_space<vmem>>[vector<16xi32>, vector<16xi32>], vector<16xf32>,
        %broadcast_in_dim3A_1373 = arith.constant 33 : i32
        %broadcast_in_dim3A_1374 = vector.broadcast %broadcast_in_dim3A_1373 : i32 to vector<16xi32>
        tpu.vector_store_idx %arg14[%add3A_52, %broadcast_in_dim3A_1374], %mul3A_1356 : memref<64x128xf32, #tpu.memory_space<vmem>>[vector<16xi32>, vector<16xi32>], vector<16xf32>,
        %broadcast_in_dim3A_1375 = arith.constant 34 : i32
        %broadcast_in_dim3A_1376 = vector.broadcast %broadcast_in_dim3A_1375 : i32 to vector<16xi32>
        tpu.vector_store_idx %arg14[%add3A_52, %broadcast_in_dim3A_1376], %mul3A_1357 : memref<64x128xf32, #tpu.memory_space<vmem>>[vector<16xi32>, vector<16xi32>], vector<16xf32>,
        %broadcast_in_dim3A_1377 = arith.constant 35 : i32
        %broadcast_in_dim3A_1378 = vector.broadcast %broadcast_in_dim3A_1377 : i32 to vector<16xi32>
        tpu.vector_store_idx %arg14[%add3A_52, %broadcast_in_dim3A_1378], %mul3A_1358 : memref<64x128xf32, #tpu.memory_space<vmem>>[vector<16xi32>, vector<16xi32>], vector<16xf32>,
        %broadcast_in_dim3A_1379 = arith.constant 36 : i32
        %broadcast_in_dim3A_1380 = vector.broadcast %broadcast_in_dim3A_1379 : i32 to vector<16xi32>
        tpu.vector_store_idx %arg14[%add3A_52, %broadcast_in_dim3A_1380], %mul3A_1359 : memref<64x128xf32, #tpu.memory_space<vmem>>[vector<16xi32>, vector<16xi32>], vector<16xf32>,
        %broadcast_in_dim3A_1381 = arith.constant 37 : i32
        %broadcast_in_dim3A_1382 = vector.broadcast %broadcast_in_dim3A_1381 : i32 to vector<16xi32>
        tpu.vector_store_idx %arg14[%add3A_52, %broadcast_in_dim3A_1382], %mul3A_1360 : memref<64x128xf32, #tpu.memory_space<vmem>>[vector<16xi32>, vector<16xi32>], vector<16xf32>,
        %broadcast_in_dim3A_1383 = arith.constant 38 : i32
        %broadcast_in_dim3A_1384 = vector.broadcast %broadcast_in_dim3A_1383 : i32 to vector<16xi32>
        tpu.vector_store_idx %arg14[%add3A_52, %broadcast_in_dim3A_1384], %mul3A_1361 : memref<64x128xf32, #tpu.memory_space<vmem>>[vector<16xi32>, vector<16xi32>], vector<16xf32>,
        %broadcast_in_dim3A_1385 = arith.constant 39 : i32
        %broadcast_in_dim3A_1386 = vector.broadcast %broadcast_in_dim3A_1385 : i32 to vector<16xi32>
        tpu.vector_store_idx %arg14[%add3A_52, %broadcast_in_dim3A_1386], %mul3A_1362 : memref<64x128xf32, #tpu.memory_space<vmem>>[vector<16xi32>, vector<16xi32>], vector<16xf32>,
        %broadcast_in_dim3A_1387 = arith.constant 40 : i32
        %broadcast_in_dim3A_1388 = vector.broadcast %broadcast_in_dim3A_1387 : i32 to vector<16xi32>
        tpu.vector_store_idx %arg14[%add3A_52, %broadcast_in_dim3A_1388], %mul3A_1363 : memref<64x128xf32, #tpu.memory_space<vmem>>[vector<16xi32>, vector<16xi32>], vector<16xf32>,
        %broadcast_in_dim3A_1389 = arith.constant 41 : i32
        %broadcast_in_dim3A_1390 = vector.broadcast %broadcast_in_dim3A_1389 : i32 to vector<16xi32>
        tpu.vector_store_idx %arg14[%add3A_52, %broadcast_in_dim3A_1390], %mul3A_1364 : memref<64x128xf32, #tpu.memory_space<vmem>>[vector<16xi32>, vector<16xi32>], vector<16xf32>,
        %broadcast_in_dim3A_1391 = arith.constant 42 : i32
        %broadcast_in_dim3A_1392 = vector.broadcast %broadcast_in_dim3A_1391 : i32 to vector<16xi32>
        tpu.vector_store_idx %arg14[%add3A_52, %broadcast_in_dim3A_1392], %mul3A_1365 : memref<64x128xf32, #tpu.memory_space<vmem>>[vector<16xi32>, vector<16xi32>], vector<16xf32>,
        %broadcast_in_dim3A_1393 = arith.constant 43 : i32
        %broadcast_in_dim3A_1394 = vector.broadcast %broadcast_in_dim3A_1393 : i32 to vector<16xi32>
        tpu.vector_store_idx %arg14[%add3A_52, %broadcast_in_dim3A_1394], %mul3A_1366 : memref<64x128xf32, #tpu.memory_space<vmem>>[vector<16xi32>, vector<16xi32>], vector<16xf32>,
        %broadcast_in_dim3A_1395 = arith.constant 44 : i32
        %broadcast_in_dim3A_1396 = vector.broadcast %broadcast_in_dim3A_1395 : i32 to vector<16xi32>
        tpu.vector_store_idx %arg14[%add3A_52, %broadcast_in_dim3A_1396], %mul3A_1367 : memref<64x128xf32, #tpu.memory_space<vmem>>[vector<16xi32>, vector<16xi32>], vector<16xf32>,
        %broadcast_in_dim3A_1397 = arith.constant 45 : i32
        %broadcast_in_dim3A_1398 = vector.broadcast %broadcast_in_dim3A_1397 : i32 to vector<16xi32>
        tpu.vector_store_idx %arg14[%add3A_52, %broadcast_in_dim3A_1398], %mul3A_1368 : memref<64x128xf32, #tpu.memory_space<vmem>>[vector<16xi32>, vector<16xi32>], vector<16xf32>,
        %broadcast_in_dim3A_1399 = arith.constant 46 : i32
        %broadcast_in_dim3A_1400 = vector.broadcast %broadcast_in_dim3A_1399 : i32 to vector<16xi32>
        tpu.vector_store_idx %arg14[%add3A_52, %broadcast_in_dim3A_1400], %mul3A_1369 : memref<64x128xf32, #tpu.memory_space<vmem>>[vector<16xi32>, vector<16xi32>], vector<16xf32>,
        %broadcast_in_dim3A_1401 = arith.constant 47 : i32
        %broadcast_in_dim3A_1402 = vector.broadcast %broadcast_in_dim3A_1401 : i32 to vector<16xi32>
        tpu.vector_store_idx %arg14[%add3A_52, %broadcast_in_dim3A_1402], %mul3A_1370 : memref<64x128xf32, #tpu.memory_space<vmem>>[vector<16xi32>, vector<16xi32>], vector<16xf32>,
        %broadcast_in_dim3A_1403 = arith.constant 176 : i32
        %broadcast_in_dim3A_1404 = vector.broadcast %broadcast_in_dim3A_1403 : i32 to vector<16xi32>
        %gather3A_1405 = tpu.vector_load_idx %arg13[%add3A_52, %broadcast_in_dim3A_1404] : memref<64x256xf32, #tpu.memory_space<vmem>>[vector<16xi32>, vector<16xi32>], vector<16xf32>,
        %broadcast_in_dim3A_1406 = arith.constant 177 : i32
        %broadcast_in_dim3A_1407 = vector.broadcast %broadcast_in_dim3A_1406 : i32 to vector<16xi32>
        %gather3A_1408 = tpu.vector_load_idx %arg13[%add3A_52, %broadcast_in_dim3A_1407] : memref<64x256xf32, #tpu.memory_space<vmem>>[vector<16xi32>, vector<16xi32>], vector<16xf32>,
        %broadcast_in_dim3A_1409 = arith.constant 178 : i32
        %broadcast_in_dim3A_1410 = vector.broadcast %broadcast_in_dim3A_1409 : i32 to vector<16xi32>
        %gather3A_1411 = tpu.vector_load_idx %arg13[%add3A_52, %broadcast_in_dim3A_1410] : memref<64x256xf32, #tpu.memory_space<vmem>>[vector<16xi32>, vector<16xi32>], vector<16xf32>,
        %broadcast_in_dim3A_1412 = arith.constant 179 : i32
        %broadcast_in_dim3A_1413 = vector.broadcast %broadcast_in_dim3A_1412 : i32 to vector<16xi32>
        %gather3A_1414 = tpu.vector_load_idx %arg13[%add3A_52, %broadcast_in_dim3A_1413] : memref<64x256xf32, #tpu.memory_space<vmem>>[vector<16xi32>, vector<16xi32>], vector<16xf32>,
        %broadcast_in_dim3A_1415 = arith.constant 180 : i32
        %broadcast_in_dim3A_1416 = vector.broadcast %broadcast_in_dim3A_1415 : i32 to vector<16xi32>
        %gather3A_1417 = tpu.vector_load_idx %arg13[%add3A_52, %broadcast_in_dim3A_1416] : memref<64x256xf32, #tpu.memory_space<vmem>>[vector<16xi32>, vector<16xi32>], vector<16xf32>,
        %broadcast_in_dim3A_1418 = arith.constant 181 : i32
        %broadcast_in_dim3A_1419 = vector.broadcast %broadcast_in_dim3A_1418 : i32 to vector<16xi32>
        %gather3A_1420 = tpu.vector_load_idx %arg13[%add3A_52, %broadcast_in_dim3A_1419] : memref<64x256xf32, #tpu.memory_space<vmem>>[vector<16xi32>, vector<16xi32>], vector<16xf32>,
        %broadcast_in_dim3A_1421 = arith.constant 182 : i32
        %broadcast_in_dim3A_1422 = vector.broadcast %broadcast_in_dim3A_1421 : i32 to vector<16xi32>
        %gather3A_1423 = tpu.vector_load_idx %arg13[%add3A_52, %broadcast_in_dim3A_1422] : memref<64x256xf32, #tpu.memory_space<vmem>>[vector<16xi32>, vector<16xi32>], vector<16xf32>,
        %broadcast_in_dim3A_1424 = arith.constant 183 : i32
        %broadcast_in_dim3A_1425 = vector.broadcast %broadcast_in_dim3A_1424 : i32 to vector<16xi32>
        %gather3A_1426 = tpu.vector_load_idx %arg13[%add3A_52, %broadcast_in_dim3A_1425] : memref<64x256xf32, #tpu.memory_space<vmem>>[vector<16xi32>, vector<16xi32>], vector<16xf32>,
        %broadcast_in_dim3A_1427 = arith.constant 184 : i32
        %broadcast_in_dim3A_1428 = vector.broadcast %broadcast_in_dim3A_1427 : i32 to vector<16xi32>
        %gather3A_1429 = tpu.vector_load_idx %arg13[%add3A_52, %broadcast_in_dim3A_1428] : memref<64x256xf32, #tpu.memory_space<vmem>>[vector<16xi32>, vector<16xi32>], vector<16xf32>,
        %broadcast_in_dim3A_1430 = arith.constant 185 : i32
        %broadcast_in_dim3A_1431 = vector.broadcast %broadcast_in_dim3A_1430 : i32 to vector<16xi32>
        %gather3A_1432 = tpu.vector_load_idx %arg13[%add3A_52, %broadcast_in_dim3A_1431] : memref<64x256xf32, #tpu.memory_space<vmem>>[vector<16xi32>, vector<16xi32>], vector<16xf32>,
        %broadcast_in_dim3A_1433 = arith.constant 186 : i32
        %broadcast_in_dim3A_1434 = vector.broadcast %broadcast_in_dim3A_1433 : i32 to vector<16xi32>
        %gather3A_1435 = tpu.vector_load_idx %arg13[%add3A_52, %broadcast_in_dim3A_1434] : memref<64x256xf32, #tpu.memory_space<vmem>>[vector<16xi32>, vector<16xi32>], vector<16xf32>,
        %broadcast_in_dim3A_1436 = arith.constant 187 : i32
        %broadcast_in_dim3A_1437 = vector.broadcast %broadcast_in_dim3A_1436 : i32 to vector<16xi32>
        %gather3A_1438 = tpu.vector_load_idx %arg13[%add3A_52, %broadcast_in_dim3A_1437] : memref<64x256xf32, #tpu.memory_space<vmem>>[vector<16xi32>, vector<16xi32>], vector<16xf32>,
        %broadcast_in_dim3A_1439 = arith.constant 188 : i32
        %broadcast_in_dim3A_1440 = vector.broadcast %broadcast_in_dim3A_1439 : i32 to vector<16xi32>
        %gather3A_1441 = tpu.vector_load_idx %arg13[%add3A_52, %broadcast_in_dim3A_1440] : memref<64x256xf32, #tpu.memory_space<vmem>>[vector<16xi32>, vector<16xi32>], vector<16xf32>,
        %broadcast_in_dim3A_1442 = arith.constant 189 : i32
        %broadcast_in_dim3A_1443 = vector.broadcast %broadcast_in_dim3A_1442 : i32 to vector<16xi32>
        %gather3A_1444 = tpu.vector_load_idx %arg13[%add3A_52, %broadcast_in_dim3A_1443] : memref<64x256xf32, #tpu.memory_space<vmem>>[vector<16xi32>, vector<16xi32>], vector<16xf32>,
        %broadcast_in_dim3A_1445 = arith.constant 190 : i32
        %broadcast_in_dim3A_1446 = vector.broadcast %broadcast_in_dim3A_1445 : i32 to vector<16xi32>
        %gather3A_1447 = tpu.vector_load_idx %arg13[%add3A_52, %broadcast_in_dim3A_1446] : memref<64x256xf32, #tpu.memory_space<vmem>>[vector<16xi32>, vector<16xi32>], vector<16xf32>,
        %broadcast_in_dim3A_1448 = arith.constant 191 : i32
        %broadcast_in_dim3A_1449 = vector.broadcast %broadcast_in_dim3A_1448 : i32 to vector<16xi32>
        %gather3A_1450 = tpu.vector_load_idx %arg13[%add3A_52, %broadcast_in_dim3A_1449] : memref<64x256xf32, #tpu.memory_space<vmem>>[vector<16xi32>, vector<16xi32>], vector<16xf32>,
        %mul3A_1451 = arith.mulf %gather3A_1405, %exp3A_580 : vector<16xf32>
        %mul3A_1452 = arith.mulf %gather3A_1408, %exp3A_580 : vector<16xf32>
        %mul3A_1453 = arith.mulf %gather3A_1411, %exp3A_580 : vector<16xf32>
        %mul3A_1454 = arith.mulf %gather3A_1414, %exp3A_580 : vector<16xf32>
        %mul3A_1455 = arith.mulf %gather3A_1417, %exp3A_580 : vector<16xf32>
        %mul3A_1456 = arith.mulf %gather3A_1420, %exp3A_580 : vector<16xf32>
        %mul3A_1457 = arith.mulf %gather3A_1423, %exp3A_580 : vector<16xf32>
        %mul3A_1458 = arith.mulf %gather3A_1426, %exp3A_580 : vector<16xf32>
        %mul3A_1459 = arith.mulf %gather3A_1429, %exp3A_580 : vector<16xf32>
        %mul3A_1460 = arith.mulf %gather3A_1432, %exp3A_580 : vector<16xf32>
        %mul3A_1461 = arith.mulf %gather3A_1435, %exp3A_580 : vector<16xf32>
        %mul3A_1462 = arith.mulf %gather3A_1438, %exp3A_580 : vector<16xf32>
        %mul3A_1463 = arith.mulf %gather3A_1441, %exp3A_580 : vector<16xf32>
        %mul3A_1464 = arith.mulf %gather3A_1444, %exp3A_580 : vector<16xf32>
        %mul3A_1465 = arith.mulf %gather3A_1447, %exp3A_580 : vector<16xf32>
        %mul3A_1466 = arith.mulf %gather3A_1450, %exp3A_580 : vector<16xf32>
        %broadcast_in_dim3A_1467 = arith.constant 48 : i32
        %broadcast_in_dim3A_1468 = vector.broadcast %broadcast_in_dim3A_1467 : i32 to vector<16xi32>
        tpu.vector_store_idx %arg14[%add3A_52, %broadcast_in_dim3A_1468], %mul3A_1451 : memref<64x128xf32, #tpu.memory_space<vmem>>[vector<16xi32>, vector<16xi32>], vector<16xf32>,
        %broadcast_in_dim3A_1469 = arith.constant 49 : i32
        %broadcast_in_dim3A_1470 = vector.broadcast %broadcast_in_dim3A_1469 : i32 to vector<16xi32>
        tpu.vector_store_idx %arg14[%add3A_52, %broadcast_in_dim3A_1470], %mul3A_1452 : memref<64x128xf32, #tpu.memory_space<vmem>>[vector<16xi32>, vector<16xi32>], vector<16xf32>,
        %broadcast_in_dim3A_1471 = arith.constant 50 : i32
        %broadcast_in_dim3A_1472 = vector.broadcast %broadcast_in_dim3A_1471 : i32 to vector<16xi32>
        tpu.vector_store_idx %arg14[%add3A_52, %broadcast_in_dim3A_1472], %mul3A_1453 : memref<64x128xf32, #tpu.memory_space<vmem>>[vector<16xi32>, vector<16xi32>], vector<16xf32>,
        %broadcast_in_dim3A_1473 = arith.constant 51 : i32
        %broadcast_in_dim3A_1474 = vector.broadcast %broadcast_in_dim3A_1473 : i32 to vector<16xi32>
        tpu.vector_store_idx %arg14[%add3A_52, %broadcast_in_dim3A_1474], %mul3A_1454 : memref<64x128xf32, #tpu.memory_space<vmem>>[vector<16xi32>, vector<16xi32>], vector<16xf32>,
        %broadcast_in_dim3A_1475 = arith.constant 52 : i32
        %broadcast_in_dim3A_1476 = vector.broadcast %broadcast_in_dim3A_1475 : i32 to vector<16xi32>
        tpu.vector_store_idx %arg14[%add3A_52, %broadcast_in_dim3A_1476], %mul3A_1455 : memref<64x128xf32, #tpu.memory_space<vmem>>[vector<16xi32>, vector<16xi32>], vector<16xf32>,
        %broadcast_in_dim3A_1477 = arith.constant 53 : i32
        %broadcast_in_dim3A_1478 = vector.broadcast %broadcast_in_dim3A_1477 : i32 to vector<16xi32>
        tpu.vector_store_idx %arg14[%add3A_52, %broadcast_in_dim3A_1478], %mul3A_1456 : memref<64x128xf32, #tpu.memory_space<vmem>>[vector<16xi32>, vector<16xi32>], vector<16xf32>,
        %broadcast_in_dim3A_1479 = arith.constant 54 : i32
        %broadcast_in_dim3A_1480 = vector.broadcast %broadcast_in_dim3A_1479 : i32 to vector<16xi32>
        tpu.vector_store_idx %arg14[%add3A_52, %broadcast_in_dim3A_1480], %mul3A_1457 : memref<64x128xf32, #tpu.memory_space<vmem>>[vector<16xi32>, vector<16xi32>], vector<16xf32>,
        %broadcast_in_dim3A_1481 = arith.constant 55 : i32
        %broadcast_in_dim3A_1482 = vector.broadcast %broadcast_in_dim3A_1481 : i32 to vector<16xi32>
        tpu.vector_store_idx %arg14[%add3A_52, %broadcast_in_dim3A_1482], %mul3A_1458 : memref<64x128xf32, #tpu.memory_space<vmem>>[vector<16xi32>, vector<16xi32>], vector<16xf32>,
        %broadcast_in_dim3A_1483 = arith.constant 56 : i32
        %broadcast_in_dim3A_1484 = vector.broadcast %broadcast_in_dim3A_1483 : i32 to vector<16xi32>
        tpu.vector_store_idx %arg14[%add3A_52, %broadcast_in_dim3A_1484], %mul3A_1459 : memref<64x128xf32, #tpu.memory_space<vmem>>[vector<16xi32>, vector<16xi32>], vector<16xf32>,
        %broadcast_in_dim3A_1485 = arith.constant 57 : i32
        %broadcast_in_dim3A_1486 = vector.broadcast %broadcast_in_dim3A_1485 : i32 to vector<16xi32>
        tpu.vector_store_idx %arg14[%add3A_52, %broadcast_in_dim3A_1486], %mul3A_1460 : memref<64x128xf32, #tpu.memory_space<vmem>>[vector<16xi32>, vector<16xi32>], vector<16xf32>,
        %broadcast_in_dim3A_1487 = arith.constant 58 : i32
        %broadcast_in_dim3A_1488 = vector.broadcast %broadcast_in_dim3A_1487 : i32 to vector<16xi32>
        tpu.vector_store_idx %arg14[%add3A_52, %broadcast_in_dim3A_1488], %mul3A_1461 : memref<64x128xf32, #tpu.memory_space<vmem>>[vector<16xi32>, vector<16xi32>], vector<16xf32>,
        %broadcast_in_dim3A_1489 = arith.constant 59 : i32
        %broadcast_in_dim3A_1490 = vector.broadcast %broadcast_in_dim3A_1489 : i32 to vector<16xi32>
        tpu.vector_store_idx %arg14[%add3A_52, %broadcast_in_dim3A_1490], %mul3A_1462 : memref<64x128xf32, #tpu.memory_space<vmem>>[vector<16xi32>, vector<16xi32>], vector<16xf32>,
        %broadcast_in_dim3A_1491 = arith.constant 60 : i32
        %broadcast_in_dim3A_1492 = vector.broadcast %broadcast_in_dim3A_1491 : i32 to vector<16xi32>
        tpu.vector_store_idx %arg14[%add3A_52, %broadcast_in_dim3A_1492], %mul3A_1463 : memref<64x128xf32, #tpu.memory_space<vmem>>[vector<16xi32>, vector<16xi32>], vector<16xf32>,
        %broadcast_in_dim3A_1493 = arith.constant 61 : i32
        %broadcast_in_dim3A_1494 = vector.broadcast %broadcast_in_dim3A_1493 : i32 to vector<16xi32>
        tpu.vector_store_idx %arg14[%add3A_52, %broadcast_in_dim3A_1494], %mul3A_1464 : memref<64x128xf32, #tpu.memory_space<vmem>>[vector<16xi32>, vector<16xi32>], vector<16xf32>,
        %broadcast_in_dim3A_1495 = arith.constant 62 : i32
        %broadcast_in_dim3A_1496 = vector.broadcast %broadcast_in_dim3A_1495 : i32 to vector<16xi32>
        tpu.vector_store_idx %arg14[%add3A_52, %broadcast_in_dim3A_1496], %mul3A_1465 : memref<64x128xf32, #tpu.memory_space<vmem>>[vector<16xi32>, vector<16xi32>], vector<16xf32>,
        %broadcast_in_dim3A_1497 = arith.constant 63 : i32
        %broadcast_in_dim3A_1498 = vector.broadcast %broadcast_in_dim3A_1497 : i32 to vector<16xi32>
        tpu.vector_store_idx %arg14[%add3A_52, %broadcast_in_dim3A_1498], %mul3A_1466 : memref<64x128xf32, #tpu.memory_space<vmem>>[vector<16xi32>, vector<16xi32>], vector<16xf32>,
        %broadcast_in_dim3A_1499 = arith.constant 192 : i32
        %broadcast_in_dim3A_1500 = vector.broadcast %broadcast_in_dim3A_1499 : i32 to vector<16xi32>
        %gather3A_1501 = tpu.vector_load_idx %arg13[%add3A_52, %broadcast_in_dim3A_1500] : memref<64x256xf32, #tpu.memory_space<vmem>>[vector<16xi32>, vector<16xi32>], vector<16xf32>,
        %broadcast_in_dim3A_1502 = arith.constant 193 : i32
        %broadcast_in_dim3A_1503 = vector.broadcast %broadcast_in_dim3A_1502 : i32 to vector<16xi32>
        %gather3A_1504 = tpu.vector_load_idx %arg13[%add3A_52, %broadcast_in_dim3A_1503] : memref<64x256xf32, #tpu.memory_space<vmem>>[vector<16xi32>, vector<16xi32>], vector<16xf32>,
        %broadcast_in_dim3A_1505 = arith.constant 194 : i32
        %broadcast_in_dim3A_1506 = vector.broadcast %broadcast_in_dim3A_1505 : i32 to vector<16xi32>
        %gather3A_1507 = tpu.vector_load_idx %arg13[%add3A_52, %broadcast_in_dim3A_1506] : memref<64x256xf32, #tpu.memory_space<vmem>>[vector<16xi32>, vector<16xi32>], vector<16xf32>,
        %broadcast_in_dim3A_1508 = arith.constant 195 : i32
        %broadcast_in_dim3A_1509 = vector.broadcast %broadcast_in_dim3A_1508 : i32 to vector<16xi32>
        %gather3A_1510 = tpu.vector_load_idx %arg13[%add3A_52, %broadcast_in_dim3A_1509] : memref<64x256xf32, #tpu.memory_space<vmem>>[vector<16xi32>, vector<16xi32>], vector<16xf32>,
        %broadcast_in_dim3A_1511 = arith.constant 196 : i32
        %broadcast_in_dim3A_1512 = vector.broadcast %broadcast_in_dim3A_1511 : i32 to vector<16xi32>
        %gather3A_1513 = tpu.vector_load_idx %arg13[%add3A_52, %broadcast_in_dim3A_1512] : memref<64x256xf32, #tpu.memory_space<vmem>>[vector<16xi32>, vector<16xi32>], vector<16xf32>,
        %broadcast_in_dim3A_1514 = arith.constant 197 : i32
        %broadcast_in_dim3A_1515 = vector.broadcast %broadcast_in_dim3A_1514 : i32 to vector<16xi32>
        %gather3A_1516 = tpu.vector_load_idx %arg13[%add3A_52, %broadcast_in_dim3A_1515] : memref<64x256xf32, #tpu.memory_space<vmem>>[vector<16xi32>, vector<16xi32>], vector<16xf32>,
        %broadcast_in_dim3A_1517 = arith.constant 198 : i32
        %broadcast_in_dim3A_1518 = vector.broadcast %broadcast_in_dim3A_1517 : i32 to vector<16xi32>
        %gather3A_1519 = tpu.vector_load_idx %arg13[%add3A_52, %broadcast_in_dim3A_1518] : memref<64x256xf32, #tpu.memory_space<vmem>>[vector<16xi32>, vector<16xi32>], vector<16xf32>,
        %broadcast_in_dim3A_1520 = arith.constant 199 : i32
        %broadcast_in_dim3A_1521 = vector.broadcast %broadcast_in_dim3A_1520 : i32 to vector<16xi32>
        %gather3A_1522 = tpu.vector_load_idx %arg13[%add3A_52, %broadcast_in_dim3A_1521] : memref<64x256xf32, #tpu.memory_space<vmem>>[vector<16xi32>, vector<16xi32>], vector<16xf32>,
        %broadcast_in_dim3A_1523 = arith.constant 200 : i32
        %broadcast_in_dim3A_1524 = vector.broadcast %broadcast_in_dim3A_1523 : i32 to vector<16xi32>
        %gather3A_1525 = tpu.vector_load_idx %arg13[%add3A_52, %broadcast_in_dim3A_1524] : memref<64x256xf32, #tpu.memory_space<vmem>>[vector<16xi32>, vector<16xi32>], vector<16xf32>,
        %broadcast_in_dim3A_1526 = arith.constant 201 : i32
        %broadcast_in_dim3A_1527 = vector.broadcast %broadcast_in_dim3A_1526 : i32 to vector<16xi32>
        %gather3A_1528 = tpu.vector_load_idx %arg13[%add3A_52, %broadcast_in_dim3A_1527] : memref<64x256xf32, #tpu.memory_space<vmem>>[vector<16xi32>, vector<16xi32>], vector<16xf32>,
        %broadcast_in_dim3A_1529 = arith.constant 202 : i32
        %broadcast_in_dim3A_1530 = vector.broadcast %broadcast_in_dim3A_1529 : i32 to vector<16xi32>
        %gather3A_1531 = tpu.vector_load_idx %arg13[%add3A_52, %broadcast_in_dim3A_1530] : memref<64x256xf32, #tpu.memory_space<vmem>>[vector<16xi32>, vector<16xi32>], vector<16xf32>,
        %broadcast_in_dim3A_1532 = arith.constant 203 : i32
        %broadcast_in_dim3A_1533 = vector.broadcast %broadcast_in_dim3A_1532 : i32 to vector<16xi32>
        %gather3A_1534 = tpu.vector_load_idx %arg13[%add3A_52, %broadcast_in_dim3A_1533] : memref<64x256xf32, #tpu.memory_space<vmem>>[vector<16xi32>, vector<16xi32>], vector<16xf32>,
        %broadcast_in_dim3A_1535 = arith.constant 204 : i32
        %broadcast_in_dim3A_1536 = vector.broadcast %broadcast_in_dim3A_1535 : i32 to vector<16xi32>
        %gather3A_1537 = tpu.vector_load_idx %arg13[%add3A_52, %broadcast_in_dim3A_1536] : memref<64x256xf32, #tpu.memory_space<vmem>>[vector<16xi32>, vector<16xi32>], vector<16xf32>,
        %broadcast_in_dim3A_1538 = arith.constant 205 : i32
        %broadcast_in_dim3A_1539 = vector.broadcast %broadcast_in_dim3A_1538 : i32 to vector<16xi32>
        %gather3A_1540 = tpu.vector_load_idx %arg13[%add3A_52, %broadcast_in_dim3A_1539] : memref<64x256xf32, #tpu.memory_space<vmem>>[vector<16xi32>, vector<16xi32>], vector<16xf32>,
        %broadcast_in_dim3A_1541 = arith.constant 206 : i32
        %broadcast_in_dim3A_1542 = vector.broadcast %broadcast_in_dim3A_1541 : i32 to vector<16xi32>
        %gather3A_1543 = tpu.vector_load_idx %arg13[%add3A_52, %broadcast_in_dim3A_1542] : memref<64x256xf32, #tpu.memory_space<vmem>>[vector<16xi32>, vector<16xi32>], vector<16xf32>,
        %broadcast_in_dim3A_1544 = arith.constant 207 : i32
        %broadcast_in_dim3A_1545 = vector.broadcast %broadcast_in_dim3A_1544 : i32 to vector<16xi32>
        %gather3A_1546 = tpu.vector_load_idx %arg13[%add3A_52, %broadcast_in_dim3A_1545] : memref<64x256xf32, #tpu.memory_space<vmem>>[vector<16xi32>, vector<16xi32>], vector<16xf32>,
        %mul3A_1547 = arith.mulf %gather3A_1501, %exp3A_713 : vector<16xf32>
        %mul3A_1548 = arith.mulf %gather3A_1504, %exp3A_713 : vector<16xf32>
        %mul3A_1549 = arith.mulf %gather3A_1507, %exp3A_713 : vector<16xf32>
        %mul3A_1550 = arith.mulf %gather3A_1510, %exp3A_713 : vector<16xf32>
        %mul3A_1551 = arith.mulf %gather3A_1513, %exp3A_713 : vector<16xf32>
        %mul3A_1552 = arith.mulf %gather3A_1516, %exp3A_713 : vector<16xf32>
        %mul3A_1553 = arith.mulf %gather3A_1519, %exp3A_713 : vector<16xf32>
        %mul3A_1554 = arith.mulf %gather3A_1522, %exp3A_713 : vector<16xf32>
        %mul3A_1555 = arith.mulf %gather3A_1525, %exp3A_713 : vector<16xf32>
        %mul3A_1556 = arith.mulf %gather3A_1528, %exp3A_713 : vector<16xf32>
        %mul3A_1557 = arith.mulf %gather3A_1531, %exp3A_713 : vector<16xf32>
        %mul3A_1558 = arith.mulf %gather3A_1534, %exp3A_713 : vector<16xf32>
        %mul3A_1559 = arith.mulf %gather3A_1537, %exp3A_713 : vector<16xf32>
        %mul3A_1560 = arith.mulf %gather3A_1540, %exp3A_713 : vector<16xf32>
        %mul3A_1561 = arith.mulf %gather3A_1543, %exp3A_713 : vector<16xf32>
        %mul3A_1562 = arith.mulf %gather3A_1546, %exp3A_713 : vector<16xf32>
        %broadcast_in_dim3A_1563 = arith.constant 64 : i32
        %broadcast_in_dim3A_1564 = vector.broadcast %broadcast_in_dim3A_1563 : i32 to vector<16xi32>
        tpu.vector_store_idx %arg14[%add3A_52, %broadcast_in_dim3A_1564], %mul3A_1547 : memref<64x128xf32, #tpu.memory_space<vmem>>[vector<16xi32>, vector<16xi32>], vector<16xf32>,
        %broadcast_in_dim3A_1565 = arith.constant 65 : i32
        %broadcast_in_dim3A_1566 = vector.broadcast %broadcast_in_dim3A_1565 : i32 to vector<16xi32>
        tpu.vector_store_idx %arg14[%add3A_52, %broadcast_in_dim3A_1566], %mul3A_1548 : memref<64x128xf32, #tpu.memory_space<vmem>>[vector<16xi32>, vector<16xi32>], vector<16xf32>,
        %broadcast_in_dim3A_1567 = arith.constant 66 : i32
        %broadcast_in_dim3A_1568 = vector.broadcast %broadcast_in_dim3A_1567 : i32 to vector<16xi32>
        tpu.vector_store_idx %arg14[%add3A_52, %broadcast_in_dim3A_1568], %mul3A_1549 : memref<64x128xf32, #tpu.memory_space<vmem>>[vector<16xi32>, vector<16xi32>], vector<16xf32>,
        %broadcast_in_dim3A_1569 = arith.constant 67 : i32
        %broadcast_in_dim3A_1570 = vector.broadcast %broadcast_in_dim3A_1569 : i32 to vector<16xi32>
        tpu.vector_store_idx %arg14[%add3A_52, %broadcast_in_dim3A_1570], %mul3A_1550 : memref<64x128xf32, #tpu.memory_space<vmem>>[vector<16xi32>, vector<16xi32>], vector<16xf32>,
        %broadcast_in_dim3A_1571 = arith.constant 68 : i32
        %broadcast_in_dim3A_1572 = vector.broadcast %broadcast_in_dim3A_1571 : i32 to vector<16xi32>
        tpu.vector_store_idx %arg14[%add3A_52, %broadcast_in_dim3A_1572], %mul3A_1551 : memref<64x128xf32, #tpu.memory_space<vmem>>[vector<16xi32>, vector<16xi32>], vector<16xf32>,
        %broadcast_in_dim3A_1573 = arith.constant 69 : i32
        %broadcast_in_dim3A_1574 = vector.broadcast %broadcast_in_dim3A_1573 : i32 to vector<16xi32>
        tpu.vector_store_idx %arg14[%add3A_52, %broadcast_in_dim3A_1574], %mul3A_1552 : memref<64x128xf32, #tpu.memory_space<vmem>>[vector<16xi32>, vector<16xi32>], vector<16xf32>,
        %broadcast_in_dim3A_1575 = arith.constant 70 : i32
        %broadcast_in_dim3A_1576 = vector.broadcast %broadcast_in_dim3A_1575 : i32 to vector<16xi32>
        tpu.vector_store_idx %arg14[%add3A_52, %broadcast_in_dim3A_1576], %mul3A_1553 : memref<64x128xf32, #tpu.memory_space<vmem>>[vector<16xi32>, vector<16xi32>], vector<16xf32>,
        %broadcast_in_dim3A_1577 = arith.constant 71 : i32
        %broadcast_in_dim3A_1578 = vector.broadcast %broadcast_in_dim3A_1577 : i32 to vector<16xi32>
        tpu.vector_store_idx %arg14[%add3A_52, %broadcast_in_dim3A_1578], %mul3A_1554 : memref<64x128xf32, #tpu.memory_space<vmem>>[vector<16xi32>, vector<16xi32>], vector<16xf32>,
        %broadcast_in_dim3A_1579 = arith.constant 72 : i32
        %broadcast_in_dim3A_1580 = vector.broadcast %broadcast_in_dim3A_1579 : i32 to vector<16xi32>
        tpu.vector_store_idx %arg14[%add3A_52, %broadcast_in_dim3A_1580], %mul3A_1555 : memref<64x128xf32, #tpu.memory_space<vmem>>[vector<16xi32>, vector<16xi32>], vector<16xf32>,
        %broadcast_in_dim3A_1581 = arith.constant 73 : i32
        %broadcast_in_dim3A_1582 = vector.broadcast %broadcast_in_dim3A_1581 : i32 to vector<16xi32>
        tpu.vector_store_idx %arg14[%add3A_52, %broadcast_in_dim3A_1582], %mul3A_1556 : memref<64x128xf32, #tpu.memory_space<vmem>>[vector<16xi32>, vector<16xi32>], vector<16xf32>,
        %broadcast_in_dim3A_1583 = arith.constant 74 : i32
        %broadcast_in_dim3A_1584 = vector.broadcast %broadcast_in_dim3A_1583 : i32 to vector<16xi32>
        tpu.vector_store_idx %arg14[%add3A_52, %broadcast_in_dim3A_1584], %mul3A_1557 : memref<64x128xf32, #tpu.memory_space<vmem>>[vector<16xi32>, vector<16xi32>], vector<16xf32>,
        %broadcast_in_dim3A_1585 = arith.constant 75 : i32
        %broadcast_in_dim3A_1586 = vector.broadcast %broadcast_in_dim3A_1585 : i32 to vector<16xi32>
        tpu.vector_store_idx %arg14[%add3A_52, %broadcast_in_dim3A_1586], %mul3A_1558 : memref<64x128xf32, #tpu.memory_space<vmem>>[vector<16xi32>, vector<16xi32>], vector<16xf32>,
        %broadcast_in_dim3A_1587 = arith.constant 76 : i32
        %broadcast_in_dim3A_1588 = vector.broadcast %broadcast_in_dim3A_1587 : i32 to vector<16xi32>
        tpu.vector_store_idx %arg14[%add3A_52, %broadcast_in_dim3A_1588], %mul3A_1559 : memref<64x128xf32, #tpu.memory_space<vmem>>[vector<16xi32>, vector<16xi32>], vector<16xf32>,
        %broadcast_in_dim3A_1589 = arith.constant 77 : i32
        %broadcast_in_dim3A_1590 = vector.broadcast %broadcast_in_dim3A_1589 : i32 to vector<16xi32>
        tpu.vector_store_idx %arg14[%add3A_52, %broadcast_in_dim3A_1590], %mul3A_1560 : memref<64x128xf32, #tpu.memory_space<vmem>>[vector<16xi32>, vector<16xi32>], vector<16xf32>,
        %broadcast_in_dim3A_1591 = arith.constant 78 : i32
        %broadcast_in_dim3A_1592 = vector.broadcast %broadcast_in_dim3A_1591 : i32 to vector<16xi32>
        tpu.vector_store_idx %arg14[%add3A_52, %broadcast_in_dim3A_1592], %mul3A_1561 : memref<64x128xf32, #tpu.memory_space<vmem>>[vector<16xi32>, vector<16xi32>], vector<16xf32>,
        %broadcast_in_dim3A_1593 = arith.constant 79 : i32
        %broadcast_in_dim3A_1594 = vector.broadcast %broadcast_in_dim3A_1593 : i32 to vector<16xi32>
        tpu.vector_store_idx %arg14[%add3A_52, %broadcast_in_dim3A_1594], %mul3A_1562 : memref<64x128xf32, #tpu.memory_space<vmem>>[vector<16xi32>, vector<16xi32>], vector<16xf32>,
        %broadcast_in_dim3A_1595 = arith.constant 208 : i32
        %broadcast_in_dim3A_1596 = vector.broadcast %broadcast_in_dim3A_1595 : i32 to vector<16xi32>
        %gather3A_1597 = tpu.vector_load_idx %arg13[%add3A_52, %broadcast_in_dim3A_1596] : memref<64x256xf32, #tpu.memory_space<vmem>>[vector<16xi32>, vector<16xi32>], vector<16xf32>,
        %broadcast_in_dim3A_1598 = arith.constant 209 : i32
        %broadcast_in_dim3A_1599 = vector.broadcast %broadcast_in_dim3A_1598 : i32 to vector<16xi32>
        %gather3A_1600 = tpu.vector_load_idx %arg13[%add3A_52, %broadcast_in_dim3A_1599] : memref<64x256xf32, #tpu.memory_space<vmem>>[vector<16xi32>, vector<16xi32>], vector<16xf32>,
        %broadcast_in_dim3A_1601 = arith.constant 210 : i32
        %broadcast_in_dim3A_1602 = vector.broadcast %broadcast_in_dim3A_1601 : i32 to vector<16xi32>
        %gather3A_1603 = tpu.vector_load_idx %arg13[%add3A_52, %broadcast_in_dim3A_1602] : memref<64x256xf32, #tpu.memory_space<vmem>>[vector<16xi32>, vector<16xi32>], vector<16xf32>,
        %broadcast_in_dim3A_1604 = arith.constant 211 : i32
        %broadcast_in_dim3A_1605 = vector.broadcast %broadcast_in_dim3A_1604 : i32 to vector<16xi32>
        %gather3A_1606 = tpu.vector_load_idx %arg13[%add3A_52, %broadcast_in_dim3A_1605] : memref<64x256xf32, #tpu.memory_space<vmem>>[vector<16xi32>, vector<16xi32>], vector<16xf32>,
        %broadcast_in_dim3A_1607 = arith.constant 212 : i32
        %broadcast_in_dim3A_1608 = vector.broadcast %broadcast_in_dim3A_1607 : i32 to vector<16xi32>
        %gather3A_1609 = tpu.vector_load_idx %arg13[%add3A_52, %broadcast_in_dim3A_1608] : memref<64x256xf32, #tpu.memory_space<vmem>>[vector<16xi32>, vector<16xi32>], vector<16xf32>,
        %broadcast_in_dim3A_1610 = arith.constant 213 : i32
        %broadcast_in_dim3A_1611 = vector.broadcast %broadcast_in_dim3A_1610 : i32 to vector<16xi32>
        %gather3A_1612 = tpu.vector_load_idx %arg13[%add3A_52, %broadcast_in_dim3A_1611] : memref<64x256xf32, #tpu.memory_space<vmem>>[vector<16xi32>, vector<16xi32>], vector<16xf32>,
        %broadcast_in_dim3A_1613 = arith.constant 214 : i32
        %broadcast_in_dim3A_1614 = vector.broadcast %broadcast_in_dim3A_1613 : i32 to vector<16xi32>
        %gather3A_1615 = tpu.vector_load_idx %arg13[%add3A_52, %broadcast_in_dim3A_1614] : memref<64x256xf32, #tpu.memory_space<vmem>>[vector<16xi32>, vector<16xi32>], vector<16xf32>,
        %broadcast_in_dim3A_1616 = arith.constant 215 : i32
        %broadcast_in_dim3A_1617 = vector.broadcast %broadcast_in_dim3A_1616 : i32 to vector<16xi32>
        %gather3A_1618 = tpu.vector_load_idx %arg13[%add3A_52, %broadcast_in_dim3A_1617] : memref<64x256xf32, #tpu.memory_space<vmem>>[vector<16xi32>, vector<16xi32>], vector<16xf32>,
        %broadcast_in_dim3A_1619 = arith.constant 216 : i32
        %broadcast_in_dim3A_1620 = vector.broadcast %broadcast_in_dim3A_1619 : i32 to vector<16xi32>
        %gather3A_1621 = tpu.vector_load_idx %arg13[%add3A_52, %broadcast_in_dim3A_1620] : memref<64x256xf32, #tpu.memory_space<vmem>>[vector<16xi32>, vector<16xi32>], vector<16xf32>,
        %broadcast_in_dim3A_1622 = arith.constant 217 : i32
        %broadcast_in_dim3A_1623 = vector.broadcast %broadcast_in_dim3A_1622 : i32 to vector<16xi32>
        %gather3A_1624 = tpu.vector_load_idx %arg13[%add3A_52, %broadcast_in_dim3A_1623] : memref<64x256xf32, #tpu.memory_space<vmem>>[vector<16xi32>, vector<16xi32>], vector<16xf32>,
        %broadcast_in_dim3A_1625 = arith.constant 218 : i32
        %broadcast_in_dim3A_1626 = vector.broadcast %broadcast_in_dim3A_1625 : i32 to vector<16xi32>
        %gather3A_1627 = tpu.vector_load_idx %arg13[%add3A_52, %broadcast_in_dim3A_1626] : memref<64x256xf32, #tpu.memory_space<vmem>>[vector<16xi32>, vector<16xi32>], vector<16xf32>,
        %broadcast_in_dim3A_1628 = arith.constant 219 : i32
        %broadcast_in_dim3A_1629 = vector.broadcast %broadcast_in_dim3A_1628 : i32 to vector<16xi32>
        %gather3A_1630 = tpu.vector_load_idx %arg13[%add3A_52, %broadcast_in_dim3A_1629] : memref<64x256xf32, #tpu.memory_space<vmem>>[vector<16xi32>, vector<16xi32>], vector<16xf32>,
        %broadcast_in_dim3A_1631 = arith.constant 220 : i32
        %broadcast_in_dim3A_1632 = vector.broadcast %broadcast_in_dim3A_1631 : i32 to vector<16xi32>
        %gather3A_1633 = tpu.vector_load_idx %arg13[%add3A_52, %broadcast_in_dim3A_1632] : memref<64x256xf32, #tpu.memory_space<vmem>>[vector<16xi32>, vector<16xi32>], vector<16xf32>,
        %broadcast_in_dim3A_1634 = arith.constant 221 : i32
        %broadcast_in_dim3A_1635 = vector.broadcast %broadcast_in_dim3A_1634 : i32 to vector<16xi32>
        %gather3A_1636 = tpu.vector_load_idx %arg13[%add3A_52, %broadcast_in_dim3A_1635] : memref<64x256xf32, #tpu.memory_space<vmem>>[vector<16xi32>, vector<16xi32>], vector<16xf32>,
        %broadcast_in_dim3A_1637 = arith.constant 222 : i32
        %broadcast_in_dim3A_1638 = vector.broadcast %broadcast_in_dim3A_1637 : i32 to vector<16xi32>
        %gather3A_1639 = tpu.vector_load_idx %arg13[%add3A_52, %broadcast_in_dim3A_1638] : memref<64x256xf32, #tpu.memory_space<vmem>>[vector<16xi32>, vector<16xi32>], vector<16xf32>,
        %broadcast_in_dim3A_1640 = arith.constant 223 : i32
        %broadcast_in_dim3A_1641 = vector.broadcast %broadcast_in_dim3A_1640 : i32 to vector<16xi32>
        %gather3A_1642 = tpu.vector_load_idx %arg13[%add3A_52, %broadcast_in_dim3A_1641] : memref<64x256xf32, #tpu.memory_space<vmem>>[vector<16xi32>, vector<16xi32>], vector<16xf32>,
        %mul3A_1643 = arith.mulf %gather3A_1597, %exp3A_846 : vector<16xf32>
        %mul3A_1644 = arith.mulf %gather3A_1600, %exp3A_846 : vector<16xf32>
        %mul3A_1645 = arith.mulf %gather3A_1603, %exp3A_846 : vector<16xf32>
        %mul3A_1646 = arith.mulf %gather3A_1606, %exp3A_846 : vector<16xf32>
        %mul3A_1647 = arith.mulf %gather3A_1609, %exp3A_846 : vector<16xf32>
        %mul3A_1648 = arith.mulf %gather3A_1612, %exp3A_846 : vector<16xf32>
        %mul3A_1649 = arith.mulf %gather3A_1615, %exp3A_846 : vector<16xf32>
        %mul3A_1650 = arith.mulf %gather3A_1618, %exp3A_846 : vector<16xf32>
        %mul3A_1651 = arith.mulf %gather3A_1621, %exp3A_846 : vector<16xf32>
        %mul3A_1652 = arith.mulf %gather3A_1624, %exp3A_846 : vector<16xf32>
        %mul3A_1653 = arith.mulf %gather3A_1627, %exp3A_846 : vector<16xf32>
        %mul3A_1654 = arith.mulf %gather3A_1630, %exp3A_846 : vector<16xf32>
        %mul3A_1655 = arith.mulf %gather3A_1633, %exp3A_846 : vector<16xf32>
        %mul3A_1656 = arith.mulf %gather3A_1636, %exp3A_846 : vector<16xf32>
        %mul3A_1657 = arith.mulf %gather3A_1639, %exp3A_846 : vector<16xf32>
        %mul3A_1658 = arith.mulf %gather3A_1642, %exp3A_846 : vector<16xf32>
        %broadcast_in_dim3A_1659 = arith.constant 80 : i32
        %broadcast_in_dim3A_1660 = vector.broadcast %broadcast_in_dim3A_1659 : i32 to vector<16xi32>
        tpu.vector_store_idx %arg14[%add3A_52, %broadcast_in_dim3A_1660], %mul3A_1643 : memref<64x128xf32, #tpu.memory_space<vmem>>[vector<16xi32>, vector<16xi32>], vector<16xf32>,
        %broadcast_in_dim3A_1661 = arith.constant 81 : i32
        %broadcast_in_dim3A_1662 = vector.broadcast %broadcast_in_dim3A_1661 : i32 to vector<16xi32>
        tpu.vector_store_idx %arg14[%add3A_52, %broadcast_in_dim3A_1662], %mul3A_1644 : memref<64x128xf32, #tpu.memory_space<vmem>>[vector<16xi32>, vector<16xi32>], vector<16xf32>,
        %broadcast_in_dim3A_1663 = arith.constant 82 : i32
        %broadcast_in_dim3A_1664 = vector.broadcast %broadcast_in_dim3A_1663 : i32 to vector<16xi32>
        tpu.vector_store_idx %arg14[%add3A_52, %broadcast_in_dim3A_1664], %mul3A_1645 : memref<64x128xf32, #tpu.memory_space<vmem>>[vector<16xi32>, vector<16xi32>], vector<16xf32>,
        %broadcast_in_dim3A_1665 = arith.constant 83 : i32
        %broadcast_in_dim3A_1666 = vector.broadcast %broadcast_in_dim3A_1665 : i32 to vector<16xi32>
        tpu.vector_store_idx %arg14[%add3A_52, %broadcast_in_dim3A_1666], %mul3A_1646 : memref<64x128xf32, #tpu.memory_space<vmem>>[vector<16xi32>, vector<16xi32>], vector<16xf32>,
        %broadcast_in_dim3A_1667 = arith.constant 84 : i32
        %broadcast_in_dim3A_1668 = vector.broadcast %broadcast_in_dim3A_1667 : i32 to vector<16xi32>
        tpu.vector_store_idx %arg14[%add3A_52, %broadcast_in_dim3A_1668], %mul3A_1647 : memref<64x128xf32, #tpu.memory_space<vmem>>[vector<16xi32>, vector<16xi32>], vector<16xf32>,
        %broadcast_in_dim3A_1669 = arith.constant 85 : i32
        %broadcast_in_dim3A_1670 = vector.broadcast %broadcast_in_dim3A_1669 : i32 to vector<16xi32>
        tpu.vector_store_idx %arg14[%add3A_52, %broadcast_in_dim3A_1670], %mul3A_1648 : memref<64x128xf32, #tpu.memory_space<vmem>>[vector<16xi32>, vector<16xi32>], vector<16xf32>,
        %broadcast_in_dim3A_1671 = arith.constant 86 : i32
        %broadcast_in_dim3A_1672 = vector.broadcast %broadcast_in_dim3A_1671 : i32 to vector<16xi32>
        tpu.vector_store_idx %arg14[%add3A_52, %broadcast_in_dim3A_1672], %mul3A_1649 : memref<64x128xf32, #tpu.memory_space<vmem>>[vector<16xi32>, vector<16xi32>], vector<16xf32>,
        %broadcast_in_dim3A_1673 = arith.constant 87 : i32
        %broadcast_in_dim3A_1674 = vector.broadcast %broadcast_in_dim3A_1673 : i32 to vector<16xi32>
        tpu.vector_store_idx %arg14[%add3A_52, %broadcast_in_dim3A_1674], %mul3A_1650 : memref<64x128xf32, #tpu.memory_space<vmem>>[vector<16xi32>, vector<16xi32>], vector<16xf32>,
        %broadcast_in_dim3A_1675 = arith.constant 88 : i32
        %broadcast_in_dim3A_1676 = vector.broadcast %broadcast_in_dim3A_1675 : i32 to vector<16xi32>
        tpu.vector_store_idx %arg14[%add3A_52, %broadcast_in_dim3A_1676], %mul3A_1651 : memref<64x128xf32, #tpu.memory_space<vmem>>[vector<16xi32>, vector<16xi32>], vector<16xf32>,
        %broadcast_in_dim3A_1677 = arith.constant 89 : i32
        %broadcast_in_dim3A_1678 = vector.broadcast %broadcast_in_dim3A_1677 : i32 to vector<16xi32>
        tpu.vector_store_idx %arg14[%add3A_52, %broadcast_in_dim3A_1678], %mul3A_1652 : memref<64x128xf32, #tpu.memory_space<vmem>>[vector<16xi32>, vector<16xi32>], vector<16xf32>,
        %broadcast_in_dim3A_1679 = arith.constant 90 : i32
        %broadcast_in_dim3A_1680 = vector.broadcast %broadcast_in_dim3A_1679 : i32 to vector<16xi32>
        tpu.vector_store_idx %arg14[%add3A_52, %broadcast_in_dim3A_1680], %mul3A_1653 : memref<64x128xf32, #tpu.memory_space<vmem>>[vector<16xi32>, vector<16xi32>], vector<16xf32>,
        %broadcast_in_dim3A_1681 = arith.constant 91 : i32
        %broadcast_in_dim3A_1682 = vector.broadcast %broadcast_in_dim3A_1681 : i32 to vector<16xi32>
        tpu.vector_store_idx %arg14[%add3A_52, %broadcast_in_dim3A_1682], %mul3A_1654 : memref<64x128xf32, #tpu.memory_space<vmem>>[vector<16xi32>, vector<16xi32>], vector<16xf32>,
        %broadcast_in_dim3A_1683 = arith.constant 92 : i32
        %broadcast_in_dim3A_1684 = vector.broadcast %broadcast_in_dim3A_1683 : i32 to vector<16xi32>
        tpu.vector_store_idx %arg14[%add3A_52, %broadcast_in_dim3A_1684], %mul3A_1655 : memref<64x128xf32, #tpu.memory_space<vmem>>[vector<16xi32>, vector<16xi32>], vector<16xf32>,
        %broadcast_in_dim3A_1685 = arith.constant 93 : i32
        %broadcast_in_dim3A_1686 = vector.broadcast %broadcast_in_dim3A_1685 : i32 to vector<16xi32>
        tpu.vector_store_idx %arg14[%add3A_52, %broadcast_in_dim3A_1686], %mul3A_1656 : memref<64x128xf32, #tpu.memory_space<vmem>>[vector<16xi32>, vector<16xi32>], vector<16xf32>,
        %broadcast_in_dim3A_1687 = arith.constant 94 : i32
        %broadcast_in_dim3A_1688 = vector.broadcast %broadcast_in_dim3A_1687 : i32 to vector<16xi32>
        tpu.vector_store_idx %arg14[%add3A_52, %broadcast_in_dim3A_1688], %mul3A_1657 : memref<64x128xf32, #tpu.memory_space<vmem>>[vector<16xi32>, vector<16xi32>], vector<16xf32>,
        %broadcast_in_dim3A_1689 = arith.constant 95 : i32
        %broadcast_in_dim3A_1690 = vector.broadcast %broadcast_in_dim3A_1689 : i32 to vector<16xi32>
        tpu.vector_store_idx %arg14[%add3A_52, %broadcast_in_dim3A_1690], %mul3A_1658 : memref<64x128xf32, #tpu.memory_space<vmem>>[vector<16xi32>, vector<16xi32>], vector<16xf32>,
        %broadcast_in_dim3A_1691 = arith.constant 224 : i32
        %broadcast_in_dim3A_1692 = vector.broadcast %broadcast_in_dim3A_1691 : i32 to vector<16xi32>
        %gather3A_1693 = tpu.vector_load_idx %arg13[%add3A_52, %broadcast_in_dim3A_1692] : memref<64x256xf32, #tpu.memory_space<vmem>>[vector<16xi32>, vector<16xi32>], vector<16xf32>,
        %broadcast_in_dim3A_1694 = arith.constant 225 : i32
        %broadcast_in_dim3A_1695 = vector.broadcast %broadcast_in_dim3A_1694 : i32 to vector<16xi32>
        %gather3A_1696 = tpu.vector_load_idx %arg13[%add3A_52, %broadcast_in_dim3A_1695] : memref<64x256xf32, #tpu.memory_space<vmem>>[vector<16xi32>, vector<16xi32>], vector<16xf32>,
        %broadcast_in_dim3A_1697 = arith.constant 226 : i32
        %broadcast_in_dim3A_1698 = vector.broadcast %broadcast_in_dim3A_1697 : i32 to vector<16xi32>
        %gather3A_1699 = tpu.vector_load_idx %arg13[%add3A_52, %broadcast_in_dim3A_1698] : memref<64x256xf32, #tpu.memory_space<vmem>>[vector<16xi32>, vector<16xi32>], vector<16xf32>,
        %broadcast_in_dim3A_1700 = arith.constant 227 : i32
        %broadcast_in_dim3A_1701 = vector.broadcast %broadcast_in_dim3A_1700 : i32 to vector<16xi32>
        %gather3A_1702 = tpu.vector_load_idx %arg13[%add3A_52, %broadcast_in_dim3A_1701] : memref<64x256xf32, #tpu.memory_space<vmem>>[vector<16xi32>, vector<16xi32>], vector<16xf32>,
        %broadcast_in_dim3A_1703 = arith.constant 228 : i32
        %broadcast_in_dim3A_1704 = vector.broadcast %broadcast_in_dim3A_1703 : i32 to vector<16xi32>
        %gather3A_1705 = tpu.vector_load_idx %arg13[%add3A_52, %broadcast_in_dim3A_1704] : memref<64x256xf32, #tpu.memory_space<vmem>>[vector<16xi32>, vector<16xi32>], vector<16xf32>,
        %broadcast_in_dim3A_1706 = arith.constant 229 : i32
        %broadcast_in_dim3A_1707 = vector.broadcast %broadcast_in_dim3A_1706 : i32 to vector<16xi32>
        %gather3A_1708 = tpu.vector_load_idx %arg13[%add3A_52, %broadcast_in_dim3A_1707] : memref<64x256xf32, #tpu.memory_space<vmem>>[vector<16xi32>, vector<16xi32>], vector<16xf32>,
        %broadcast_in_dim3A_1709 = arith.constant 230 : i32
        %broadcast_in_dim3A_1710 = vector.broadcast %broadcast_in_dim3A_1709 : i32 to vector<16xi32>
        %gather3A_1711 = tpu.vector_load_idx %arg13[%add3A_52, %broadcast_in_dim3A_1710] : memref<64x256xf32, #tpu.memory_space<vmem>>[vector<16xi32>, vector<16xi32>], vector<16xf32>,
        %broadcast_in_dim3A_1712 = arith.constant 231 : i32
        %broadcast_in_dim3A_1713 = vector.broadcast %broadcast_in_dim3A_1712 : i32 to vector<16xi32>
        %gather3A_1714 = tpu.vector_load_idx %arg13[%add3A_52, %broadcast_in_dim3A_1713] : memref<64x256xf32, #tpu.memory_space<vmem>>[vector<16xi32>, vector<16xi32>], vector<16xf32>,
        %broadcast_in_dim3A_1715 = arith.constant 232 : i32
        %broadcast_in_dim3A_1716 = vector.broadcast %broadcast_in_dim3A_1715 : i32 to vector<16xi32>
        %gather3A_1717 = tpu.vector_load_idx %arg13[%add3A_52, %broadcast_in_dim3A_1716] : memref<64x256xf32, #tpu.memory_space<vmem>>[vector<16xi32>, vector<16xi32>], vector<16xf32>,
        %broadcast_in_dim3A_1718 = arith.constant 233 : i32
        %broadcast_in_dim3A_1719 = vector.broadcast %broadcast_in_dim3A_1718 : i32 to vector<16xi32>
        %gather3A_1720 = tpu.vector_load_idx %arg13[%add3A_52, %broadcast_in_dim3A_1719] : memref<64x256xf32, #tpu.memory_space<vmem>>[vector<16xi32>, vector<16xi32>], vector<16xf32>,
        %broadcast_in_dim3A_1721 = arith.constant 234 : i32
        %broadcast_in_dim3A_1722 = vector.broadcast %broadcast_in_dim3A_1721 : i32 to vector<16xi32>
        %gather3A_1723 = tpu.vector_load_idx %arg13[%add3A_52, %broadcast_in_dim3A_1722] : memref<64x256xf32, #tpu.memory_space<vmem>>[vector<16xi32>, vector<16xi32>], vector<16xf32>,
        %broadcast_in_dim3A_1724 = arith.constant 235 : i32
        %broadcast_in_dim3A_1725 = vector.broadcast %broadcast_in_dim3A_1724 : i32 to vector<16xi32>
        %gather3A_1726 = tpu.vector_load_idx %arg13[%add3A_52, %broadcast_in_dim3A_1725] : memref<64x256xf32, #tpu.memory_space<vmem>>[vector<16xi32>, vector<16xi32>], vector<16xf32>,
        %broadcast_in_dim3A_1727 = arith.constant 236 : i32
        %broadcast_in_dim3A_1728 = vector.broadcast %broadcast_in_dim3A_1727 : i32 to vector<16xi32>
        %gather3A_1729 = tpu.vector_load_idx %arg13[%add3A_52, %broadcast_in_dim3A_1728] : memref<64x256xf32, #tpu.memory_space<vmem>>[vector<16xi32>, vector<16xi32>], vector<16xf32>,
        %broadcast_in_dim3A_1730 = arith.constant 237 : i32
        %broadcast_in_dim3A_1731 = vector.broadcast %broadcast_in_dim3A_1730 : i32 to vector<16xi32>
        %gather3A_1732 = tpu.vector_load_idx %arg13[%add3A_52, %broadcast_in_dim3A_1731] : memref<64x256xf32, #tpu.memory_space<vmem>>[vector<16xi32>, vector<16xi32>], vector<16xf32>,
        %broadcast_in_dim3A_1733 = arith.constant 238 : i32
        %broadcast_in_dim3A_1734 = vector.broadcast %broadcast_in_dim3A_1733 : i32 to vector<16xi32>
        %gather3A_1735 = tpu.vector_load_idx %arg13[%add3A_52, %broadcast_in_dim3A_1734] : memref<64x256xf32, #tpu.memory_space<vmem>>[vector<16xi32>, vector<16xi32>], vector<16xf32>,
        %broadcast_in_dim3A_1736 = arith.constant 239 : i32
        %broadcast_in_dim3A_1737 = vector.broadcast %broadcast_in_dim3A_1736 : i32 to vector<16xi32>
        %gather3A_1738 = tpu.vector_load_idx %arg13[%add3A_52, %broadcast_in_dim3A_1737] : memref<64x256xf32, #tpu.memory_space<vmem>>[vector<16xi32>, vector<16xi32>], vector<16xf32>,
        %mul3A_1739 = arith.mulf %gather3A_1693, %exp3A_979 : vector<16xf32>
        %mul3A_1740 = arith.mulf %gather3A_1696, %exp3A_979 : vector<16xf32>
        %mul3A_1741 = arith.mulf %gather3A_1699, %exp3A_979 : vector<16xf32>
        %mul3A_1742 = arith.mulf %gather3A_1702, %exp3A_979 : vector<16xf32>
        %mul3A_1743 = arith.mulf %gather3A_1705, %exp3A_979 : vector<16xf32>
        %mul3A_1744 = arith.mulf %gather3A_1708, %exp3A_979 : vector<16xf32>
        %mul3A_1745 = arith.mulf %gather3A_1711, %exp3A_979 : vector<16xf32>
        %mul3A_1746 = arith.mulf %gather3A_1714, %exp3A_979 : vector<16xf32>
        %mul3A_1747 = arith.mulf %gather3A_1717, %exp3A_979 : vector<16xf32>
        %mul3A_1748 = arith.mulf %gather3A_1720, %exp3A_979 : vector<16xf32>
        %mul3A_1749 = arith.mulf %gather3A_1723, %exp3A_979 : vector<16xf32>
        %mul3A_1750 = arith.mulf %gather3A_1726, %exp3A_979 : vector<16xf32>
        %mul3A_1751 = arith.mulf %gather3A_1729, %exp3A_979 : vector<16xf32>
        %mul3A_1752 = arith.mulf %gather3A_1732, %exp3A_979 : vector<16xf32>
        %mul3A_1753 = arith.mulf %gather3A_1735, %exp3A_979 : vector<16xf32>
        %mul3A_1754 = arith.mulf %gather3A_1738, %exp3A_979 : vector<16xf32>
        %broadcast_in_dim3A_1755 = arith.constant 96 : i32
        %broadcast_in_dim3A_1756 = vector.broadcast %broadcast_in_dim3A_1755 : i32 to vector<16xi32>
        tpu.vector_store_idx %arg14[%add3A_52, %broadcast_in_dim3A_1756], %mul3A_1739 : memref<64x128xf32, #tpu.memory_space<vmem>>[vector<16xi32>, vector<16xi32>], vector<16xf32>,
        %broadcast_in_dim3A_1757 = arith.constant 97 : i32
        %broadcast_in_dim3A_1758 = vector.broadcast %broadcast_in_dim3A_1757 : i32 to vector<16xi32>
        tpu.vector_store_idx %arg14[%add3A_52, %broadcast_in_dim3A_1758], %mul3A_1740 : memref<64x128xf32, #tpu.memory_space<vmem>>[vector<16xi32>, vector<16xi32>], vector<16xf32>,
        %broadcast_in_dim3A_1759 = arith.constant 98 : i32
        %broadcast_in_dim3A_1760 = vector.broadcast %broadcast_in_dim3A_1759 : i32 to vector<16xi32>
        tpu.vector_store_idx %arg14[%add3A_52, %broadcast_in_dim3A_1760], %mul3A_1741 : memref<64x128xf32, #tpu.memory_space<vmem>>[vector<16xi32>, vector<16xi32>], vector<16xf32>,
        %broadcast_in_dim3A_1761 = arith.constant 99 : i32
        %broadcast_in_dim3A_1762 = vector.broadcast %broadcast_in_dim3A_1761 : i32 to vector<16xi32>
        tpu.vector_store_idx %arg14[%add3A_52, %broadcast_in_dim3A_1762], %mul3A_1742 : memref<64x128xf32, #tpu.memory_space<vmem>>[vector<16xi32>, vector<16xi32>], vector<16xf32>,
        %broadcast_in_dim3A_1763 = arith.constant 100 : i32
        %broadcast_in_dim3A_1764 = vector.broadcast %broadcast_in_dim3A_1763 : i32 to vector<16xi32>
        tpu.vector_store_idx %arg14[%add3A_52, %broadcast_in_dim3A_1764], %mul3A_1743 : memref<64x128xf32, #tpu.memory_space<vmem>>[vector<16xi32>, vector<16xi32>], vector<16xf32>,
        %broadcast_in_dim3A_1765 = arith.constant 101 : i32
        %broadcast_in_dim3A_1766 = vector.broadcast %broadcast_in_dim3A_1765 : i32 to vector<16xi32>
        tpu.vector_store_idx %arg14[%add3A_52, %broadcast_in_dim3A_1766], %mul3A_1744 : memref<64x128xf32, #tpu.memory_space<vmem>>[vector<16xi32>, vector<16xi32>], vector<16xf32>,
        %broadcast_in_dim3A_1767 = arith.constant 102 : i32
        %broadcast_in_dim3A_1768 = vector.broadcast %broadcast_in_dim3A_1767 : i32 to vector<16xi32>
        tpu.vector_store_idx %arg14[%add3A_52, %broadcast_in_dim3A_1768], %mul3A_1745 : memref<64x128xf32, #tpu.memory_space<vmem>>[vector<16xi32>, vector<16xi32>], vector<16xf32>,
        %broadcast_in_dim3A_1769 = arith.constant 103 : i32
        %broadcast_in_dim3A_1770 = vector.broadcast %broadcast_in_dim3A_1769 : i32 to vector<16xi32>
        tpu.vector_store_idx %arg14[%add3A_52, %broadcast_in_dim3A_1770], %mul3A_1746 : memref<64x128xf32, #tpu.memory_space<vmem>>[vector<16xi32>, vector<16xi32>], vector<16xf32>,
        %broadcast_in_dim3A_1771 = arith.constant 104 : i32
        %broadcast_in_dim3A_1772 = vector.broadcast %broadcast_in_dim3A_1771 : i32 to vector<16xi32>
        tpu.vector_store_idx %arg14[%add3A_52, %broadcast_in_dim3A_1772], %mul3A_1747 : memref<64x128xf32, #tpu.memory_space<vmem>>[vector<16xi32>, vector<16xi32>], vector<16xf32>,
        %broadcast_in_dim3A_1773 = arith.constant 105 : i32
        %broadcast_in_dim3A_1774 = vector.broadcast %broadcast_in_dim3A_1773 : i32 to vector<16xi32>
        tpu.vector_store_idx %arg14[%add3A_52, %broadcast_in_dim3A_1774], %mul3A_1748 : memref<64x128xf32, #tpu.memory_space<vmem>>[vector<16xi32>, vector<16xi32>], vector<16xf32>,
        %broadcast_in_dim3A_1775 = arith.constant 106 : i32
        %broadcast_in_dim3A_1776 = vector.broadcast %broadcast_in_dim3A_1775 : i32 to vector<16xi32>
        tpu.vector_store_idx %arg14[%add3A_52, %broadcast_in_dim3A_1776], %mul3A_1749 : memref<64x128xf32, #tpu.memory_space<vmem>>[vector<16xi32>, vector<16xi32>], vector<16xf32>,
        %broadcast_in_dim3A_1777 = arith.constant 107 : i32
        %broadcast_in_dim3A_1778 = vector.broadcast %broadcast_in_dim3A_1777 : i32 to vector<16xi32>
        tpu.vector_store_idx %arg14[%add3A_52, %broadcast_in_dim3A_1778], %mul3A_1750 : memref<64x128xf32, #tpu.memory_space<vmem>>[vector<16xi32>, vector<16xi32>], vector<16xf32>,
        %broadcast_in_dim3A_1779 = arith.constant 108 : i32
        %broadcast_in_dim3A_1780 = vector.broadcast %broadcast_in_dim3A_1779 : i32 to vector<16xi32>
        tpu.vector_store_idx %arg14[%add3A_52, %broadcast_in_dim3A_1780], %mul3A_1751 : memref<64x128xf32, #tpu.memory_space<vmem>>[vector<16xi32>, vector<16xi32>], vector<16xf32>,
        %broadcast_in_dim3A_1781 = arith.constant 109 : i32
        %broadcast_in_dim3A_1782 = vector.broadcast %broadcast_in_dim3A_1781 : i32 to vector<16xi32>
        tpu.vector_store_idx %arg14[%add3A_52, %broadcast_in_dim3A_1782], %mul3A_1752 : memref<64x128xf32, #tpu.memory_space<vmem>>[vector<16xi32>, vector<16xi32>], vector<16xf32>,
        %broadcast_in_dim3A_1783 = arith.constant 110 : i32
        %broadcast_in_dim3A_1784 = vector.broadcast %broadcast_in_dim3A_1783 : i32 to vector<16xi32>
        tpu.vector_store_idx %arg14[%add3A_52, %broadcast_in_dim3A_1784], %mul3A_1753 : memref<64x128xf32, #tpu.memory_space<vmem>>[vector<16xi32>, vector<16xi32>], vector<16xf32>,
        %broadcast_in_dim3A_1785 = arith.constant 111 : i32
        %broadcast_in_dim3A_1786 = vector.broadcast %broadcast_in_dim3A_1785 : i32 to vector<16xi32>
        tpu.vector_store_idx %arg14[%add3A_52, %broadcast_in_dim3A_1786], %mul3A_1754 : memref<64x128xf32, #tpu.memory_space<vmem>>[vector<16xi32>, vector<16xi32>], vector<16xf32>,
        %broadcast_in_dim3A_1787 = arith.constant 240 : i32
        %broadcast_in_dim3A_1788 = vector.broadcast %broadcast_in_dim3A_1787 : i32 to vector<16xi32>
        %gather3A_1789 = tpu.vector_load_idx %arg13[%add3A_52, %broadcast_in_dim3A_1788] : memref<64x256xf32, #tpu.memory_space<vmem>>[vector<16xi32>, vector<16xi32>], vector<16xf32>,
        %broadcast_in_dim3A_1790 = arith.constant 241 : i32
        %broadcast_in_dim3A_1791 = vector.broadcast %broadcast_in_dim3A_1790 : i32 to vector<16xi32>
        %gather3A_1792 = tpu.vector_load_idx %arg13[%add3A_52, %broadcast_in_dim3A_1791] : memref<64x256xf32, #tpu.memory_space<vmem>>[vector<16xi32>, vector<16xi32>], vector<16xf32>,
        %broadcast_in_dim3A_1793 = arith.constant 242 : i32
        %broadcast_in_dim3A_1794 = vector.broadcast %broadcast_in_dim3A_1793 : i32 to vector<16xi32>
        %gather3A_1795 = tpu.vector_load_idx %arg13[%add3A_52, %broadcast_in_dim3A_1794] : memref<64x256xf32, #tpu.memory_space<vmem>>[vector<16xi32>, vector<16xi32>], vector<16xf32>,
        %broadcast_in_dim3A_1796 = arith.constant 243 : i32
        %broadcast_in_dim3A_1797 = vector.broadcast %broadcast_in_dim3A_1796 : i32 to vector<16xi32>
        %gather3A_1798 = tpu.vector_load_idx %arg13[%add3A_52, %broadcast_in_dim3A_1797] : memref<64x256xf32, #tpu.memory_space<vmem>>[vector<16xi32>, vector<16xi32>], vector<16xf32>,
        %broadcast_in_dim3A_1799 = arith.constant 244 : i32
        %broadcast_in_dim3A_1800 = vector.broadcast %broadcast_in_dim3A_1799 : i32 to vector<16xi32>
        %gather3A_1801 = tpu.vector_load_idx %arg13[%add3A_52, %broadcast_in_dim3A_1800] : memref<64x256xf32, #tpu.memory_space<vmem>>[vector<16xi32>, vector<16xi32>], vector<16xf32>,
        %broadcast_in_dim3A_1802 = arith.constant 245 : i32
        %broadcast_in_dim3A_1803 = vector.broadcast %broadcast_in_dim3A_1802 : i32 to vector<16xi32>
        %gather3A_1804 = tpu.vector_load_idx %arg13[%add3A_52, %broadcast_in_dim3A_1803] : memref<64x256xf32, #tpu.memory_space<vmem>>[vector<16xi32>, vector<16xi32>], vector<16xf32>,
        %broadcast_in_dim3A_1805 = arith.constant 246 : i32
        %broadcast_in_dim3A_1806 = vector.broadcast %broadcast_in_dim3A_1805 : i32 to vector<16xi32>
        %gather3A_1807 = tpu.vector_load_idx %arg13[%add3A_52, %broadcast_in_dim3A_1806] : memref<64x256xf32, #tpu.memory_space<vmem>>[vector<16xi32>, vector<16xi32>], vector<16xf32>,
        %broadcast_in_dim3A_1808 = arith.constant 247 : i32
        %broadcast_in_dim3A_1809 = vector.broadcast %broadcast_in_dim3A_1808 : i32 to vector<16xi32>
        %gather3A_1810 = tpu.vector_load_idx %arg13[%add3A_52, %broadcast_in_dim3A_1809] : memref<64x256xf32, #tpu.memory_space<vmem>>[vector<16xi32>, vector<16xi32>], vector<16xf32>,
        %broadcast_in_dim3A_1811 = arith.constant 248 : i32
        %broadcast_in_dim3A_1812 = vector.broadcast %broadcast_in_dim3A_1811 : i32 to vector<16xi32>
        %gather3A_1813 = tpu.vector_load_idx %arg13[%add3A_52, %broadcast_in_dim3A_1812] : memref<64x256xf32, #tpu.memory_space<vmem>>[vector<16xi32>, vector<16xi32>], vector<16xf32>,
        %broadcast_in_dim3A_1814 = arith.constant 249 : i32
        %broadcast_in_dim3A_1815 = vector.broadcast %broadcast_in_dim3A_1814 : i32 to vector<16xi32>
        %gather3A_1816 = tpu.vector_load_idx %arg13[%add3A_52, %broadcast_in_dim3A_1815] : memref<64x256xf32, #tpu.memory_space<vmem>>[vector<16xi32>, vector<16xi32>], vector<16xf32>,
        %broadcast_in_dim3A_1817 = arith.constant 250 : i32
        %broadcast_in_dim3A_1818 = vector.broadcast %broadcast_in_dim3A_1817 : i32 to vector<16xi32>
        %gather3A_1819 = tpu.vector_load_idx %arg13[%add3A_52, %broadcast_in_dim3A_1818] : memref<64x256xf32, #tpu.memory_space<vmem>>[vector<16xi32>, vector<16xi32>], vector<16xf32>,
        %broadcast_in_dim3A_1820 = arith.constant 251 : i32
        %broadcast_in_dim3A_1821 = vector.broadcast %broadcast_in_dim3A_1820 : i32 to vector<16xi32>
        %gather3A_1822 = tpu.vector_load_idx %arg13[%add3A_52, %broadcast_in_dim3A_1821] : memref<64x256xf32, #tpu.memory_space<vmem>>[vector<16xi32>, vector<16xi32>], vector<16xf32>,
        %broadcast_in_dim3A_1823 = arith.constant 252 : i32
        %broadcast_in_dim3A_1824 = vector.broadcast %broadcast_in_dim3A_1823 : i32 to vector<16xi32>
        %gather3A_1825 = tpu.vector_load_idx %arg13[%add3A_52, %broadcast_in_dim3A_1824] : memref<64x256xf32, #tpu.memory_space<vmem>>[vector<16xi32>, vector<16xi32>], vector<16xf32>,
        %broadcast_in_dim3A_1826 = arith.constant 253 : i32
        %broadcast_in_dim3A_1827 = vector.broadcast %broadcast_in_dim3A_1826 : i32 to vector<16xi32>
        %gather3A_1828 = tpu.vector_load_idx %arg13[%add3A_52, %broadcast_in_dim3A_1827] : memref<64x256xf32, #tpu.memory_space<vmem>>[vector<16xi32>, vector<16xi32>], vector<16xf32>,
        %broadcast_in_dim3A_1829 = arith.constant 254 : i32
        %broadcast_in_dim3A_1830 = vector.broadcast %broadcast_in_dim3A_1829 : i32 to vector<16xi32>
        %gather3A_1831 = tpu.vector_load_idx %arg13[%add3A_52, %broadcast_in_dim3A_1830] : memref<64x256xf32, #tpu.memory_space<vmem>>[vector<16xi32>, vector<16xi32>], vector<16xf32>,
        %broadcast_in_dim3A_1832 = arith.constant 255 : i32
        %broadcast_in_dim3A_1833 = vector.broadcast %broadcast_in_dim3A_1832 : i32 to vector<16xi32>
        %gather3A_1834 = tpu.vector_load_idx %arg13[%add3A_52, %broadcast_in_dim3A_1833] : memref<64x256xf32, #tpu.memory_space<vmem>>[vector<16xi32>, vector<16xi32>], vector<16xf32>,
        %mul3A_1835 = arith.mulf %gather3A_1789, %exp3A_1112 : vector<16xf32>
        %mul3A_1836 = arith.mulf %gather3A_1792, %exp3A_1112 : vector<16xf32>
        %mul3A_1837 = arith.mulf %gather3A_1795, %exp3A_1112 : vector<16xf32>
        %mul3A_1838 = arith.mulf %gather3A_1798, %exp3A_1112 : vector<16xf32>
        %mul3A_1839 = arith.mulf %gather3A_1801, %exp3A_1112 : vector<16xf32>
        %mul3A_1840 = arith.mulf %gather3A_1804, %exp3A_1112 : vector<16xf32>
        %mul3A_1841 = arith.mulf %gather3A_1807, %exp3A_1112 : vector<16xf32>
        %mul3A_1842 = arith.mulf %gather3A_1810, %exp3A_1112 : vector<16xf32>
        %mul3A_1843 = arith.mulf %gather3A_1813, %exp3A_1112 : vector<16xf32>
        %mul3A_1844 = arith.mulf %gather3A_1816, %exp3A_1112 : vector<16xf32>
        %mul3A_1845 = arith.mulf %gather3A_1819, %exp3A_1112 : vector<16xf32>
        %mul3A_1846 = arith.mulf %gather3A_1822, %exp3A_1112 : vector<16xf32>
        %mul3A_1847 = arith.mulf %gather3A_1825, %exp3A_1112 : vector<16xf32>
        %mul3A_1848 = arith.mulf %gather3A_1828, %exp3A_1112 : vector<16xf32>
        %mul3A_1849 = arith.mulf %gather3A_1831, %exp3A_1112 : vector<16xf32>
        %mul3A_1850 = arith.mulf %gather3A_1834, %exp3A_1112 : vector<16xf32>
        %broadcast_in_dim3A_1851 = arith.constant 112 : i32
        %broadcast_in_dim3A_1852 = vector.broadcast %broadcast_in_dim3A_1851 : i32 to vector<16xi32>
        tpu.vector_store_idx %arg14[%add3A_52, %broadcast_in_dim3A_1852], %mul3A_1835 : memref<64x128xf32, #tpu.memory_space<vmem>>[vector<16xi32>, vector<16xi32>], vector<16xf32>,
        %broadcast_in_dim3A_1853 = arith.constant 113 : i32
        %broadcast_in_dim3A_1854 = vector.broadcast %broadcast_in_dim3A_1853 : i32 to vector<16xi32>
        tpu.vector_store_idx %arg14[%add3A_52, %broadcast_in_dim3A_1854], %mul3A_1836 : memref<64x128xf32, #tpu.memory_space<vmem>>[vector<16xi32>, vector<16xi32>], vector<16xf32>,
        %broadcast_in_dim3A_1855 = arith.constant 114 : i32
        %broadcast_in_dim3A_1856 = vector.broadcast %broadcast_in_dim3A_1855 : i32 to vector<16xi32>
        tpu.vector_store_idx %arg14[%add3A_52, %broadcast_in_dim3A_1856], %mul3A_1837 : memref<64x128xf32, #tpu.memory_space<vmem>>[vector<16xi32>, vector<16xi32>], vector<16xf32>,
        %broadcast_in_dim3A_1857 = arith.constant 115 : i32
        %broadcast_in_dim3A_1858 = vector.broadcast %broadcast_in_dim3A_1857 : i32 to vector<16xi32>
        tpu.vector_store_idx %arg14[%add3A_52, %broadcast_in_dim3A_1858], %mul3A_1838 : memref<64x128xf32, #tpu.memory_space<vmem>>[vector<16xi32>, vector<16xi32>], vector<16xf32>,
        %broadcast_in_dim3A_1859 = arith.constant 116 : i32
        %broadcast_in_dim3A_1860 = vector.broadcast %broadcast_in_dim3A_1859 : i32 to vector<16xi32>
        tpu.vector_store_idx %arg14[%add3A_52, %broadcast_in_dim3A_1860], %mul3A_1839 : memref<64x128xf32, #tpu.memory_space<vmem>>[vector<16xi32>, vector<16xi32>], vector<16xf32>,
        %broadcast_in_dim3A_1861 = arith.constant 117 : i32
        %broadcast_in_dim3A_1862 = vector.broadcast %broadcast_in_dim3A_1861 : i32 to vector<16xi32>
        tpu.vector_store_idx %arg14[%add3A_52, %broadcast_in_dim3A_1862], %mul3A_1840 : memref<64x128xf32, #tpu.memory_space<vmem>>[vector<16xi32>, vector<16xi32>], vector<16xf32>,
        %broadcast_in_dim3A_1863 = arith.constant 118 : i32
        %broadcast_in_dim3A_1864 = vector.broadcast %broadcast_in_dim3A_1863 : i32 to vector<16xi32>
        tpu.vector_store_idx %arg14[%add3A_52, %broadcast_in_dim3A_1864], %mul3A_1841 : memref<64x128xf32, #tpu.memory_space<vmem>>[vector<16xi32>, vector<16xi32>], vector<16xf32>,
        %broadcast_in_dim3A_1865 = arith.constant 119 : i32
        %broadcast_in_dim3A_1866 = vector.broadcast %broadcast_in_dim3A_1865 : i32 to vector<16xi32>
        tpu.vector_store_idx %arg14[%add3A_52, %broadcast_in_dim3A_1866], %mul3A_1842 : memref<64x128xf32, #tpu.memory_space<vmem>>[vector<16xi32>, vector<16xi32>], vector<16xf32>,
        %broadcast_in_dim3A_1867 = arith.constant 120 : i32
        %broadcast_in_dim3A_1868 = vector.broadcast %broadcast_in_dim3A_1867 : i32 to vector<16xi32>
        tpu.vector_store_idx %arg14[%add3A_52, %broadcast_in_dim3A_1868], %mul3A_1843 : memref<64x128xf32, #tpu.memory_space<vmem>>[vector<16xi32>, vector<16xi32>], vector<16xf32>,
        %broadcast_in_dim3A_1869 = arith.constant 121 : i32
        %broadcast_in_dim3A_1870 = vector.broadcast %broadcast_in_dim3A_1869 : i32 to vector<16xi32>
        tpu.vector_store_idx %arg14[%add3A_52, %broadcast_in_dim3A_1870], %mul3A_1844 : memref<64x128xf32, #tpu.memory_space<vmem>>[vector<16xi32>, vector<16xi32>], vector<16xf32>,
        %broadcast_in_dim3A_1871 = arith.constant 122 : i32
        %broadcast_in_dim3A_1872 = vector.broadcast %broadcast_in_dim3A_1871 : i32 to vector<16xi32>
        tpu.vector_store_idx %arg14[%add3A_52, %broadcast_in_dim3A_1872], %mul3A_1845 : memref<64x128xf32, #tpu.memory_space<vmem>>[vector<16xi32>, vector<16xi32>], vector<16xf32>,
        %broadcast_in_dim3A_1873 = arith.constant 123 : i32
        %broadcast_in_dim3A_1874 = vector.broadcast %broadcast_in_dim3A_1873 : i32 to vector<16xi32>
        tpu.vector_store_idx %arg14[%add3A_52, %broadcast_in_dim3A_1874], %mul3A_1846 : memref<64x128xf32, #tpu.memory_space<vmem>>[vector<16xi32>, vector<16xi32>], vector<16xf32>,
        %broadcast_in_dim3A_1875 = arith.constant 124 : i32
        %broadcast_in_dim3A_1876 = vector.broadcast %broadcast_in_dim3A_1875 : i32 to vector<16xi32>
        tpu.vector_store_idx %arg14[%add3A_52, %broadcast_in_dim3A_1876], %mul3A_1847 : memref<64x128xf32, #tpu.memory_space<vmem>>[vector<16xi32>, vector<16xi32>], vector<16xf32>,
        %broadcast_in_dim3A_1877 = arith.constant 125 : i32
        %broadcast_in_dim3A_1878 = vector.broadcast %broadcast_in_dim3A_1877 : i32 to vector<16xi32>
        tpu.vector_store_idx %arg14[%add3A_52, %broadcast_in_dim3A_1878], %mul3A_1848 : memref<64x128xf32, #tpu.memory_space<vmem>>[vector<16xi32>, vector<16xi32>], vector<16xf32>,
        %broadcast_in_dim3A_1879 = arith.constant 126 : i32
        %broadcast_in_dim3A_1880 = vector.broadcast %broadcast_in_dim3A_1879 : i32 to vector<16xi32>
        tpu.vector_store_idx %arg14[%add3A_52, %broadcast_in_dim3A_1880], %mul3A_1849 : memref<64x128xf32, #tpu.memory_space<vmem>>[vector<16xi32>, vector<16xi32>], vector<16xf32>,
        %broadcast_in_dim3A_1881 = arith.constant 127 : i32
        %broadcast_in_dim3A_1882 = vector.broadcast %broadcast_in_dim3A_1881 : i32 to vector<16xi32>
        tpu.vector_store_idx %arg14[%add3A_52, %broadcast_in_dim3A_1882], %mul3A_1850 : memref<64x128xf32, #tpu.memory_space<vmem>>[vector<16xi32>, vector<16xi32>], vector<16xf32>,
      }
      %scan3A_47 = arith.constant 4 : i32
      "tpu.region"() ({
        %run_scoped3A = tpu.sem_alloc : memref<!tpu.dma_semaphore, #tpu.memory_space<semaphore_mem>>
        %dma_start3A_48 = arith.constant 0 : i32
        %dma_start3A_49 = arith.constant 0 : i32
        %dma_start3A_50 = tpu.memref_slice %arg10[%dma_start3A_48, %dma_start3A_49] : memref<10240x128xf32, #tpu.memory_space<vmem_shared>> -> memref<10240x128xf32, #tpu.memory_space<vmem_shared>>
        tpu.enqueue_indirect_dma source(%arg14 : memref<64x128xf32, #tpu.memory_space<vmem>>) target(%dma_start3A_50 : memref<10240x128xf32, #tpu.memory_space<vmem_shared>>) offsets(%arg16 : memref<64xi32, #tpu.memory_space<vmem>>) semaphore(%run_scoped3A : memref<!tpu.dma_semaphore, #tpu.memory_space<semaphore_mem>>) {add = true}
        %dma_wait3A_51 = arith.constant 0 : i32
        %dma_wait3A_52 = arith.constant 0 : i32
        %dma_wait3A_53 = tpu.memref_slice %arg10[%dma_wait3A_51, %dma_wait3A_52] : memref<10240x128xf32, #tpu.memory_space<vmem_shared>> -> memref<10240x128xf32, #tpu.memory_space<vmem_shared>>
        tpu.wait_indirect_dma semaphore(%run_scoped3A : memref<!tpu.dma_semaphore, #tpu.memory_space<semaphore_mem>>) src(%arg14 : memref<64x128xf32, #tpu.memory_space<vmem>>) dst(%dma_wait3A_53 : memref<10240x128xf32, #tpu.memory_space<vmem_shared>>)
        tpu.yield
      }) : () -> ()
      "tpu.region"() ({
        %run_scoped3A = tpu.sem_alloc : memref<!tpu.dma_semaphore, #tpu.memory_space<semaphore_mem>>
        %dma_start3A_48 = arith.constant 0 : i32
        %dma_start3A_49 = arith.constant 0 : i32
        %dma_start3A_50 = tpu.memref_slice %arg11[%dma_start3A_48, %dma_start3A_49] : memref<10240x16xf32, #tpu.memory_space<vmem_shared>> -> memref<10240x16xf32, #tpu.memory_space<vmem_shared>>
        tpu.enqueue_indirect_dma source(%arg15 : memref<64x16xf32, #tpu.memory_space<vmem>>) target(%dma_start3A_50 : memref<10240x16xf32, #tpu.memory_space<vmem_shared>>) offsets(%arg16 : memref<64xi32, #tpu.memory_space<vmem>>) semaphore(%run_scoped3A : memref<!tpu.dma_semaphore, #tpu.memory_space<semaphore_mem>>) {add = true}
        %dma_wait3A_51 = arith.constant 0 : i32
        %dma_wait3A_52 = arith.constant 0 : i32
        %dma_wait3A_53 = tpu.memref_slice %arg11[%dma_wait3A_51, %dma_wait3A_52] : memref<10240x16xf32, #tpu.memory_space<vmem_shared>> -> memref<10240x16xf32, #tpu.memory_space<vmem_shared>>
        tpu.wait_indirect_dma semaphore(%run_scoped3A : memref<!tpu.dma_semaphore, #tpu.memory_space<semaphore_mem>>) src(%arg15 : memref<64x16xf32, #tpu.memory_space<vmem>>) dst(%dma_wait3A_53 : memref<10240x16xf32, #tpu.memory_space<vmem_shared>>)
        tpu.yield
      }) : () -> ()
    }
    %scan3A_18 = arith.constant 162 : i32
    %barrier3A_19 = arith.constant 0 : index
    tpu.barrier barrier_id(%barrier3A_19)
    %mul3A_20 = arith.constant 640 : i32
    %mul3A_21 = arith.muli %arg1, %mul3A_20 : i32
    %mul3A_22 = arith.constant 640 : i32
    %mul3A_23 = arith.muli %arg1, %mul3A_22 : i32
    "tpu.region"() ({
      %run_scoped3A = tpu.sem_alloc : memref<!tpu.dma_semaphore, #tpu.memory_space<semaphore_mem>>
      %dma_start3A = arith.constant 0 : i32
      %dma_start3A_28 = arith.constant 0 : i32
      %dma_start3A_29 = tpu.memref_slice %arg8[%arg0, %dma_start3A, %dma_start3A_28] : memref<2x10240x128xf32, #tpu.memory_space<hbm>> -> memref<1x10240x128xf32, #tpu.memory_space<hbm>>
      %dma_start3A_30 = tpu.memref_squeeze %dma_start3A_29 : memref<1x10240x128xf32, #tpu.memory_space<hbm>> -> memref<10240x128xf32, #tpu.memory_space<hbm>>
      %dma_start3A_31 = arith.constant 0 : i32
      %dma_start3A_32 = tpu.memref_slice %dma_start3A_30[%mul3A_23, %dma_start3A_31] : memref<10240x128xf32, #tpu.memory_space<hbm>> -> memref<640x128xf32, #tpu.memory_space<hbm>>
      %dma_start3A_33 = arith.constant 0 : i32
      %dma_start3A_34 = tpu.memref_slice %arg10[%mul3A_21, %dma_start3A_33] : memref<10240x128xf32, #tpu.memory_space<vmem_shared>> -> memref<640x128xf32, #tpu.memory_space<vmem_shared>>
      tpu.enqueue_dma source(%dma_start3A_34 : memref<640x128xf32, #tpu.memory_space<vmem_shared>>) target(%dma_start3A_32 : memref<640x128xf32, #tpu.memory_space<hbm>>) target_semaphore(%run_scoped3A : memref<!tpu.dma_semaphore, #tpu.memory_space<semaphore_mem>>)
      %dma_wait3A = arith.constant 0 : i32
      %dma_wait3A_35 = arith.constant 0 : i32
      %dma_wait3A_36 = tpu.memref_slice %arg8[%arg0, %dma_wait3A, %dma_wait3A_35] : memref<2x10240x128xf32, #tpu.memory_space<hbm>> -> memref<1x10240x128xf32, #tpu.memory_space<hbm>>
      %dma_wait3A_37 = tpu.memref_squeeze %dma_wait3A_36 : memref<1x10240x128xf32, #tpu.memory_space<hbm>> -> memref<10240x128xf32, #tpu.memory_space<hbm>>
      %dma_wait3A_38 = arith.constant 0 : i32
      %dma_wait3A_39 = tpu.memref_slice %dma_wait3A_37[%mul3A_23, %dma_wait3A_38] : memref<10240x128xf32, #tpu.memory_space<hbm>> -> memref<640x128xf32, #tpu.memory_space<hbm>>
      %dma_wait3A_40 = arith.constant 0 : i32
      %dma_wait3A_41 = tpu.memref_slice %arg10[%mul3A_21, %dma_wait3A_40] : memref<10240x128xf32, #tpu.memory_space<vmem_shared>> -> memref<640x128xf32, #tpu.memory_space<vmem_shared>>
      tpu.wait_dma2 semaphore(%run_scoped3A : memref<!tpu.dma_semaphore, #tpu.memory_space<semaphore_mem>>) src(%dma_wait3A_41 : memref<640x128xf32, #tpu.memory_space<vmem_shared>>) dst(%dma_wait3A_39 : memref<640x128xf32, #tpu.memory_space<hbm>>)
      tpu.yield
    }) : () -> ()
    %mul3A_24 = arith.constant 640 : i32
    %mul3A_25 = arith.muli %arg1, %mul3A_24 : i32
    %mul3A_26 = arith.constant 640 : i32
    %mul3A_27 = arith.muli %arg1, %mul3A_26 : i32
    "tpu.region"() ({
      %run_scoped3A = tpu.sem_alloc : memref<!tpu.dma_semaphore, #tpu.memory_space<semaphore_mem>>
      %dma_start3A = arith.constant 0 : i32
      %dma_start3A_28 = arith.constant 0 : i32
      %dma_start3A_29 = tpu.memref_slice %arg9[%arg0, %dma_start3A, %dma_start3A_28] : memref<2x10240x16xf32, #tpu.memory_space<hbm>> -> memref<1x10240x16xf32, #tpu.memory_space<hbm>>
      %dma_start3A_30 = tpu.memref_squeeze %dma_start3A_29 : memref<1x10240x16xf32, #tpu.memory_space<hbm>> -> memref<10240x16xf32, #tpu.memory_space<hbm>>
      %dma_start3A_31 = arith.constant 0 : i32
      %dma_start3A_32 = tpu.memref_slice %dma_start3A_30[%mul3A_27, %dma_start3A_31] : memref<10240x16xf32, #tpu.memory_space<hbm>> -> memref<640x16xf32, #tpu.memory_space<hbm>>
      %dma_start3A_33 = arith.constant 0 : i32
      %dma_start3A_34 = tpu.memref_slice %arg11[%mul3A_25, %dma_start3A_33] : memref<10240x16xf32, #tpu.memory_space<vmem_shared>> -> memref<640x16xf32, #tpu.memory_space<vmem_shared>>
      tpu.enqueue_dma source(%dma_start3A_34 : memref<640x16xf32, #tpu.memory_space<vmem_shared>>) target(%dma_start3A_32 : memref<640x16xf32, #tpu.memory_space<hbm>>) target_semaphore(%run_scoped3A : memref<!tpu.dma_semaphore, #tpu.memory_space<semaphore_mem>>)
      %dma_wait3A = arith.constant 0 : i32
      %dma_wait3A_35 = arith.constant 0 : i32
      %dma_wait3A_36 = tpu.memref_slice %arg9[%arg0, %dma_wait3A, %dma_wait3A_35] : memref<2x10240x16xf32, #tpu.memory_space<hbm>> -> memref<1x10240x16xf32, #tpu.memory_space<hbm>>
      %dma_wait3A_37 = tpu.memref_squeeze %dma_wait3A_36 : memref<1x10240x16xf32, #tpu.memory_space<hbm>> -> memref<10240x16xf32, #tpu.memory_space<hbm>>
      %dma_wait3A_38 = arith.constant 0 : i32
      %dma_wait3A_39 = tpu.memref_slice %dma_wait3A_37[%mul3A_27, %dma_wait3A_38] : memref<10240x16xf32, #tpu.memory_space<hbm>> -> memref<640x16xf32, #tpu.memory_space<hbm>>
      %dma_wait3A_40 = arith.constant 0 : i32
      %dma_wait3A_41 = tpu.memref_slice %arg11[%mul3A_25, %dma_wait3A_40] : memref<10240x16xf32, #tpu.memory_space<vmem_shared>> -> memref<640x16xf32, #tpu.memory_space<vmem_shared>>
      tpu.wait_dma2 semaphore(%run_scoped3A : memref<!tpu.dma_semaphore, #tpu.memory_space<semaphore_mem>>) src(%dma_wait3A_41 : memref<640x16xf32, #tpu.memory_space<vmem_shared>>) dst(%dma_wait3A_39 : memref<640x16xf32, #tpu.memory_space<hbm>>)
      tpu.yield
    }) : () -> ()
    return
  }
}

module attributes {stable_mosaic.version = 14 : i64} {
  func.func @body(%arg0: i32, %arg1: memref<1024x128xf32, #tpu.memory_space<vmem>>, %arg2: memref<1024x128xf32, #tpu.memory_space<vmem>>, %arg3: memref<128x384xf32, #tpu.memory_space<vmem>>, %arg4: memref<128x128xf32, #tpu.memory_space<vmem>>, %arg5: memref<1x128xf32, #tpu.memory_space<vmem>>, %arg6: memref<1x128xf32, #tpu.memory_space<vmem>>, %arg7: memref<1024x128xf32, #tpu.memory_space<vmem>>, %arg8: memref<1024x256xf32, #tpu.memory_space<vmem>>) attributes {dimension_semantics = [#tpu.dimension_semantics<arbitrary>], iteration_bounds = array<i64: 10>, scalar_prefetch = 0 : i64, scratch_operands = 0 : i64, tpu.core_type = #tpu.core_type<tc>, window_params = [{transform_indices = @transform_0, window_bounds = array<i64: 1024, 128>}, {transform_indices = @transform_1, window_bounds = array<i64: 1024, 128>}, {pipeline_mode = #tpu.pipeline_mode<synchronous>, transform_indices = @transform_2, window_bounds = array<i64: 128, 384>}, {pipeline_mode = #tpu.pipeline_mode<synchronous>, transform_indices = @transform_3, window_bounds = array<i64: 128, 128>}, {pipeline_mode = #tpu.pipeline_mode<synchronous>, transform_indices = @transform_4, window_bounds = array<i64: 1, 128>}, {pipeline_mode = #tpu.pipeline_mode<synchronous>, transform_indices = @transform_5, window_bounds = array<i64: 1, 128>}, {transform_indices = @transform_6, window_bounds = array<i64: 1024, 128>}, {transform_indices = @transform_7, window_bounds = array<i64: 1024, 256>}]} {
    %get3A = arith.constant 0 : index
    %get3A_0 = arith.constant 0 : index
    %get3A_1 = vector.load %arg1[%get3A, %get3A_0] : memref<1024x128xf32, #tpu.memory_space<vmem>>, vector<1024x128xf32>
    %get3A_2 = arith.constant 0 : index
    %get3A_3 = arith.constant 0 : index
    %get3A_4 = vector.load %arg3[%get3A_2, %get3A_3] : memref<128x384xf32, #tpu.memory_space<vmem>>, vector<128x384xf32>
    %dot_general3A = arith.constant dense<0.000000e+00> : vector<1024x384xf32>
    %dot_general3A_5 = tpu.matmul %get3A_1, %get3A_4, %dot_general3A {dimension_numbers = #tpu.dot_dimension_numbers<[1], [0], [0], [1], [0, 0, 1, 1], [], []>, transpose_lhs_hint = false} : vector<1024x128xf32>, vector<128x384xf32>, vector<1024x384xf32> -> vector<1024x384xf32>
    %slice3A = vector.extract_strided_slice %dot_general3A_5 {offsets = [0, 0], sizes = [1024, 128], strides = [1, 1]} : vector<1024x384xf32> to vector<1024x128xf32>
    %get3A_6 = arith.constant 0 : index
    %get3A_7 = arith.constant 0 : index
    %get3A_8 = vector.load %arg5[%get3A_6, %get3A_7] : memref<1x128xf32, #tpu.memory_space<vmem>>, vector<1x128xf32>
    %add3A = vector.broadcast %get3A_8 : vector<1x128xf32> to vector<1024x128xf32>
    %add3A_9 = arith.addf %slice3A, %add3A : vector<1024x128xf32>
    %max3A = arith.constant 0.000000e+00 : f32
    %max3A_10 = vector.broadcast %max3A : f32 to vector<1024x128xf32>
    %max3A_11 = arith.maximumf %add3A_9, %max3A_10 : vector<1024x128xf32>
    %swap3A = arith.constant 0 : index
    %swap3A_12 = arith.constant 0 : index
    %swap3A_13 = vector.load %arg7[%swap3A, %swap3A_12] : memref<1024x128xf32, #tpu.memory_space<vmem>>, vector<1024x128xf32>
    tpu.vector_store %arg7[%swap3A, %swap3A_12], %max3A_11 {strides = array<i32>} : memref<1024x128xf32, #tpu.memory_space<vmem>>, vector<1024x128xf32>,
    %slice3A_14 = vector.extract_strided_slice %dot_general3A_5 {offsets = [0, 128], sizes = [1024, 128], strides = [1, 1]} : vector<1024x384xf32> to vector<1024x128xf32>
    %get3A_15 = arith.constant 0 : index
    %get3A_16 = arith.constant 0 : index
    %get3A_17 = vector.load %arg6[%get3A_15, %get3A_16] : memref<1x128xf32, #tpu.memory_space<vmem>>, vector<1x128xf32>
    %add3A_18 = vector.broadcast %get3A_17 : vector<1x128xf32> to vector<1024x128xf32>
    %add3A_19 = arith.addf %slice3A_14, %add3A_18 : vector<1024x128xf32>
    %max3A_20 = arith.constant 0.000000e+00 : f32
    %max3A_21 = vector.broadcast %max3A_20 : f32 to vector<1024x128xf32>
    %max3A_22 = arith.maximumf %add3A_19, %max3A_21 : vector<1024x128xf32>
    %slice3A_23 = vector.extract_strided_slice %dot_general3A_5 {offsets = [0, 256], sizes = [1024, 128], strides = [1, 1]} : vector<1024x384xf32> to vector<1024x128xf32>
    %get3A_24 = arith.constant 0 : index
    %get3A_25 = arith.constant 0 : index
    %get3A_26 = vector.load %arg2[%get3A_24, %get3A_25] : memref<1024x128xf32, #tpu.memory_space<vmem>>, vector<1024x128xf32>
    %get3A_27 = arith.constant 0 : index
    %get3A_28 = arith.constant 0 : index
    %get3A_29 = vector.load %arg4[%get3A_27, %get3A_28] : memref<128x128xf32, #tpu.memory_space<vmem>>, vector<128x128xf32>
    %dot_general3A_30 = arith.constant dense<0.000000e+00> : vector<1024x128xf32>
    %dot_general3A_31 = tpu.matmul %get3A_26, %get3A_29, %dot_general3A_30 {dimension_numbers = #tpu.dot_dimension_numbers<[1], [0], [0], [1], [0, 0, 1, 1], [], []>, transpose_lhs_hint = false} : vector<1024x128xf32>, vector<128x128xf32>, vector<1024x128xf32> -> vector<1024x128xf32>
    %add3A_32 = arith.addf %slice3A_23, %dot_general3A_31 : vector<1024x128xf32>
    %concatenate3A = tpu.concatenate %max3A_22, %add3A_32 in 1 : vector<1024x128xf32>, vector<1024x128xf32> -> vector<1024x256xf32>
    %swap3A_33 = arith.constant 0 : index
    %swap3A_34 = arith.constant 0 : index
    %swap3A_35 = vector.load %arg8[%swap3A_33, %swap3A_34] : memref<1024x256xf32, #tpu.memory_space<vmem>>, vector<1024x256xf32>
    tpu.vector_store %arg8[%swap3A_33, %swap3A_34], %concatenate3A {strides = array<i32>} : memref<1024x256xf32, #tpu.memory_space<vmem>>, vector<1024x256xf32>,
    return
  }
  func.func @transform_0(%arg0: i32) -> (i32, i32) {
    %c0_i32 = arith.constant 0 : i32
    %c0_i32_0 = arith.constant 0 : i32
    return %arg0, %c0_i32 : i32, i32
  }
  func.func @transform_1(%arg0: i32) -> (i32, i32) {
    %c0_i32 = arith.constant 0 : i32
    %c0_i32_0 = arith.constant 0 : i32
    return %arg0, %c0_i32 : i32, i32
  }
  func.func @transform_2(%arg0: i32) -> (i32, i32) {
    %c0_i32 = arith.constant 0 : i32
    %c0_i32_0 = arith.constant 0 : i32
    %c0_i32_1 = arith.constant 0 : i32
    return %c0_i32, %c0_i32_0 : i32, i32
  }
  func.func @transform_3(%arg0: i32) -> (i32, i32) {
    %c0_i32 = arith.constant 0 : i32
    %c0_i32_0 = arith.constant 0 : i32
    %c0_i32_1 = arith.constant 0 : i32
    return %c0_i32, %c0_i32_0 : i32, i32
  }
  func.func @transform_4(%arg0: i32) -> (i32, i32) {
    %c0_i32 = arith.constant 0 : i32
    %c0_i32_0 = arith.constant 0 : i32
    %c0_i32_1 = arith.constant 0 : i32
    return %c0_i32, %c0_i32_0 : i32, i32
  }
  func.func @transform_5(%arg0: i32) -> (i32, i32) {
    %c0_i32 = arith.constant 0 : i32
    %c0_i32_0 = arith.constant 0 : i32
    %c0_i32_1 = arith.constant 0 : i32
    return %c0_i32, %c0_i32_0 : i32, i32
  }
  func.func @transform_6(%arg0: i32) -> (i32, i32) {
    %c0_i32 = arith.constant 0 : i32
    %c0_i32_0 = arith.constant 0 : i32
    return %arg0, %c0_i32 : i32, i32
  }
  func.func @transform_7(%arg0: i32) -> (i32, i32) {
    %c0_i32 = arith.constant 0 : i32
    %c0_i32_0 = arith.constant 0 : i32
    return %arg0, %c0_i32 : i32, i32
  }
}

module attributes {stable_mosaic.version = 14 : i64} {
  func.func @body(%arg0: i32, %arg1: memref<2x1024x128xf32, #tpu.memory_space<vmem>>, %arg2: memref<2x1024x16xf32, #tpu.memory_space<vmem>>, %arg3: memref<1x128xf32, #tpu.memory_space<vmem>>, %arg4: memref<1024x128xf32, #tpu.memory_space<vmem>>) attributes {dimension_semantics = [#tpu.dimension_semantics<arbitrary>], iteration_bounds = array<i64: 10>, scalar_prefetch = 0 : i64, scratch_operands = 0 : i64, tpu.core_type = #tpu.core_type<tc>, window_params = [{transform_indices = @transform_0, window_bounds = array<i64: 2, 1024, 128>}, {transform_indices = @transform_1, window_bounds = array<i64: 2, 1024, 16>}, {pipeline_mode = #tpu.pipeline_mode<synchronous>, transform_indices = @transform_2, window_bounds = array<i64: 1, 128>}, {transform_indices = @transform_3, window_bounds = array<i64: 1024, 128>}]} {
    %get3A = arith.constant 0 : index
    %get3A_0 = arith.constant 0 : index
    %get3A_1 = arith.constant 0 : index
    %get3A_2 = vector.load %arg1[%get3A, %get3A_0, %get3A_1] : memref<2x1024x128xf32, #tpu.memory_space<vmem>>, vector<1x1024x128xf32>
    %get3A_3 = vector.shape_cast %get3A_2 : vector<1x1024x128xf32> to vector<1024x128xf32>
    %get3A_4 = arith.constant 1 : index
    %get3A_5 = arith.constant 0 : index
    %get3A_6 = arith.constant 0 : index
    %get3A_7 = vector.load %arg1[%get3A_4, %get3A_5, %get3A_6] : memref<2x1024x128xf32, #tpu.memory_space<vmem>>, vector<1x1024x128xf32>
    %get3A_8 = vector.shape_cast %get3A_7 : vector<1x1024x128xf32> to vector<1024x128xf32>
    %add3A = arith.addf %get3A_3, %get3A_8 : vector<1024x128xf32>
    %get3A_9 = arith.constant 0 : index
    %get3A_10 = arith.constant 0 : index
    %get3A_11 = arith.constant 0 : index
    %get3A_12 = vector.load %arg2[%get3A_9, %get3A_10, %get3A_11] : memref<2x1024x16xf32, #tpu.memory_space<vmem>>, vector<1x1024x16xf32>
    %get3A_13 = vector.shape_cast %get3A_12 : vector<1x1024x16xf32> to vector<1024x16xf32>
    %get3A_14 = arith.constant 1 : index
    %get3A_15 = arith.constant 0 : index
    %get3A_16 = arith.constant 0 : index
    %get3A_17 = vector.load %arg2[%get3A_14, %get3A_15, %get3A_16] : memref<2x1024x16xf32, #tpu.memory_space<vmem>>, vector<1x1024x16xf32>
    %get3A_18 = vector.shape_cast %get3A_17 : vector<1x1024x16xf32> to vector<1024x16xf32>
    %add3A_19 = arith.addf %get3A_13, %get3A_18 : vector<1024x16xf32>
    %slice3A = vector.extract_strided_slice %add3A_19 {offsets = [0, 0], sizes = [1024, 8], strides = [1, 1]} : vector<1024x16xf32> to vector<1024x8xf32>
    %iota3A = tpu.iota {dimensions = array<i32: 1>} : vector<8x128xi32>
    %jit3A = arith.constant 16 : i32
    %div3A = vector.broadcast %jit3A : i32 to vector<8x128xi32>
    %div3A_20 = arith.divsi %iota3A, %div3A : vector<8x128xi32>
    %sign3A = arith.constant 0 : i32
    %sign3A_21 = vector.broadcast %sign3A : i32 to vector<8x128xi32>
    %sign3A_22 = arith.cmpi sgt, %iota3A, %sign3A_21 : vector<8x128xi32>
    %sign3A_23 = arith.extui %sign3A_22 : vector<8x128xi1> to vector<8x128xi32>
    %sign3A_24 = arith.constant 0 : i32
    %sign3A_25 = vector.broadcast %sign3A_24 : i32 to vector<8x128xi32>
    %sign3A_26 = arith.cmpi slt, %iota3A, %sign3A_25 : vector<8x128xi32>
    %sign3A_27 = arith.extui %sign3A_26 : vector<8x128xi1> to vector<8x128xi32>
    %sign3A_28 = arith.subi %sign3A_23, %sign3A_27 : vector<8x128xi32>
    %sign3A_29 = arith.constant 0 : i32
    %sign3A_30 = arith.cmpi sgt, %jit3A, %sign3A_29 : i32
    %sign3A_31 = arith.extui %sign3A_30 : i1 to i32
    %sign3A_32 = arith.constant 0 : i32
    %sign3A_33 = arith.cmpi slt, %jit3A, %sign3A_32 : i32
    %sign3A_34 = arith.extui %sign3A_33 : i1 to i32
    %sign3A_35 = arith.subi %sign3A_31, %sign3A_34 : i32
    %ne3A = vector.broadcast %sign3A_35 : i32 to vector<8x128xi32>
    %ne3A_36 = arith.cmpi ne, %sign3A_28, %ne3A : vector<8x128xi32>
    %rem3A = vector.broadcast %jit3A : i32 to vector<8x128xi32>
    %rem3A_37 = arith.remsi %iota3A, %rem3A : vector<8x128xi32>
    %ne3A_38 = arith.constant 0 : i32
    %ne3A_39 = vector.broadcast %ne3A_38 : i32 to vector<8x128xi32>
    %ne3A_40 = arith.cmpi ne, %rem3A_37, %ne3A_39 : vector<8x128xi32>
    %and3A = arith.andi %ne3A_36, %ne3A_40 : vector<8x128xi1>
    %sub3A = arith.constant 1 : i32
    %sub3A_41 = vector.broadcast %sub3A : i32 to vector<8x128xi32>
    %sub3A_42 = arith.subi %div3A_20, %sub3A_41 : vector<8x128xi32>
    %select_n3A = arith.select %and3A, %sub3A_42, %div3A_20 : vector<8x128xi1>, vector<8x128xi32>
    %iota3A_43 = tpu.iota {dimensions = array<i32: 0>} : vector<8x128xi32>
    %eq3A = arith.cmpi eq, %select_n3A, %iota3A_43 : vector<8x128xi32>
    %convert_element_type3A = arith.extui %eq3A : vector<8x128xi1> to vector<8x128xi32>
    %convert_element_type3A_44 = arith.sitofp %convert_element_type3A : vector<8x128xi32> to vector<8x128xf32>
    %dot_general3A = arith.constant dense<0.000000e+00> : vector<1024x128xf32>
    %dot_general3A_45 = tpu.matmul %slice3A, %convert_element_type3A_44, %dot_general3A {dimension_numbers = #tpu.dot_dimension_numbers<[1], [0], [0], [1], [0, 0, 1, 1], [], []>, transpose_lhs_hint = false} : vector<1024x8xf32>, vector<8x128xf32>, vector<1024x128xf32> -> vector<1024x128xf32>
    %div3A_46 = arith.divf %add3A, %dot_general3A_45 : vector<1024x128xf32>
    %get3A_47 = arith.constant 0 : index
    %get3A_48 = arith.constant 0 : index
    %get3A_49 = vector.load %arg3[%get3A_47, %get3A_48] : memref<1x128xf32, #tpu.memory_space<vmem>>, vector<1x128xf32>
    %add3A_50 = vector.broadcast %get3A_49 : vector<1x128xf32> to vector<1024x128xf32>
    %add3A_51 = arith.addf %div3A_46, %add3A_50 : vector<1024x128xf32>
    %swap3A = arith.constant 0 : index
    %swap3A_52 = arith.constant 0 : index
    %swap3A_53 = vector.load %arg4[%swap3A, %swap3A_52] : memref<1024x128xf32, #tpu.memory_space<vmem>>, vector<1024x128xf32>
    tpu.vector_store %arg4[%swap3A, %swap3A_52], %add3A_51 {strides = array<i32>} : memref<1024x128xf32, #tpu.memory_space<vmem>>, vector<1024x128xf32>,
    return
  }
  func.func @transform_0(%arg0: i32) -> (i32, i32, i32) {
    %c0_i32 = arith.constant 0 : i32
    %c0_i32_0 = arith.constant 0 : i32
    %c0_i32_1 = arith.constant 0 : i32
    return %c0_i32, %arg0, %c0_i32_0 : i32, i32, i32
  }
  func.func @transform_1(%arg0: i32) -> (i32, i32, i32) {
    %c0_i32 = arith.constant 0 : i32
    %c0_i32_0 = arith.constant 0 : i32
    %c0_i32_1 = arith.constant 0 : i32
    return %c0_i32, %arg0, %c0_i32_0 : i32, i32, i32
  }
  func.func @transform_2(%arg0: i32) -> (i32, i32) {
    %c0_i32 = arith.constant 0 : i32
    %c0_i32_0 = arith.constant 0 : i32
    %c0_i32_1 = arith.constant 0 : i32
    return %c0_i32, %c0_i32_0 : i32, i32
  }
  func.func @transform_3(%arg0: i32) -> (i32, i32) {
    %c0_i32 = arith.constant 0 : i32
    %c0_i32_0 = arith.constant 0 : i32
    return %arg0, %c0_i32 : i32, i32
  }
}

</mosaic_0001>

<sc_bundles>
// kernel: kernel.10.cloned.1.call-start
scs
__scs_entry_jumppad:
0x0: {  	(pc) =	sbr.rel $0x88, $3  }
0x1: {  	(tag) =	ssettag $0x0;
	lr =	simm.s32 $0x1  }
0x2: {  	[smem:$0x3F97] =	sst lr;
	_ =	strace $0xD0000000  }
0x3: {  	_ = 	snop  }
0x4: {  	_ = 	snop  }
0x5: {  	_ = 	snop  }
0x6: {  	_ = 	snop  }
0x7: {  	_ = 	snop  }
__scs_overlays_trampoline_lowered:
0x8: {  	[smem:$0x3FA6] =	sst s0  }
0x9: {  	[smem:$0x3FA7] =	sst s1  }
0xa: {  	[smem:$0x3FA8] =	sst s2  }
0xb: {  	[smem:$0x3FA9] =	sst s3  }
0xc: {  	[smem:$0x3FAA] =	sst s4  }
0xd: {  	[smem:$0x3FAB] =	sst s5  }
0xe: {  	[smem:$0x3FAC] =	sst s6  }
0xf: {  	[smem:$0x3FAD] =	sst s7  }
0x10: {  	[smem:$0x3FAE] =	sst s8  }
0x11: {  	[smem:$0x3FAF] =	sst s9;
	s0 =	simm.s32 @!p0 $0x0  }
0x12: {  	s1 =	sld [smem:$0x3F95];
	s0 =	simm.s32 @p0 $0x1  }
0x13: {  	[smem:$0x3FB0] =	sst s0;
	s0 =	simm.s32 @!p1 $0x0  }
0x14: {  	s2 =	sld [smem:$0x3F94];
	s0 =	simm.s32 @p1 $0x1  }
0x15: {  	[smem:$0x3FB1] =	sst s0;
	s0 =	simm.s32 @!p2 $0x0  }
0x16: {  	s3 =	sld [smem:$0x3FDB];
	s0 =	simm.s32 @p2 $0x1  }
0x17: {  	s4 =	simm.s32 $0x1BF5;
	[smem:$0x3FB3] =	sst s0  }
0x18: {  	s0 =	sld [smem:$0x3F96];
	_ =	swait.ge [sflag:s4], $0x0  }
0x19: {  	s7 =	sld [smem:$0x3F97]  }
0x1a: {  	s8 =	sadd.s32 $0xFFFFE003, lr  }
0x1b: {  	s9 =	sadd.s32 $0xFFFFFEF7, lr;
	s5 =	simm.s32 $0xFFFFFFFF;
	p2 =	slt.u32 s8, $0xFFFFF086  }
0x1c: {  	p1 =	slt.u32 s9, $0xF7A;
	s5 =	simm.s32 @!p2 $0x0  }
0x1d: {  	s5 =	simm.s32 @p1 $0x1;
	p0 =	seq.s32 s7, s2  }
0x1e: {  	s7 =	smul.u32 @!p0 $0xF7A, s2;
	p2 =	seq.s32 @!p0 s5, $0x0  }
0x1f: {  	s9 =	smul.u32 $0xF7A, s1;
	s8 =	simm.s32 @!p0 $0x1BF5;
	p2 =	por !p2, p0  }
0x20: {  	[sflag:s8] =	ssyncset.s32 @!p0 $0xFFFFF086;
	s6 =	sadd.s32 @!p0 s3, s7;
	s7 =	simm.s32 @!p0 $0x108  }
0x21: {  	s3 =	sadd.s32 s3, s9;
	s6 =	sadd.s32 @!p0 $0x88, s6;
	s7 =	simm.s32 @p2 $0x1082  }
0x22: {  	[simem:s7], [sflag:s8] =	dma.local @!p0 [hbm:s6], $0xF7A  }
0x23: {  	s9 =	sor.u32 $0xD0000000, s2;
	s6 =	simm.s32 $0x108;
	_ =	swait.ge @!p0 [sflag:s8], $0x0  }
0x24: {  	s3 =	sadd.s32 $0x88, s3;
	s6 =	simm.s32 @!p1 $0x1082;
	[sflag:s4] =	ssyncset.s32 $0xFFFFF086  }
0x25: {  	[simem:s6], [sflag:s4] =	dma.local [hbm:s3], $0xF7A  }
0x26: {  	[smem:$0x3F97] =	sst s1;
	(tag) =	ssettag s2;
	_ =	strace s9  }
0x27: {  	s1 =	sld [smem:$0x3FA7]  }
0x28: {  	s2 =	sld [smem:$0x3FA8]  }
0x29: {  	s4 =	sld [smem:$0x3FAA]  }
0x2a: {  	p0 =	seq.s32 s5, $0x0;
	s5 =	sld [smem:$0x3FAB]  }
0x2b: {  	s6 =	sld [smem:$0x3FAC]  }
0x2c: {  	s7 =	sld [smem:$0x3FAD]  }
0x2d: {  	s3 =	simm.s32 $0x108;
	s8 =	sld [smem:$0x3FAE]  }
0x2e: {  	s3 =	simm.s32 @!p0 $0x1082;
	s9 =	sld [smem:$0x3FAF]  }
0x2f: {  	lr =	sadd.s32 s0, s3;
	s0 =	sld [smem:$0x3FA6]  }
0x30: {  	s3 =	sld [smem:$0x3FA9]  }
0x31: {  	[smem:$0x3FB2] =	sst s10  }
0x32: {  	s10 =	sld [smem:$0x3FB0];
	_ =	sdelay $0x3  }
0x33: {  	p0 =	seq.s32 s10, $0x1;
	s10 =	sld [smem:$0x3FB2];
	_ =	sdelay $0x3  }
0x34: {  	[smem:$0x3FB2] =	sst s10  }
0x35: {  	s10 =	sld [smem:$0x3FB1];
	_ =	sdelay $0x3  }
0x36: {  	p1 =	seq.s32 s10, $0x1;
	s10 =	sld [smem:$0x3FB2];
	_ =	sdelay $0x3  }
0x37: {  	[smem:$0x3FB2] =	sst s10  }
0x38: {  	s10 =	sld [smem:$0x3FB3]  }
0x39: {  	_ = 	snop;
	(pc) =	sbr.ind lr, $3  }
0x3a: {  	_ = 	snop  }
0x3b: {  	_ = 	snop  }
0x3c: {  	p2 =	seq.s32 s10, $0x1;
	s10 =	sld [smem:$0x3FB2]  }
0x3d: {  	_ =	shalt  }
0x3e: {  	_ =	shalt  }
0x3f: {  	_ =	shalt  }
0x40: {  	_ =	shalt  }
0x41: {  	_ =	shalt  }
0x42: {  	_ =	shalt  }
0x43: {  	_ =	shalt  }
0x44: {  	_ =	shalt  }
0x45: {  	_ =	shalt  }
0x46: {  	_ =	shalt  }
0x47: {  	_ =	shalt  }
0x48: {  	_ =	shalt  }
0x49: {  	_ =	shalt  }
0x4a: {  	_ =	shalt  }
0x4b: {  	_ =	shalt  }
0x4c: {  	_ =	shalt  }
0x4d: {  	_ =	shalt  }
0x4e: {  	_ =	shalt  }
0x4f: {  	_ =	shalt  }
0x50: {  	_ =	shalt  }
0x51: {  	_ =	shalt  }
0x52: {  	_ =	shalt  }
0x53: {  	_ =	shalt  }
0x54: {  	_ =	shalt  }
0x55: {  	_ =	shalt  }
0x56: {  	_ =	shalt  }
0x57: {  	_ =	shalt  }
0x58: {  	_ =	shalt  }
0x59: {  	_ =	shalt  }
0x5a: {  	_ =	shalt  }
0x5b: {  	_ =	shalt  }
0x5c: {  	_ =	shalt  }
0x5d: {  	_ =	shalt  }
0x5e: {  	_ =	shalt  }
0x5f: {  	_ =	shalt  }
0x60: {  	_ =	shalt  }
0x61: {  	_ =	shalt  }
0x62: {  	_ =	shalt  }
0x63: {  	_ =	shalt  }
0x64: {  	_ =	shalt  }
0x65: {  	_ =	shalt  }
0x66: {  	_ =	shalt  }
0x67: {  	_ =	shalt  }
0x68: {  	_ =	shalt  }
0x69: {  	_ =	shalt  }
0x6a: {  	_ =	shalt  }
0x6b: {  	_ =	shalt  }
0x6c: {  	_ =	shalt  }
0x6d: {  	_ =	shalt  }
0x6e: {  	_ =	shalt  }
0x6f: {  	_ =	shalt  }
0x70: {  	_ =	shalt  }
0x71: {  	_ =	shalt  }
0x72: {  	_ =	shalt  }
0x73: {  	_ =	shalt  }
0x74: {  	_ =	shalt  }
0x75: {  	_ =	shalt  }
0x76: {  	_ =	shalt  }
0x77: {  	_ =	shalt  }
0x78: {  	_ =	shalt  }
0x79: {  	_ =	shalt  }
0x7a: {  	_ =	shalt  }
0x7b: {  	_ =	shalt  }
0x7c: {  	_ =	shalt  }
0x7d: {  	_ =	shalt  }
0x7e: {  	_ =	shalt  }
0x7f: {  	_ =	shalt  }
0x80: {  	_ =	shalt  }
0x81: {  	_ =	shalt  }
0x82: {  	_ =	shalt  }
0x83: {  	_ =	shalt  }
0x84: {  	_ =	shalt  }
0x85: {  	_ =	shalt  }
0x86: {  	_ =	shalt  }
0x87: {  	_ =	shalt  }
.Lfunc_end0:
.L_simem_size_0:
called_computation.1_lowered:
.L_overlay_start_0:
0x88: {  	s2 =	sld [smem:$0x3FD9]  }
0x89: {  	s3 =	sld [smem:$0x3FFE];
	_ =	sdelay $0x1  }
0x8a: {  	s1 =	srdreg.scid  }
0x8b: {  	s0 =	sand.u32 $0x1, s1  }
0x8c: {  	s17 =	sshll.u32 s0, $0xA;
	s2 =	sadd.s32 s3, s2  }
0x8d: {  	s2 =	sadd.s32 s2, s17  }
0x8e: {  	[smem:$0x3FBE] =	sst s2  }
0x8f: {  	_ = 	snop  }
0x90: {  	s2 =	sld [smem:$0x3FD0];
	(tm) =	ssettm $0x1  }
0x91: {  	s18 =	sld [smem:$0x3FFB];
	_ =	sdelay $0x3  }
0x92: {  	_ =	strace s18  }
0x93: {  	s3 =	sld [smem:$0x3FFC];
	_ =	sdelay $0x3  }
0x94: {  	_ =	strace s3  }
0x95: {  	s3 =	sld [smem:$0x3FFD];
	_ =	sdelay $0x3  }
0x96: {  	_ =	strace s3  }
0x97: {  	_ =	strace $0x8FFFFFFF  }
0x98: {  	s19 =	sld [smem:$0x3FDB];
	_ =	sdelay $0x1  }
0x99: {  	s4 =	simm.s32 $_scs_section_size  }
0x9a: {  	s5 =	simm.s32 $_size__tile_overlayer_lowered;
	s6 =	simm.s32 $_tile_overlayer_lowered  }
0x9b: {  	s22 =	simm.s32 $0x1BFF;
	s21 =	sshll.u32 s6, $0x1;
	s3 =	sadd.s32 s4, s19  }
0x9c: {  	s7 =	simm.s32 $0x0;
	s20 =	sshll.u32 s5, $0x1;
	s5 =	sadd.s32 s21, s3  }
0x9d: {  	[timem:s7], [sflag:s22] =	dma.local [hbm:s5], s20  }
0x9e: {  	_ =	swait.ge [sflag:s22], s20  }
0x9f: {  	s4 =	ssub.s32 $0x0, s20;
	[sflag:s22] =	ssyncset.done $0x0  }
0xa0: {  	[sflag:s22] =	ssyncadd.s32 s4;
	_ =	sdelay $0x1  }
0xa1: {  	s23 =	simm.s32 $0x1B8B  }
0xa2: {  	_ =	swait.ge [sflag:s23], $0x1  }
0xa3: {  	[sflag:s23] =	ssyncset.done $0x0  }
0xa4: {  	s25 =	simm.s32 $0x1B8E;
	s24 =	sld [smem:$0x3FFE];
	[sflag:s23] =	ssyncadd.s32 $0xFFFFFFFF  }
0xa5: {  	s26 =	simm.s32 $execute0_lowered;
	[smem:$0x3FD2] =	sst s25  }
0xa6: {  	s5 =	sshll.u32 s26, $0x1;
	_ =	strace $0x80000049;
	[dreg:$0x1] =	wrdreg $0xFFFFFFFF  }
0xa7: {  	s28 =	simm.s32 $_size_execute0_lowered;
	s3 =	sadd.s32 s3, s5;
	[dreg:$0x0] =	wrdreg $0x0  }
0xa8: {  	s5 =	sshll.u32 s28, $0x1;
	[dreg:$0x2] =	wrdreg s3  }
0xa9: {  	[dreg:$0x3] =	wrdreg s5  }
0xaa: {  	[dreg:$0x4] =	wrdreg $0xC0  }
0xab: {  	_ =	task [dreg:s7], $0x5FFFF  }
0xac: {  	[dreg:$0x1] =	wrdreg $0xFFFFFFFF  }
0xad: {  	[dreg:$0x0] =	wrdreg $0x60  }
0xae: {  	[dreg:$0x2] =	wrdreg s24  }
0xaf: {  	[dreg:$0x3] =	wrdreg s2  }
0xb0: {  	[dreg:$0x4] =	wrdreg $0x0  }
0xb1: {  	[dreg:$0x5] =	wrdreg $0x140000  }
0xb2: {  	[dreg:$0x6] =	wrdreg $0x9  }
0xb3: {  	_ =	task.clear_ibuf [dreg:s7], $0x7FFFF;
	_ =	strace $0x90000049  }
0xb4: {  	s29 =	simm.s32 $0x9;
	_ =	strace $0x8000004B  }
0xb5: {  	_ =	swait.ge [sflag:s29], $0x1  }
0xb6: {  	[sflag:s29] =	ssyncadd.s32 $0xFFFFFFFF  }
0xb7: {  	_ =	strace $0x9000004B  }
0xb8: {  	_ =	sfence  }
0xb9: {  	s30 =	sld [smem:$0x0];
	_ =	sdelay $0x2  }
0xba: {  	s31 =	sshll.u32 s1, $0xD;
	s1 =	sshrl.u32 s1, $0x2  }
0xbb: {  	s3 =	sand.u32 $0x4000, s31;
	s1 =	sadd.s32 s1, s30  }
0xbc: {  	s0 =	sor.u32 s3, s0;
	s1 =	sshll.u32 s1, $0x11  }
0xbd: {  	s0 =	sor.u32 s1, s0  }
0xbe: {  	s0 =	sadd.s32 $0x8F2B, s0  }
0xbf: {  	[sflag:s0] =	ssyncadd.remote.s32 $0x1  }
0xc0: {  	_ =	sfence.sel $0xFFFF  }
0xc1: {  	[dreg:$0x0] =	wrdreg $0xFFFFFFFF;
	(pc) =	sbr.abs _section_cstart, $3  }
0xc2: {  	[dreg:$0x1] =	wrdreg $0xFFFFFFFF  }
0xc3: {  	_ =	task.clear_ibuf [dreg:s7], $0x2FFFF;
	_ =	strace $0x9FFFFFFF  }
0xc4: {  	(tm) =	ssettm $0x7FFFFFFF  }
0xc5: {  	_ =	shalt  }
tec
execute0_lowered:
.L_overlay_start_1:
0x0: {  	(tag) =	ssettag $0x1  }
0x1: {  	s11 =	rddreg [dreg:$0x0]  }
0x2: {  	s1 =	rddreg [dreg:$0x1]  }
0x3: {  	s2 =	rddreg [dreg:$0x2]  }
0x4: {  	s3 =	rddreg [dreg:$0x3];
	s4 =	simm.s32 $0x0  }
0x5: {  	s7 =	srdreg.scid;
	s20 =	simm.s32 $0x16800;
	s21 =	simm.s32 $0x18800  }
0x6: {  	s26 =	simm.s32 $0x1E800;
	s28 =	simm.s32 $0x1C800;
	[smem:$0x7FF] =	sst s4  }
0x7: {  	s5 =	sadd.s32 $0x5F200, s11;
	s6 =	sadd.s32 $0x87200, s11;
	s12 =	sand.u32 $0x1, s7  }
0x8: {  	s7 =	sadd.s32 $0x55000, s11;
	s8 =	sadd.s32 $0x2A00, s11;
	s9 =	smul.u32 $0x28000, s12  }
0x9: {  	s10 =	sadd.s32 $0x2400, s11;
	s13 =	smul.u32 $0x5000, s12;
	s14 =	ssub.s32 $0x2, s12  }
0xa: {  	_ =	strace $0x8000004A;
	s16 =	sshrl.u32 s14, $0x1;
	s15 =	sadd.s32 s9, s11  }
0xb: {  	s9 =	stileid.u32;
	s13 =	sadd.s32 s13, s11;
	s14 =	ssub.s32 s14, s16  }
0xc: {  	s29 =	smul.u32 $0x14000, s9;
	s30 =	sshll.u32 s9, $0x1;
	s17 =	sshll.u32 s9, $0x6  }
0xd: {  	s18 =	smul.u32 $0x2800, s9;
	s22 =	sadd.s32 $0xD7200, s15;
	s24 =	sadd.s32 $0x5200, s13  }
0xe: {  	s13 =	smax.u32 s14, $0x1;
	s15 =	simm.s32 $0x3;
	s12 =	sor.u32 s12, s30  }
0xf: {  	s11 =	sor.u32 $0x1C03, s17;
	s17 =	simm.s32 $0x1EC00;
	s19 =	sadd.s32 s29, s2  }
0x10: {  	s31 =	sadd.s32 s18, s3;
	s12 =	smul.u32 $0x2880, s12;
	s23 =	sshrl.u32 s29, $0x3  }
0x11: {  	s25 =	sshrl.u32 s18, $0x3;
	s18 =	simm.s32 $0x1EC40;
	s14 =	sshrl.u32 s19, $0x3  }
0x12: {  	s16 =	sshrl.u32 s31, $0x3;
	s19 =	simm.s32 $0x40;
	s22 =	sadd.s32 s23, s22  }
0x13: {  	v0 =	vimm.f32 $0.0e+00;
	v1 =	vlaneseq.u32;
	s23 =	simm.s32 $0x1;
	s24 =	sadd.s32 s25, s24;
	s25 =	simm.s32 $0x2  }
.LBB2_1:
0x14: {  	[spmem:s14], [sflag:s11] =	dma.local [hbm:s8], $0x2800  }
0x15: {  	_ =	swait.ge [sflag:s15], $0x2800  }
0x16: {  	[sflag:s15] =	ssyncset.done $0x0  }
0x17: {  	[sflag:s15] =	ssyncadd.s32 $0xFFFFD800  }
0x18: {  	[spmem:s16], [sflag:s11] =	dma.local [hbm:s10], $0x500  }
0x19: {  	_ =	swait.ge [sflag:s15], $0x500  }
0x1a: {  	[sflag:s15] =	ssyncset.done $0x0  }
0x1b: {  	s29 =	simm.s32 $0x40;
	s30 =	simm.s32 $0x0;
	[sflag:s15] =	ssyncadd.s32 $0xFFFFFB00  }
.LBB2_2:
0x1c: {  	p0 =	sne.s32 s29, $0xFC0;
	[tilespmem:s30+$0x1E800] =	vst v0;
	s30 =	smov.u32 s29;
	s29 =	sadd.s32 $0x40, s29  }
.Ltmp0:
0x1d: {  	(pc) =	sbr.rel @p0 .LBB2_2-.Ltmp0, $2  }
0x1e: {  	_ =	sdelay $0x2  }
0x1f: {  	s30 =	sshra.s32 s30, $0x2  }
0x20: {  	[tilespmem:s30+$0x1E800] =	vst v0  }
0x21: {  	s29 =	simm.s32 $0x0;
	s30 =	simm.s32 $0x0;
	[bflag:$0x0] =	sbarrier.arrive $0xFFFF  }
.LBB2_4:
0x22: {  	s31 =	sshll.u32 s30, $0x6  }
0x23: {  	s31 =	sadd.s32 s12, s31  }
0x24: {  	s31 =	sshrl.u32 s31, $0x3  }
0x25: {  	s0 =	sadd.s32 s1, s31  }
0x26: {  	[tilespmem:s17], [sflag:$0x3] =	stream.linear.gather [hbm4b:s0+s29], $0x40, $0x38;
	[tilespmem:$0x1EC80] =	vst v63  }
0x27: {  	_ =	swait.ge [sflag:s15], $0x40  }
0x28: {  	[sflag:s15] =	ssyncset.done $0x0  }
0x29: {  	s0 =	sadd.s32 s7, s31;
	[sflag:s15] =	ssyncadd.s32 $0xFFFFFFC0  }
0x2a: {  	[tilespmem:s18], [sflag:$0x3] =	stream.linear.gather [hbm4b:s0+s29], $0x40, $0x38;
	[tilespmem:$0x1EC80] =	vst v63  }
0x2b: {  	_ =	swait.ge [sflag:s15], $0x40  }
0x2c: {  	[sflag:s15] =	ssyncset.done $0x0  }
0x2d: {  	[sflag:s15] =	ssyncadd.s32 $0xFFFFFFC0  }
0x2e: {  	[tilespmem:s20], [sflag:$0x1] =	stream.indirect.gather [hbm4b:s5+s19], $0x80, s17, s19, $0xb8;
	[tilespmem:$0x1EC80] =	vst v63  }
0x2f: {  	_ = 	snop  }
0x30: {  	[tilespmem:s21], [sflag:$0x2] =	stream.indirect.gather [hbm4b:s6+s19], $0x100, s18, s19, $0xb8;
	[tilespmem:$0x1EC80] =	vst v63  }
0x31: {  	_ =	swait.ge [sflag:s23], $0x2000  }
0x32: {  	[sflag:s23] =	ssyncset.done $0x0  }
0x33: {  	[sflag:s23] =	ssyncadd.s32 $0xFFFFE000  }
0x34: {  	_ =	swait.ge [sflag:s25], $0x4000  }
0x35: {  	[sflag:s25] =	ssyncset.done $0x0  }
0x36: {  	s31 =	simm.s32 $0x0;
	[sflag:s25] =	ssyncadd.s32 $0xFFFFC000  }
.LBB2_5:
0x37: {  	v0 =	vor.u32 s31, v1  }
0x38: {  	v18 =	vshll.u32 v0, $0x7  }
0x39: {  	v3 =	vor.u32 $0x1, v18  }
0x3a: {  	v5 =	vor.u32 $0x2, v18  }
0x3b: {  	v6 =	vor.u32 $0x3, v18  }
0x3c: {  	v2 =	vor.u32 $0x4, v18  }
0x3d: {  	v7 =	vor.u32 $0x5, v18;
	v1 =	vld.idx.msk [tilespmem:v18+s20+$0x0], $0xffff  }
0x3e: {  	v8 =	vor.u32 $0x6, v18;
	[tilespmem:$0x1F9B0] =	vst v3;
	v3 =	vld.idx.msk [tilespmem:v3+s20+$0x0], $0xffff  }
0x3f: {  	v9 =	vor.u32 $0x7, v18;
	v4 =	vld.idx.msk [tilespmem:v5+s20+$0x0], $0xffff  }
0x40: {  	v10 =	vor.u32 $0x8, v18;
	v37 =	vld.idx.msk [tilespmem:v6+s20+$0x0], $0xffff  }
0x41: {  	v12 =	vor.u32 $0xA, v18;
	[tilespmem:$0x1F9E0] =	vst v2;
	v38 =	vld.idx.msk [tilespmem:v2+s20+$0x0], $0xffff  }
0x42: {  	v13 =	vor.u32 $0xB, v18;
	[tilespmem:$0x1F9F0] =	vst v7;
	v7 =	vld.idx.msk [tilespmem:v7+s20+$0x0], $0xffff  }
0x43: {  	[tilespmem:$0x1FA00] =	vst v8;
	v2 =	vor.u32 $0x9, v18;
	v8 =	vld.idx.msk [tilespmem:v8+s20+$0x0], $0xffff  }
0x44: {  	v15 =	vor.u32 $0xC, v18;
	[tilespmem:$0x1FA10] =	vst v9;
	v9 =	vld.idx.msk [tilespmem:v9+s20+$0x0], $0xffff  }
0x45: {  	v16 =	vor.u32 $0xD, v18;
	[tilespmem:$0x1FA20] =	vst v10;
	v10 =	vld.idx.msk [tilespmem:v10+s20+$0x0], $0xffff  }
0x46: {  	v19 =	vor.u32 $0xE, v18;
	[tilespmem:$0x1FA40] =	vst v12;
	v12 =	vld.idx.msk [tilespmem:v12+s20+$0x0], $0xffff  }
0x47: {  	v21 =	vor.u32 $0xF, v18;
	[tilespmem:$0x1FA50] =	vst v13;
	v13 =	vld.idx.msk [tilespmem:v13+s20+$0x0], $0xffff  }
0x48: {  	[tilespmem:$0x1FA30] =	vst v2;
	v11 =	vld.idx.msk [tilespmem:v2+s20+$0x0], $0xffff;
	v2 =	vshll.u32 v0, $0x8  }
0x49: {  	v14 =	vld.idx.msk [tilespmem:v15+s20+$0x0], $0xffff;
	v39 =	vor.u32 $0x1, v2  }
0x4a: {  	[tilespmem:$0x1FA70] =	vst v16;
	v16 =	vld.idx.msk [tilespmem:v16+s20+$0x0], $0xffff;
	v17 =	vor.u32 $0x2, v2  }
0x4b: {  	[tilespmem:$0x1FA80] =	vst v19;
	v19 =	vld.idx.msk [tilespmem:v19+s20+$0x0], $0xffff;
	v20 =	vor.u32 $0x3, v2  }
0x4c: {  	[tilespmem:$0x1FA90] =	vst v21;
	v21 =	vld.idx.msk [tilespmem:v21+s20+$0x0], $0xffff;
	v22 =	vor.u32 $0x4, v2  }
0x4d: {  	v24 =	vor.u32 $0x5, v2;
	v23 =	vld.idx.msk [tilespmem:v2+s21+$0x0], $0xffff  }
0x4e: {  	[tilespmem:$0x1FA60] =	vst v15;
	v25 =	vor.u32 $0x6, v2;
	v15 =	vld.idx.msk [tilespmem:v39+s21+$0x0], $0xffff  }
0x4f: {  	v26 =	vor.u32 $0x7, v2;
	v17 =	vld.idx.msk [tilespmem:v17+s21+$0x0], $0xffff  }
0x50: {  	v27 =	vor.u32 $0x8, v2;
	v20 =	vld.idx.msk [tilespmem:v20+s21+$0x0], $0xffff  }
0x51: {  	v28 =	vor.u32 $0x9, v2;
	v22 =	vld.idx.msk [tilespmem:v22+s21+$0x0], $0xffff  }
0x52: {  	v29 =	vor.u32 $0xA, v2;
	v24 =	vld.idx.msk [tilespmem:v24+s21+$0x0], $0xffff  }
0x53: {  	v30 =	vor.u32 $0xB, v2;
	v25 =	vld.idx.msk [tilespmem:v25+s21+$0x0], $0xffff  }
0x54: {  	v31 =	vor.u32 $0xC, v2;
	v26 =	vld.idx.msk [tilespmem:v26+s21+$0x0], $0xffff  }
0x55: {  	v32 =	vor.u32 $0xD, v2;
	v27 =	vld.idx.msk [tilespmem:v27+s21+$0x0], $0xffff  }
0x56: {  	v33 =	vor.u32 $0xE, v2;
	v28 =	vld.idx.msk [tilespmem:v28+s21+$0x0], $0xffff  }
0x57: {  	v34 =	vor.u32 $0xF, v2;
	v29 =	vld.idx.msk [tilespmem:v29+s21+$0x0], $0xffff  }
0x58: {  	v30 =	vld.idx.msk [tilespmem:v30+s21+$0x0], $0xffff  }
0x59: {  	v31 =	vld.idx.msk [tilespmem:v31+s21+$0x0], $0xffff;
	v1 =	vmul.f32 v23, v1;
	v3 =	vmul.f32 v15, v3  }
0x5a: {  	[tilespmem:$0x1F9C0] =	vst v5;
	v40 =	vld.idx.msk [tilespmem:v32+s21+$0x0], $0xffff;
	v4 =	vmul.f32 v17, v4;
	v5 =	vmul.f32 v20, v37  }
0x5b: {  	[tilespmem:$0x1F9D0] =	vst v6;
	v41 =	vld.idx.msk [tilespmem:v33+s21+$0x0], $0xffff;
	v6 =	vmul.f32 v22, v38;
	v7 =	vmul.f32 v24, v7  }
0x5c: {  	v42 =	vld.idx.msk [tilespmem:v34+s21+$0x0], $0xffff;
	v8 =	vmul.f32 v25, v8;
	v9 =	vmul.f32 v26, v9  }
0x5d: {  	v10 =	vmul.f32 v27, v10;
	v11 =	vmul.f32 v28, v11  }
0x5e: {  	v12 =	vmul.f32 v29, v12;
	v13 =	vmul.f32 v30, v13  }
0x5f: {  	v14 =	vmul.f32 v31, v14;
	v15 =	vmul.f32 v40, v16  }
0x60: {  	v43 =	vmul.f32 v41, v19;
	v1 =	vadd.f32 v3, v1;
	v3 =	vadd.f32 v5, v4  }
0x61: {  	v44 =	vmul.f32 v42, v21;
	v45 =	vadd.f32 v7, v6;
	v46 =	vadd.f32 v9, v8  }
0x62: {  	v47 =	vadd.f32 v11, v10;
	v48 =	vadd.f32 v13, v12  }
0x63: {  	v49 =	vadd.f32 v15, v14;
	v4 =	vadd.f32 v44, v43  }
0x64: {  	v1 =	vadd.f32 v3, v1;
	v3 =	vadd.f32 v46, v45  }
0x65: {  	v50 =	vadd.f32 v48, v47;
	v4 =	vadd.f32 v4, v49;
	_ =	sdelay $0x1  }
0x66: {  	v1 =	vadd.f32 v3, v1;
	v3 =	vadd.f32 v4, v50;
	_ =	sdelay $0x1  }
0x67: {  	v1 =	vadd.f32 v3, v1;
	_ =	sdelay $0x1  }
0x68: {  	v1 =	vmul.f32 $2.500000000e-01, v1;
	_ =	sdelay $0x1  }
0x69: {  	v1 =	vmul.f32 $1.442695020e+00, v1;
	_ =	sdelay $0x1  }
0x6a: {  	(erf) = vpow2.f32 v1;
	_ =	sdelay $0x4  }
0x6b: {  	v53 =	vshll.u32 v0, $0x4  }
0x6c: {  	v0 =	vor.u32 $0x10, v18  }
0x6d: {  	v3 =	vor.u32 $0x11, v18  }
0x6e: {  	v51 =	vor.u32 $0x12, v18  }
0x6f: {  	v52 =	vor.u32 $0x13, v18;
	v39 =	vpop (erf)  }
0x70: {  	v54 =	vor.u32 $0x14, v18;
	[tilespmem:v53+s26+$0x0] =	vst.idx.msk $0xffff, v39  }
0x71: {  	v55 =	vor.u32 $0x15, v18;
	[tilespmem:$0x1FAA0] =	vst v0;
	v0 =	vld.idx.msk [tilespmem:v0+s20+$0x0], $0xffff  }
0x72: {  	v56 =	vor.u32 $0x16, v18;
	v1 =	vld.idx.msk [tilespmem:v3+s20+$0x0], $0xffff  }
0x73: {  	v57 =	vor.u32 $0x17, v18;
	[tilespmem:$0x1FAB0] =	vst v3;
	v3 =	vld.idx.msk [tilespmem:v51+s20+$0x0], $0xffff  }
0x74: {  	v58 =	vor.u32 $0x18, v18;
	v4 =	vld.idx.msk [tilespmem:v52+s20+$0x0], $0xffff  }
0x75: {  	v59 =	vor.u32 $0x19, v18;
	v5 =	vld.idx.msk [tilespmem:v54+s20+$0x0], $0xffff  }
0x76: {  	v60 =	vor.u32 $0x1A, v18;
	v6 =	vld.idx.msk [tilespmem:v55+s20+$0x0], $0xffff  }
0x77: {  	v61 =	vor.u32 $0x1B, v18;
	v7 =	vld.idx.msk [tilespmem:v56+s20+$0x0], $0xffff  }
0x78: {  	v62 =	vor.u32 $0x1C, v18;
	v8 =	vld.idx.msk [tilespmem:v57+s20+$0x0], $0xffff  }
0x79: {  	v36 =	vor.u32 $0x1D, v18;
	v63 =	vld.idx.msk [tilespmem:v58+s20+$0x0], $0xffff  }
0x7a: {  	v38 =	vor.u32 $0x10, v2;
	v37 =	vld.idx.msk [tilespmem:v59+s20+$0x0], $0xffff  }
0x7b: {  	v40 =	vor.u32 $0x11, v2;
	v12 =	vld.idx.msk [tilespmem:v60+s20+$0x0], $0xffff  }
0x7c: {  	v41 =	vor.u32 $0x12, v2;
	v14 =	vld.idx.msk [tilespmem:v61+s20+$0x0], $0xffff  }
0x7d: {  	v42 =	vor.u32 $0x13, v2;
	v16 =	vld.idx.msk [tilespmem:v62+s20+$0x0], $0xffff  }
0x7e: {  	v43 =	vor.u32 $0x14, v2;
	v19 =	vld.idx.msk [tilespmem:v36+s20+$0x0], $0xffff  }
0x7f: {  	v44 =	vor.u32 $0x15, v2;
	v11 =	vld.idx.msk [tilespmem:v38+s21+$0x0], $0xffff  }
0x80: {  	v45 =	vor.u32 $0x16, v2;
	v13 =	vld.idx.msk [tilespmem:v40+s21+$0x0], $0xffff  }
0x81: {  	v46 =	vor.u32 $0x17, v2;
	v15 =	vld.idx.msk [tilespmem:v41+s21+$0x0], $0xffff  }
0x82: {  	v47 =	vor.u32 $0x18, v2;
	v17 =	vld.idx.msk [tilespmem:v42+s21+$0x0], $0xffff  }
0x83: {  	v48 =	vor.u32 $0x19, v2;
	v20 =	vld.idx.msk [tilespmem:v43+s21+$0x0], $0xffff  }
0x84: {  	v49 =	vor.u32 $0x1A, v2;
	v21 =	vld.idx.msk [tilespmem:v44+s21+$0x0], $0xffff  }
0x85: {  	v50 =	vor.u32 $0x1B, v2;
	v22 =	vld.idx.msk [tilespmem:v45+s21+$0x0], $0xffff  }
0x86: {  	[tilespmem:$0x1FAC0] =	vst v51;
	v23 =	vld.idx.msk [tilespmem:v46+s21+$0x0], $0xffff;
	v51 =	vor.u32 $0x1C, v2  }
0x87: {  	[tilespmem:$0x1FAD0] =	vst v52;
	v52 =	vor.u32 $0x1E, v18;
	v24 =	vld.idx.msk [tilespmem:v47+s21+$0x0], $0xffff  }
0x88: {  	[tilespmem:$0x1FAE0] =	vst v54;
	v54 =	vor.u32 $0x1F, v18;
	v25 =	vld.idx.msk [tilespmem:v48+s21+$0x0], $0xffff  }
0x89: {  	[tilespmem:$0x1FAF0] =	vst v55;
	v26 =	vld.idx.msk [tilespmem:v49+s21+$0x0], $0xffff;
	v55 =	vor.u32 $0x1D, v2  }
0x8a: {  	[tilespmem:$0x1FB00] =	vst v56;
	v27 =	vld.idx.msk [tilespmem:v50+s21+$0x0], $0xffff;
	v56 =	vor.u32 $0x1E, v2  }
0x8b: {  	[tilespmem:$0x1FB10] =	vst v57;
	v57 =	vor.u32 $0x1F, v2;
	v28 =	vld.idx.msk [tilespmem:v51+s21+$0x0], $0xffff  }
0x8c: {  	v32 =	vld.idx.msk [tilespmem:v52+s20+$0x0], $0xffff  }
0x8d: {  	[tilespmem:$0x1FB20] =	vst v58;
	v0 =	vmul.f32 v11, v0;
	v58 =	vld.idx.msk [tilespmem:v54+s20+$0x0], $0xffff  }
0x8e: {  	[tilespmem:$0x1FB30] =	vst v59;
	v1 =	vmul.f32 v13, v1;
	v3 =	vmul.f32 v15, v3;
	v59 =	vld.idx.msk [tilespmem:v55+s21+$0x0], $0xffff  }
0x8f: {  	[tilespmem:$0x1FB40] =	vst v60;
	v4 =	vmul.f32 v17, v4;
	v60 =	vld.idx.msk [tilespmem:v56+s21+$0x0], $0xffff;
	v5 =	vmul.f32 v20, v5  }
0x90: {  	[tilespmem:$0x1FB50] =	vst v61;
	v6 =	vmul.f32 v21, v6;
	v61 =	vld.idx.msk [tilespmem:v57+s21+$0x0], $0xffff;
	v7 =	vmul.f32 v22, v7  }
0x91: {  	v8 =	vmul.f32 v23, v8;
	v9 =	vmul.f32 v24, v63  }
0x92: {  	v10 =	vmul.f32 v25, v37;
	v12 =	vmul.f32 v26, v12  }
0x93: {  	v14 =	vmul.f32 v27, v14;
	v0 =	vadd.f32 v1, v0;
	v1 =	vadd.f32 v4, v3  }
0x94: {  	[tilespmem:$0x1FB60] =	vst v62;
	v62 =	vadd.f32 v6, v5;
	v16 =	vmul.f32 v28, v16;
	v13 =	vmul.f32 v59, v19  }
0x95: {  	v63 =	vadd.f32 v8, v7;
	v15 =	vmul.f32 v60, v32;
	v3 =	vmul.f32 v61, v58  }
0x96: {  	v17 =	vadd.f32 v10, v9;
	v19 =	vadd.f32 v14, v12  }
0x97: {  	v20 =	vadd.f32 v13, v16;
	v3 =	vadd.f32 v3, v15  }
0x98: {  	v0 =	vadd.f32 v1, v0;
	v1 =	vadd.f32 v63, v62  }
0x99: {  	v21 =	vadd.f32 v19, v17;
	v3 =	vadd.f32 v3, v20;
	_ =	sdelay $0x1  }
0x9a: {  	v0 =	vadd.f32 v1, v0;
	v1 =	vadd.f32 v3, v21;
	_ =	sdelay $0x1  }
0x9b: {  	v0 =	vadd.f32 v1, v0;
	_ =	sdelay $0x1  }
0x9c: {  	v0 =	vmul.f32 $2.500000000e-01, v0;
	_ =	sdelay $0x1  }
0x9d: {  	v0 =	vmul.f32 $1.442695020e+00, v0;
	_ =	sdelay $0x1  }
0x9e: {  	(erf) = vpow2.f32 v0;
	_ =	sdelay $0x4  }
0x9f: {  	v0 =	vor.u32 $0x1, v53  }
0xa0: {  	v1 =	vor.u32 $0x20, v18  }
0xa1: {  	v22 =	vor.u32 $0x21, v18  }
0xa2: {  	v23 =	vor.u32 $0x22, v18  }
0xa3: {  	[tilespmem:$0x1FB80] =	vst v52;
	v24 =	vor.u32 $0x23, v18;
	v52 =	vpop (erf)  }
0xa4: {  	v3 =	vor.u32 $0x21, v2;
	[tilespmem:v0+s26+$0x0] =	vst.idx.msk $0xffff, v52  }
0xa5: {  	v25 =	vor.u32 $0x22, v2;
	[tilespmem:$0x1FBA0] =	vst v1;
	v1 =	vld.idx.msk [tilespmem:v1+s20+$0x0], $0xffff  }
0xa6: {  	v26 =	vor.u32 $0x23, v2;
	v4 =	vld.idx.msk [tilespmem:v22+s20+$0x0], $0xffff  }
0xa7: {  	v27 =	vor.u32 $0x24, v2;
	v6 =	vld.idx.msk [tilespmem:v23+s20+$0x0], $0xffff  }
0xa8: {  	v28 =	vor.u32 $0x25, v2;
	v8 =	vld.idx.msk [tilespmem:v24+s20+$0x0], $0xffff  }
0xa9: {  	v29 =	vor.u32 $0x26, v2;
	v3 =	vld.idx.msk [tilespmem:v3+s21+$0x0], $0xffff  }
0xaa: {  	v30 =	vor.u32 $0x27, v2;
	v5 =	vld.idx.msk [tilespmem:v25+s21+$0x0], $0xffff  }
0xab: {  	v31 =	vor.u32 $0x28, v2;
	v7 =	vld.idx.msk [tilespmem:v26+s21+$0x0], $0xffff  }
0xac: {  	v32 =	vor.u32 $0x29, v2;
	v9 =	vld.idx.msk [tilespmem:v27+s21+$0x0], $0xffff  }
0xad: {  	v33 =	vor.u32 $0x2A, v2;
	v10 =	vld.idx.msk [tilespmem:v28+s21+$0x0], $0xffff  }
0xae: {  	v34 =	vor.u32 $0x2B, v2;
	v11 =	vld.idx.msk [tilespmem:v29+s21+$0x0], $0xffff  }
0xaf: {  	v35 =	vor.u32 $0x2C, v2;
	v12 =	vld.idx.msk [tilespmem:v30+s21+$0x0], $0xffff  }
0xb0: {  	[tilespmem:$0x1FB70] =	vst v36;
	v36 =	vor.u32 $0x2D, v2;
	v13 =	vld.idx.msk [tilespmem:v31+s21+$0x0], $0xffff  }
0xb1: {  	v37 =	vor.u32 $0x2E, v2;
	v14 =	vld.idx.msk [tilespmem:v32+s21+$0x0], $0xffff  }
0xb2: {  	v38 =	vor.u32 $0x2F, v2;
	v15 =	vld.idx.msk [tilespmem:v33+s21+$0x0], $0xffff  }
0xb3: {  	v40 =	vor.u32 $0x24, v18;
	v16 =	vld.idx.msk [tilespmem:v34+s21+$0x0], $0xffff  }
0xb4: {  	v41 =	vor.u32 $0x25, v18;
	v17 =	vld.idx.msk [tilespmem:v35+s21+$0x0], $0xffff  }
0xb5: {  	v42 =	vor.u32 $0x26, v18;
	v19 =	vld.idx.msk [tilespmem:v36+s21+$0x0], $0xffff  }
0xb6: {  	v43 =	vor.u32 $0x27, v18;
	v20 =	vld.idx.msk [tilespmem:v37+s21+$0x0], $0xffff  }
0xb7: {  	v44 =	vor.u32 $0x28, v18;
	v21 =	vld.idx.msk [tilespmem:v38+s21+$0x0], $0xffff  }
0xb8: {  	v45 =	vor.u32 $0x29, v18;
	[tilespmem:$0x1FBB0] =	vst v22;
	v22 =	vld.idx.msk [tilespmem:v40+s20+$0x0], $0xffff  }
0xb9: {  	v46 =	vor.u32 $0x2A, v18;
	[tilespmem:$0x1FBC0] =	vst v23;
	v23 =	vld.idx.msk [tilespmem:v41+s20+$0x0], $0xffff  }
0xba: {  	[tilespmem:$0x1FBD0] =	vst v24;
	v0 =	vor.u32 $0x20, v2;
	v24 =	vld.idx.msk [tilespmem:v42+s20+$0x0], $0xffff  }
0xbb: {  	v47 =	vor.u32 $0x2B, v18;
	v25 =	vld.idx.msk [tilespmem:v43+s20+$0x0], $0xffff  }
0xbc: {  	v50 =	vor.u32 $0x2E, v18;
	v26 =	vld.idx.msk [tilespmem:v44+s20+$0x0], $0xffff  }
0xbd: {  	v51 =	vor.u32 $0x2F, v18;
	v27 =	vld.idx.msk [tilespmem:v45+s20+$0x0], $0xffff  }
0xbe: {  	v49 =	vor.u32 $0x2D, v18;
	v28 =	vld.idx.msk [tilespmem:v46+s20+$0x0], $0xffff  }
0xbf: {  	v48 =	vor.u32 $0x2C, v18;
	v0 =	vld.idx.msk [tilespmem:v0+s21+$0x0], $0xffff  }
0xc0: {  	v29 =	vld.idx.msk [tilespmem:v47+s20+$0x0], $0xffff  }
0xc1: {  	[tilespmem:$0x1FB90] =	vst v54;
	v59 =	vld.idx.msk [tilespmem:v50+s20+$0x0], $0xffff;
	v54 =	vmul.f32 v5, v6;
	v55 =	vmul.f32 v7, v8  }
0xc2: {  	v62 =	vld.idx.msk [tilespmem:v51+s20+$0x0], $0xffff;
	v57 =	vmul.f32 v9, v22;
	v58 =	vmul.f32 v10, v23  }
0xc3: {  	v56 =	vld.idx.msk [tilespmem:v49+s20+$0x0], $0xffff;
	v60 =	vmul.f32 v11, v24;
	v61 =	vmul.f32 v12, v25  }
0xc4: {  	v0 =	vmul.f32 v0, v1;
	v1 =	vmul.f32 v3, v4;
	v3 =	vld.idx.msk [tilespmem:v48+s20+$0x0], $0xffff  }
0xc5: {  	v13 =	vmul.f32 v13, v26;
	v14 =	vmul.f32 v14, v27  }
0xc6: {  	v15 =	vmul.f32 v15, v28;
	v16 =	vmul.f32 v16, v29  }
0xc7: {  	v9 =	vmul.f32 v20, v59;
	v63 =	vmul.f32 v21, v62  }
0xc8: {  	v6 =	vmul.f32 v19, v56;
	v12 =	vadd.f32 v58, v57;
	v19 =	vadd.f32 v14, v13  }
0xc9: {  	v20 =	vadd.f32 v16, v15;
	v4 =	vadd.f32 v63, v9;
	v3 =	vmul.f32 v17, v3  }
0xca: {  	v0 =	vadd.f32 v1, v0;
	v1 =	vadd.f32 v55, v54  }
0xcb: {  	v17 =	vadd.f32 v61, v60;
	v3 =	vadd.f32 v6, v3  }
0xcc: {  	v21 =	vadd.f32 v20, v19;
	v0 =	vadd.f32 v1, v0  }
0xcd: {  	v1 =	vadd.f32 v17, v12;
	v3 =	vadd.f32 v4, v3;
	_ =	sdelay $0x1  }
0xce: {  	v0 =	vadd.f32 v1, v0;
	v1 =	vadd.f32 v3, v21;
	_ =	sdelay $0x1  }
0xcf: {  	v0 =	vadd.f32 v1, v0;
	_ =	sdelay $0x1  }
0xd0: {  	v0 =	vmul.f32 $2.500000000e-01, v0;
	_ =	sdelay $0x1  }
0xd1: {  	v0 =	vmul.f32 $1.442695020e+00, v0;
	_ =	sdelay $0x1  }
0xd2: {  	(erf) = vpow2.f32 v0;
	_ =	sdelay $0x4  }
0xd3: {  	v0 =	vor.u32 $0x2, v53  }
0xd4: {  	v1 =	vor.u32 $0x30, v2  }
0xd5: {  	v3 =	vor.u32 $0x31, v2  }
0xd6: {  	v22 =	vor.u32 $0x32, v2  }
0xd7: {  	v23 =	vor.u32 $0x33, v2;
	v35 =	vpop (erf)  }
0xd8: {  	v24 =	vor.u32 $0x35, v2;
	[tilespmem:v0+s26+$0x0] =	vst.idx.msk $0xffff, v35  }
0xd9: {  	v25 =	vor.u32 $0x36, v2;
	v1 =	vld.idx.msk [tilespmem:v1+s21+$0x0], $0xffff  }
0xda: {  	v26 =	vor.u32 $0x37, v2;
	v3 =	vld.idx.msk [tilespmem:v3+s21+$0x0], $0xffff  }
0xdb: {  	v27 =	vor.u32 $0x38, v2;
	v4 =	vld.idx.msk [tilespmem:v22+s21+$0x0], $0xffff  }
0xdc: {  	v28 =	vor.u32 $0x39, v2;
	v6 =	vld.idx.msk [tilespmem:v23+s21+$0x0], $0xffff  }
0xdd: {  	v29 =	vor.u32 $0x3A, v2;
	v7 =	vld.idx.msk [tilespmem:v24+s21+$0x0], $0xffff  }
0xde: {  	v30 =	vor.u32 $0x3B, v2;
	v8 =	vld.idx.msk [tilespmem:v25+s21+$0x0], $0xffff  }
0xdf: {  	v31 =	vor.u32 $0x3C, v2;
	v9 =	vld.idx.msk [tilespmem:v26+s21+$0x0], $0xffff  }
0xe0: {  	v32 =	vor.u32 $0x3D, v2;
	v10 =	vld.idx.msk [tilespmem:v27+s21+$0x0], $0xffff  }
0xe1: {  	v33 =	vor.u32 $0x3E, v2;
	v11 =	vld.idx.msk [tilespmem:v28+s21+$0x0], $0xffff  }
0xe2: {  	v34 =	vor.u32 $0x3F, v2;
	v12 =	vld.idx.msk [tilespmem:v29+s21+$0x0], $0xffff  }
0xe3: {  	v36 =	vor.u32 $0x30, v18;
	v13 =	vld.idx.msk [tilespmem:v30+s21+$0x0], $0xffff  }
0xe4: {  	[tilespmem:$0x1FBE0] =	vst v40;
	v37 =	vor.u32 $0x31, v18;
	v14 =	vld.idx.msk [tilespmem:v31+s21+$0x0], $0xffff  }
0xe5: {  	[tilespmem:$0x1FBF0] =	vst v41;
	v38 =	vor.u32 $0x32, v18;
	v15 =	vld.idx.msk [tilespmem:v32+s21+$0x0], $0xffff  }
0xe6: {  	[tilespmem:$0x1FC00] =	vst v42;
	v40 =	vor.u32 $0x33, v18;
	v16 =	vld.idx.msk [tilespmem:v33+s21+$0x0], $0xffff  }
0xe7: {  	[tilespmem:$0x1FC10] =	vst v43;
	v41 =	vor.u32 $0x34, v18;
	v17 =	vld.idx.msk [tilespmem:v34+s21+$0x0], $0xffff  }
0xe8: {  	[tilespmem:$0x1FC20] =	vst v44;
	v43 =	vor.u32 $0x35, v18;
	v42 =	vld.idx.msk [tilespmem:v36+s20+$0x0], $0xffff  }
0xe9: {  	[tilespmem:$0x1FC30] =	vst v45;
	v44 =	vor.u32 $0x36, v18;
	v20 =	vld.idx.msk [tilespmem:v37+s20+$0x0], $0xffff  }
0xea: {  	[tilespmem:$0x1FC40] =	vst v46;
	v45 =	vor.u32 $0x37, v18;
	v21 =	vld.idx.msk [tilespmem:v38+s20+$0x0], $0xffff  }
0xeb: {  	[tilespmem:$0x1FC50] =	vst v47;
	v46 =	vor.u32 $0x38, v18;
	v22 =	vld.idx.msk [tilespmem:v40+s20+$0x0], $0xffff  }
0xec: {  	[tilespmem:$0x1FC60] =	vst v48;
	v47 =	vor.u32 $0x39, v18;
	v23 =	vld.idx.msk [tilespmem:v41+s20+$0x0], $0xffff  }
0xed: {  	[tilespmem:$0x1FC70] =	vst v49;
	v49 =	vor.u32 $0x3A, v18;
	v48 =	vld.idx.msk [tilespmem:v43+s20+$0x0], $0xffff  }
0xee: {  	[tilespmem:$0x1FC80] =	vst v50;
	v50 =	vor.u32 $0x3B, v18;
	v25 =	vld.idx.msk [tilespmem:v44+s20+$0x0], $0xffff  }
0xef: {  	[tilespmem:$0x1FC90] =	vst v51;
	v51 =	vor.u32 $0x3C, v18;
	v26 =	vld.idx.msk [tilespmem:v45+s20+$0x0], $0xffff  }
0xf0: {  	v54 =	vor.u32 $0x3D, v18;
	v27 =	vld.idx.msk [tilespmem:v46+s20+$0x0], $0xffff  }
0xf1: {  	v55 =	vor.u32 $0x3E, v18;
	v28 =	vld.idx.msk [tilespmem:v47+s20+$0x0], $0xffff  }
0xf2: {  	v56 =	vor.u32 $0x3F, v18;
	v29 =	vld.idx.msk [tilespmem:v49+s20+$0x0], $0xffff  }
0xf3: {  	v0 =	vor.u32 $0x34, v2;
	v30 =	vld.idx.msk [tilespmem:v50+s20+$0x0], $0xffff  }
0xf4: {  	v57 =	vld.idx.msk [tilespmem:v51+s20+$0x0], $0xffff  }
0xf5: {  	v58 =	vld.idx.msk [tilespmem:v54+s20+$0x0], $0xffff;
	v1 =	vmul.f32 v1, v42;
	v3 =	vmul.f32 v3, v20  }
0xf6: {  	v59 =	vld.idx.msk [tilespmem:v55+s20+$0x0], $0xffff;
	v4 =	vmul.f32 v4, v21;
	v6 =	vmul.f32 v6, v22  }
0xf7: {  	v60 =	vld.idx.msk [tilespmem:v56+s20+$0x0], $0xffff;
	v7 =	vmul.f32 v7, v48;
	v8 =	vmul.f32 v8, v25  }
0xf8: {  	v0 =	vld.idx.msk [tilespmem:v0+s21+$0x0], $0xffff;
	v9 =	vmul.f32 v9, v26;
	v10 =	vmul.f32 v10, v27  }
0xf9: {  	v11 =	vmul.f32 v11, v28;
	v12 =	vmul.f32 v12, v29  }
0xfa: {  	v13 =	vmul.f32 v13, v30;
	v14 =	vmul.f32 v14, v57  }
0xfb: {  	v15 =	vmul.f32 v15, v58;
	v16 =	vmul.f32 v16, v59  }
0xfc: {  	v61 =	vmul.f32 v17, v60;
	v1 =	vadd.f32 v3, v1;
	v3 =	vadd.f32 v6, v4  }
0xfd: {  	v62 =	vadd.f32 v9, v8;
	v63 =	vadd.f32 v11, v10;
	v0 =	vmul.f32 v0, v23  }
0xfe: {  	v17 =	vadd.f32 v13, v12;
	v19 =	vadd.f32 v15, v14  }
0xff: {  	v4 =	vadd.f32 v61, v16;
	v0 =	vadd.f32 v7, v0  }
0x100: {  	v1 =	vadd.f32 v3, v1;
	v3 =	vadd.f32 v17, v63  }
0x101: {  	v4 =	vadd.f32 v4, v19;
	v0 =	vadd.f32 v62, v0;
	_ =	sdelay $0x1  }
0x102: {  	v0 =	vadd.f32 v0, v1;
	v1 =	vadd.f32 v4, v3;
	_ =	sdelay $0x1  }
0x103: {  	v0 =	vadd.f32 v1, v0;
	_ =	sdelay $0x1  }
0x104: {  	v0 =	vmul.f32 $2.500000000e-01, v0;
	_ =	sdelay $0x1  }
0x105: {  	v0 =	vmul.f32 $1.442695020e+00, v0;
	_ =	sdelay $0x1  }
0x106: {  	(erf) = vpow2.f32 v0;
	_ =	sdelay $0x4  }
0x107: {  	[tilespmem:$0x1FCA0] =	vst v36;
	v0 =	vor.u32 $0x3, v53  }
0x108: {  	[tilespmem:$0x1FCB0] =	vst v37;
	v1 =	vor.u32 $0x40, v2  }
0x109: {  	[tilespmem:$0x1FCC0] =	vst v38;
	v3 =	vor.u32 $0x41, v2  }
0x10a: {  	[tilespmem:$0x1FCD0] =	vst v40;
	v20 =	vor.u32 $0x42, v2  }
0x10b: {  	[tilespmem:$0x1FCE0] =	vst v41;
	v21 =	vor.u32 $0x43, v2;
	v34 =	vpop (erf)  }
0x10c: {  	v22 =	vor.u32 $0x45, v2;
	[tilespmem:v0+s26+$0x0] =	vst.idx.msk $0xffff, v34  }
0x10d: {  	[tilespmem:$0x1FCF0] =	vst v43;
	v23 =	vor.u32 $0x46, v2;
	v1 =	vld.idx.msk [tilespmem:v1+s21+$0x0], $0xffff  }
0x10e: {  	[tilespmem:$0x1FD00] =	vst v44;
	v24 =	vor.u32 $0x47, v2;
	v3 =	vld.idx.msk [tilespmem:v3+s21+$0x0], $0xffff  }
0x10f: {  	[tilespmem:$0x1FD10] =	vst v45;
	v25 =	vor.u32 $0x48, v2;
	v6 =	vld.idx.msk [tilespmem:v20+s21+$0x0], $0xffff  }
0x110: {  	[tilespmem:$0x1FD20] =	vst v46;
	v26 =	vor.u32 $0x49, v2;
	v7 =	vld.idx.msk [tilespmem:v21+s21+$0x0], $0xffff  }
0x111: {  	[tilespmem:$0x1FD30] =	vst v47;
	v27 =	vor.u32 $0x4A, v2;
	v8 =	vld.idx.msk [tilespmem:v22+s21+$0x0], $0xffff  }
0x112: {  	[tilespmem:$0x1FD40] =	vst v49;
	v28 =	vor.u32 $0x4B, v2;
	v9 =	vld.idx.msk [tilespmem:v23+s21+$0x0], $0xffff  }
0x113: {  	[tilespmem:$0x1FD50] =	vst v50;
	v29 =	vor.u32 $0x4C, v2;
	v10 =	vld.idx.msk [tilespmem:v24+s21+$0x0], $0xffff  }
0x114: {  	[tilespmem:$0x1FD60] =	vst v51;
	v30 =	vor.u32 $0x4D, v2;
	v11 =	vld.idx.msk [tilespmem:v25+s21+$0x0], $0xffff  }
0x115: {  	[tilespmem:$0x1FD90] =	vst v56;
	v31 =	vor.u32 $0x4E, v2;
	v12 =	vld.idx.msk [tilespmem:v26+s21+$0x0], $0xffff  }
0x116: {  	[tilespmem:$0x1FD70] =	vst v54;
	v32 =	vor.u32 $0x4F, v2;
	v13 =	vld.idx.msk [tilespmem:v27+s21+$0x0], $0xffff  }
0x117: {  	[tilespmem:$0x1FD80] =	vst v55;
	v33 =	vor.u32 $0x40, v18;
	v14 =	vld.idx.msk [tilespmem:v28+s21+$0x0], $0xffff  }
0x118: {  	v36 =	vor.u32 $0x41, v18;
	[tilespmem:$0x1FDA0] =	vst v33;
	v15 =	vld.idx.msk [tilespmem:v29+s21+$0x0], $0xffff  }
0x119: {  	v37 =	vor.u32 $0x42, v18;
	[tilespmem:$0x1FDB0] =	vst v36;
	v16 =	vld.idx.msk [tilespmem:v30+s21+$0x0], $0xffff  }
0x11a: {  	v38 =	vor.u32 $0x43, v18;
	[tilespmem:$0x1FDC0] =	vst v37;
	v17 =	vld.idx.msk [tilespmem:v31+s21+$0x0], $0xffff  }
0x11b: {  	v40 =	vor.u32 $0x44, v18;
	[tilespmem:$0x1FDD0] =	vst v38;
	v19 =	vld.idx.msk [tilespmem:v32+s21+$0x0], $0xffff  }
0x11c: {  	v44 =	vor.u32 $0x46, v18;
	[tilespmem:$0x1FDE0] =	vst v40;
	v42 =	vor.u32 $0x45, v18;
	v41 =	vld.idx.msk [tilespmem:v33+s20+$0x0], $0xffff  }
0x11d: {  	v45 =	vor.u32 $0x47, v18;
	[tilespmem:$0x1FE00] =	vst v44;
	v43 =	vld.idx.msk [tilespmem:v36+s20+$0x0], $0xffff  }
0x11e: {  	v46 =	vor.u32 $0x48, v18;
	[tilespmem:$0x1FE10] =	vst v45;
	v0 =	vor.u32 $0x44, v2;
	v22 =	vld.idx.msk [tilespmem:v37+s20+$0x0], $0xffff  }
0x11f: {  	v47 =	vor.u32 $0x49, v18;
	[tilespmem:$0x1FE20] =	vst v46;
	v23 =	vld.idx.msk [tilespmem:v38+s20+$0x0], $0xffff  }
0x120: {  	v49 =	vor.u32 $0x4A, v18;
	[tilespmem:$0x1FE30] =	vst v47;
	v24 =	vld.idx.msk [tilespmem:v40+s20+$0x0], $0xffff  }
0x121: {  	[tilespmem:$0x1FE40] =	vst v49;
	v48 =	vld.idx.msk [tilespmem:v42+s20+$0x0], $0xffff  }
0x122: {  	[tilespmem:$0x1FDF0] =	vst v42;
	v50 =	vld.idx.msk [tilespmem:v44+s20+$0x0], $0xffff;
	v36 =	vor.u32 $0x4B, v18  }
0x123: {  	v51 =	vor.u32 $0x4C, v18;
	[tilespmem:$0x1FE50] =	vst v36;
	v0 =	vld.idx.msk [tilespmem:v0+s21+$0x0], $0xffff  }
0x124: {  	v54 =	vor.u32 $0x4D, v18;
	v27 =	vld.idx.msk [tilespmem:v45+s20+$0x0], $0xffff  }
0x125: {  	v55 =	vor.u32 $0x4E, v18;
	v28 =	vld.idx.msk [tilespmem:v46+s20+$0x0], $0xffff  }
0x126: {  	v56 =	vor.u32 $0x4F, v18;
	v29 =	vld.idx.msk [tilespmem:v47+s20+$0x0], $0xffff  }
0x127: {  	v30 =	vld.idx.msk [tilespmem:v49+s20+$0x0], $0xffff  }
0x128: {  	v58 =	vld.idx.msk [tilespmem:v51+s20+$0x0], $0xffff  }
0x129: {  	v59 =	vld.idx.msk [tilespmem:v54+s20+$0x0], $0xffff;
	v1 =	vmul.f32 v1, v41  }
0x12a: {  	v60 =	vld.idx.msk [tilespmem:v55+s20+$0x0], $0xffff;
	v3 =	vmul.f32 v3, v43;
	v6 =	vmul.f32 v6, v22  }
0x12b: {  	v61 =	vld.idx.msk [tilespmem:v56+s20+$0x0], $0xffff;
	v7 =	vmul.f32 v7, v23;
	v8 =	vmul.f32 v8, v48  }
0x12c: {  	v57 =	vld.idx.msk [tilespmem:v36+s20+$0x0], $0xffff;
	v9 =	vmul.f32 v9, v50;
	v0 =	vmul.f32 v0, v24  }
0x12d: {  	v10 =	vmul.f32 v10, v27;
	v11 =	vmul.f32 v11, v28  }
0x12e: {  	v12 =	vmul.f32 v12, v29;
	v13 =	vmul.f32 v13, v30  }
0x12f: {  	v1 =	vadd.f32 v3, v1;
	v15 =	vmul.f32 v15, v58;
	v16 =	vmul.f32 v16, v59  }
0x130: {  	v3 =	vadd.f32 v7, v6;
	v17 =	vmul.f32 v17, v60;
	v62 =	vmul.f32 v19, v61  }
0x131: {  	v14 =	vmul.f32 v14, v57;
	v0 =	vadd.f32 v8, v0;
	v63 =	vadd.f32 v10, v9  }
0x132: {  	v12 =	vadd.f32 v12, v11;
	v19 =	vadd.f32 v16, v15  }
0x133: {  	v6 =	vadd.f32 v62, v17;
	v14 =	vadd.f32 v14, v13  }
0x134: {  	v1 =	vadd.f32 v3, v1;
	v0 =	vadd.f32 v63, v0  }
0x135: {  	v6 =	vadd.f32 v6, v19;
	v3 =	vadd.f32 v14, v12;
	_ =	sdelay $0x1  }
0x136: {  	v0 =	vadd.f32 v0, v1;
	v1 =	vadd.f32 v6, v3;
	_ =	sdelay $0x1  }
0x137: {  	v0 =	vadd.f32 v1, v0;
	_ =	sdelay $0x1  }
0x138: {  	v0 =	vmul.f32 $2.500000000e-01, v0;
	_ =	sdelay $0x1  }
0x139: {  	v0 =	vmul.f32 $1.442695020e+00, v0;
	_ =	sdelay $0x1  }
0x13a: {  	(erf) = vpow2.f32 v0;
	_ =	sdelay $0x4  }
0x13b: {  	v0 =	vor.u32 $0x4, v53  }
0x13c: {  	v1 =	vor.u32 $0x50, v2  }
0x13d: {  	v20 =	vor.u32 $0x51, v2  }
0x13e: {  	v21 =	vor.u32 $0x52, v2  }
0x13f: {  	v22 =	vor.u32 $0x53, v2;
	v33 =	vpop (erf)  }
0x140: {  	v23 =	vor.u32 $0x55, v2;
	[tilespmem:v0+s26+$0x0] =	vst.idx.msk $0xffff, v33  }
0x141: {  	v24 =	vor.u32 $0x56, v2;
	v1 =	vld.idx.msk [tilespmem:v1+s21+$0x0], $0xffff  }
0x142: {  	v25 =	vor.u32 $0x57, v2;
	v6 =	vld.idx.msk [tilespmem:v20+s21+$0x0], $0xffff  }
0x143: {  	v26 =	vor.u32 $0x58, v2;
	v7 =	vld.idx.msk [tilespmem:v21+s21+$0x0], $0xffff  }
0x144: {  	v27 =	vor.u32 $0x59, v2;
	v8 =	vld.idx.msk [tilespmem:v22+s21+$0x0], $0xffff  }
0x145: {  	v28 =	vor.u32 $0x5A, v2;
	v9 =	vld.idx.msk [tilespmem:v23+s21+$0x0], $0xffff  }
0x146: {  	v29 =	vor.u32 $0x5B, v2;
	v10 =	vld.idx.msk [tilespmem:v24+s21+$0x0], $0xffff  }
0x147: {  	v30 =	vor.u32 $0x5C, v2;
	v11 =	vld.idx.msk [tilespmem:v25+s21+$0x0], $0xffff  }
0x148: {  	v31 =	vor.u32 $0x5D, v2;
	v12 =	vld.idx.msk [tilespmem:v26+s21+$0x0], $0xffff  }
0x149: {  	v32 =	vor.u32 $0x5E, v2;
	v13 =	vld.idx.msk [tilespmem:v27+s21+$0x0], $0xffff  }
0x14a: {  	v36 =	vor.u32 $0x5F, v2;
	v14 =	vld.idx.msk [tilespmem:v28+s21+$0x0], $0xffff  }
0x14b: {  	v3 =	vor.u32 $0x50, v18;
	v15 =	vld.idx.msk [tilespmem:v29+s21+$0x0], $0xffff  }
0x14c: {  	v37 =	vor.u32 $0x51, v18;
	v16 =	vld.idx.msk [tilespmem:v30+s21+$0x0], $0xffff  }
0x14d: {  	v38 =	vor.u32 $0x52, v18;
	v17 =	vld.idx.msk [tilespmem:v31+s21+$0x0], $0xffff  }
0x14e: {  	v40 =	vor.u32 $0x53, v18;
	v19 =	vld.idx.msk [tilespmem:v32+s21+$0x0], $0xffff  }
0x14f: {  	v41 =	vor.u32 $0x54, v18;
	v20 =	vld.idx.msk [tilespmem:v36+s21+$0x0], $0xffff  }
0x150: {  	v44 =	vor.u32 $0x56, v18;
	v42 =	vld.idx.msk [tilespmem:v3+s20+$0x0], $0xffff  }
0x151: {  	v46 =	vor.u32 $0x57, v18;
	v43 =	vld.idx.msk [tilespmem:v37+s20+$0x0], $0xffff  }
0x152: {  	v47 =	vor.u32 $0x58, v18;
	v45 =	vld.idx.msk [tilespmem:v38+s20+$0x0], $0xffff  }
0x153: {  	v48 =	vor.u32 $0x59, v18;
	v24 =	vld.idx.msk [tilespmem:v40+s20+$0x0], $0xffff  }
0x154: {  	[tilespmem:$0x1FE60] =	vst v51;
	v50 =	vor.u32 $0x5A, v18;
	v25 =	vld.idx.msk [tilespmem:v41+s20+$0x0], $0xffff  }
0x155: {  	[tilespmem:$0x1FE70] =	vst v54;
	v51 =	vor.u32 $0x5B, v18;
	v27 =	vld.idx.msk [tilespmem:v44+s20+$0x0], $0xffff  }
0x156: {  	[tilespmem:$0x1FEA0] =	vst v3;
	v3 =	vor.u32 $0x55, v18;
	v28 =	vld.idx.msk [tilespmem:v46+s20+$0x0], $0xffff  }
0x157: {  	[tilespmem:$0x1FE80] =	vst v55;
	v54 =	vor.u32 $0x5C, v18;
	v29 =	vld.idx.msk [tilespmem:v47+s20+$0x0], $0xffff  }
0x158: {  	[tilespmem:$0x1FE90] =	vst v56;
	v56 =	vor.u32 $0x5E, v18;
	v55 =	vld.idx.msk [tilespmem:v48+s20+$0x0], $0xffff  }
0x159: {  	v58 =	vor.u32 $0x5F, v18;
	v57 =	vld.idx.msk [tilespmem:v50+s20+$0x0], $0xffff  }
0x15a: {  	v0 =	vor.u32 $0x54, v2;
	v32 =	vld.idx.msk [tilespmem:v51+s20+$0x0], $0xffff  }
0x15b: {  	[tilespmem:$0x1FEF0] =	vst v3;
	v49 =	vld.idx.msk [tilespmem:v3+s20+$0x0], $0xffff;
	v3 =	vor.u32 $0x5D, v18  }
0x15c: {  	v59 =	vld.idx.msk [tilespmem:v54+s20+$0x0], $0xffff  }
0x15d: {  	v61 =	vld.idx.msk [tilespmem:v56+s20+$0x0], $0xffff;
	v1 =	vmul.f32 v1, v42  }
0x15e: {  	v62 =	vld.idx.msk [tilespmem:v58+s20+$0x0], $0xffff;
	v6 =	vmul.f32 v6, v43;
	v7 =	vmul.f32 v7, v45  }
0x15f: {  	v0 =	vld.idx.msk [tilespmem:v0+s21+$0x0], $0xffff;
	v8 =	vmul.f32 v8, v24;
	v10 =	vmul.f32 v10, v27  }
0x160: {  	v11 =	vmul.f32 v11, v28;
	v12 =	vmul.f32 v12, v29;
	v60 =	vld.idx.msk [tilespmem:v3+s20+$0x0], $0xffff  }
0x161: {  	v13 =	vmul.f32 v13, v55;
	v14 =	vmul.f32 v14, v57  }
0x162: {  	v15 =	vmul.f32 v15, v32;
	v16 =	vmul.f32 v16, v59  }
0x163: {  	v19 =	vmul.f32 v19, v61;
	v20 =	vmul.f32 v20, v62;
	v1 =	vadd.f32 v6, v1  }
0x164: {  	v63 =	vadd.f32 v8, v7;
	v21 =	vadd.f32 v11, v10;
	v0 =	vmul.f32 v0, v25  }
0x165: {  	v22 =	vadd.f32 v13, v12;
	v9 =	vmul.f32 v9, v49;
	v17 =	vmul.f32 v17, v60  }
0x166: {  	v23 =	vadd.f32 v15, v14;
	v7 =	vadd.f32 v20, v19  }
0x167: {  	v0 =	vadd.f32 v9, v0;
	v24 =	vadd.f32 v17, v16  }
0x168: {  	v1 =	vadd.f32 v63, v1;
	v25 =	vadd.f32 v23, v22  }
0x169: {  	v0 =	vadd.f32 v21, v0;
	v7 =	vadd.f32 v7, v24;
	_ =	sdelay $0x1  }
0x16a: {  	v0 =	vadd.f32 v0, v1;
	v1 =	vadd.f32 v7, v25;
	_ =	sdelay $0x1  }
0x16b: {  	v0 =	vadd.f32 v1, v0;
	_ =	sdelay $0x1  }
0x16c: {  	v0 =	vmul.f32 $2.500000000e-01, v0;
	_ =	sdelay $0x1  }
0x16d: {  	v0 =	vmul.f32 $1.442695020e+00, v0;
	_ =	sdelay $0x1  }
0x16e: {  	(erf) = vpow2.f32 v0;
	_ =	sdelay $0x4  }
0x16f: {  	v0 =	vor.u32 $0x5, v53  }
0x170: {  	v26 =	vor.u32 $0x60, v2  }
0x171: {  	v27 =	vor.u32 $0x61, v2  }
0x172: {  	[tilespmem:$0x1FEB0] =	vst v37;
	v36 =	vor.u32 $0x62, v2  }
0x173: {  	[tilespmem:$0x1FEC0] =	vst v38;
	v37 =	vor.u32 $0x63, v2;
	v23 =	vpop (erf)  }
0x174: {  	v38 =	vor.u32 $0x65, v2;
	[tilespmem:v0+s26+$0x0] =	vst.idx.msk $0xffff, v23  }
0x175: {  	[tilespmem:$0x1FED0] =	vst v40;
	v40 =	vor.u32 $0x66, v2;
	v30 =	vld.idx.msk [tilespmem:v26+s21+$0x0], $0xffff  }
0x176: {  	[tilespmem:$0x1FEE0] =	vst v41;
	v41 =	vor.u32 $0x67, v2;
	v28 =	vld.idx.msk [tilespmem:v27+s21+$0x0], $0xffff  }
0x177: {  	v42 =	vor.u32 $0x68, v2;
	v29 =	vld.idx.msk [tilespmem:v36+s21+$0x0], $0xffff  }
0x178: {  	v43 =	vor.u32 $0x69, v2;
	v27 =	vld.idx.msk [tilespmem:v37+s21+$0x0], $0xffff  }
0x179: {  	[tilespmem:$0x1FF00] =	vst v44;
	v44 =	vor.u32 $0x6A, v2;
	v24 =	vld.idx.msk [tilespmem:v38+s21+$0x0], $0xffff  }
0x17a: {  	v45 =	vor.u32 $0x6B, v2;
	v25 =	vld.idx.msk [tilespmem:v40+s21+$0x0], $0xffff  }
0x17b: {  	[tilespmem:$0x1FF10] =	vst v46;
	v46 =	vor.u32 $0x6C, v2;
	v12 =	vld.idx.msk [tilespmem:v41+s21+$0x0], $0xffff  }
0x17c: {  	[tilespmem:$0x1FF20] =	vst v47;
	v47 =	vor.u32 $0x6D, v2;
	v13 =	vld.idx.msk [tilespmem:v42+s21+$0x0], $0xffff  }
0x17d: {  	[tilespmem:$0x1FF30] =	vst v48;
	v48 =	vor.u32 $0x6E, v2;
	v14 =	vld.idx.msk [tilespmem:v43+s21+$0x0], $0xffff  }
0x17e: {  	v49 =	vor.u32 $0x6F, v2;
	v15 =	vld.idx.msk [tilespmem:v44+s21+$0x0], $0xffff  }
0x17f: {  	[tilespmem:$0x1FF80] =	vst v56;
	v56 =	vor.u32 $0x60, v18;
	v16 =	vld.idx.msk [tilespmem:v45+s21+$0x0], $0xffff  }
0x180: {  	v57 =	vor.u32 $0x61, v18;
	v17 =	vld.idx.msk [tilespmem:v46+s21+$0x0], $0xffff  }
0x181: {  	[tilespmem:$0x1FF90] =	vst v58;
	v58 =	vor.u32 $0x62, v18;
	v19 =	vld.idx.msk [tilespmem:v47+s21+$0x0], $0xffff  }
0x182: {  	v59 =	vor.u32 $0x63, v18;
	v20 =	vld.idx.msk [tilespmem:v48+s21+$0x0], $0xffff  }
0x183: {  	v60 =	vor.u32 $0x64, v18;
	v21 =	vld.idx.msk [tilespmem:v49+s21+$0x0], $0xffff  }
0x184: {  	[tilespmem:$0x1FF40] =	vst v50;
	v61 =	vor.u32 $0x65, v18;
	v50 =	vld.idx.msk [tilespmem:v56+s20+$0x0], $0xffff  }
0x185: {  	[tilespmem:$0x1FF50] =	vst v51;
	v62 =	vor.u32 $0x66, v18;
	v51 =	vld.idx.msk [tilespmem:v57+s20+$0x0], $0xffff  }
0x186: {  	[tilespmem:$0x1FF60] =	vst v54;
	v54 =	vor.u32 $0x67, v18;
	v40 =	vld.idx.msk [tilespmem:v58+s20+$0x0], $0xffff  }
0x187: {  	v55 =	vor.u32 $0x68, v18;
	v41 =	vld.idx.msk [tilespmem:v59+s20+$0x0], $0xffff  }
0x188: {  	v63 =	vor.u32 $0x69, v18;
	v42 =	vld.idx.msk [tilespmem:v60+s20+$0x0], $0xffff  }
0x189: {  	v0 =	vor.u32 $0x64, v2;
	v43 =	vld.idx.msk [tilespmem:v61+s20+$0x0], $0xffff  }
0x18a: {  	v44 =	vld.idx.msk [tilespmem:v62+s20+$0x0], $0xffff;
	v37 =	vor.u32 $0x6C, v18  }
0x18b: {  	v45 =	vld.idx.msk [tilespmem:v54+s20+$0x0], $0xffff;
	v47 =	vor.u32 $0x6D, v18  }
0x18c: {  	v46 =	vld.idx.msk [tilespmem:v55+s20+$0x0], $0xffff;
	v48 =	vor.u32 $0x6E, v18  }
0x18d: {  	[tilespmem:$0x1FF70] =	vst v3;
	v3 =	vld.idx.msk [tilespmem:v63+s20+$0x0], $0xffff;
	v49 =	vor.u32 $0x6F, v18  }
0x18e: {  	v26 =	vld.idx.msk [tilespmem:v0+s21+$0x0], $0xffff;
	v0 =	vor.u32 $0x6A, v18  }
0x18f: {  	v38 =	vor.u32 $0x6B, v18;
	v22 =	vmul.f32 v30, v50;
	v50 =	vld.idx.msk [tilespmem:v37+s20+$0x0], $0xffff  }
0x190: {  	v11 =	vmul.f32 v28, v51;
	v51 =	vld.idx.msk [tilespmem:v47+s20+$0x0], $0xffff  }
0x191: {  	v30 =	vld.idx.msk [tilespmem:v48+s20+$0x0], $0xffff  }
0x192: {  	v31 =	vld.idx.msk [tilespmem:v49+s20+$0x0], $0xffff  }
0x193: {  	v10 =	vmul.f32 v29, v40;
	v9 =	vmul.f32 v27, v41;
	v1 =	vld.idx.msk [tilespmem:v0+s20+$0x0], $0xffff  }
0x194: {  	[tilespmem:$0x1FFA0] =	vst v0;
	v7 =	vmul.f32 v24, v43;
	v6 =	vmul.f32 v25, v44;
	v0 =	vld.idx.msk [tilespmem:v38+s20+$0x0], $0xffff  }
0x195: {  	v5 =	vmul.f32 v12, v45;
	v4 =	vmul.f32 v13, v46  }
0x196: {  	v3 =	vmul.f32 v14, v3;
	v11 =	vadd.f32 v11, v22;
	v8 =	vmul.f32 v26, v42  }
0x197: {  	[tilespmem:$0x1FFB0] =	vst v38;
	v9 =	vadd.f32 v9, v10;
	v32 =	vmul.f32 v17, v50;
	v36 =	vmul.f32 v19, v51  }
0x198: {  	[tilespmem:$0x1FFC0] =	vst v37;
	v5 =	vadd.f32 v5, v6;
	v37 =	vmul.f32 v20, v30;
	v38 =	vmul.f32 v21, v31  }
0x199: {  	v3 =	vadd.f32 v3, v4;
	v1 =	vmul.f32 v15, v1;
	v0 =	vmul.f32 v16, v0  }
0x19a: {  	v7 =	vadd.f32 v7, v8;
	v40 =	vadd.f32 v38, v37  }
0x19b: {  	v0 =	vadd.f32 v0, v1;
	v1 =	vadd.f32 v36, v32  }
0x19c: {  	v41 =	vadd.f32 v9, v11;
	v5 =	vadd.f32 v5, v7  }
0x19d: {  	v0 =	vadd.f32 v0, v3;
	v1 =	vadd.f32 v40, v1;
	_ =	sdelay $0x1  }
0x19e: {  	v3 =	vadd.f32 v5, v41;
	v0 =	vadd.f32 v1, v0;
	_ =	sdelay $0x1  }
0x19f: {  	v0 =	vadd.f32 v0, v3;
	_ =	sdelay $0x1  }
0x1a0: {  	v0 =	vmul.f32 $2.500000000e-01, v0;
	_ =	sdelay $0x1  }
0x1a1: {  	v0 =	vmul.f32 $1.442695020e+00, v0;
	_ =	sdelay $0x1  }
0x1a2: {  	(erf) = vpow2.f32 v0;
	_ =	sdelay $0x4  }
0x1a3: {  	v1 =	vor.u32 $0x6, v53  }
0x1a4: {  	v3 =	vor.u32 $0x70, v2  }
0x1a5: {  	v42 =	vor.u32 $0x71, v2  }
0x1a6: {  	v43 =	vor.u32 $0x72, v2  }
0x1a7: {  	v44 =	vor.u32 $0x73, v2;
	v13 =	vpop (erf)  }
0x1a8: {  	v45 =	vor.u32 $0x75, v2;
	[tilespmem:v1+s26+$0x0] =	vst.idx.msk $0xffff, v13  }
0x1a9: {  	v46 =	vor.u32 $0x76, v2;
	v31 =	vld.idx.msk [tilespmem:v3+s21+$0x0], $0xffff  }
0x1aa: {  	[tilespmem:$0x1FFD0] =	vst v47;
	v47 =	vor.u32 $0x77, v2;
	v22 =	vld.idx.msk [tilespmem:v42+s21+$0x0], $0xffff  }
0x1ab: {  	[tilespmem:$0x1FFE0] =	vst v48;
	v48 =	vor.u32 $0x78, v2;
	v21 =	vld.idx.msk [tilespmem:v43+s21+$0x0], $0xffff  }
0x1ac: {  	[tilespmem:$0x1FFF0] =	vst v49;
	v49 =	vor.u32 $0x79, v2;
	v24 =	vld.idx.msk [tilespmem:v44+s21+$0x0], $0xffff  }
0x1ad: {  	v50 =	vor.u32 $0x7A, v2;
	v25 =	vld.idx.msk [tilespmem:v45+s21+$0x0], $0xffff  }
0x1ae: {  	v51 =	vor.u32 $0x7B, v2;
	v26 =	vld.idx.msk [tilespmem:v46+s21+$0x0], $0xffff  }
0x1af: {  	v4 =	vor.u32 $0x7C, v2;
	v27 =	vld.idx.msk [tilespmem:v47+s21+$0x0], $0xffff  }
0x1b0: {  	v5 =	vor.u32 $0x7D, v2;
	v28 =	vld.idx.msk [tilespmem:v48+s21+$0x0], $0xffff  }
0x1b1: {  	v6 =	vor.u32 $0x7E, v2;
	v29 =	vld.idx.msk [tilespmem:v49+s21+$0x0], $0xffff  }
0x1b2: {  	v7 =	vor.u32 $0x7F, v2;
	v30 =	vld.idx.msk [tilespmem:v50+s21+$0x0], $0xffff  }
0x1b3: {  	v38 =	vor.u32 $0x71, v18;
	v19 =	vld.idx.msk [tilespmem:v51+s21+$0x0], $0xffff  }
0x1b4: {  	v41 =	vor.u32 $0x72, v18;
	v17 =	vld.idx.msk [tilespmem:v4+s21+$0x0], $0xffff  }
0x1b5: {  	v32 =	vor.u32 $0x79, v18;
	v15 =	vld.idx.msk [tilespmem:v5+s21+$0x0], $0xffff  }
0x1b6: {  	v37 =	vor.u32 $0x7B, v18;
	v14 =	vld.idx.msk [tilespmem:v6+s21+$0x0], $0xffff  }
0x1b7: {  	v1 =	vor.u32 $0x74, v2;
	v16 =	vld.idx.msk [tilespmem:v7+s21+$0x0], $0xffff  }
0x1b8: {  	v36 =	vor.u32 $0x7A, v18;
	v11 =	vld.idx.msk [tilespmem:v38+s20+$0x0], $0xffff  }
0x1b9: {  	v50 =	vor.u32 $0x70, v18;
	v10 =	vld.idx.msk [tilespmem:v41+s20+$0x0], $0xffff  }
0x1ba: {  	v42 =	vor.u32 $0x73, v18;
	v3 =	vld.idx.msk [tilespmem:v32+s20+$0x0], $0xffff  }
0x1bb: {  	v44 =	vor.u32 $0x74, v18;
	v0 =	vld.idx.msk [tilespmem:v37+s20+$0x0], $0xffff  }
0x1bc: {  	v46 =	vor.u32 $0x75, v18;
	v20 =	vld.idx.msk [tilespmem:v1+s21+$0x0], $0xffff  }
0x1bd: {  	v47 =	vor.u32 $0x76, v18;
	v1 =	vld.idx.msk [tilespmem:v36+s20+$0x0], $0xffff  }
0x1be: {  	v48 =	vor.u32 $0x77, v18;
	v12 =	vld.idx.msk [tilespmem:v50+s20+$0x0], $0xffff  }
0x1bf: {  	v51 =	vor.u32 $0x78, v18;
	v9 =	vld.idx.msk [tilespmem:v42+s20+$0x0], $0xffff  }
0x1c0: {  	v40 =	vor.u32 $0x7C, v18;
	v8 =	vld.idx.msk [tilespmem:v44+s20+$0x0], $0xffff  }
0x1c1: {  	v43 =	vor.u32 $0x7D, v18;
	v7 =	vld.idx.msk [tilespmem:v46+s20+$0x0], $0xffff  }
0x1c2: {  	v45 =	vor.u32 $0x7E, v18;
	v6 =	vld.idx.msk [tilespmem:v47+s20+$0x0], $0xffff  }
0x1c3: {  	v49 =	vor.u32 $0x7F, v18;
	v5 =	vld.idx.msk [tilespmem:v48+s20+$0x0], $0xffff  }
0x1c4: {  	v4 =	vld.idx.msk [tilespmem:v51+s20+$0x0], $0xffff  }
0x1c5: {  	v11 =	vmul.f32 v22, v11;
	v22 =	vld.idx.msk [tilespmem:v40+s20+$0x0], $0xffff  }
0x1c6: {  	v10 =	vmul.f32 v21, v10;
	v21 =	vld.idx.msk [tilespmem:v43+s20+$0x0], $0xffff;
	v3 =	vmul.f32 v29, v3  }
0x1c7: {  	v0 =	vmul.f32 v19, v0;
	v8 =	vmul.f32 v20, v8;
	v20 =	vld.idx.msk [tilespmem:v45+s20+$0x0], $0xffff  }
0x1c8: {  	v1 =	vmul.f32 v30, v1;
	v12 =	vmul.f32 v31, v12;
	v31 =	vld.idx.msk [tilespmem:v49+s20+$0x0], $0xffff  }
0x1c9: {  	v9 =	vmul.f32 v24, v9;
	v7 =	vmul.f32 v25, v7  }
0x1ca: {  	v6 =	vmul.f32 v26, v6;
	v5 =	vmul.f32 v27, v5  }
0x1cb: {  	v4 =	vmul.f32 v28, v4;
	v17 =	vmul.f32 v17, v22;
	v0 =	vadd.f32 v0, v1  }
0x1cc: {  	v15 =	vmul.f32 v15, v21;
	v11 =	vadd.f32 v11, v12;
	v9 =	vadd.f32 v9, v10  }
0x1cd: {  	v7 =	vadd.f32 v7, v8;
	v14 =	vmul.f32 v14, v20;
	v31 =	vmul.f32 v16, v31  }
0x1ce: {  	v5 =	vadd.f32 v5, v6;
	v3 =	vadd.f32 v3, v4  }
0x1cf: {  	v1 =	vadd.f32 v15, v17;
	v12 =	vadd.f32 v31, v14  }
0x1d0: {  	v5 =	vadd.f32 v5, v7;
	v0 =	vadd.f32 v0, v3  }
0x1d1: {  	v14 =	vadd.f32 v9, v11;
	v1 =	vadd.f32 v12, v1;
	_ =	sdelay $0x1  }
0x1d2: {  	v3 =	vadd.f32 v5, v14;
	v0 =	vadd.f32 v1, v0;
	_ =	sdelay $0x1  }
0x1d3: {  	v0 =	vadd.f32 v0, v3;
	_ =	sdelay $0x1  }
0x1d4: {  	v0 =	vmul.f32 $2.500000000e-01, v0;
	_ =	sdelay $0x1  }
0x1d5: {  	v0 =	vmul.f32 $1.442695020e+00, v0;
	_ =	sdelay $0x1  }
0x1d6: {  	(erf) = vpow2.f32 v0;
	_ =	sdelay $0x4  }
0x1d7: {  	v0 =	vor.u32 $0x7, v53  }
0x1d8: {  	v1 =	vor.u32 $0x80, v2  }
0x1d9: {  	v3 =	vor.u32 $0x81, v2  }
0x1da: {  	v15 =	vor.u32 $0x82, v2  }
0x1db: {  	v30 =	vld [tilespmem:$0x1F9B0];
	v16 =	vor.u32 $0x83, v2;
	v53 =	vpop (erf)  }
0x1dc: {  	v17 =	vor.u32 $0x85, v2;
	v31 =	vld [tilespmem:$0x1F9C0];
	[tilespmem:v0+s26+$0x0] =	vst.idx.msk $0xffff, v53  }
0x1dd: {  	v19 =	vor.u32 $0x86, v2;
	v1 =	vld.idx.msk [tilespmem:v1+s21+$0x0], $0xffff  }
0x1de: {  	v20 =	vor.u32 $0x87, v2;
	v3 =	vld.idx.msk [tilespmem:v3+s21+$0x0], $0xffff  }
0x1df: {  	v21 =	vor.u32 $0x88, v2;
	v4 =	vld.idx.msk [tilespmem:v15+s21+$0x0], $0xffff  }
0x1e0: {  	v22 =	vor.u32 $0x89, v2;
	v5 =	vld.idx.msk [tilespmem:v16+s21+$0x0], $0xffff  }
0x1e1: {  	v24 =	vor.u32 $0x8A, v2;
	v6 =	vld.idx.msk [tilespmem:v17+s21+$0x0], $0xffff  }
0x1e2: {  	v25 =	vor.u32 $0x8B, v2;
	v7 =	vld.idx.msk [tilespmem:v19+s21+$0x0], $0xffff  }
0x1e3: {  	v26 =	vor.u32 $0x8C, v2;
	v8 =	vld.idx.msk [tilespmem:v20+s21+$0x0], $0xffff  }
0x1e4: {  	v27 =	vor.u32 $0x8D, v2;
	v9 =	vld.idx.msk [tilespmem:v21+s21+$0x0], $0xffff  }
0x1e5: {  	v28 =	vor.u32 $0x8E, v2;
	v10 =	vld.idx.msk [tilespmem:v22+s21+$0x0], $0xffff  }
0x1e6: {  	v29 =	vor.u32 $0x8F, v2;
	v11 =	vld.idx.msk [tilespmem:v24+s21+$0x0], $0xffff  }
0x1e7: {  	v0 =	vor.u32 $0x84, v2;
	v12 =	vld.idx.msk [tilespmem:v25+s21+$0x0], $0xffff  }
0x1e8: {  	v14 =	vld.idx.msk [tilespmem:v26+s21+$0x0], $0xffff  }
0x1e9: {  	v15 =	vld.idx.msk [tilespmem:v27+s21+$0x0], $0xffff  }
0x1ea: {  	v16 =	vld.idx.msk [tilespmem:v28+s21+$0x0], $0xffff;
	v1 =	vmul.f32 v1, v39  }
0x1eb: {  	v17 =	vld.idx.msk [tilespmem:v29+s21+$0x0], $0xffff;
	v3 =	vmul.f32 v3, v39  }
0x1ec: {  	v0 =	vld.idx.msk [tilespmem:v0+s21+$0x0], $0xffff;
	[tilespmem:v18+s28+$0x0] =	vst.idx.msk $0xffff, v1;
	v1 =	vmul.f32 v4, v39  }
0x1ed: {  	[tilespmem:v30+s28+$0x0] =	vst.idx.msk $0xffff, v3  }
0x1ee: {  	[tilespmem:v31+s28+$0x0] =	vst.idx.msk $0xffff, v1;
	v1 =	vld [tilespmem:$0x1F9D0];
	_ =	sdelay $0x5  }
0x1ef: {  	v3 =	vmul.f32 v5, v39;
	_ =	sdelay $0x1  }
0x1f0: {  	[tilespmem:v1+s28+$0x0] =	vst.idx.msk $0xffff, v3;
	v3 =	vld [tilespmem:$0x1F9E0];
	_ =	sdelay $0x5  }
0x1f1: {  	v0 =	vmul.f32 v0, v39;
	_ =	sdelay $0x1  }
0x1f2: {  	[tilespmem:v3+s28+$0x0] =	vst.idx.msk $0xffff, v0;
	v3 =	vld [tilespmem:$0x1F9F0];
	_ =	sdelay $0x5  }
0x1f3: {  	v1 =	vmul.f32 v6, v39;
	_ =	sdelay $0x1  }
0x1f4: {  	[tilespmem:v3+s28+$0x0] =	vst.idx.msk $0xffff, v1;
	v3 =	vld [tilespmem:$0x1FA00];
	_ =	sdelay $0x5  }
0x1f5: {  	v0 =	vmul.f32 v7, v39;
	_ =	sdelay $0x1  }
0x1f6: {  	[tilespmem:v3+s28+$0x0] =	vst.idx.msk $0xffff, v0;
	v3 =	vld [tilespmem:$0x1FA10];
	_ =	sdelay $0x5  }
0x1f7: {  	v1 =	vmul.f32 v8, v39;
	_ =	sdelay $0x1  }
0x1f8: {  	[tilespmem:v3+s28+$0x0] =	vst.idx.msk $0xffff, v1;
	v3 =	vld [tilespmem:$0x1FA20];
	_ =	sdelay $0x5  }
0x1f9: {  	v0 =	vmul.f32 v9, v39;
	_ =	sdelay $0x1  }
0x1fa: {  	[tilespmem:v3+s28+$0x0] =	vst.idx.msk $0xffff, v0;
	v3 =	vld [tilespmem:$0x1FA30];
	_ =	sdelay $0x5  }
0x1fb: {  	v1 =	vmul.f32 v10, v39;
	_ =	sdelay $0x1  }
0x1fc: {  	[tilespmem:v3+s28+$0x0] =	vst.idx.msk $0xffff, v1;
	v3 =	vld [tilespmem:$0x1FA40];
	_ =	sdelay $0x5  }
0x1fd: {  	v0 =	vmul.f32 v11, v39;
	_ =	sdelay $0x1  }
0x1fe: {  	[tilespmem:v3+s28+$0x0] =	vst.idx.msk $0xffff, v0;
	v3 =	vld [tilespmem:$0x1FA50]  }
0x1ff: {  	v11 =	vld [tilespmem:$0x1FA60]  }
0x200: {  	v0 =	vmul.f32 v14, v39;
	v14 =	vld [tilespmem:$0x1FA70];
	_ =	sdelay $0x3  }
0x201: {  	v1 =	vmul.f32 v12, v39;
	_ =	sdelay $0x1  }
0x202: {  	[tilespmem:v3+s28+$0x0] =	vst.idx.msk $0xffff, v1;
	v1 =	vmul.f32 v15, v39  }
0x203: {  	[tilespmem:v11+s28+$0x0] =	vst.idx.msk $0xffff, v0;
	v0 =	vmul.f32 v16, v39;
	v16 =	vld [tilespmem:$0x1FA80]  }
0x204: {  	[tilespmem:v14+s28+$0x0] =	vst.idx.msk $0xffff, v1;
	v1 =	vmul.f32 v17, v39;
	v17 =	vld [tilespmem:$0x1FA90];
	_ =	sdelay $0x3  }
0x205: {  	v3 =	vor.u32 $0x90, v2  }
0x206: {  	v12 =	vor.u32 $0x91, v2  }
0x207: {  	v30 =	vld [tilespmem:$0x1FAA0];
	v15 =	vor.u32 $0x92, v2  }
0x208: {  	v18 =	vor.u32 $0x95, v2;
	v31 =	vld [tilespmem:$0x1FAB0];
	[tilespmem:v16+s28+$0x0] =	vst.idx.msk $0xffff, v0  }
0x209: {  	v19 =	vor.u32 $0x96, v2;
	v39 =	vld [tilespmem:$0x1FAC0];
	[tilespmem:v17+s28+$0x0] =	vst.idx.msk $0xffff, v1  }
0x20a: {  	v20 =	vor.u32 $0x97, v2;
	v3 =	vld.idx.msk [tilespmem:v3+s21+$0x0], $0xffff  }
0x20b: {  	v21 =	vor.u32 $0x98, v2;
	v4 =	vld.idx.msk [tilespmem:v12+s21+$0x0], $0xffff  }
0x20c: {  	v22 =	vor.u32 $0x99, v2;
	v5 =	vld.idx.msk [tilespmem:v15+s21+$0x0], $0xffff  }
0x20d: {  	v24 =	vor.u32 $0x9A, v2;
	v6 =	vld.idx.msk [tilespmem:v18+s21+$0x0], $0xffff  }
0x20e: {  	v25 =	vor.u32 $0x9B, v2;
	v7 =	vld.idx.msk [tilespmem:v19+s21+$0x0], $0xffff  }
0x20f: {  	v26 =	vor.u32 $0x9C, v2;
	v8 =	vld.idx.msk [tilespmem:v20+s21+$0x0], $0xffff  }
0x210: {  	v27 =	vor.u32 $0x9D, v2;
	v9 =	vld.idx.msk [tilespmem:v21+s21+$0x0], $0xffff  }
0x211: {  	v28 =	vor.u32 $0x9E, v2;
	v10 =	vld.idx.msk [tilespmem:v22+s21+$0x0], $0xffff  }
0x212: {  	v29 =	vor.u32 $0x9F, v2;
	v11 =	vld.idx.msk [tilespmem:v24+s21+$0x0], $0xffff  }
0x213: {  	v0 =	vor.u32 $0x93, v2;
	v12 =	vld.idx.msk [tilespmem:v25+s21+$0x0], $0xffff  }
0x214: {  	v1 =	vor.u32 $0x94, v2;
	v14 =	vld.idx.msk [tilespmem:v26+s21+$0x0], $0xffff  }
0x215: {  	v15 =	vld.idx.msk [tilespmem:v27+s21+$0x0], $0xffff  }
0x216: {  	v16 =	vld.idx.msk [tilespmem:v28+s21+$0x0], $0xffff  }
0x217: {  	v17 =	vld.idx.msk [tilespmem:v29+s21+$0x0], $0xffff;
	v3 =	vmul.f32 v3, v52  }
0x218: {  	v0 =	vld.idx.msk [tilespmem:v0+s21+$0x0], $0xffff;
	v4 =	vmul.f32 v4, v52  }
0x219: {  	v1 =	vld.idx.msk [tilespmem:v1+s21+$0x0], $0xffff;
	[tilespmem:v30+s28+$0x0] =	vst.idx.msk $0xffff, v3;
	v3 =	vmul.f32 v5, v52  }
0x21a: {  	[tilespmem:v31+s28+$0x0] =	vst.idx.msk $0xffff, v4  }
0x21b: {  	[tilespmem:v39+s28+$0x0] =	vst.idx.msk $0xffff, v3;
	v3 =	vld [tilespmem:$0x1FAD0];
	_ =	sdelay $0x5  }
0x21c: {  	v0 =	vmul.f32 v0, v52;
	_ =	sdelay $0x1  }
0x21d: {  	[tilespmem:v3+s28+$0x0] =	vst.idx.msk $0xffff, v0;
	v3 =	vld [tilespmem:$0x1FAE0];
	_ =	sdelay $0x5  }
0x21e: {  	v1 =	vmul.f32 v1, v52;
	_ =	sdelay $0x1  }
0x21f: {  	[tilespmem:v3+s28+$0x0] =	vst.idx.msk $0xffff, v1;
	v3 =	vld [tilespmem:$0x1FAF0];
	_ =	sdelay $0x5  }
0x220: {  	v0 =	vmul.f32 v6, v52;
	_ =	sdelay $0x1  }
0x221: {  	[tilespmem:v3+s28+$0x0] =	vst.idx.msk $0xffff, v0;
	v3 =	vld [tilespmem:$0x1FB00];
	_ =	sdelay $0x5  }
0x222: {  	v1 =	vmul.f32 v7, v52;
	_ =	sdelay $0x1  }
0x223: {  	[tilespmem:v3+s28+$0x0] =	vst.idx.msk $0xffff, v1;
	v3 =	vld [tilespmem:$0x1FB10];
	_ =	sdelay $0x5  }
0x224: {  	v0 =	vmul.f32 v8, v52;
	_ =	sdelay $0x1  }
0x225: {  	[tilespmem:v3+s28+$0x0] =	vst.idx.msk $0xffff, v0;
	v3 =	vld [tilespmem:$0x1FB20];
	_ =	sdelay $0x5  }
0x226: {  	v1 =	vmul.f32 v9, v52;
	_ =	sdelay $0x1  }
0x227: {  	[tilespmem:v3+s28+$0x0] =	vst.idx.msk $0xffff, v1;
	v3 =	vld [tilespmem:$0x1FB30];
	_ =	sdelay $0x5  }
0x228: {  	v0 =	vmul.f32 v10, v52;
	_ =	sdelay $0x1  }
0x229: {  	[tilespmem:v3+s28+$0x0] =	vst.idx.msk $0xffff, v0;
	v3 =	vld [tilespmem:$0x1FB40];
	_ =	sdelay $0x5  }
0x22a: {  	v1 =	vmul.f32 v11, v52;
	_ =	sdelay $0x1  }
0x22b: {  	[tilespmem:v3+s28+$0x0] =	vst.idx.msk $0xffff, v1;
	v3 =	vld [tilespmem:$0x1FB50];
	_ =	sdelay $0x5  }
0x22c: {  	v0 =	vmul.f32 v12, v52  }
0x22d: {  	v12 =	vld [tilespmem:$0x1FB60]  }
0x22e: {  	[tilespmem:v3+s28+$0x0] =	vst.idx.msk $0xffff, v0;
	v0 =	vmul.f32 v15, v52;
	v15 =	vld [tilespmem:$0x1FB70];
	_ =	sdelay $0x4  }
0x22f: {  	v1 =	vmul.f32 v14, v52;
	_ =	sdelay $0x1  }
0x230: {  	[tilespmem:v12+s28+$0x0] =	vst.idx.msk $0xffff, v1  }
0x231: {  	[tilespmem:v15+s28+$0x0] =	vst.idx.msk $0xffff, v0;
	v0 =	vmul.f32 v17, v52;
	v17 =	vld [tilespmem:$0x1FB80]  }
0x232: {  	v18 =	vld [tilespmem:$0x1FB90];
	_ =	sdelay $0x3  }
0x233: {  	v3 =	vor.u32 $0xA0, v2  }
0x234: {  	v14 =	vor.u32 $0xA1, v2;
	v1 =	vmul.f32 v16, v52  }
0x235: {  	v31 =	vld [tilespmem:$0x1FBA0];
	v16 =	vor.u32 $0xA2, v2  }
0x236: {  	v19 =	vor.u32 $0xA5, v2;
	v39 =	vld [tilespmem:$0x1FBB0];
	[tilespmem:v17+s28+$0x0] =	vst.idx.msk $0xffff, v1  }
0x237: {  	v20 =	vor.u32 $0xA6, v2;
	v52 =	vld [tilespmem:$0x1FBC0];
	[tilespmem:v18+s28+$0x0] =	vst.idx.msk $0xffff, v0  }
0x238: {  	v21 =	vor.u32 $0xA7, v2;
	v3 =	vld.idx.msk [tilespmem:v3+s21+$0x0], $0xffff  }
0x239: {  	v22 =	vor.u32 $0xA8, v2;
	v4 =	vld.idx.msk [tilespmem:v14+s21+$0x0], $0xffff  }
0x23a: {  	v24 =	vor.u32 $0xA9, v2;
	v5 =	vld.idx.msk [tilespmem:v16+s21+$0x0], $0xffff  }
0x23b: {  	v25 =	vor.u32 $0xAA, v2;
	v6 =	vld.idx.msk [tilespmem:v19+s21+$0x0], $0xffff  }
0x23c: {  	v26 =	vor.u32 $0xAB, v2;
	v7 =	vld.idx.msk [tilespmem:v20+s21+$0x0], $0xffff  }
0x23d: {  	v27 =	vor.u32 $0xAC, v2;
	v8 =	vld.idx.msk [tilespmem:v21+s21+$0x0], $0xffff  }
0x23e: {  	v28 =	vor.u32 $0xAD, v2;
	v9 =	vld.idx.msk [tilespmem:v22+s21+$0x0], $0xffff  }
0x23f: {  	v29 =	vor.u32 $0xAE, v2;
	v10 =	vld.idx.msk [tilespmem:v24+s21+$0x0], $0xffff  }
0x240: {  	v30 =	vor.u32 $0xAF, v2;
	v11 =	vld.idx.msk [tilespmem:v25+s21+$0x0], $0xffff  }
0x241: {  	v1 =	vor.u32 $0xA3, v2;
	v12 =	vld.idx.msk [tilespmem:v26+s21+$0x0], $0xffff  }
0x242: {  	v0 =	vor.u32 $0xA4, v2;
	v14 =	vld.idx.msk [tilespmem:v27+s21+$0x0], $0xffff  }
0x243: {  	v15 =	vld.idx.msk [tilespmem:v28+s21+$0x0], $0xffff  }
0x244: {  	v16 =	vld.idx.msk [tilespmem:v29+s21+$0x0], $0xffff  }
0x245: {  	v17 =	vld.idx.msk [tilespmem:v30+s21+$0x0], $0xffff;
	v3 =	vmul.f32 v3, v35  }
0x246: {  	v1 =	vld.idx.msk [tilespmem:v1+s21+$0x0], $0xffff;
	v4 =	vmul.f32 v4, v35  }
0x247: {  	v0 =	vld.idx.msk [tilespmem:v0+s21+$0x0], $0xffff;
	[tilespmem:v31+s28+$0x0] =	vst.idx.msk $0xffff, v3;
	v3 =	vmul.f32 v5, v35  }
0x248: {  	[tilespmem:v39+s28+$0x0] =	vst.idx.msk $0xffff, v4  }
0x249: {  	[tilespmem:v52+s28+$0x0] =	vst.idx.msk $0xffff, v3;
	v3 =	vld [tilespmem:$0x1FBD0];
	_ =	sdelay $0x5  }
0x24a: {  	v1 =	vmul.f32 v1, v35;
	_ =	sdelay $0x1  }
0x24b: {  	[tilespmem:v3+s28+$0x0] =	vst.idx.msk $0xffff, v1;
	v3 =	vld [tilespmem:$0x1FBE0];
	_ =	sdelay $0x5  }
0x24c: {  	v0 =	vmul.f32 v0, v35;
	_ =	sdelay $0x1  }
0x24d: {  	[tilespmem:v3+s28+$0x0] =	vst.idx.msk $0xffff, v0;
	v3 =	vld [tilespmem:$0x1FBF0];
	_ =	sdelay $0x5  }
0x24e: {  	v1 =	vmul.f32 v6, v35;
	_ =	sdelay $0x1  }
0x24f: {  	[tilespmem:v3+s28+$0x0] =	vst.idx.msk $0xffff, v1;
	v3 =	vld [tilespmem:$0x1FC00];
	_ =	sdelay $0x5  }
0x250: {  	v0 =	vmul.f32 v7, v35;
	_ =	sdelay $0x1  }
0x251: {  	[tilespmem:v3+s28+$0x0] =	vst.idx.msk $0xffff, v0;
	v3 =	vld [tilespmem:$0x1FC10];
	_ =	sdelay $0x5  }
0x252: {  	v1 =	vmul.f32 v8, v35;
	_ =	sdelay $0x1  }
0x253: {  	[tilespmem:v3+s28+$0x0] =	vst.idx.msk $0xffff, v1;
	v3 =	vld [tilespmem:$0x1FC20];
	_ =	sdelay $0x5  }
0x254: {  	v0 =	vmul.f32 v9, v35;
	_ =	sdelay $0x1  }
0x255: {  	[tilespmem:v3+s28+$0x0] =	vst.idx.msk $0xffff, v0;
	v3 =	vld [tilespmem:$0x1FC30];
	_ =	sdelay $0x5  }
0x256: {  	v1 =	vmul.f32 v10, v35;
	_ =	sdelay $0x1  }
0x257: {  	[tilespmem:v3+s28+$0x0] =	vst.idx.msk $0xffff, v1;
	v3 =	vld [tilespmem:$0x1FC40];
	_ =	sdelay $0x5  }
0x258: {  	v0 =	vmul.f32 v11, v35;
	_ =	sdelay $0x1  }
0x259: {  	[tilespmem:v3+s28+$0x0] =	vst.idx.msk $0xffff, v0;
	v3 =	vld [tilespmem:$0x1FC50]  }
0x25a: {  	v0 =	vmul.f32 v14, v35;
	v14 =	vld [tilespmem:$0x1FC60];
	_ =	sdelay $0x4  }
0x25b: {  	v1 =	vmul.f32 v12, v35;
	_ =	sdelay $0x1  }
0x25c: {  	[tilespmem:v3+s28+$0x0] =	vst.idx.msk $0xffff, v1  }
0x25d: {  	[tilespmem:v14+s28+$0x0] =	vst.idx.msk $0xffff, v0;
	v0 =	vmul.f32 v16, v35;
	v16 =	vld [tilespmem:$0x1FC70]  }
0x25e: {  	v18 =	vld [tilespmem:$0x1FC80]  }
0x25f: {  	v19 =	vld [tilespmem:$0x1FC90];
	_ =	sdelay $0x3  }
0x260: {  	v1 =	vmul.f32 v15, v35;
	v3 =	vor.u32 $0xB0, v2  }
0x261: {  	v15 =	vor.u32 $0xB1, v2  }
0x262: {  	v20 =	vor.u32 $0xB5, v2;
	v39 =	vld [tilespmem:$0x1FCB0];
	[tilespmem:v16+s28+$0x0] =	vst.idx.msk $0xffff, v1;
	v1 =	vmul.f32 v17, v35  }
0x263: {  	v21 =	vor.u32 $0xB6, v2;
	v52 =	vld [tilespmem:$0x1FCC0];
	[tilespmem:v18+s28+$0x0] =	vst.idx.msk $0xffff, v0  }
0x264: {  	v22 =	vor.u32 $0xB7, v2;
	v35 =	vld [tilespmem:$0x1FCA0];
	[tilespmem:v19+s28+$0x0] =	vst.idx.msk $0xffff, v1  }
0x265: {  	v24 =	vor.u32 $0xB8, v2;
	v3 =	vld.idx.msk [tilespmem:v3+s21+$0x0], $0xffff  }
0x266: {  	v25 =	vor.u32 $0xB9, v2;
	v4 =	vld.idx.msk [tilespmem:v15+s21+$0x0], $0xffff  }
0x267: {  	v26 =	vor.u32 $0xBA, v2;
	v6 =	vld.idx.msk [tilespmem:v20+s21+$0x0], $0xffff  }
0x268: {  	v27 =	vor.u32 $0xBB, v2;
	v7 =	vld.idx.msk [tilespmem:v21+s21+$0x0], $0xffff  }
0x269: {  	v28 =	vor.u32 $0xBC, v2;
	v8 =	vld.idx.msk [tilespmem:v22+s21+$0x0], $0xffff  }
0x26a: {  	v17 =	vor.u32 $0xB2, v2;
	v9 =	vld.idx.msk [tilespmem:v24+s21+$0x0], $0xffff  }
0x26b: {  	v29 =	vor.u32 $0xBD, v2;
	v10 =	vld.idx.msk [tilespmem:v25+s21+$0x0], $0xffff  }
0x26c: {  	v30 =	vor.u32 $0xBE, v2;
	v11 =	vld.idx.msk [tilespmem:v26+s21+$0x0], $0xffff  }
0x26d: {  	v31 =	vor.u32 $0xBF, v2;
	v12 =	vld.idx.msk [tilespmem:v27+s21+$0x0], $0xffff  }
0x26e: {  	v0 =	vor.u32 $0xB3, v2;
	v14 =	vld.idx.msk [tilespmem:v28+s21+$0x0], $0xffff  }
0x26f: {  	v1 =	vor.u32 $0xB4, v2;
	v5 =	vld.idx.msk [tilespmem:v17+s21+$0x0], $0xffff  }
0x270: {  	v15 =	vld.idx.msk [tilespmem:v29+s21+$0x0], $0xffff  }
0x271: {  	v16 =	vld.idx.msk [tilespmem:v30+s21+$0x0], $0xffff  }
0x272: {  	v17 =	vld.idx.msk [tilespmem:v31+s21+$0x0], $0xffff;
	v3 =	vmul.f32 v3, v34  }
0x273: {  	v0 =	vld.idx.msk [tilespmem:v0+s21+$0x0], $0xffff;
	v4 =	vmul.f32 v4, v34  }
0x274: {  	v1 =	vld.idx.msk [tilespmem:v1+s21+$0x0], $0xffff;
	[tilespmem:v35+s28+$0x0] =	vst.idx.msk $0xffff, v3;
	v3 =	vmul.f32 v5, v34  }
0x275: {  	[tilespmem:v39+s28+$0x0] =	vst.idx.msk $0xffff, v4  }
0x276: {  	[tilespmem:v52+s28+$0x0] =	vst.idx.msk $0xffff, v3;
	v3 =	vld [tilespmem:$0x1FCD0];
	_ =	sdelay $0x5  }
0x277: {  	v0 =	vmul.f32 v0, v34;
	_ =	sdelay $0x1  }
0x278: {  	[tilespmem:v3+s28+$0x0] =	vst.idx.msk $0xffff, v0;
	v3 =	vld [tilespmem:$0x1FCE0];
	_ =	sdelay $0x5  }
0x279: {  	v1 =	vmul.f32 v1, v34;
	_ =	sdelay $0x1  }
0x27a: {  	[tilespmem:v3+s28+$0x0] =	vst.idx.msk $0xffff, v1;
	v3 =	vld [tilespmem:$0x1FCF0];
	_ =	sdelay $0x5  }
0x27b: {  	v0 =	vmul.f32 v6, v34;
	_ =	sdelay $0x1  }
0x27c: {  	[tilespmem:v3+s28+$0x0] =	vst.idx.msk $0xffff, v0;
	v3 =	vld [tilespmem:$0x1FD00];
	_ =	sdelay $0x5  }
0x27d: {  	v1 =	vmul.f32 v7, v34;
	_ =	sdelay $0x1  }
0x27e: {  	[tilespmem:v3+s28+$0x0] =	vst.idx.msk $0xffff, v1;
	v3 =	vld [tilespmem:$0x1FD10];
	_ =	sdelay $0x5  }
0x27f: {  	v0 =	vmul.f32 v8, v34;
	_ =	sdelay $0x1  }
0x280: {  	[tilespmem:v3+s28+$0x0] =	vst.idx.msk $0xffff, v0;
	v3 =	vld [tilespmem:$0x1FD20];
	_ =	sdelay $0x5  }
0x281: {  	v1 =	vmul.f32 v9, v34;
	_ =	sdelay $0x1  }
0x282: {  	[tilespmem:v3+s28+$0x0] =	vst.idx.msk $0xffff, v1;
	v3 =	vld [tilespmem:$0x1FD30];
	_ =	sdelay $0x5  }
0x283: {  	v0 =	vmul.f32 v10, v34;
	_ =	sdelay $0x1  }
0x284: {  	[tilespmem:v3+s28+$0x0] =	vst.idx.msk $0xffff, v0;
	v3 =	vld [tilespmem:$0x1FD40];
	_ =	sdelay $0x5  }
0x285: {  	v1 =	vmul.f32 v11, v34;
	_ =	sdelay $0x1  }
0x286: {  	[tilespmem:v3+s28+$0x0] =	vst.idx.msk $0xffff, v1;
	v3 =	vld [tilespmem:$0x1FD50]  }
0x287: {  	v1 =	vmul.f32 v14, v34;
	v14 =	vld [tilespmem:$0x1FD60];
	_ =	sdelay $0x4  }
0x288: {  	v0 =	vmul.f32 v12, v34;
	_ =	sdelay $0x1  }
0x289: {  	[tilespmem:v3+s28+$0x0] =	vst.idx.msk $0xffff, v0  }
0x28a: {  	[tilespmem:v14+s28+$0x0] =	vst.idx.msk $0xffff, v1;
	v1 =	vmul.f32 v16, v34;
	v16 =	vld [tilespmem:$0x1FD70]  }
0x28b: {  	v19 =	vld [tilespmem:$0x1FD80]  }
0x28c: {  	v20 =	vld [tilespmem:$0x1FD90];
	_ =	sdelay $0x3  }
0x28d: {  	v0 =	vmul.f32 v15, v34;
	v3 =	vor.u32 $0xC0, v2  }
0x28e: {  	v15 =	vor.u32 $0xC1, v2  }
0x28f: {  	v18 =	vor.u32 $0xC2, v2;
	v35 =	vld [tilespmem:$0x1FDA0];
	[tilespmem:v16+s28+$0x0] =	vst.idx.msk $0xffff, v0;
	v0 =	vmul.f32 v17, v34  }
0x290: {  	v21 =	vor.u32 $0xC5, v2;
	v39 =	vld [tilespmem:$0x1FDB0];
	[tilespmem:v19+s28+$0x0] =	vst.idx.msk $0xffff, v1  }
0x291: {  	v22 =	vor.u32 $0xC6, v2;
	v52 =	vld [tilespmem:$0x1FDC0];
	[tilespmem:v20+s28+$0x0] =	vst.idx.msk $0xffff, v0  }
0x292: {  	v24 =	vor.u32 $0xC7, v2;
	v3 =	vld.idx.msk [tilespmem:v3+s21+$0x0], $0xffff  }
0x293: {  	v25 =	vor.u32 $0xC8, v2;
	v4 =	vld.idx.msk [tilespmem:v15+s21+$0x0], $0xffff  }
0x294: {  	v26 =	vor.u32 $0xC9, v2;
	v5 =	vld.idx.msk [tilespmem:v18+s21+$0x0], $0xffff  }
0x295: {  	v27 =	vor.u32 $0xCA, v2;
	v6 =	vld.idx.msk [tilespmem:v21+s21+$0x0], $0xffff  }
0x296: {  	v28 =	vor.u32 $0xCB, v2;
	v7 =	vld.idx.msk [tilespmem:v22+s21+$0x0], $0xffff  }
0x297: {  	v29 =	vor.u32 $0xCC, v2;
	v8 =	vld.idx.msk [tilespmem:v24+s21+$0x0], $0xffff  }
0x298: {  	v30 =	vor.u32 $0xCD, v2;
	v9 =	vld.idx.msk [tilespmem:v25+s21+$0x0], $0xffff  }
0x299: {  	v31 =	vor.u32 $0xCE, v2;
	v10 =	vld.idx.msk [tilespmem:v26+s21+$0x0], $0xffff  }
0x29a: {  	v34 =	vor.u32 $0xCF, v2;
	v11 =	vld.idx.msk [tilespmem:v27+s21+$0x0], $0xffff  }
0x29b: {  	v1 =	vor.u32 $0xC3, v2;
	v12 =	vld.idx.msk [tilespmem:v28+s21+$0x0], $0xffff  }
0x29c: {  	v0 =	vor.u32 $0xC4, v2;
	v14 =	vld.idx.msk [tilespmem:v29+s21+$0x0], $0xffff  }
0x29d: {  	v15 =	vld.idx.msk [tilespmem:v30+s21+$0x0], $0xffff  }
0x29e: {  	v16 =	vld.idx.msk [tilespmem:v31+s21+$0x0], $0xffff  }
0x29f: {  	v17 =	vld.idx.msk [tilespmem:v34+s21+$0x0], $0xffff;
	v3 =	vmul.f32 v3, v33  }
0x2a0: {  	v1 =	vld.idx.msk [tilespmem:v1+s21+$0x0], $0xffff;
	v4 =	vmul.f32 v4, v33  }
0x2a1: {  	v0 =	vld.idx.msk [tilespmem:v0+s21+$0x0], $0xffff;
	[tilespmem:v35+s28+$0x0] =	vst.idx.msk $0xffff, v3;
	v3 =	vmul.f32 v5, v33  }
0x2a2: {  	[tilespmem:v39+s28+$0x0] =	vst.idx.msk $0xffff, v4  }
0x2a3: {  	[tilespmem:v52+s28+$0x0] =	vst.idx.msk $0xffff, v3;
	v3 =	vld [tilespmem:$0x1FDD0];
	_ =	sdelay $0x5  }
0x2a4: {  	v1 =	vmul.f32 v1, v33;
	_ =	sdelay $0x1  }
0x2a5: {  	[tilespmem:v3+s28+$0x0] =	vst.idx.msk $0xffff, v1;
	v3 =	vld [tilespmem:$0x1FDE0];
	_ =	sdelay $0x5  }
0x2a6: {  	v0 =	vmul.f32 v0, v33;
	_ =	sdelay $0x1  }
0x2a7: {  	[tilespmem:v3+s28+$0x0] =	vst.idx.msk $0xffff, v0;
	v3 =	vld [tilespmem:$0x1FDF0];
	_ =	sdelay $0x5  }
0x2a8: {  	v1 =	vmul.f32 v6, v33;
	_ =	sdelay $0x1  }
0x2a9: {  	[tilespmem:v3+s28+$0x0] =	vst.idx.msk $0xffff, v1;
	v3 =	vld [tilespmem:$0x1FE00];
	_ =	sdelay $0x5  }
0x2aa: {  	v0 =	vmul.f32 v7, v33;
	_ =	sdelay $0x1  }
0x2ab: {  	[tilespmem:v3+s28+$0x0] =	vst.idx.msk $0xffff, v0;
	v3 =	vld [tilespmem:$0x1FE10];
	_ =	sdelay $0x5  }
0x2ac: {  	v1 =	vmul.f32 v8, v33;
	_ =	sdelay $0x1  }
0x2ad: {  	[tilespmem:v3+s28+$0x0] =	vst.idx.msk $0xffff, v1;
	v3 =	vld [tilespmem:$0x1FE20];
	_ =	sdelay $0x5  }
0x2ae: {  	v0 =	vmul.f32 v9, v33;
	_ =	sdelay $0x1  }
0x2af: {  	[tilespmem:v3+s28+$0x0] =	vst.idx.msk $0xffff, v0;
	v3 =	vld [tilespmem:$0x1FE30];
	_ =	sdelay $0x5  }
0x2b0: {  	v1 =	vmul.f32 v10, v33;
	_ =	sdelay $0x1  }
0x2b1: {  	[tilespmem:v3+s28+$0x0] =	vst.idx.msk $0xffff, v1;
	v3 =	vld [tilespmem:$0x1FE40];
	_ =	sdelay $0x5  }
0x2b2: {  	v10 =	vld [tilespmem:$0x1FE50];
	v0 =	vmul.f32 v11, v33  }
0x2b3: {  	v1 =	vmul.f32 v12, v33;
	v12 =	vld [tilespmem:$0x1FE60]  }
0x2b4: {  	[tilespmem:v3+s28+$0x0] =	vst.idx.msk $0xffff, v0;
	v3 =	vmul.f32 v15, v33;
	v15 =	vld [tilespmem:$0x1FE70]  }
0x2b5: {  	v11 =	vmul.f32 v16, v33;
	v16 =	vld [tilespmem:$0x1FE80]  }
0x2b6: {  	v18 =	vld [tilespmem:$0x1FE90];
	_ =	sdelay $0x2  }
0x2b7: {  	v0 =	vmul.f32 v14, v33  }
0x2b8: {  	[tilespmem:v10+s28+$0x0] =	vst.idx.msk $0xffff, v1;
	v1 =	vor.u32 $0xD0, v2  }
0x2b9: {  	[tilespmem:v12+s28+$0x0] =	vst.idx.msk $0xffff, v0;
	v0 =	vor.u32 $0xD1, v2  }
0x2ba: {  	v14 =	vmul.f32 v17, v33;
	v17 =	vor.u32 $0xD3, v2;
	[tilespmem:v15+s28+$0x0] =	vst.idx.msk $0xffff, v3  }
0x2bb: {  	v19 =	vor.u32 $0xD4, v2;
	[tilespmem:v16+s28+$0x0] =	vst.idx.msk $0xffff, v11  }
0x2bc: {  	v20 =	vor.u32 $0xD5, v2;
	v33 =	vld [tilespmem:$0x1FEA0];
	[tilespmem:v18+s28+$0x0] =	vst.idx.msk $0xffff, v14  }
0x2bd: {  	v21 =	vor.u32 $0xD6, v2;
	v1 =	vld.idx.msk [tilespmem:v1+s21+$0x0], $0xffff  }
0x2be: {  	v22 =	vor.u32 $0xD7, v2;
	v0 =	vld.idx.msk [tilespmem:v0+s21+$0x0], $0xffff  }
0x2bf: {  	v24 =	vor.u32 $0xD8, v2;
	v4 =	vld.idx.msk [tilespmem:v17+s21+$0x0], $0xffff  }
0x2c0: {  	v25 =	vor.u32 $0xD9, v2;
	v5 =	vld.idx.msk [tilespmem:v19+s21+$0x0], $0xffff  }
0x2c1: {  	v26 =	vor.u32 $0xDA, v2;
	v6 =	vld.idx.msk [tilespmem:v20+s21+$0x0], $0xffff  }
0x2c2: {  	v27 =	vor.u32 $0xDB, v2;
	v7 =	vld.idx.msk [tilespmem:v21+s21+$0x0], $0xffff  }
0x2c3: {  	v3 =	vor.u32 $0xD2, v2;
	v8 =	vld.idx.msk [tilespmem:v22+s21+$0x0], $0xffff  }
0x2c4: {  	v28 =	vor.u32 $0xDC, v2;
	v9 =	vld.idx.msk [tilespmem:v24+s21+$0x0], $0xffff  }
0x2c5: {  	v29 =	vor.u32 $0xDD, v2;
	v10 =	vld.idx.msk [tilespmem:v25+s21+$0x0], $0xffff  }
0x2c6: {  	v30 =	vor.u32 $0xDE, v2;
	v11 =	vld.idx.msk [tilespmem:v26+s21+$0x0], $0xffff  }
0x2c7: {  	v31 =	vor.u32 $0xDF, v2;
	v12 =	vld.idx.msk [tilespmem:v27+s21+$0x0], $0xffff  }
0x2c8: {  	v3 =	vld.idx.msk [tilespmem:v3+s21+$0x0], $0xffff  }
0x2c9: {  	v14 =	vld.idx.msk [tilespmem:v28+s21+$0x0], $0xffff  }
0x2ca: {  	v15 =	vld.idx.msk [tilespmem:v29+s21+$0x0], $0xffff  }
0x2cb: {  	v16 =	vld.idx.msk [tilespmem:v30+s21+$0x0], $0xffff;
	v1 =	vmul.f32 v1, v23  }
0x2cc: {  	v17 =	vld.idx.msk [tilespmem:v31+s21+$0x0], $0xffff  }
0x2cd: {  	[tilespmem:v33+s28+$0x0] =	vst.idx.msk $0xffff, v1;
	v1 =	vmul.f32 v3, v23;
	v3 =	vld [tilespmem:$0x1FEB0];
	_ =	sdelay $0x5  }
0x2ce: {  	v0 =	vmul.f32 v0, v23;
	_ =	sdelay $0x1  }
0x2cf: {  	[tilespmem:v3+s28+$0x0] =	vst.idx.msk $0xffff, v0;
	v3 =	vld [tilespmem:$0x1FEC0];
	_ =	sdelay $0x7  }
0x2d0: {  	[tilespmem:v3+s28+$0x0] =	vst.idx.msk $0xffff, v1;
	v3 =	vld [tilespmem:$0x1FED0];
	_ =	sdelay $0x5  }
0x2d1: {  	v0 =	vmul.f32 v4, v23;
	_ =	sdelay $0x1  }
0x2d2: {  	[tilespmem:v3+s28+$0x0] =	vst.idx.msk $0xffff, v0;
	v3 =	vld [tilespmem:$0x1FEE0];
	_ =	sdelay $0x5  }
0x2d3: {  	v1 =	vmul.f32 v5, v23;
	_ =	sdelay $0x1  }
0x2d4: {  	[tilespmem:v3+s28+$0x0] =	vst.idx.msk $0xffff, v1;
	v3 =	vld [tilespmem:$0x1FEF0];
	_ =	sdelay $0x5  }
0x2d5: {  	v0 =	vmul.f32 v6, v23;
	_ =	sdelay $0x1  }
0x2d6: {  	[tilespmem:v3+s28+$0x0] =	vst.idx.msk $0xffff, v0;
	v3 =	vld [tilespmem:$0x1FF00];
	_ =	sdelay $0x5  }
0x2d7: {  	v1 =	vmul.f32 v7, v23;
	_ =	sdelay $0x1  }
0x2d8: {  	[tilespmem:v3+s28+$0x0] =	vst.idx.msk $0xffff, v1;
	v3 =	vld [tilespmem:$0x1FF10];
	_ =	sdelay $0x5  }
0x2d9: {  	v0 =	vmul.f32 v8, v23;
	_ =	sdelay $0x1  }
0x2da: {  	[tilespmem:v3+s28+$0x0] =	vst.idx.msk $0xffff, v0;
	v3 =	vld [tilespmem:$0x1FF20]  }
0x2db: {  	v34 =	vld [tilespmem:$0x1FF30];
	_ =	sdelay $0x2  }
0x2dc: {  	v35 =	vld [tilespmem:$0x1FF40]  }
0x2dd: {  	v39 =	vld [tilespmem:$0x1FF50]  }
0x2de: {  	v8 =	vld [tilespmem:$0x1FF60];
	v1 =	vmul.f32 v9, v23  }
0x2df: {  	v0 =	vmul.f32 v10, v23;
	v10 =	vld [tilespmem:$0x1FF70]  }
0x2e0: {  	[tilespmem:v3+s28+$0x0] =	vst.idx.msk $0xffff, v1;
	v1 =	vmul.f32 v11, v23;
	v11 =	vld [tilespmem:$0x1FF80]  }
0x2e1: {  	[tilespmem:v34+s28+$0x0] =	vst.idx.msk $0xffff, v0;
	v0 =	vmul.f32 v14, v23;
	v14 =	vld [tilespmem:$0x1FF90];
	_ =	sdelay $0x1  }
0x2e2: {  	v3 =	vmul.f32 v12, v23  }
0x2e3: {  	[tilespmem:v35+s28+$0x0] =	vst.idx.msk $0xffff, v1  }
0x2e4: {  	v1 =	vmul.f32 v15, v23;
	[tilespmem:v39+s28+$0x0] =	vst.idx.msk $0xffff, v3;
	v3 =	vor.u32 $0xE0, v2  }
0x2e5: {  	v52 =	vmul.f32 v16, v23;
	[tilespmem:v8+s28+$0x0] =	vst.idx.msk $0xffff, v0;
	v0 =	vor.u32 $0xE1, v2  }
0x2e6: {  	v9 =	vmul.f32 v17, v23;
	[tilespmem:v10+s28+$0x0] =	vst.idx.msk $0xffff, v1;
	v1 =	vor.u32 $0xE2, v2  }
0x2e7: {  	v12 =	vor.u32 $0xE3, v2;
	[tilespmem:v11+s28+$0x0] =	vst.idx.msk $0xffff, v52  }
0x2e8: {  	v15 =	vor.u32 $0xE4, v2;
	[tilespmem:v14+s28+$0x0] =	vst.idx.msk $0xffff, v9  }
0x2e9: {  	v16 =	vor.u32 $0xE5, v2;
	v3 =	vld.idx.msk [tilespmem:v3+s21+$0x0], $0xffff  }
0x2ea: {  	v17 =	vor.u32 $0xE6, v2;
	v0 =	vld.idx.msk [tilespmem:v0+s21+$0x0], $0xffff  }
0x2eb: {  	v18 =	vor.u32 $0xE7, v2;
	v1 =	vld.idx.msk [tilespmem:v1+s21+$0x0], $0xffff  }
0x2ec: {  	v19 =	vor.u32 $0xE8, v2;
	v4 =	vld.idx.msk [tilespmem:v12+s21+$0x0], $0xffff  }
0x2ed: {  	v20 =	vor.u32 $0xE9, v2;
	v5 =	vld.idx.msk [tilespmem:v15+s21+$0x0], $0xffff  }
0x2ee: {  	v21 =	vor.u32 $0xEA, v2;
	v6 =	vld.idx.msk [tilespmem:v16+s21+$0x0], $0xffff  }
0x2ef: {  	v22 =	vor.u32 $0xEB, v2;
	v7 =	vld.idx.msk [tilespmem:v17+s21+$0x0], $0xffff  }
0x2f0: {  	v23 =	vor.u32 $0xEC, v2;
	v8 =	vld.idx.msk [tilespmem:v18+s21+$0x0], $0xffff  }
0x2f1: {  	v24 =	vor.u32 $0xED, v2;
	v9 =	vld.idx.msk [tilespmem:v19+s21+$0x0], $0xffff  }
0x2f2: {  	v25 =	vor.u32 $0xEE, v2;
	v10 =	vld.idx.msk [tilespmem:v20+s21+$0x0], $0xffff  }
0x2f3: {  	v26 =	vor.u32 $0xEF, v2;
	v11 =	vld.idx.msk [tilespmem:v21+s21+$0x0], $0xffff  }
0x2f4: {  	v12 =	vld.idx.msk [tilespmem:v22+s21+$0x0], $0xffff  }
0x2f5: {  	v14 =	vld.idx.msk [tilespmem:v23+s21+$0x0], $0xffff  }
0x2f6: {  	v15 =	vld.idx.msk [tilespmem:v24+s21+$0x0], $0xffff;
	v3 =	vmul.f32 v3, v13  }
0x2f7: {  	v16 =	vld.idx.msk [tilespmem:v25+s21+$0x0], $0xffff;
	v0 =	vmul.f32 v0, v13  }
0x2f8: {  	v17 =	vld.idx.msk [tilespmem:v26+s21+$0x0], $0xffff;
	v1 =	vmul.f32 v1, v13;
	[tilespmem:v56+s28+$0x0] =	vst.idx.msk $0xffff, v3  }
0x2f9: {  	[tilespmem:v57+s28+$0x0] =	vst.idx.msk $0xffff, v0;
	v0 =	vmul.f32 v4, v13  }
0x2fa: {  	v27 =	vld [tilespmem:$0x1FFA0];
	[tilespmem:v58+s28+$0x0] =	vst.idx.msk $0xffff, v1;
	v1 =	vmul.f32 v5, v13  }
0x2fb: {  	v28 =	vld [tilespmem:$0x1FFB0];
	[tilespmem:v59+s28+$0x0] =	vst.idx.msk $0xffff, v0;
	v0 =	vmul.f32 v6, v13  }
0x2fc: {  	v30 =	vld [tilespmem:$0x1FFC0];
	[tilespmem:v60+s28+$0x0] =	vst.idx.msk $0xffff, v1;
	v1 =	vmul.f32 v7, v13  }
0x2fd: {  	v33 =	vld [tilespmem:$0x1FFD0];
	[tilespmem:v61+s28+$0x0] =	vst.idx.msk $0xffff, v0;
	v0 =	vmul.f32 v8, v13  }
0x2fe: {  	v34 =	vld [tilespmem:$0x1FFE0];
	[tilespmem:v62+s28+$0x0] =	vst.idx.msk $0xffff, v1;
	v1 =	vmul.f32 v9, v13  }
0x2ff: {  	v39 =	vld [tilespmem:$0x1FFF0];
	[tilespmem:v54+s28+$0x0] =	vst.idx.msk $0xffff, v0;
	v0 =	vmul.f32 v10, v13  }
0x300: {  	[tilespmem:v55+s28+$0x0] =	vst.idx.msk $0xffff, v1;
	v1 =	vmul.f32 v11, v13  }
0x301: {  	v3 =	vmul.f32 v12, v13;
	[tilespmem:v63+s28+$0x0] =	vst.idx.msk $0xffff, v0  }
0x302: {  	v0 =	vmul.f32 v14, v13;
	[tilespmem:v27+s28+$0x0] =	vst.idx.msk $0xffff, v1  }
0x303: {  	v1 =	vmul.f32 v15, v13;
	[tilespmem:v28+s28+$0x0] =	vst.idx.msk $0xffff, v3;
	v3 =	vor.u32 $0xF0, v2  }
0x304: {  	v35 =	vor.u32 $0xF3, v2;
	v29 =	vmul.f32 v16, v13;
	[tilespmem:v30+s28+$0x0] =	vst.idx.msk $0xffff, v0  }
0x305: {  	v52 =	vor.u32 $0xF4, v2;
	v31 =	vmul.f32 v17, v13;
	[tilespmem:v33+s28+$0x0] =	vst.idx.msk $0xffff, v1  }
0x306: {  	v54 =	vor.u32 $0xF5, v2;
	[tilespmem:v34+s28+$0x0] =	vst.idx.msk $0xffff, v29  }
0x307: {  	v55 =	vor.u32 $0xF6, v2;
	[tilespmem:v39+s28+$0x0] =	vst.idx.msk $0xffff, v31  }
0x308: {  	v56 =	vor.u32 $0xF7, v2;
	v3 =	vld.idx.msk [tilespmem:v3+s21+$0x0], $0xffff  }
0x309: {  	v57 =	vor.u32 $0xF8, v2;
	v4 =	vld.idx.msk [tilespmem:v35+s21+$0x0], $0xffff  }
0x30a: {  	v58 =	vor.u32 $0xF9, v2;
	v5 =	vld.idx.msk [tilespmem:v52+s21+$0x0], $0xffff  }
0x30b: {  	v59 =	vor.u32 $0xFA, v2;
	v6 =	vld.idx.msk [tilespmem:v54+s21+$0x0], $0xffff  }
0x30c: {  	v0 =	vor.u32 $0xF1, v2;
	v7 =	vld.idx.msk [tilespmem:v55+s21+$0x0], $0xffff  }
0x30d: {  	v1 =	vor.u32 $0xF2, v2;
	v8 =	vld.idx.msk [tilespmem:v56+s21+$0x0], $0xffff  }
0x30e: {  	v60 =	vor.u32 $0xFB, v2;
	v9 =	vld.idx.msk [tilespmem:v57+s21+$0x0], $0xffff  }
0x30f: {  	v61 =	vor.u32 $0xFC, v2;
	v10 =	vld.idx.msk [tilespmem:v58+s21+$0x0], $0xffff  }
0x310: {  	v62 =	vor.u32 $0xFD, v2;
	v11 =	vld.idx.msk [tilespmem:v59+s21+$0x0], $0xffff  }
0x311: {  	v63 =	vor.u32 $0xFE, v2;
	v0 =	vld.idx.msk [tilespmem:v0+s21+$0x0], $0xffff  }
0x312: {  	v2 =	vor.u32 $0xFF, v2;
	v1 =	vld.idx.msk [tilespmem:v1+s21+$0x0], $0xffff  }
0x313: {  	v12 =	vld.idx.msk [tilespmem:v60+s21+$0x0], $0xffff  }
0x314: {  	v13 =	vld.idx.msk [tilespmem:v61+s21+$0x0], $0xffff  }
0x315: {  	v14 =	vld.idx.msk [tilespmem:v62+s21+$0x0], $0xffff;
	v3 =	vmul.f32 v3, v53  }
0x316: {  	v15 =	vld.idx.msk [tilespmem:v63+s21+$0x0], $0xffff;
	v0 =	vmul.f32 v0, v53  }
0x317: {  	v2 =	vld.idx.msk [tilespmem:v2+s21+$0x0], $0xffff;
	[tilespmem:v50+s28+$0x0] =	vst.idx.msk $0xffff, v3;
	v1 =	vmul.f32 v1, v53  }
0x318: {  	[tilespmem:v38+s28+$0x0] =	vst.idx.msk $0xffff, v0;
	v0 =	vmul.f32 v4, v53  }
0x319: {  	[tilespmem:v41+s28+$0x0] =	vst.idx.msk $0xffff, v1;
	v1 =	vmul.f32 v5, v53  }
0x31a: {  	[tilespmem:v42+s28+$0x0] =	vst.idx.msk $0xffff, v0;
	v0 =	vmul.f32 v6, v53  }
0x31b: {  	[tilespmem:v44+s28+$0x0] =	vst.idx.msk $0xffff, v1;
	v1 =	vmul.f32 v7, v53  }
0x31c: {  	[tilespmem:v46+s28+$0x0] =	vst.idx.msk $0xffff, v0;
	v0 =	vmul.f32 v8, v53  }
0x31d: {  	[tilespmem:v47+s28+$0x0] =	vst.idx.msk $0xffff, v1;
	v1 =	vmul.f32 v9, v53  }
0x31e: {  	[tilespmem:v48+s28+$0x0] =	vst.idx.msk $0xffff, v0;
	v0 =	vmul.f32 v10, v53  }
0x31f: {  	[tilespmem:v51+s28+$0x0] =	vst.idx.msk $0xffff, v1;
	v1 =	vmul.f32 v11, v53  }
0x320: {  	[tilespmem:v32+s28+$0x0] =	vst.idx.msk $0xffff, v0;
	v0 =	vmul.f32 v12, v53  }
0x321: {  	p0 =	sne.s32 s31, $0x30;
	[tilespmem:v36+s28+$0x0] =	vst.idx.msk $0xffff, v1;
	v1 =	vmul.f32 v13, v53  }
.Ltmp1:
0x322: {  	[tilespmem:v37+s28+$0x0] =	vst.idx.msk $0xffff, v0;
	v0 =	vmul.f32 v14, v53;
	(pc) =	sbr.rel @p0 .LBB2_5-.Ltmp1, $4  }
0x323: {  	[tilespmem:v40+s28+$0x0] =	vst.idx.msk $0xffff, v1;
	v1 =	vmul.f32 v15, v53  }
0x324: {  	[tilespmem:v43+s28+$0x0] =	vst.idx.msk $0xffff, v0;
	v0 =	vmul.f32 v2, v53  }
0x325: {  	[tilespmem:v45+s28+$0x0] =	vst.idx.msk $0xffff, v1  }
0x326: {  	s31 =	sadd.s32 $0x10, s31;
	v1 =	vlaneseq.u32;
	[tilespmem:v49+s28+$0x0] =	vst.idx.msk $0xffff, v0  }
0x327: {  	[spmem:s2] =	stream.indirect.scatter.add.f32 [tilespmem:s28], [sflag:$0x3], $0x80, s17, s19, $0xb8;
	[tilespmem:$0x1EC80] =	vst v63  }
0x328: {  	s30 =	sadd.s32 $0x1, s30;
	_ =	swait.ge [sflag:s15], $0x2000  }
0x329: {  	p0 =	sne.s32 s30, $0xA2;
	[sflag:s15] =	ssyncset.done $0x0  }
.Ltmp2:
0x32a: {  	[sflag:s15] =	ssyncadd.s32 $0xFFFFE000;
	(pc) =	sbr.rel @p0 .LBB2_4-.Ltmp2, $4  }
0x32b: {  	[spmem:s3] =	stream.indirect.scatter.add.f32 [tilespmem:s26], [sflag:$0x3], $0x10, s17, s19, $0xb8;
	[tilespmem:$0x1EC80] =	vst v63  }
0x32c: {  	_ =	swait.ge [sflag:s15], $0x400  }
0x32d: {  	[sflag:s15] =	ssyncset.done $0x0  }
0x32e: {  	[sflag:s15] =	ssyncadd.s32 $0xFFFFFC00  }
0x32f: {  	[bflag:$0x0] =	sbarrier.arrive $0xFFFF  }
0x330: {  	[hbm:s22], [sflag:s11] =	dma.local [spmem:s14], $0x2800  }
0x331: {  	s4 =	sadd.s32 $0x1, s4;
	_ =	swait.ge [sflag:s15], $0x2800  }
0x332: {  	p0 =	sne.s32 s4, s13;
	[sflag:s15] =	ssyncset.done $0x0  }
.Ltmp3:
0x333: {  	[sflag:s15] =	ssyncadd.s32 $0xFFFFD800;
	(pc) =	sbr.rel @p0 .LBB2_1-.Ltmp3, $4  }
0x334: {  	[hbm:s24], [sflag:s11] =	dma.local [spmem:s16], $0x500  }
0x335: {  	_ =	swait.ge [sflag:s15], $0x500  }
0x336: {  	[sflag:s15] =	ssyncset.done $0x0  }
0x337: {  	v0 =	vimm.f32 $0.0e+00;
	[sflag:s15] =	ssyncadd.s32 $0xFFFFFB00  }
0x338: {  	_ =	sfence.sel $0x180000  }
0x339: {  	[bflag:$0x0] =	sbarrier.arrive $0xFFFF  }
0x33a: {  	_ =	strace $0x9000004A  }
0x33b: {  	[bflag:$0x2] =	sbarrier.arrive $0xFFFF  }
0x33c: {  	p0 =	sne.s32 s9, $0x0;
	s0 =	rddreg [dreg:$0x4]  }
0x33d: {  	s0 =	sadd.s32 @!p0 $0x100000, s0  }
0x33e: {  	[sflag:s0] =	ssyncadd.tile.s32 @!p0 $0x1;
	_ =	shalt  }
.Lfunc_end2:
_tile_overlayer_lowered:
.L_overlay_start_2:
0x33f: {  	(tag) =	ssettag $0x2  }
0x340: {  	s0 =	rddreg [dreg:$0x0];
	s2 =	stileid.u32  }
0x341: {  	s1 =	rddreg [dreg:$0x1];
	p0 =	sne.s32 s2, $0x0  }
0x342: {  	s3 =	rddreg [dreg:$0x2];
	[bflag:$0x3] =	sbarrier.arrive $0xFFFF;
	s2 =	simm.s32 @!p0 $0x1C03  }
0x343: {  	[timem:s3], [sflag:s2] =	dma.local @!p0 [hbm:s0], s1  }
0x344: {  	s0 =	simm.s32 @!p0 $0x3  }
0x345: {  	_ =	swait.ge @!p0 [sflag:s0], s1  }
0x346: {  	s1 =	ssub.s32 @!p0 $0x0, s1;
	[sflag:s0] =	ssyncset.done @!p0 $0x0  }
0x347: {  	[sflag:s0] =	ssyncadd.s32 @!p0 s1  }
0x348: {  	[bflag:$0x3] =	sbarrier.arrive $0xFFFF  }
0x349: {  	_ =	shalt  }

// kernel: kernel.7.cloned.1.call-start
scs
__scs_entry_jumppad:
0x0: {  	(pc) =	sbr.rel $0x88, $3  }
0x1: {  	(tag) =	ssettag $0x0;
	lr =	simm.s32 $0x1  }
0x2: {  	[smem:$0x3F97] =	sst lr;
	_ =	strace $0xD0000000  }
0x3: {  	_ = 	snop  }
0x4: {  	_ = 	snop  }
0x5: {  	_ = 	snop  }
0x6: {  	_ = 	snop  }
0x7: {  	_ = 	snop  }
__scs_overlays_trampoline_lowered:
0x8: {  	[smem:$0x3FA6] =	sst s0  }
0x9: {  	[smem:$0x3FA7] =	sst s1  }
0xa: {  	[smem:$0x3FA8] =	sst s2  }
0xb: {  	[smem:$0x3FA9] =	sst s3  }
0xc: {  	[smem:$0x3FAA] =	sst s4  }
0xd: {  	[smem:$0x3FAB] =	sst s5  }
0xe: {  	[smem:$0x3FAC] =	sst s6  }
0xf: {  	[smem:$0x3FAD] =	sst s7  }
0x10: {  	[smem:$0x3FAE] =	sst s8  }
0x11: {  	[smem:$0x3FAF] =	sst s9;
	s0 =	simm.s32 @!p0 $0x0  }
0x12: {  	s1 =	sld [smem:$0x3F95];
	s0 =	simm.s32 @p0 $0x1  }
0x13: {  	[smem:$0x3FB0] =	sst s0;
	s0 =	simm.s32 @!p1 $0x0  }
0x14: {  	s2 =	sld [smem:$0x3F94];
	s0 =	simm.s32 @p1 $0x1  }
0x15: {  	[smem:$0x3FB1] =	sst s0;
	s0 =	simm.s32 @!p2 $0x0  }
0x16: {  	s3 =	sld [smem:$0x3FDB];
	s0 =	simm.s32 @p2 $0x1  }
0x17: {  	s4 =	simm.s32 $0x1BF5;
	[smem:$0x3FB3] =	sst s0  }
0x18: {  	s0 =	sld [smem:$0x3F96];
	_ =	swait.ge [sflag:s4], $0x0  }
0x19: {  	s7 =	sld [smem:$0x3F97]  }
0x1a: {  	s8 =	sadd.s32 $0xFFFFE003, lr  }
0x1b: {  	s9 =	sadd.s32 $0xFFFFFEF7, lr;
	s5 =	simm.s32 $0xFFFFFFFF;
	p2 =	slt.u32 s8, $0xFFFFF086  }
0x1c: {  	p1 =	slt.u32 s9, $0xF7A;
	s5 =	simm.s32 @!p2 $0x0  }
0x1d: {  	s5 =	simm.s32 @p1 $0x1;
	p0 =	seq.s32 s7, s2  }
0x1e: {  	s7 =	smul.u32 @!p0 $0xF7A, s2;
	p2 =	seq.s32 @!p0 s5, $0x0  }
0x1f: {  	s9 =	smul.u32 $0xF7A, s1;
	s8 =	simm.s32 @!p0 $0x1BF5;
	p2 =	por !p2, p0  }
0x20: {  	[sflag:s8] =	ssyncset.s32 @!p0 $0xFFFFF086;
	s6 =	sadd.s32 @!p0 s3, s7;
	s7 =	simm.s32 @!p0 $0x108  }
0x21: {  	s3 =	sadd.s32 s3, s9;
	s6 =	sadd.s32 @!p0 $0x88, s6;
	s7 =	simm.s32 @p2 $0x1082  }
0x22: {  	[simem:s7], [sflag:s8] =	dma.local @!p0 [hbm:s6], $0xF7A  }
0x23: {  	s9 =	sor.u32 $0xD0000000, s2;
	s6 =	simm.s32 $0x108;
	_ =	swait.ge @!p0 [sflag:s8], $0x0  }
0x24: {  	s3 =	sadd.s32 $0x88, s3;
	s6 =	simm.s32 @!p1 $0x1082;
	[sflag:s4] =	ssyncset.s32 $0xFFFFF086  }
0x25: {  	[simem:s6], [sflag:s4] =	dma.local [hbm:s3], $0xF7A  }
0x26: {  	[smem:$0x3F97] =	sst s1;
	(tag) =	ssettag s2;
	_ =	strace s9  }
0x27: {  	s1 =	sld [smem:$0x3FA7]  }
0x28: {  	s2 =	sld [smem:$0x3FA8]  }
0x29: {  	s4 =	sld [smem:$0x3FAA]  }
0x2a: {  	p0 =	seq.s32 s5, $0x0;
	s5 =	sld [smem:$0x3FAB]  }
0x2b: {  	s6 =	sld [smem:$0x3FAC]  }
0x2c: {  	s7 =	sld [smem:$0x3FAD]  }
0x2d: {  	s3 =	simm.s32 $0x108;
	s8 =	sld [smem:$0x3FAE]  }
0x2e: {  	s3 =	simm.s32 @!p0 $0x1082;
	s9 =	sld [smem:$0x3FAF]  }
0x2f: {  	lr =	sadd.s32 s0, s3;
	s0 =	sld [smem:$0x3FA6]  }
0x30: {  	s3 =	sld [smem:$0x3FA9]  }
0x31: {  	[smem:$0x3FB2] =	sst s10  }
0x32: {  	s10 =	sld [smem:$0x3FB0];
	_ =	sdelay $0x3  }
0x33: {  	p0 =	seq.s32 s10, $0x1;
	s10 =	sld [smem:$0x3FB2];
	_ =	sdelay $0x3  }
0x34: {  	[smem:$0x3FB2] =	sst s10  }
0x35: {  	s10 =	sld [smem:$0x3FB1];
	_ =	sdelay $0x3  }
0x36: {  	p1 =	seq.s32 s10, $0x1;
	s10 =	sld [smem:$0x3FB2];
	_ =	sdelay $0x3  }
0x37: {  	[smem:$0x3FB2] =	sst s10  }
0x38: {  	s10 =	sld [smem:$0x3FB3]  }
0x39: {  	_ = 	snop;
	(pc) =	sbr.ind lr, $3  }
0x3a: {  	_ = 	snop  }
0x3b: {  	_ = 	snop  }
0x3c: {  	p2 =	seq.s32 s10, $0x1;
	s10 =	sld [smem:$0x3FB2]  }
0x3d: {  	_ =	shalt  }
0x3e: {  	_ =	shalt  }
0x3f: {  	_ =	shalt  }
0x40: {  	_ =	shalt  }
0x41: {  	_ =	shalt  }
0x42: {  	_ =	shalt  }
0x43: {  	_ =	shalt  }
0x44: {  	_ =	shalt  }
0x45: {  	_ =	shalt  }
0x46: {  	_ =	shalt  }
0x47: {  	_ =	shalt  }
0x48: {  	_ =	shalt  }
0x49: {  	_ =	shalt  }
0x4a: {  	_ =	shalt  }
0x4b: {  	_ =	shalt  }
0x4c: {  	_ =	shalt  }
0x4d: {  	_ =	shalt  }
0x4e: {  	_ =	shalt  }
0x4f: {  	_ =	shalt  }
0x50: {  	_ =	shalt  }
0x51: {  	_ =	shalt  }
0x52: {  	_ =	shalt  }
0x53: {  	_ =	shalt  }
0x54: {  	_ =	shalt  }
0x55: {  	_ =	shalt  }
0x56: {  	_ =	shalt  }
0x57: {  	_ =	shalt  }
0x58: {  	_ =	shalt  }
0x59: {  	_ =	shalt  }
0x5a: {  	_ =	shalt  }
0x5b: {  	_ =	shalt  }
0x5c: {  	_ =	shalt  }
0x5d: {  	_ =	shalt  }
0x5e: {  	_ =	shalt  }
0x5f: {  	_ =	shalt  }
0x60: {  	_ =	shalt  }
0x61: {  	_ =	shalt  }
0x62: {  	_ =	shalt  }
0x63: {  	_ =	shalt  }
0x64: {  	_ =	shalt  }
0x65: {  	_ =	shalt  }
0x66: {  	_ =	shalt  }
0x67: {  	_ =	shalt  }
0x68: {  	_ =	shalt  }
0x69: {  	_ =	shalt  }
0x6a: {  	_ =	shalt  }
0x6b: {  	_ =	shalt  }
0x6c: {  	_ =	shalt  }
0x6d: {  	_ =	shalt  }
0x6e: {  	_ =	shalt  }
0x6f: {  	_ =	shalt  }
0x70: {  	_ =	shalt  }
0x71: {  	_ =	shalt  }
0x72: {  	_ =	shalt  }
0x73: {  	_ =	shalt  }
0x74: {  	_ =	shalt  }
0x75: {  	_ =	shalt  }
0x76: {  	_ =	shalt  }
0x77: {  	_ =	shalt  }
0x78: {  	_ =	shalt  }
0x79: {  	_ =	shalt  }
0x7a: {  	_ =	shalt  }
0x7b: {  	_ =	shalt  }
0x7c: {  	_ =	shalt  }
0x7d: {  	_ =	shalt  }
0x7e: {  	_ =	shalt  }
0x7f: {  	_ =	shalt  }
0x80: {  	_ =	shalt  }
0x81: {  	_ =	shalt  }
0x82: {  	_ =	shalt  }
0x83: {  	_ =	shalt  }
0x84: {  	_ =	shalt  }
0x85: {  	_ =	shalt  }
0x86: {  	_ =	shalt  }
0x87: {  	_ =	shalt  }
.Lfunc_end0:
.L_simem_size_0:
called_computation_lowered:
.L_overlay_start_0:
0x88: {  	s2 =	sld [smem:$0x3FD9]  }
0x89: {  	s3 =	sld [smem:$0x3FFE];
	_ =	sdelay $0x1  }
0x8a: {  	s1 =	srdreg.scid  }
0x8b: {  	s0 =	sand.u32 $0x1, s1  }
0x8c: {  	s16 =	sshll.u32 s0, $0xA;
	s2 =	sadd.s32 s3, s2  }
0x8d: {  	s2 =	sadd.s32 s2, s16  }
0x8e: {  	[smem:$0x3FBE] =	sst s2  }
0x8f: {  	_ = 	snop  }
0x90: {  	(tm) =	ssettm $0x1  }
0x91: {  	s17 =	sld [smem:$0x3FFB];
	_ =	sdelay $0x3  }
0x92: {  	_ =	strace s17  }
0x93: {  	s2 =	sld [smem:$0x3FFC];
	_ =	sdelay $0x3  }
0x94: {  	_ =	strace s2  }
0x95: {  	s2 =	sld [smem:$0x3FFD];
	_ =	sdelay $0x3  }
0x96: {  	_ =	strace s2  }
0x97: {  	_ =	strace $0x8FFFFFFF  }
0x98: {  	s18 =	sld [smem:$0x3FDB];
	_ =	sdelay $0x1  }
0x99: {  	s19 =	simm.s32 $_scs_section_size  }
0x9a: {  	s4 =	simm.s32 $_size__tile_overlayer_lowered;
	s5 =	simm.s32 $_tile_overlayer_lowered  }
0x9b: {  	s22 =	simm.s32 $0x1BFF;
	s21 =	sshll.u32 s5, $0x1;
	s2 =	sadd.s32 s19, s18  }
0x9c: {  	s6 =	simm.s32 $0x0;
	s20 =	sshll.u32 s4, $0x1;
	s4 =	sadd.s32 s21, s2  }
0x9d: {  	[timem:s6], [sflag:s22] =	dma.local [hbm:s4], s20  }
0x9e: {  	_ =	swait.ge [sflag:s22], s20  }
0x9f: {  	s3 =	ssub.s32 $0x0, s20;
	[sflag:s22] =	ssyncset.done $0x0  }
0xa0: {  	[sflag:s22] =	ssyncadd.s32 s3;
	_ =	sdelay $0x1  }
0xa1: {  	s23 =	simm.s32 $0x1B8B  }
0xa2: {  	_ =	swait.ge [sflag:s23], $0x1  }
0xa3: {  	[sflag:s23] =	ssyncset.done $0x0  }
0xa4: {  	s25 =	simm.s32 $0x1B8E;
	s24 =	sld [smem:$0x3FFE];
	[sflag:s23] =	ssyncadd.s32 $0xFFFFFFFF  }
0xa5: {  	s26 =	simm.s32 $execute0_lowered;
	[smem:$0x3FD2] =	sst s25  }
0xa6: {  	s4 =	sshll.u32 s26, $0x1;
	_ =	strace $0x80000046;
	[dreg:$0x1] =	wrdreg $0xFFFFFFFF  }
0xa7: {  	s28 =	simm.s32 $_size_execute0_lowered;
	s2 =	sadd.s32 s2, s4;
	[dreg:$0x0] =	wrdreg $0x0  }
0xa8: {  	s4 =	sshll.u32 s28, $0x1;
	[dreg:$0x2] =	wrdreg s2  }
0xa9: {  	[dreg:$0x3] =	wrdreg s4  }
0xaa: {  	[dreg:$0x4] =	wrdreg $0xC0  }
0xab: {  	_ =	task [dreg:s6], $0x5FFFF  }
0xac: {  	[dreg:$0x1] =	wrdreg $0xFFFFFFFF  }
0xad: {  	[dreg:$0x0] =	wrdreg $0x60  }
0xae: {  	[dreg:$0x2] =	wrdreg s24  }
0xaf: {  	[dreg:$0x3] =	wrdreg $0x0  }
0xb0: {  	[dreg:$0x4] =	wrdreg $0x9  }
0xb1: {  	_ =	task.clear_ibuf [dreg:s6], $0x5FFFF;
	_ =	strace $0x90000046  }
0xb2: {  	s29 =	simm.s32 $0x9;
	_ =	strace $0x80000048  }
0xb3: {  	_ =	swait.ge [sflag:s29], $0x1  }
0xb4: {  	[sflag:s29] =	ssyncadd.s32 $0xFFFFFFFF  }
0xb5: {  	_ =	strace $0x90000048  }
0xb6: {  	_ =	sfence  }
0xb7: {  	s30 =	sld [smem:$0x0];
	_ =	sdelay $0x2  }
0xb8: {  	s31 =	sshll.u32 s1, $0xD;
	s1 =	sshrl.u32 s1, $0x2  }
0xb9: {  	s3 =	sand.u32 $0x4000, s31;
	s1 =	sadd.s32 s1, s30  }
0xba: {  	s0 =	sor.u32 s3, s0;
	s1 =	sshll.u32 s1, $0x11  }
0xbb: {  	s0 =	sor.u32 s1, s0  }
0xbc: {  	s0 =	sadd.s32 $0x8F2B, s0  }
0xbd: {  	[sflag:s0] =	ssyncadd.remote.s32 $0x1  }
0xbe: {  	_ =	sfence.sel $0xFFFF  }
0xbf: {  	[dreg:$0x0] =	wrdreg $0xFFFFFFFF;
	(pc) =	sbr.abs _section_cstart, $3  }
0xc0: {  	[dreg:$0x1] =	wrdreg $0xFFFFFFFF  }
0xc1: {  	_ =	task.clear_ibuf [dreg:s6], $0x2FFFF;
	_ =	strace $0x9FFFFFFF  }
0xc2: {  	(tm) =	ssettm $0x7FFFFFFF  }
0xc3: {  	_ =	shalt  }
tec
execute0_lowered:
.L_overlay_start_1:
0x0: {  	(tag) =	ssettag $0x1  }
0x1: {  	s1 =	srdreg.scid  }
0x2: {  	s1 =	sand.u32 $0x1, s1  }
0x3: {  	p0 =	seq.s32 s1, $0x1  }
.Ltmp0:
0x4: {  	_ = 	snop;
	(pc) =	sbr.rel @p0 .LBB2_2-.Ltmp0, $4  }
0x5: {  	s2 =	rddreg [dreg:$0x0]  }
0x6: {  	s3 =	rddreg [dreg:$0x1];
	s7 =	simm.s32 $0x0  }
0x7: {  	[smem:$0x7FF] =	sst s7  }
0x8: {  	s0 =	rddreg [dreg:$0x2];
	_ =	strace $0x80000047;
	s1 =	stileid.u32  }
0x9: {  	s4 =	smul.u32 $0x50000, s1;
	_ =	sdelay $0x1  }
0xa: {  	s4 =	sshrl.u32 s4, $0x2  }
0xb: {  	s23 =	sshll.u32 s1, $0x6;
	s8 =	sadd.s32 $0x2A800, s2;
	s5 =	sadd.s32 s4, s3  }
0xc: {  	s24 =	simm.s32 $0x2;
	s4 =	sor.u32 $0x1C02, s23;
	s6 =	sshrl.u32 s5, $0x3  }
0xd: {  	[spmem:s6], [sflag:s4] =	dma.local [hbm:s8], $0x2800  }
0xe: {  	s25 =	smul.u32 $0x140, s1;
	_ =	swait.ge [sflag:s24], $0x2800  }
0xf: {  	[sflag:s24] =	ssyncset.done $0x0  }
0x10: {  	s9 =	sadd.s32 $0x2400, s2;
	s8 =	sshrl.u32 s25, $0x3;
	[sflag:s24] =	ssyncadd.s32 $0xFFFFD800  }
0x11: {  	s26 =	simm.s32 $0x16000;
	s9 =	sadd.s32 s9, s8;
	[bflag:$0x0] =	sbarrier.arrive $0xFFFF  }
0x12: {  	[tilespmem:s26], [sflag:$0x2] =	stream.linear.gather [hbm4b:s9+s7], $0x40, $0x38;
	[tilespmem:$0x16080] =	vst v63  }
0x13: {  	_ =	swait.ge [sflag:s24], $0x40  }
0x14: {  	s10 =	sadd.s32 $0x2800, s2;
	s11 =	simm.s32 $0x40;
	[sflag:s24] =	ssyncset.done $0x0  }
0x15: {  	s12 =	simm.s32 $0x14000;
	s13 =	simm.s32 $0x1;
	[sflag:s24] =	ssyncadd.s32 $0xFFFFFFC0  }
0x16: {  	[tilespmem:s12], [sflag:$0x1] =	stream.indirect.gather [hbm4b:s10+s11], $0x80, s26, s11, $0xb8;
	[tilespmem:$0x16080] =	vst v63  }
0x17: {  	_ =	swait.ge [sflag:s13], $0x2000  }
0x18: {  	[sflag:s13] =	ssyncset.done $0x0  }
0x19: {  	[sflag:s13] =	ssyncadd.s32 $0xFFFFE000  }
0x1a: {  	[spmem:s3] =	stream.indirect.scatter.add.f32 [tilespmem:s12], [sflag:$0x2], $0x80, s26, s11, $0xb8;
	[tilespmem:$0x16080] =	vst v63  }
0x1b: {  	_ =	swait.ge [sflag:s24], $0x2000  }
0x1c: {  	[sflag:s24] =	ssyncset.done $0x0  }
0x1d: {  	s14 =	sadd.s32 $0x8, s9;
	[sflag:s24] =	ssyncadd.s32 $0xFFFFE000  }
0x1e: {  	[tilespmem:s26], [sflag:$0x2] =	stream.linear.gather [hbm4b:s14+s7], $0x40, $0x38;
	[tilespmem:$0x16080] =	vst v63  }
0x1f: {  	_ =	swait.ge [sflag:s24], $0x40  }
0x20: {  	[sflag:s24] =	ssyncset.done $0x0  }
0x21: {  	[sflag:s24] =	ssyncadd.s32 $0xFFFFFFC0  }
0x22: {  	[tilespmem:s12], [sflag:$0x1] =	stream.indirect.gather [hbm4b:s10+s11], $0x80, s26, s11, $0xb8;
	[tilespmem:$0x16080] =	vst v63  }
0x23: {  	_ =	swait.ge [sflag:s13], $0x2000  }
0x24: {  	[sflag:s13] =	ssyncset.done $0x0  }
0x25: {  	[sflag:s13] =	ssyncadd.s32 $0xFFFFE000  }
0x26: {  	[spmem:s3] =	stream.indirect.scatter.add.f32 [tilespmem:s12], [sflag:$0x2], $0x80, s26, s11, $0xb8;
	[tilespmem:$0x16080] =	vst v63  }
0x27: {  	_ =	swait.ge [sflag:s24], $0x2000  }
0x28: {  	[sflag:s24] =	ssyncset.done $0x0  }
0x29: {  	s28 =	sadd.s32 $0x10, s9;
	[sflag:s24] =	ssyncadd.s32 $0xFFFFE000  }
0x2a: {  	[tilespmem:s26], [sflag:$0x2] =	stream.linear.gather [hbm4b:s28+s7], $0x40, $0x38;
	[tilespmem:$0x16080] =	vst v63  }
0x2b: {  	_ =	swait.ge [sflag:s24], $0x40  }
0x2c: {  	[sflag:s24] =	ssyncset.done $0x0  }
0x2d: {  	[sflag:s24] =	ssyncadd.s32 $0xFFFFFFC0  }
0x2e: {  	[tilespmem:s12], [sflag:$0x1] =	stream.indirect.gather [hbm4b:s10+s11], $0x80, s26, s11, $0xb8;
	[tilespmem:$0x16080] =	vst v63  }
0x2f: {  	_ =	swait.ge [sflag:s13], $0x2000  }
0x30: {  	[sflag:s13] =	ssyncset.done $0x0  }
0x31: {  	[sflag:s13] =	ssyncadd.s32 $0xFFFFE000  }
0x32: {  	[spmem:s3] =	stream.indirect.scatter.add.f32 [tilespmem:s12], [sflag:$0x2], $0x80, s26, s11, $0xb8;
	[tilespmem:$0x16080] =	vst v63  }
0x33: {  	_ =	swait.ge [sflag:s24], $0x2000  }
0x34: {  	[sflag:s24] =	ssyncset.done $0x0  }
0x35: {  	s29 =	sadd.s32 $0x18, s9;
	[sflag:s24] =	ssyncadd.s32 $0xFFFFE000  }
0x36: {  	[tilespmem:s26], [sflag:$0x2] =	stream.linear.gather [hbm4b:s29+s7], $0x40, $0x38;
	[tilespmem:$0x16080] =	vst v63  }
0x37: {  	_ =	swait.ge [sflag:s24], $0x40  }
0x38: {  	[sflag:s24] =	ssyncset.done $0x0  }
0x39: {  	[sflag:s24] =	ssyncadd.s32 $0xFFFFFFC0  }
0x3a: {  	[tilespmem:s12], [sflag:$0x1] =	stream.indirect.gather [hbm4b:s10+s11], $0x80, s26, s11, $0xb8;
	[tilespmem:$0x16080] =	vst v63  }
0x3b: {  	_ =	swait.ge [sflag:s13], $0x2000  }
0x3c: {  	[sflag:s13] =	ssyncset.done $0x0  }
0x3d: {  	[sflag:s13] =	ssyncadd.s32 $0xFFFFE000  }
0x3e: {  	[spmem:s3] =	stream.indirect.scatter.add.f32 [tilespmem:s12], [sflag:$0x2], $0x80, s26, s11, $0xb8;
	[tilespmem:$0x16080] =	vst v63  }
0x3f: {  	_ =	swait.ge [sflag:s24], $0x2000  }
0x40: {  	[sflag:s24] =	ssyncset.done $0x0  }
0x41: {  	s9 =	sadd.s32 $0x20, s9;
	[sflag:s24] =	ssyncadd.s32 $0xFFFFE000  }
0x42: {  	[tilespmem:s26], [sflag:$0x2] =	stream.linear.gather [hbm4b:s9+s7], $0x40, $0x38;
	[tilespmem:$0x16080] =	vst v63  }
0x43: {  	_ =	swait.ge [sflag:s24], $0x40  }
0x44: {  	[sflag:s24] =	ssyncset.done $0x0  }
0x45: {  	[sflag:s24] =	ssyncadd.s32 $0xFFFFFFC0  }
0x46: {  	[tilespmem:s12], [sflag:$0x1] =	stream.indirect.gather [hbm4b:s10+s11], $0x80, s26, s11, $0xb8;
	[tilespmem:$0x16080] =	vst v63  }
0x47: {  	_ =	swait.ge [sflag:s13], $0x2000  }
0x48: {  	[sflag:s13] =	ssyncset.done $0x0  }
0x49: {  	[sflag:s13] =	ssyncadd.s32 $0xFFFFE000  }
0x4a: {  	[spmem:s3] =	stream.indirect.scatter.add.f32 [tilespmem:s12], [sflag:$0x2], $0x80, s26, s11, $0xb8;
	[tilespmem:$0x16080] =	vst v63  }
0x4b: {  	_ =	swait.ge [sflag:s24], $0x2000  }
0x4c: {  	s30 =	smul.u32 $0x2800, s1;
	[sflag:s24] =	ssyncset.done $0x0  }
0x4d: {  	s31 =	sadd.s32 $0x2D000, s2;
	[sflag:s24] =	ssyncadd.s32 $0xFFFFE000  }
0x4e: {  	s2 =	sadd.s32 s31, s30;
	[bflag:$0x0] =	sbarrier.arrive $0xFFFF  }
0x4f: {  	[hbm:s2], [sflag:s4] =	dma.local [spmem:s6], $0x2800  }
0x50: {  	_ =	swait.ge [sflag:s24], $0x2800  }
0x51: {  	[sflag:s24] =	ssyncset.done $0x0  }
0x52: {  	[sflag:s24] =	ssyncadd.s32 $0xFFFFD800  }
.LBB2_2:
0x53: {  	_ =	sfence.sel $0x180000  }
0x54: {  	[bflag:$0x0] =	sbarrier.arrive $0xFFFF  }
0x55: {  	p0 =	sne.s32 s1, $0x0;
	_ =	strace $0x90000047  }
0x56: {  	s0 =	sadd.s32 @!p0 $0x100000, s0;
	[bflag:$0x2] =	sbarrier.arrive $0xFFFF  }
0x57: {  	[sflag:s0] =	ssyncadd.tile.s32 @!p0 $0x1;
	_ =	shalt  }
.Lfunc_end2:
_tile_overlayer_lowered:
.L_overlay_start_2:
0x58: {  	(tag) =	ssettag $0x2  }
0x59: {  	s0 =	rddreg [dreg:$0x0];
	s2 =	stileid.u32  }
0x5a: {  	s1 =	rddreg [dreg:$0x1];
	p0 =	sne.s32 s2, $0x0  }
0x5b: {  	s3 =	rddreg [dreg:$0x2];
	[bflag:$0x3] =	sbarrier.arrive $0xFFFF;
	s2 =	simm.s32 @!p0 $0x1C02  }
0x5c: {  	[timem:s3], [sflag:s2] =	dma.local @!p0 [hbm:s0], s1  }
0x5d: {  	s0 =	simm.s32 @!p0 $0x2  }
0x5e: {  	_ =	swait.ge @!p0 [sflag:s0], s1  }
0x5f: {  	s1 =	ssub.s32 @!p0 $0x0, s1;
	[sflag:s0] =	ssyncset.done @!p0 $0x0  }
0x60: {  	[sflag:s0] =	ssyncadd.s32 @!p0 s1  }
0x61: {  	[bflag:$0x3] =	sbarrier.arrive $0xFFFF  }
0x62: {  	_ =	shalt  }

</sc_bundles>
